<compile_context>
chip_gen: v7x
topology: tpu7x:2x2x1
jax: 0.10.2.dev20260603
libtpu: 0.0.44.dev20260713+nightly
codegen_flags: <defaults>
</compile_context>

<pallas_src>
import functools
import math

import jax
import jax.numpy as jnp
import numpy as np
from jax import lax
from jax.experimental import pallas as pl
from jax.experimental.pallas import tpu as pltpu
from jax.experimental.pallas import tpu_sc as plsc

_MIN_LEVEL = 3
_MAX_LEVEL = 7
_NUM_SCALES = 3
_ASPECT_RATIOS = (0.5, 1.0, 2.0)
_ANCHOR_SIZE = 4.0
_POS_T = 0.5
_NEG_T = 0.4
_EPS = 1e-8

_NC = 2
_NS = 16
_NW = _NC * _NS
_LANES = 16
_C = 4


def _gen_anchors(height, width):
    all_anchors = []
    for level in range(_MIN_LEVEL, _MAX_LEVEL + 1):
        stride = 2 ** level
        fh = int(math.ceil(height / stride))
        fw = int(math.ceil(width / stride))
        cx = (np.arange(fw, dtype=np.float32) + 0.5) * stride
        cy = (np.arange(fh, dtype=np.float32) + 0.5) * stride
        cxg, cyg = np.meshgrid(cx, cy)
        whs = []
        for scale in range(_NUM_SCALES):
            for ar in _ASPECT_RATIOS:
                size = _ANCHOR_SIZE * stride * 2.0 ** (scale / _NUM_SCALES)
                whs.append((size * math.sqrt(ar), size / math.sqrt(ar)))
        whs = np.array(whs, dtype=np.float32)
        centers = np.stack([cxg, cyg], axis=-1).reshape(-1, 1, 2)
        half = whs.reshape(1, -1, 2) / 2.0
        x1y1 = centers - half
        x2y2 = centers + half
        boxes = np.concatenate([x1y1, x2y2], axis=-1).reshape(-1, 4)
        all_anchors.append(boxes)
    return np.concatenate(all_anchors, axis=0)


@functools.lru_cache(maxsize=4)
def _anchor_planes(height, width):
    a = _gen_anchors(height, width)
    m = a.shape[0]
    mpad = -(-m // (_NW * _LANES)) * (_NW * _LANES)
    pad = np.zeros((mpad - m, 4), dtype=np.float32)
    a = np.concatenate([a, pad], axis=0)
    ax1, ay1, ax2, ay2 = a[:, 0], a[:, 1], a[:, 2], a[:, 3]
    one = np.float32(1.0)
    aarea = (ax2 - ax1) * (ay2 - ay1)
    acy = (ay1 + ay2) * np.float32(0.5)
    acx = (ax1 + ax2) * np.float32(0.5)
    ah = np.maximum(ay2 - ay1, np.float32(_EPS))
    aw = np.maximum(ax2 - ax1, np.float32(_EPS))
    planes = np.stack([
        ax1, ay1, ax2, ay2, aarea,
        one / ah, one / aw,
        acy / ah, acx / aw,
        np.log(ah), np.log(aw),
    ], axis=0).astype(np.float32)
    apt = mpad // _NW
    tiled = np.transpose(planes.reshape(11, _NW, apt), (1, 0, 2))
    tiled = tiled.reshape(_NW, 11 * apt)
    nchunk = apt // (_C * _LANES)
    ch = np.stack([ax1, ay1, ax2, ay2], 0).reshape(4, _NW, nchunk, _C * _LANES)
    rec = np.zeros((_NW, nchunk, _LANES), np.float32)
    rec[:, :, 0] = ch[0].min(-1)
    rec[:, :, 1] = ch[1].min(-1)
    rec[:, :, 2] = ch[2].max(-1)
    rec[:, :, 3] = ch[3].max(-1)
    full = np.concatenate([tiled, rec.reshape(_NW, nchunk * _LANES)], axis=1)
    return planes, full.copy(), m, mpad


_B_SC = 2


def _make_tc_call(Btc, b0, N, mpad, planes_rows):
    rows = mpad // 128
    RB = 32
    nblk = rows // RB

    def body(gt_ref, ac_ref, box_ref, cls_ref):
        ax1 = ac_ref[0]
        ay1 = ac_ref[1]
        ax2 = ac_ref[2]
        ay2 = ac_ref[3]
        aar = ac_ref[4]

        def gts(n, j):
            return gt_ref[0, pl.ds(n * 10 + j, 1)]

        shape = (RB, 128)

        def chain_init(n0):
            return (
                jnp.zeros(shape, jnp.float32),
                jnp.ones(shape, jnp.float32),
                jnp.broadcast_to(gts(n0, 5), shape),
                jnp.broadcast_to(gts(n0, 6), shape),
                jnp.broadcast_to(gts(n0, 7), shape),
                jnp.broadcast_to(gts(n0, 8), shape),
                jnp.broadcast_to(gts(n0, 9), shape),
            )

        def one_n(n, st):
            bint, bun, cy, cx, lh, lw, cl = st
            ix1 = jnp.maximum(ax1, gts(n, 0))
            iy1 = jnp.maximum(ay1, gts(n, 1))
            ix2 = jnp.minimum(ax2, gts(n, 2))
            iy2 = jnp.minimum(ay2, gts(n, 3))
            iw = jnp.maximum(ix2 - ix1, 0.0)
            ih = jnp.maximum(iy2 - iy1, 0.0)
            inter = iw * ih
            union = aar + gts(n, 4) - inter
            upd = inter * bun > bint * union
            bint = jnp.where(upd, inter, bint)
            bun = jnp.where(upd, union, bun)
            cy = jnp.where(upd, jnp.broadcast_to(gts(n, 5), shape), cy)
            cx = jnp.where(upd, jnp.broadcast_to(gts(n, 6), shape), cx)
            lh = jnp.where(upd, jnp.broadcast_to(gts(n, 7), shape), lh)
            lw = jnp.where(upd, jnp.broadcast_to(gts(n, 8), shape), lw)
            cl = jnp.where(upd, jnp.broadcast_to(gts(n, 9), shape), cl)
            return bint, bun, cy, cx, lh, lw, cl

        nq, nrem = divmod(N, 20)

        def n_step(n, st):
            for k in range(20):
                st = one_n(n * 20 + k, st)
            return st

        st = lax.fori_loop(0, nq, n_step, chain_init(0))
        for k in range(nrem):
            st = one_n(nq * 20 + k, st)
        bint, bun, cy, cx, lh, lw, cl = st
        ty = cy * ac_ref[5] - ac_ref[7]
        tx = cx * ac_ref[6] - ac_ref[8]
        th = lh - ac_ref[9]
        tw = lw - ac_ref[10]
        pos = bint >= _POS_T * bun
        neg = bint < _NEG_T * bun
        cls_t = jnp.where(pos, cl, jnp.where(neg, -1.0, -2.0))
        box_ref[0, 0] = ty
        box_ref[0, 1] = tx
        box_ref[0, 2] = th
        box_ref[0, 3] = tw
        cls_ref[0] = cls_t

    return pl.pallas_call(
        body,
        grid=(Btc, nblk),
        in_specs=[
            pl.BlockSpec((1, N * 10, 128), lambda b, r: (b + b0, 0, 0)),
            pl.BlockSpec((planes_rows, RB, 128), lambda b, r: (0, r, 0)),
        ],
        out_specs=[
            pl.BlockSpec((1, 4, RB, 128), lambda b, r: (b, 0, r, 0)),
            pl.BlockSpec((1, RB, 128), lambda b, r: (b, r, 0)),
        ],
        out_shape=(
            jax.ShapeDtypeStruct((Btc, 4, rows, 128), jnp.float32),
            jax.ShapeDtypeStruct((Btc, rows, 128), jnp.float32),
        ),
    )


def _make_sc_call(B, N, apt, mpad):
    nchunk = apt // (_C * _LANES)
    mesh = plsc.VectorSubcoreMesh(core_axis_name="c", subcore_axis_name="s")

    @functools.partial(
        pl.kernel,
        out_type=(
            jax.ShapeDtypeStruct((B * 4 * mpad,), jnp.float32),
            jax.ShapeDtypeStruct((B * mpad,), jnp.float32),
        ),
        mesh=mesh,
        scratch_types=[
            pltpu.VMEM((11 * apt + nchunk * _LANES,), jnp.float32),
            pltpu.VMEM((N * 10 * _LANES,), jnp.float32),
            pltpu.VMEM((4 * apt,), jnp.float32),
            pltpu.VMEM((apt,), jnp.float32),
        ],
    )
    def sc_call(ac_hbm, gt_hbm, box_hbm, cls_hbm, ac_v, gt_v, box_v, cls_v):
        wid = lax.axis_index("s") * _NC + lax.axis_index("c")
        base_m = wid * apt
        acl = 11 * apt + nchunk * _LANES
        pltpu.sync_copy(ac_hbm.at[pl.ds(wid * acl, acl)], ac_v)

        def chunk_body(ci, _):
            a0 = ci * (_C * _LANES)
            offs = [a0 + c * _LANES for c in range(_C)]
            ax1 = [ac_v[pl.ds(0 * apt + o, _LANES)] for o in offs]
            ay1 = [ac_v[pl.ds(1 * apt + o, _LANES)] for o in offs]
            ax2 = [ac_v[pl.ds(2 * apt + o, _LANES)] for o in offs]
            ay2 = [ac_v[pl.ds(3 * apt + o, _LANES)] for o in offs]
            aar = [ac_v[pl.ds(4 * apt + o, _LANES)] for o in offs]

            zeros = jnp.zeros((_LANES,), jnp.float32)
            ones = jnp.full((_LANES,), 1.0, jnp.float32)
            g0 = [gt_v[pl.ds(j * _LANES, _LANES)] for j in range(5, 10)]
            init = (
                (zeros,) * _C,
                (ones,) * _C,
                (g0[0],) * _C,
                (g0[1],) * _C,
                (g0[2],) * _C,
                (g0[3],) * _C,
                (g0[4],) * _C,
            )

            def one_n(n, st):
                bint, bun, cy, cx, lh, lw, cl = (list(x) for x in st)
                gbase = n * (10 * _LANES)
                g = [gt_v[pl.ds(gbase + j * _LANES, _LANES)]
                     for j in range(10)]
                for c in range(_C):
                    ix1 = jnp.maximum(ax1[c], g[0])
                    iy1 = jnp.maximum(ay1[c], g[1])
                    ix2 = jnp.minimum(ax2[c], g[2])
                    iy2 = jnp.minimum(ay2[c], g[3])
                    iw = jnp.maximum(ix2 - ix1, 0.0)
                    ih = jnp.maximum(iy2 - iy1, 0.0)
                    inter = iw * ih
                    union = aar[c] + g[4] - inter
                    upd = inter * bun[c] > bint[c] * union
                    bint[c] = jnp.where(upd, inter, bint[c])
                    bun[c] = jnp.where(upd, union, bun[c])
                    cy[c] = jnp.where(upd, g[5], cy[c])
                    cx[c] = jnp.where(upd, g[6], cx[c])
                    lh[c] = jnp.where(upd, g[7], lh[c])
                    lw[c] = jnp.where(upd, g[8], lw[c])
                    cl[c] = jnp.where(upd, g[9], cl[c])
                return (tuple(bint), tuple(bun), tuple(cy),
                        tuple(cx), tuple(lh), tuple(lw), tuple(cl))

            def n_step(n, st):
                st = one_n(n * 2, st)
                st = one_n(n * 2 + 1, st)
                return st

            nhalf, nrem = divmod(N, 2)
            st = lax.fori_loop(0, nhalf, n_step, init)
            if nrem:
                st = one_n(N - 1, st)
            bint, bun, cy, cx, lh, lw, cl = st

            for c in range(_C):
                o = offs[c]

                def arow(r):
                    return ac_v[pl.ds(r * apt + o, _LANES)]

                ty = cy[c] * arow(5) - arow(7)
                tx = cx[c] * arow(6) - arow(8)
                th = lh[c] - arow(9)
                tw = lw[c] - arow(10)
                pos = bint[c] >= _POS_T * bun[c]
                neg = bint[c] < _NEG_T * bun[c]
                cls_t = jnp.where(pos, cl[c],
                                  jnp.where(neg, -1.0, -2.0))
                for j, v in enumerate((ty, tx, th, tw)):
                    box_v[pl.ds(j * apt + o, _LANES)] = v
                cls_v[pl.ds(o, _LANES)] = cls_t
            return 0

        gl = N * 10 * _LANES
        for b in range(B):
            pltpu.sync_copy(gt_hbm.at[pl.ds(b * gl, gl)], gt_v)
            lax.fori_loop(0, nchunk, chunk_body, 0)
            for j in range(4):
                pltpu.sync_copy(
                    box_v.at[pl.ds(j * apt, apt)],
                    box_hbm.at[pl.ds((b * 4 + j) * mpad + base_m, apt)])
            pltpu.sync_copy(cls_v, cls_hbm.at[pl.ds(b * mpad + base_m, apt)])

    return sc_call


def kernel(images, gt_boxes, gt_classes):
    B, H, W, _ = images.shape
    N = gt_boxes.shape[1]
    planes_np, ac_np, m, mpad = _anchor_planes(H, W)
    apt = mpad // _NW
    ac = jnp.asarray(ac_np)

    x1 = gt_boxes[..., 0]
    y1 = gt_boxes[..., 1]
    x2 = gt_boxes[..., 2]
    y2 = gt_boxes[..., 3]
    garea = (x2 - x1) * (y2 - y1)
    bcy = (y1 + y2) * 0.5
    bcx = (x1 + x2) * 0.5
    lbh = jnp.log(jnp.maximum(y2 - y1, _EPS))
    lbw = jnp.log(jnp.maximum(x2 - x1, _EPS))
    clsf = gt_classes.astype(jnp.float32)
    g = jnp.stack([x1, y1, x2, y2, garea, bcy, bcx, lbh, lbw, clsf], axis=-1)
    g16 = jnp.broadcast_to(g[..., None], (B, N, 10, _LANES))
    g16 = g16.astype(jnp.float32).reshape(B * N * 10 * _LANES)

    bsc = min(_B_SC, B)
    btc = B - bsc
    parts_box, parts_cls = [], []
    if bsc:
        sc_call = _make_sc_call(bsc, N, apt, mpad)
        box_sc, cls_sc = sc_call(ac.reshape(-1), g16)
        parts_box.append(
            jnp.transpose(box_sc.reshape(bsc, 4, mpad), (0, 2, 1)))
        parts_cls.append(cls_sc.reshape(bsc, mpad))
    if btc:
        ac_tc = jnp.asarray(planes_np.reshape(11, mpad // 128, 128))
        g_tc = jnp.broadcast_to(
            g.reshape(B, N * 10, 1), (B, N * 10, 128))
        tc_call = _make_tc_call(btc, bsc, N, mpad, 11)
        box_tc, cls_tc = tc_call(g_tc, ac_tc)
        parts_box.append(
            jnp.transpose(box_tc.reshape(btc, 4, mpad), (0, 2, 1)))
        parts_cls.append(cls_tc.reshape(btc, mpad))
    box_pad = (jnp.concatenate(parts_box, axis=0)
               if len(parts_box) > 1 else parts_box[0])
    cls_pad = (jnp.concatenate(parts_cls, axis=0)
               if len(parts_cls) > 1 else parts_cls[0])
    return box_pad[:, :m, :], cls_pad[:, :m, None]

# --- scband reference (transcript-rebuilt; emitter-appended) ---
"""Pipeline reference for scband-retina-net-label-encoder-59347858096231 (READ-ONLY COPY).

The authoritative reference and input builder live on the scoring server;
editing this copy changes nothing except your own understanding.
"""

import jax, jax.numpy as jnp
import numpy as np
import math

MIN_LEVEL = 3
MAX_LEVEL = 7
NUM_SCALES = 3
ASPECT_RATIOS = (0.5, 1.0, 2.0)
ANCHOR_SIZE = 4.0
POS_T = 0.5
NEG_T = 0.4
BACKGROUND = -1.0
IGNORE = -2.0
VARIANCE = np.array([1.0, 1.0, 1.0, 1.0], dtype=np.float32)


def generate_anchors(height, width):
    # Multi-level anchor generation (keras_hub AnchorGenerator semantics), xyxy format.
    all_anchors = []
    for level in range(MIN_LEVEL, MAX_LEVEL + 1):
        stride = 2 ** level
        fh = int(math.ceil(height / stride))
        fw = int(math.ceil(width / stride))
        cx = (np.arange(fw, dtype=np.float32) + 0.5) * stride
        cy = (np.arange(fh, dtype=np.float32) + 0.5) * stride
        cxg, cyg = np.meshgrid(cx, cy)
        whs = []
        for scale in range(NUM_SCALES):
            for ar in ASPECT_RATIOS:
                size = ANCHOR_SIZE * stride * 2.0 ** (scale / NUM_SCALES)
                whs.append((size * math.sqrt(ar), size / math.sqrt(ar)))
        whs = np.array(whs, dtype=np.float32)  # [A, 2]
        centers = np.stack([cxg, cyg], axis=-1).reshape(-1, 1, 2)  # [fh*fw, 1, 2]
        half = whs.reshape(1, -1, 2) / 2.0
        x1y1 = centers - half
        x2y2 = centers + half
        boxes = np.concatenate([x1y1, x2y2], axis=-1).reshape(-1, 4)
        all_anchors.append(boxes)
    return jnp.asarray(np.concatenate(all_anchors, axis=0))


def compute_iou(anchors, gt):
    # anchors: [M, 4] xyxy, gt: [B, N, 4] xyxy -> [B, M, N]
    a = anchors[None, :, None, :]
    g = gt[:, None, :, :]
    ix1 = jnp.maximum(a[..., 0], g[..., 0])
    iy1 = jnp.maximum(a[..., 1], g[..., 1])
    ix2 = jnp.minimum(a[..., 2], g[..., 2])
    iy2 = jnp.minimum(a[..., 3], g[..., 3])
    iw = jnp.maximum(ix2 - ix1, 0.0)
    ih = jnp.maximum(iy2 - iy1, 0.0)
    inter = iw * ih
    aa = (a[..., 2] - a[..., 0]) * (a[..., 3] - a[..., 1])
    ga = (g[..., 2] - g[..., 0]) * (g[..., 3] - g[..., 1])
    union = aa + ga - inter
    return jnp.where(union > 0.0, inter / jnp.maximum(union, 1e-8), 0.0)


def to_center_yxhw(b):
    x1, y1, x2, y2 = b[..., 0], b[..., 1], b[..., 2], b[..., 3]
    return jnp.stack([(y1 + y2) / 2.0, (x1 + x2) / 2.0, y2 - y1, x2 - x1], axis=-1)


def setup_inputs(seed: int = 0):
    key = jax.random.key(seed)
    k1, k2, k3 = jax.random.split(key, 3)
    B, H, W, C = 8, 512, 512, 3
    N = 100
    images = jax.random.normal(k1, (B, H, W, C), dtype=jnp.float32)
    c = jax.random.uniform(k2, (B, N, 4), minval=0.0, maxval=float(H), dtype=jnp.float32)
    x1 = jnp.minimum(c[..., 0], c[..., 2])
    x2 = jnp.maximum(c[..., 0], c[..., 2])
    y1 = jnp.minimum(c[..., 1], c[..., 3])
    y2 = jnp.maximum(c[..., 1], c[..., 3])
    gt_boxes = jnp.stack([x1, y1, x2, y2], axis=-1)
    gt_classes = jax.random.randint(k3, (B, N), 0, 80, dtype=jnp.int32)
    return {"images": images, "gt_boxes": gt_boxes, "gt_classes": gt_classes}


def reference(images, gt_boxes, gt_classes):
    B, H, W, C = images.shape
    anchors = generate_anchors(H, W)  # [M, 4] xyxy
    iou = compute_iou(anchors, gt_boxes)  # [B, M, N]
    # BoxMatcher: thresholds [0.4, 0.5], match_values [-1, -2, 1]
    matched_gt_idx = jnp.argmax(iou, axis=-1)  # [B, M]
    matched_max = jnp.max(iou, axis=-1)  # [B, M]
    matched_vals = jnp.where(matched_max >= POS_T, 1, jnp.where(matched_max < NEG_T, -1, -2))
    matched_vals = matched_vals[..., None]
    positive_mask = (matched_vals == 1).astype(jnp.float32)
    ignore_mask = (matched_vals == -2).astype(jnp.float32)
    # target_gather of matched gt boxes
    idx4 = jnp.repeat(matched_gt_idx[..., None], 4, axis=-1)  # [B, M, 4]
    matched_gt_boxes = jnp.take_along_axis(gt_boxes, idx4, axis=1)  # [B, M, 4]
    # encode_box_to_deltas in center_yxhw, variance [1,1,1,1]
    a_c = to_center_yxhw(anchors)[None]  # [1, M, 4]
    b_c = to_center_yxhw(matched_gt_boxes)  # [B, M, 4]
    eps = 1e-8
    ah = jnp.maximum(a_c[..., 2], eps)
    aw = jnp.maximum(a_c[..., 3], eps)
    bh = jnp.maximum(b_c[..., 2], eps)
    bw = jnp.maximum(b_c[..., 3], eps)
    ty = (b_c[..., 0] - a_c[..., 0]) / ah
    tx = (b_c[..., 1] - a_c[..., 1]) / aw
    th = jnp.log(bh / ah)
    tw = jnp.log(bw / aw)
    box_targets = jnp.stack([ty, tx, th, tw], axis=-1) / jnp.asarray(VARIANCE)
    box_targets = jnp.reshape(box_targets, (-1, box_targets.shape[1], 4))
    # class targets
    gt_cls = gt_classes.astype(jnp.float32)[..., None]  # [B, N, 1]
    matched_cls = jnp.take_along_axis(gt_cls, matched_gt_idx[..., None], axis=1)  # [B, M, 1]
    class_targets = jnp.where(positive_mask != 1.0, BACKGROUND, matched_cls)
    class_targets = jnp.where(ignore_mask == 1.0, IGNORE, class_targets)
    return box_targets, class_targets

if __name__ == "__main__":
    import jax
    _d = setup_inputs()
    print(jax.jit(kernel)(*tuple(_d.values())))

</pallas_src>

<mosaic_0001>
#map = affine_map<(d0, d1) -> (0)>
module attributes {stable_mosaic.version = 14 : i64} {
  func.func @sc_call(%arg0: i32, %arg1: i32, %arg2: memref<552960xf32, #tpu.memory_space<hbm>>, %arg3: memref<128000xf32, #tpu.memory_space<hbm>>, %arg4: memref<393216xf32, #tpu.memory_space<hbm>>, %arg5: memref<98304xf32, #tpu.memory_space<hbm>>, %arg6: memref<17280xf32, #tpu.memory_space<vmem>>, %arg7: memref<16000xf32, #tpu.memory_space<vmem>>, %arg8: memref<6144xf32, #tpu.memory_space<vmem>>, %arg9: memref<1536xf32, #tpu.memory_space<vmem>>) attributes {dimension_semantics = [#tpu.dimension_semantics<core_parallel>, #tpu.dimension_semantics<subcore_parallel>], iteration_bounds = array<i64: 2, 16>, scalar_prefetch = 0 : i64, scratch_operands = 4 : i64, tpu.core_type = #tpu.core_type<sc_vector_subcore>, window_params = [{transform_indices = #map}, {transform_indices = #map}, {transform_indices = #map}, {transform_indices = #map}]} {
    %mul3A = arith.constant 2 : i32
    %mul3A_0 = arith.muli %arg1, %mul3A : i32
    %add3A = arith.addi %mul3A_0, %arg0 : i32
    %mul3A_1 = arith.constant 1536 : i32
    %mul3A_2 = arith.muli %add3A, %mul3A_1 : i32
    %mul3A_3 = arith.constant 17280 : i32
    %mul3A_4 = arith.muli %add3A, %mul3A_3 : i32
    "tpu.region"() ({
      %run_scoped3A = tpu.sem_alloc : memref<!tpu.dma_semaphore, #tpu.memory_space<semaphore_mem>>
      %dma_start3A = tpu.memref_slice %arg2[%mul3A_4] : memref<552960xf32, #tpu.memory_space<hbm>> -> memref<17280xf32, #tpu.memory_space<hbm>>
      %dma_start3A_38 = tpu.memref_slice %arg2[%mul3A_4] : memref<552960xf32, #tpu.memory_space<hbm>> -> memref<17280xf32, #tpu.memory_space<hbm>>
      tpu.enqueue_dma source(%dma_start3A_38 : memref<17280xf32, #tpu.memory_space<hbm>>) target(%arg6 : memref<17280xf32, #tpu.memory_space<vmem>>) target_semaphore(%run_scoped3A : memref<!tpu.dma_semaphore, #tpu.memory_space<semaphore_mem>>)
      %dma_wait3A = tpu.memref_slice %arg2[%mul3A_4] : memref<552960xf32, #tpu.memory_space<hbm>> -> memref<17280xf32, #tpu.memory_space<hbm>>
      %dma_wait3A_39 = tpu.memref_slice %arg2[%mul3A_4] : memref<552960xf32, #tpu.memory_space<hbm>> -> memref<17280xf32, #tpu.memory_space<hbm>>
      tpu.wait_dma2 semaphore(%run_scoped3A : memref<!tpu.dma_semaphore, #tpu.memory_space<semaphore_mem>>) src(%dma_wait3A_39 : memref<17280xf32, #tpu.memory_space<hbm>>) dst(%arg6 : memref<17280xf32, #tpu.memory_space<vmem>>)
      tpu.yield
    }) : () -> ()
    "tpu.region"() ({
      %run_scoped3A = tpu.sem_alloc : memref<!tpu.dma_semaphore, #tpu.memory_space<semaphore_mem>>
      %dma_start3A = arith.constant 0 : i32
      %dma_start3A_38 = tpu.memref_slice %arg3[%dma_start3A] : memref<128000xf32, #tpu.memory_space<hbm>> -> memref<16000xf32, #tpu.memory_space<hbm>>
      %dma_start3A_39 = arith.constant 0 : i32
      %dma_start3A_40 = tpu.memref_slice %arg3[%dma_start3A_39] : memref<128000xf32, #tpu.memory_space<hbm>> -> memref<16000xf32, #tpu.memory_space<hbm>>
      tpu.enqueue_dma source(%dma_start3A_40 : memref<16000xf32, #tpu.memory_space<hbm>>) target(%arg7 : memref<16000xf32, #tpu.memory_space<vmem>>) target_semaphore(%run_scoped3A : memref<!tpu.dma_semaphore, #tpu.memory_space<semaphore_mem>>)
      %dma_wait3A = arith.constant 0 : i32
      %dma_wait3A_41 = tpu.memref_slice %arg3[%dma_wait3A] : memref<128000xf32, #tpu.memory_space<hbm>> -> memref<16000xf32, #tpu.memory_space<hbm>>
      %dma_wait3A_42 = arith.constant 0 : i32
      %dma_wait3A_43 = tpu.memref_slice %arg3[%dma_wait3A_42] : memref<128000xf32, #tpu.memory_space<hbm>> -> memref<16000xf32, #tpu.memory_space<hbm>>
      tpu.wait_dma2 semaphore(%run_scoped3A : memref<!tpu.dma_semaphore, #tpu.memory_space<semaphore_mem>>) src(%dma_wait3A_43 : memref<16000xf32, #tpu.memory_space<hbm>>) dst(%arg7 : memref<16000xf32, #tpu.memory_space<vmem>>)
      tpu.yield
    }) : () -> ()
    %scan3A = arith.constant 0 : i32
    %scan3A_5 = arith.constant 0 : i32
    %scan3A_6 = arith.constant 24 : i32
    %scan3A_7 = arith.addi %scan3A_5, %scan3A_6 : i32
    %scan3A_8 = arith.constant 1 : i32
    %scan3A_9 = scf.for %scan3A_38 = %scan3A_5 to %scan3A_7 step %scan3A_8 iter_args(%scan3A_39 = %scan3A) -> (i32)  : i32 {
      %mul3A_40 = arith.constant 64 : i32
      %mul3A_41 = arith.muli %scan3A_38, %mul3A_40 : i32
      %add3A_42 = arith.constant 0 : i32
      %add3A_43 = arith.addi %mul3A_41, %add3A_42 : i32
      %add3A_44 = arith.constant 16 : i32
      %add3A_45 = arith.addi %mul3A_41, %add3A_44 : i32
      %add3A_46 = arith.constant 32 : i32
      %add3A_47 = arith.addi %mul3A_41, %add3A_46 : i32
      %add3A_48 = arith.constant 48 : i32
      %add3A_49 = arith.addi %mul3A_41, %add3A_48 : i32
      %add3A_50 = arith.constant 0 : i32
      %add3A_51 = arith.addi %add3A_50, %add3A_43 : i32
      %get3A = arith.index_cast %add3A_51 : i32 to index
      %get3A_52 = tpu.vector_load %arg6[%get3A] {strides = array<i32>} : memref<17280xf32, #tpu.memory_space<vmem>>, vector<16xf32>,
      %get3A_53 = vector.shape_cast %get3A_52 : vector<16xf32> to vector<16xf32>
      %add3A_54 = arith.constant 0 : i32
      %add3A_55 = arith.addi %add3A_54, %add3A_45 : i32
      %get3A_56 = arith.index_cast %add3A_55 : i32 to index
      %get3A_57 = tpu.vector_load %arg6[%get3A_56] {strides = array<i32>} : memref<17280xf32, #tpu.memory_space<vmem>>, vector<16xf32>,
      %get3A_58 = vector.shape_cast %get3A_57 : vector<16xf32> to vector<16xf32>
      %add3A_59 = arith.constant 0 : i32
      %add3A_60 = arith.addi %add3A_59, %add3A_47 : i32
      %get3A_61 = arith.index_cast %add3A_60 : i32 to index
      %get3A_62 = tpu.vector_load %arg6[%get3A_61] {strides = array<i32>} : memref<17280xf32, #tpu.memory_space<vmem>>, vector<16xf32>,
      %get3A_63 = vector.shape_cast %get3A_62 : vector<16xf32> to vector<16xf32>
      %add3A_64 = arith.constant 0 : i32
      %add3A_65 = arith.addi %add3A_64, %add3A_49 : i32
      %get3A_66 = arith.index_cast %add3A_65 : i32 to index
      %get3A_67 = tpu.vector_load %arg6[%get3A_66] {strides = array<i32>} : memref<17280xf32, #tpu.memory_space<vmem>>, vector<16xf32>,
      %get3A_68 = vector.shape_cast %get3A_67 : vector<16xf32> to vector<16xf32>
      %add3A_69 = arith.constant 1536 : i32
      %add3A_70 = arith.addi %add3A_69, %add3A_43 : i32
      %get3A_71 = arith.index_cast %add3A_70 : i32 to index
      %get3A_72 = tpu.vector_load %arg6[%get3A_71] {strides = array<i32>} : memref<17280xf32, #tpu.memory_space<vmem>>, vector<16xf32>,
      %get3A_73 = vector.shape_cast %get3A_72 : vector<16xf32> to vector<16xf32>
      %add3A_74 = arith.constant 1536 : i32
      %add3A_75 = arith.addi %add3A_74, %add3A_45 : i32
      %get3A_76 = arith.index_cast %add3A_75 : i32 to index
      %get3A_77 = tpu.vector_load %arg6[%get3A_76] {strides = array<i32>} : memref<17280xf32, #tpu.memory_space<vmem>>, vector<16xf32>,
      %get3A_78 = vector.shape_cast %get3A_77 : vector<16xf32> to vector<16xf32>
      %add3A_79 = arith.constant 1536 : i32
      %add3A_80 = arith.addi %add3A_79, %add3A_47 : i32
      %get3A_81 = arith.index_cast %add3A_80 : i32 to index
      %get3A_82 = tpu.vector_load %arg6[%get3A_81] {strides = array<i32>} : memref<17280xf32, #tpu.memory_space<vmem>>, vector<16xf32>,
      %get3A_83 = vector.shape_cast %get3A_82 : vector<16xf32> to vector<16xf32>
      %add3A_84 = arith.constant 1536 : i32
      %add3A_85 = arith.addi %add3A_84, %add3A_49 : i32
      %get3A_86 = arith.index_cast %add3A_85 : i32 to index
      %get3A_87 = tpu.vector_load %arg6[%get3A_86] {strides = array<i32>} : memref<17280xf32, #tpu.memory_space<vmem>>, vector<16xf32>,
      %get3A_88 = vector.shape_cast %get3A_87 : vector<16xf32> to vector<16xf32>
      %add3A_89 = arith.constant 3072 : i32
      %add3A_90 = arith.addi %add3A_89, %add3A_43 : i32
      %get3A_91 = arith.index_cast %add3A_90 : i32 to index
      %get3A_92 = tpu.vector_load %arg6[%get3A_91] {strides = array<i32>} : memref<17280xf32, #tpu.memory_space<vmem>>, vector<16xf32>,
      %get3A_93 = vector.shape_cast %get3A_92 : vector<16xf32> to vector<16xf32>
      %add3A_94 = arith.constant 3072 : i32
      %add3A_95 = arith.addi %add3A_94, %add3A_45 : i32
      %get3A_96 = arith.index_cast %add3A_95 : i32 to index
      %get3A_97 = tpu.vector_load %arg6[%get3A_96] {strides = array<i32>} : memref<17280xf32, #tpu.memory_space<vmem>>, vector<16xf32>,
      %get3A_98 = vector.shape_cast %get3A_97 : vector<16xf32> to vector<16xf32>
      %add3A_99 = arith.constant 3072 : i32
      %add3A_100 = arith.addi %add3A_99, %add3A_47 : i32
      %get3A_101 = arith.index_cast %add3A_100 : i32 to index
      %get3A_102 = tpu.vector_load %arg6[%get3A_101] {strides = array<i32>} : memref<17280xf32, #tpu.memory_space<vmem>>, vector<16xf32>,
      %get3A_103 = vector.shape_cast %get3A_102 : vector<16xf32> to vector<16xf32>
      %add3A_104 = arith.constant 3072 : i32
      %add3A_105 = arith.addi %add3A_104, %add3A_49 : i32
      %get3A_106 = arith.index_cast %add3A_105 : i32 to index
      %get3A_107 = tpu.vector_load %arg6[%get3A_106] {strides = array<i32>} : memref<17280xf32, #tpu.memory_space<vmem>>, vector<16xf32>,
      %get3A_108 = vector.shape_cast %get3A_107 : vector<16xf32> to vector<16xf32>
      %add3A_109 = arith.constant 4608 : i32
      %add3A_110 = arith.addi %add3A_109, %add3A_43 : i32
      %get3A_111 = arith.index_cast %add3A_110 : i32 to index
      %get3A_112 = tpu.vector_load %arg6[%get3A_111] {strides = array<i32>} : memref<17280xf32, #tpu.memory_space<vmem>>, vector<16xf32>,
      %get3A_113 = vector.shape_cast %get3A_112 : vector<16xf32> to vector<16xf32>
      %add3A_114 = arith.constant 4608 : i32
      %add3A_115 = arith.addi %add3A_114, %add3A_45 : i32
      %get3A_116 = arith.index_cast %add3A_115 : i32 to index
      %get3A_117 = tpu.vector_load %arg6[%get3A_116] {strides = array<i32>} : memref<17280xf32, #tpu.memory_space<vmem>>, vector<16xf32>,
      %get3A_118 = vector.shape_cast %get3A_117 : vector<16xf32> to vector<16xf32>
      %add3A_119 = arith.constant 4608 : i32
      %add3A_120 = arith.addi %add3A_119, %add3A_47 : i32
      %get3A_121 = arith.index_cast %add3A_120 : i32 to index
      %get3A_122 = tpu.vector_load %arg6[%get3A_121] {strides = array<i32>} : memref<17280xf32, #tpu.memory_space<vmem>>, vector<16xf32>,
      %get3A_123 = vector.shape_cast %get3A_122 : vector<16xf32> to vector<16xf32>
      %add3A_124 = arith.constant 4608 : i32
      %add3A_125 = arith.addi %add3A_124, %add3A_49 : i32
      %get3A_126 = arith.index_cast %add3A_125 : i32 to index
      %get3A_127 = tpu.vector_load %arg6[%get3A_126] {strides = array<i32>} : memref<17280xf32, #tpu.memory_space<vmem>>, vector<16xf32>,
      %get3A_128 = vector.shape_cast %get3A_127 : vector<16xf32> to vector<16xf32>
      %add3A_129 = arith.constant 6144 : i32
      %add3A_130 = arith.addi %add3A_129, %add3A_43 : i32
      %get3A_131 = arith.index_cast %add3A_130 : i32 to index
      %get3A_132 = tpu.vector_load %arg6[%get3A_131] {strides = array<i32>} : memref<17280xf32, #tpu.memory_space<vmem>>, vector<16xf32>,
      %get3A_133 = vector.shape_cast %get3A_132 : vector<16xf32> to vector<16xf32>
      %add3A_134 = arith.constant 6144 : i32
      %add3A_135 = arith.addi %add3A_134, %add3A_45 : i32
      %get3A_136 = arith.index_cast %add3A_135 : i32 to index
      %get3A_137 = tpu.vector_load %arg6[%get3A_136] {strides = array<i32>} : memref<17280xf32, #tpu.memory_space<vmem>>, vector<16xf32>,
      %get3A_138 = vector.shape_cast %get3A_137 : vector<16xf32> to vector<16xf32>
      %add3A_139 = arith.constant 6144 : i32
      %add3A_140 = arith.addi %add3A_139, %add3A_47 : i32
      %get3A_141 = arith.index_cast %add3A_140 : i32 to index
      %get3A_142 = tpu.vector_load %arg6[%get3A_141] {strides = array<i32>} : memref<17280xf32, #tpu.memory_space<vmem>>, vector<16xf32>,
      %get3A_143 = vector.shape_cast %get3A_142 : vector<16xf32> to vector<16xf32>
      %add3A_144 = arith.constant 6144 : i32
      %add3A_145 = arith.addi %add3A_144, %add3A_49 : i32
      %get3A_146 = arith.index_cast %add3A_145 : i32 to index
      %get3A_147 = tpu.vector_load %arg6[%get3A_146] {strides = array<i32>} : memref<17280xf32, #tpu.memory_space<vmem>>, vector<16xf32>,
      %get3A_148 = vector.shape_cast %get3A_147 : vector<16xf32> to vector<16xf32>
      %broadcast_in_dim3A = arith.constant 0.000000e+00 : f32
      %broadcast_in_dim3A_149 = vector.broadcast %broadcast_in_dim3A : f32 to vector<16xf32>
      %broadcast_in_dim3A_150 = arith.constant 1.000000e+00 : f32
      %broadcast_in_dim3A_151 = vector.broadcast %broadcast_in_dim3A_150 : f32 to vector<16xf32>
      %get3A_152 = arith.constant 80 : index
      %get3A_153 = tpu.vector_load %arg7[%get3A_152] {strides = array<i32>} : memref<16000xf32, #tpu.memory_space<vmem>>, vector<16xf32>,
      %get3A_154 = vector.shape_cast %get3A_153 : vector<16xf32> to vector<16xf32>
      %get3A_155 = arith.constant 96 : index
      %get3A_156 = tpu.vector_load %arg7[%get3A_155] {strides = array<i32>} : memref<16000xf32, #tpu.memory_space<vmem>>, vector<16xf32>,
      %get3A_157 = vector.shape_cast %get3A_156 : vector<16xf32> to vector<16xf32>
      %get3A_158 = arith.constant 112 : index
      %get3A_159 = tpu.vector_load %arg7[%get3A_158] {strides = array<i32>} : memref<16000xf32, #tpu.memory_space<vmem>>, vector<16xf32>,
      %get3A_160 = vector.shape_cast %get3A_159 : vector<16xf32> to vector<16xf32>
      %get3A_161 = arith.constant 128 : index
      %get3A_162 = tpu.vector_load %arg7[%get3A_161] {strides = array<i32>} : memref<16000xf32, #tpu.memory_space<vmem>>, vector<16xf32>,
      %get3A_163 = vector.shape_cast %get3A_162 : vector<16xf32> to vector<16xf32>
      %get3A_164 = arith.constant 144 : index
      %get3A_165 = tpu.vector_load %arg7[%get3A_164] {strides = array<i32>} : memref<16000xf32, #tpu.memory_space<vmem>>, vector<16xf32>,
      %get3A_166 = vector.shape_cast %get3A_165 : vector<16xf32> to vector<16xf32>
      %scan3A_167 = arith.constant 0 : i32
      %scan3A_168 = arith.constant 50 : i32
      %scan3A_169 = arith.addi %scan3A_167, %scan3A_168 : i32
      %scan3A_170 = arith.constant 1 : i32
      %scan3A_171:28 = scf.for %scan3A_480 = %scan3A_167 to %scan3A_169 step %scan3A_170 iter_args(%scan3A_481 = %broadcast_in_dim3A_149, %scan3A_482 = %broadcast_in_dim3A_149, %scan3A_483 = %broadcast_in_dim3A_149, %scan3A_484 = %broadcast_in_dim3A_149, %scan3A_485 = %broadcast_in_dim3A_151, %scan3A_486 = %broadcast_in_dim3A_151, %scan3A_487 = %broadcast_in_dim3A_151, %scan3A_488 = %broadcast_in_dim3A_151, %scan3A_489 = %get3A_154, %scan3A_490 = %get3A_154, %scan3A_491 = %get3A_154, %scan3A_492 = %get3A_154, %scan3A_493 = %get3A_157, %scan3A_494 = %get3A_157, %scan3A_495 = %get3A_157, %scan3A_496 = %get3A_157, %scan3A_497 = %get3A_160, %scan3A_498 = %get3A_160, %scan3A_499 = %get3A_160, %scan3A_500 = %get3A_160, %scan3A_501 = %get3A_163, %scan3A_502 = %get3A_163, %scan3A_503 = %get3A_163, %scan3A_504 = %get3A_163, %scan3A_505 = %get3A_166, %scan3A_506 = %get3A_166, %scan3A_507 = %get3A_166, %scan3A_508 = %get3A_166) -> (vector<16xf32>, vector<16xf32>, vector<16xf32>, vector<16xf32>, vector<16xf32>, vector<16xf32>, vector<16xf32>, vector<16xf32>, vector<16xf32>, vector<16xf32>, vector<16xf32>, vector<16xf32>, vector<16xf32>, vector<16xf32>, vector<16xf32>, vector<16xf32>, vector<16xf32>, vector<16xf32>, vector<16xf32>, vector<16xf32>, vector<16xf32>, vector<16xf32>, vector<16xf32>, vector<16xf32>, vector<16xf32>, vector<16xf32>, vector<16xf32>, vector<16xf32>)  : i32 {
        %mul3A_509 = arith.constant 2 : i32
        %mul3A_510 = arith.muli %scan3A_480, %mul3A_509 : i32
        %mul3A_511 = arith.constant 160 : i32
        %mul3A_512 = arith.muli %mul3A_510, %mul3A_511 : i32
        %add3A_513 = arith.constant 0 : i32
        %add3A_514 = arith.addi %mul3A_512, %add3A_513 : i32
        %get3A_515 = arith.index_cast %add3A_514 : i32 to index
        %get3A_516 = tpu.vector_load %arg7[%get3A_515] {strides = array<i32>} : memref<16000xf32, #tpu.memory_space<vmem>>, vector<16xf32>,
        %get3A_517 = vector.shape_cast %get3A_516 : vector<16xf32> to vector<16xf32>
        %add3A_518 = arith.constant 16 : i32
        %add3A_519 = arith.addi %mul3A_512, %add3A_518 : i32
        %get3A_520 = arith.index_cast %add3A_519 : i32 to index
        %get3A_521 = tpu.vector_load %arg7[%get3A_520] {strides = array<i32>} : memref<16000xf32, #tpu.memory_space<vmem>>, vector<16xf32>,
        %get3A_522 = vector.shape_cast %get3A_521 : vector<16xf32> to vector<16xf32>
        %add3A_523 = arith.constant 32 : i32
        %add3A_524 = arith.addi %mul3A_512, %add3A_523 : i32
        %get3A_525 = arith.index_cast %add3A_524 : i32 to index
        %get3A_526 = tpu.vector_load %arg7[%get3A_525] {strides = array<i32>} : memref<16000xf32, #tpu.memory_space<vmem>>, vector<16xf32>,
        %get3A_527 = vector.shape_cast %get3A_526 : vector<16xf32> to vector<16xf32>
        %add3A_528 = arith.constant 48 : i32
        %add3A_529 = arith.addi %mul3A_512, %add3A_528 : i32
        %get3A_530 = arith.index_cast %add3A_529 : i32 to index
        %get3A_531 = tpu.vector_load %arg7[%get3A_530] {strides = array<i32>} : memref<16000xf32, #tpu.memory_space<vmem>>, vector<16xf32>,
        %get3A_532 = vector.shape_cast %get3A_531 : vector<16xf32> to vector<16xf32>
        %add3A_533 = arith.constant 64 : i32
        %add3A_534 = arith.addi %mul3A_512, %add3A_533 : i32
        %get3A_535 = arith.index_cast %add3A_534 : i32 to index
        %get3A_536 = tpu.vector_load %arg7[%get3A_535] {strides = array<i32>} : memref<16000xf32, #tpu.memory_space<vmem>>, vector<16xf32>,
        %get3A_537 = vector.shape_cast %get3A_536 : vector<16xf32> to vector<16xf32>
        %add3A_538 = arith.constant 80 : i32
        %add3A_539 = arith.addi %mul3A_512, %add3A_538 : i32
        %get3A_540 = arith.index_cast %add3A_539 : i32 to index
        %get3A_541 = tpu.vector_load %arg7[%get3A_540] {strides = array<i32>} : memref<16000xf32, #tpu.memory_space<vmem>>, vector<16xf32>,
        %get3A_542 = vector.shape_cast %get3A_541 : vector<16xf32> to vector<16xf32>
        %add3A_543 = arith.constant 96 : i32
        %add3A_544 = arith.addi %mul3A_512, %add3A_543 : i32
        %get3A_545 = arith.index_cast %add3A_544 : i32 to index
        %get3A_546 = tpu.vector_load %arg7[%get3A_545] {strides = array<i32>} : memref<16000xf32, #tpu.memory_space<vmem>>, vector<16xf32>,
        %get3A_547 = vector.shape_cast %get3A_546 : vector<16xf32> to vector<16xf32>
        %add3A_548 = arith.constant 112 : i32
        %add3A_549 = arith.addi %mul3A_512, %add3A_548 : i32
        %get3A_550 = arith.index_cast %add3A_549 : i32 to index
        %get3A_551 = tpu.vector_load %arg7[%get3A_550] {strides = array<i32>} : memref<16000xf32, #tpu.memory_space<vmem>>, vector<16xf32>,
        %get3A_552 = vector.shape_cast %get3A_551 : vector<16xf32> to vector<16xf32>
        %add3A_553 = arith.constant 128 : i32
        %add3A_554 = arith.addi %mul3A_512, %add3A_553 : i32
        %get3A_555 = arith.index_cast %add3A_554 : i32 to index
        %get3A_556 = tpu.vector_load %arg7[%get3A_555] {strides = array<i32>} : memref<16000xf32, #tpu.memory_space<vmem>>, vector<16xf32>,
        %get3A_557 = vector.shape_cast %get3A_556 : vector<16xf32> to vector<16xf32>
        %add3A_558 = arith.constant 144 : i32
        %add3A_559 = arith.addi %mul3A_512, %add3A_558 : i32
        %get3A_560 = arith.index_cast %add3A_559 : i32 to index
        %get3A_561 = tpu.vector_load %arg7[%get3A_560] {strides = array<i32>} : memref<16000xf32, #tpu.memory_space<vmem>>, vector<16xf32>,
        %get3A_562 = vector.shape_cast %get3A_561 : vector<16xf32> to vector<16xf32>
        %max3A = arith.maximumf %get3A_53, %get3A_517 : vector<16xf32>
        %max3A_563 = arith.maximumf %get3A_73, %get3A_522 : vector<16xf32>
        %min3A = arith.minimumf %get3A_93, %get3A_527 : vector<16xf32>
        %min3A_564 = arith.minimumf %get3A_113, %get3A_532 : vector<16xf32>
        %sub3A_565 = arith.subf %min3A, %max3A : vector<16xf32>
        %max3A_566 = arith.constant 0.000000e+00 : f32
        %max3A_567 = vector.broadcast %max3A_566 : f32 to vector<16xf32>
        %max3A_568 = arith.maximumf %sub3A_565, %max3A_567 : vector<16xf32>
        %sub3A_569 = arith.subf %min3A_564, %max3A_563 : vector<16xf32>
        %max3A_570 = arith.constant 0.000000e+00 : f32
        %max3A_571 = vector.broadcast %max3A_570 : f32 to vector<16xf32>
        %max3A_572 = arith.maximumf %sub3A_569, %max3A_571 : vector<16xf32>
        %mul3A_573 = arith.mulf %max3A_568, %max3A_572 : vector<16xf32>
        %add3A_574 = arith.addf %get3A_133, %get3A_537 : vector<16xf32>
        %sub3A_575 = arith.subf %add3A_574, %mul3A_573 : vector<16xf32>
        %mul3A_576 = arith.mulf %mul3A_573, %scan3A_485 : vector<16xf32>
        %mul3A_577 = arith.mulf %scan3A_481, %sub3A_575 : vector<16xf32>
        %gt3A = arith.cmpf ogt, %mul3A_576, %mul3A_577 : vector<16xf32>
        %select_n3A_578 = arith.select %gt3A, %mul3A_573, %scan3A_481 : vector<16xi1>, vector<16xf32>
        %select_n3A_579 = arith.select %gt3A, %sub3A_575, %scan3A_485 : vector<16xi1>, vector<16xf32>
        %select_n3A_580 = arith.select %gt3A, %get3A_542, %scan3A_489 : vector<16xi1>, vector<16xf32>
        %select_n3A_581 = arith.select %gt3A, %get3A_547, %scan3A_493 : vector<16xi1>, vector<16xf32>
        %select_n3A_582 = arith.select %gt3A, %get3A_552, %scan3A_497 : vector<16xi1>, vector<16xf32>
        %select_n3A_583 = arith.select %gt3A, %get3A_557, %scan3A_501 : vector<16xi1>, vector<16xf32>
        %select_n3A_584 = arith.select %gt3A, %get3A_562, %scan3A_505 : vector<16xi1>, vector<16xf32>
        %max3A_585 = arith.maximumf %get3A_58, %get3A_517 : vector<16xf32>
        %max3A_586 = arith.maximumf %get3A_78, %get3A_522 : vector<16xf32>
        %min3A_587 = arith.minimumf %get3A_98, %get3A_527 : vector<16xf32>
        %min3A_588 = arith.minimumf %get3A_118, %get3A_532 : vector<16xf32>
        %sub3A_589 = arith.subf %min3A_587, %max3A_585 : vector<16xf32>
        %max3A_590 = arith.constant 0.000000e+00 : f32
        %max3A_591 = vector.broadcast %max3A_590 : f32 to vector<16xf32>
        %max3A_592 = arith.maximumf %sub3A_589, %max3A_591 : vector<16xf32>
        %sub3A_593 = arith.subf %min3A_588, %max3A_586 : vector<16xf32>
        %max3A_594 = arith.constant 0.000000e+00 : f32
        %max3A_595 = vector.broadcast %max3A_594 : f32 to vector<16xf32>
        %max3A_596 = arith.maximumf %sub3A_593, %max3A_595 : vector<16xf32>
        %mul3A_597 = arith.mulf %max3A_592, %max3A_596 : vector<16xf32>
        %add3A_598 = arith.addf %get3A_138, %get3A_537 : vector<16xf32>
        %sub3A_599 = arith.subf %add3A_598, %mul3A_597 : vector<16xf32>
        %mul3A_600 = arith.mulf %mul3A_597, %scan3A_486 : vector<16xf32>
        %mul3A_601 = arith.mulf %scan3A_482, %sub3A_599 : vector<16xf32>
        %gt3A_602 = arith.cmpf ogt, %mul3A_600, %mul3A_601 : vector<16xf32>
        %select_n3A_603 = arith.select %gt3A_602, %mul3A_597, %scan3A_482 : vector<16xi1>, vector<16xf32>
        %select_n3A_604 = arith.select %gt3A_602, %sub3A_599, %scan3A_486 : vector<16xi1>, vector<16xf32>
        %select_n3A_605 = arith.select %gt3A_602, %get3A_542, %scan3A_490 : vector<16xi1>, vector<16xf32>
        %select_n3A_606 = arith.select %gt3A_602, %get3A_547, %scan3A_494 : vector<16xi1>, vector<16xf32>
        %select_n3A_607 = arith.select %gt3A_602, %get3A_552, %scan3A_498 : vector<16xi1>, vector<16xf32>
        %select_n3A_608 = arith.select %gt3A_602, %get3A_557, %scan3A_502 : vector<16xi1>, vector<16xf32>
        %select_n3A_609 = arith.select %gt3A_602, %get3A_562, %scan3A_506 : vector<16xi1>, vector<16xf32>
        %max3A_610 = arith.maximumf %get3A_63, %get3A_517 : vector<16xf32>
        %max3A_611 = arith.maximumf %get3A_83, %get3A_522 : vector<16xf32>
        %min3A_612 = arith.minimumf %get3A_103, %get3A_527 : vector<16xf32>
        %min3A_613 = arith.minimumf %get3A_123, %get3A_532 : vector<16xf32>
        %sub3A_614 = arith.subf %min3A_612, %max3A_610 : vector<16xf32>
        %max3A_615 = arith.constant 0.000000e+00 : f32
        %max3A_616 = vector.broadcast %max3A_615 : f32 to vector<16xf32>
        %max3A_617 = arith.maximumf %sub3A_614, %max3A_616 : vector<16xf32>
        %sub3A_618 = arith.subf %min3A_613, %max3A_611 : vector<16xf32>
        %max3A_619 = arith.constant 0.000000e+00 : f32
        %max3A_620 = vector.broadcast %max3A_619 : f32 to vector<16xf32>
        %max3A_621 = arith.maximumf %sub3A_618, %max3A_620 : vector<16xf32>
        %mul3A_622 = arith.mulf %max3A_617, %max3A_621 : vector<16xf32>
        %add3A_623 = arith.addf %get3A_143, %get3A_537 : vector<16xf32>
        %sub3A_624 = arith.subf %add3A_623, %mul3A_622 : vector<16xf32>
        %mul3A_625 = arith.mulf %mul3A_622, %scan3A_487 : vector<16xf32>
        %mul3A_626 = arith.mulf %scan3A_483, %sub3A_624 : vector<16xf32>
        %gt3A_627 = arith.cmpf ogt, %mul3A_625, %mul3A_626 : vector<16xf32>
        %select_n3A_628 = arith.select %gt3A_627, %mul3A_622, %scan3A_483 : vector<16xi1>, vector<16xf32>
        %select_n3A_629 = arith.select %gt3A_627, %sub3A_624, %scan3A_487 : vector<16xi1>, vector<16xf32>
        %select_n3A_630 = arith.select %gt3A_627, %get3A_542, %scan3A_491 : vector<16xi1>, vector<16xf32>
        %select_n3A_631 = arith.select %gt3A_627, %get3A_547, %scan3A_495 : vector<16xi1>, vector<16xf32>
        %select_n3A_632 = arith.select %gt3A_627, %get3A_552, %scan3A_499 : vector<16xi1>, vector<16xf32>
        %select_n3A_633 = arith.select %gt3A_627, %get3A_557, %scan3A_503 : vector<16xi1>, vector<16xf32>
        %select_n3A_634 = arith.select %gt3A_627, %get3A_562, %scan3A_507 : vector<16xi1>, vector<16xf32>
        %max3A_635 = arith.maximumf %get3A_68, %get3A_517 : vector<16xf32>
        %max3A_636 = arith.maximumf %get3A_88, %get3A_522 : vector<16xf32>
        %min3A_637 = arith.minimumf %get3A_108, %get3A_527 : vector<16xf32>
        %min3A_638 = arith.minimumf %get3A_128, %get3A_532 : vector<16xf32>
        %sub3A_639 = arith.subf %min3A_637, %max3A_635 : vector<16xf32>
        %max3A_640 = arith.constant 0.000000e+00 : f32
        %max3A_641 = vector.broadcast %max3A_640 : f32 to vector<16xf32>
        %max3A_642 = arith.maximumf %sub3A_639, %max3A_641 : vector<16xf32>
        %sub3A_643 = arith.subf %min3A_638, %max3A_636 : vector<16xf32>
        %max3A_644 = arith.constant 0.000000e+00 : f32
        %max3A_645 = vector.broadcast %max3A_644 : f32 to vector<16xf32>
        %max3A_646 = arith.maximumf %sub3A_643, %max3A_645 : vector<16xf32>
        %mul3A_647 = arith.mulf %max3A_642, %max3A_646 : vector<16xf32>
        %add3A_648 = arith.addf %get3A_148, %get3A_537 : vector<16xf32>
        %sub3A_649 = arith.subf %add3A_648, %mul3A_647 : vector<16xf32>
        %mul3A_650 = arith.mulf %mul3A_647, %scan3A_488 : vector<16xf32>
        %mul3A_651 = arith.mulf %scan3A_484, %sub3A_649 : vector<16xf32>
        %gt3A_652 = arith.cmpf ogt, %mul3A_650, %mul3A_651 : vector<16xf32>
        %select_n3A_653 = arith.select %gt3A_652, %mul3A_647, %scan3A_484 : vector<16xi1>, vector<16xf32>
        %select_n3A_654 = arith.select %gt3A_652, %sub3A_649, %scan3A_488 : vector<16xi1>, vector<16xf32>
        %select_n3A_655 = arith.select %gt3A_652, %get3A_542, %scan3A_492 : vector<16xi1>, vector<16xf32>
        %select_n3A_656 = arith.select %gt3A_652, %get3A_547, %scan3A_496 : vector<16xi1>, vector<16xf32>
        %select_n3A_657 = arith.select %gt3A_652, %get3A_552, %scan3A_500 : vector<16xi1>, vector<16xf32>
        %select_n3A_658 = arith.select %gt3A_652, %get3A_557, %scan3A_504 : vector<16xi1>, vector<16xf32>
        %select_n3A_659 = arith.select %gt3A_652, %get3A_562, %scan3A_508 : vector<16xi1>, vector<16xf32>
        %mul3A_660 = arith.constant 2 : i32
        %mul3A_661 = arith.muli %scan3A_480, %mul3A_660 : i32
        %add3A_662 = arith.constant 1 : i32
        %add3A_663 = arith.addi %mul3A_661, %add3A_662 : i32
        %mul3A_664 = arith.constant 160 : i32
        %mul3A_665 = arith.muli %add3A_663, %mul3A_664 : i32
        %add3A_666 = arith.constant 0 : i32
        %add3A_667 = arith.addi %mul3A_665, %add3A_666 : i32
        %get3A_668 = arith.index_cast %add3A_667 : i32 to index
        %get3A_669 = tpu.vector_load %arg7[%get3A_668] {strides = array<i32>} : memref<16000xf32, #tpu.memory_space<vmem>>, vector<16xf32>,
        %get3A_670 = vector.shape_cast %get3A_669 : vector<16xf32> to vector<16xf32>
        %add3A_671 = arith.constant 16 : i32
        %add3A_672 = arith.addi %mul3A_665, %add3A_671 : i32
        %get3A_673 = arith.index_cast %add3A_672 : i32 to index
        %get3A_674 = tpu.vector_load %arg7[%get3A_673] {strides = array<i32>} : memref<16000xf32, #tpu.memory_space<vmem>>, vector<16xf32>,
        %get3A_675 = vector.shape_cast %get3A_674 : vector<16xf32> to vector<16xf32>
        %add3A_676 = arith.constant 32 : i32
        %add3A_677 = arith.addi %mul3A_665, %add3A_676 : i32
        %get3A_678 = arith.index_cast %add3A_677 : i32 to index
        %get3A_679 = tpu.vector_load %arg7[%get3A_678] {strides = array<i32>} : memref<16000xf32, #tpu.memory_space<vmem>>, vector<16xf32>,
        %get3A_680 = vector.shape_cast %get3A_679 : vector<16xf32> to vector<16xf32>
        %add3A_681 = arith.constant 48 : i32
        %add3A_682 = arith.addi %mul3A_665, %add3A_681 : i32
        %get3A_683 = arith.index_cast %add3A_682 : i32 to index
        %get3A_684 = tpu.vector_load %arg7[%get3A_683] {strides = array<i32>} : memref<16000xf32, #tpu.memory_space<vmem>>, vector<16xf32>,
        %get3A_685 = vector.shape_cast %get3A_684 : vector<16xf32> to vector<16xf32>
        %add3A_686 = arith.constant 64 : i32
        %add3A_687 = arith.addi %mul3A_665, %add3A_686 : i32
        %get3A_688 = arith.index_cast %add3A_687 : i32 to index
        %get3A_689 = tpu.vector_load %arg7[%get3A_688] {strides = array<i32>} : memref<16000xf32, #tpu.memory_space<vmem>>, vector<16xf32>,
        %get3A_690 = vector.shape_cast %get3A_689 : vector<16xf32> to vector<16xf32>
        %add3A_691 = arith.constant 80 : i32
        %add3A_692 = arith.addi %mul3A_665, %add3A_691 : i32
        %get3A_693 = arith.index_cast %add3A_692 : i32 to index
        %get3A_694 = tpu.vector_load %arg7[%get3A_693] {strides = array<i32>} : memref<16000xf32, #tpu.memory_space<vmem>>, vector<16xf32>,
        %get3A_695 = vector.shape_cast %get3A_694 : vector<16xf32> to vector<16xf32>
        %add3A_696 = arith.constant 96 : i32
        %add3A_697 = arith.addi %mul3A_665, %add3A_696 : i32
        %get3A_698 = arith.index_cast %add3A_697 : i32 to index
        %get3A_699 = tpu.vector_load %arg7[%get3A_698] {strides = array<i32>} : memref<16000xf32, #tpu.memory_space<vmem>>, vector<16xf32>,
        %get3A_700 = vector.shape_cast %get3A_699 : vector<16xf32> to vector<16xf32>
        %add3A_701 = arith.constant 112 : i32
        %add3A_702 = arith.addi %mul3A_665, %add3A_701 : i32
        %get3A_703 = arith.index_cast %add3A_702 : i32 to index
        %get3A_704 = tpu.vector_load %arg7[%get3A_703] {strides = array<i32>} : memref<16000xf32, #tpu.memory_space<vmem>>, vector<16xf32>,
        %get3A_705 = vector.shape_cast %get3A_704 : vector<16xf32> to vector<16xf32>
        %add3A_706 = arith.constant 128 : i32
        %add3A_707 = arith.addi %mul3A_665, %add3A_706 : i32
        %get3A_708 = arith.index_cast %add3A_707 : i32 to index
        %get3A_709 = tpu.vector_load %arg7[%get3A_708] {strides = array<i32>} : memref<16000xf32, #tpu.memory_space<vmem>>, vector<16xf32>,
        %get3A_710 = vector.shape_cast %get3A_709 : vector<16xf32> to vector<16xf32>
        %add3A_711 = arith.constant 144 : i32
        %add3A_712 = arith.addi %mul3A_665, %add3A_711 : i32
        %get3A_713 = arith.index_cast %add3A_712 : i32 to index
        %get3A_714 = tpu.vector_load %arg7[%get3A_713] {strides = array<i32>} : memref<16000xf32, #tpu.memory_space<vmem>>, vector<16xf32>,
        %get3A_715 = vector.shape_cast %get3A_714 : vector<16xf32> to vector<16xf32>
        %max3A_716 = arith.maximumf %get3A_53, %get3A_670 : vector<16xf32>
        %max3A_717 = arith.maximumf %get3A_73, %get3A_675 : vector<16xf32>
        %min3A_718 = arith.minimumf %get3A_93, %get3A_680 : vector<16xf32>
        %min3A_719 = arith.minimumf %get3A_113, %get3A_685 : vector<16xf32>
        %sub3A_720 = arith.subf %min3A_718, %max3A_716 : vector<16xf32>
        %max3A_721 = arith.constant 0.000000e+00 : f32
        %max3A_722 = vector.broadcast %max3A_721 : f32 to vector<16xf32>
        %max3A_723 = arith.maximumf %sub3A_720, %max3A_722 : vector<16xf32>
        %sub3A_724 = arith.subf %min3A_719, %max3A_717 : vector<16xf32>
        %max3A_725 = arith.constant 0.000000e+00 : f32
        %max3A_726 = vector.broadcast %max3A_725 : f32 to vector<16xf32>
        %max3A_727 = arith.maximumf %sub3A_724, %max3A_726 : vector<16xf32>
        %mul3A_728 = arith.mulf %max3A_723, %max3A_727 : vector<16xf32>
        %add3A_729 = arith.addf %get3A_133, %get3A_690 : vector<16xf32>
        %sub3A_730 = arith.subf %add3A_729, %mul3A_728 : vector<16xf32>
        %mul3A_731 = arith.mulf %mul3A_728, %select_n3A_579 : vector<16xf32>
        %mul3A_732 = arith.mulf %select_n3A_578, %sub3A_730 : vector<16xf32>
        %gt3A_733 = arith.cmpf ogt, %mul3A_731, %mul3A_732 : vector<16xf32>
        %select_n3A_734 = arith.select %gt3A_733, %mul3A_728, %select_n3A_578 : vector<16xi1>, vector<16xf32>
        %select_n3A_735 = arith.select %gt3A_733, %sub3A_730, %select_n3A_579 : vector<16xi1>, vector<16xf32>
        %select_n3A_736 = arith.select %gt3A_733, %get3A_695, %select_n3A_580 : vector<16xi1>, vector<16xf32>
        %select_n3A_737 = arith.select %gt3A_733, %get3A_700, %select_n3A_581 : vector<16xi1>, vector<16xf32>
        %select_n3A_738 = arith.select %gt3A_733, %get3A_705, %select_n3A_582 : vector<16xi1>, vector<16xf32>
        %select_n3A_739 = arith.select %gt3A_733, %get3A_710, %select_n3A_583 : vector<16xi1>, vector<16xf32>
        %select_n3A_740 = arith.select %gt3A_733, %get3A_715, %select_n3A_584 : vector<16xi1>, vector<16xf32>
        %max3A_741 = arith.maximumf %get3A_58, %get3A_670 : vector<16xf32>
        %max3A_742 = arith.maximumf %get3A_78, %get3A_675 : vector<16xf32>
        %min3A_743 = arith.minimumf %get3A_98, %get3A_680 : vector<16xf32>
        %min3A_744 = arith.minimumf %get3A_118, %get3A_685 : vector<16xf32>
        %sub3A_745 = arith.subf %min3A_743, %max3A_741 : vector<16xf32>
        %max3A_746 = arith.constant 0.000000e+00 : f32
        %max3A_747 = vector.broadcast %max3A_746 : f32 to vector<16xf32>
        %max3A_748 = arith.maximumf %sub3A_745, %max3A_747 : vector<16xf32>
        %sub3A_749 = arith.subf %min3A_744, %max3A_742 : vector<16xf32>
        %max3A_750 = arith.constant 0.000000e+00 : f32
        %max3A_751 = vector.broadcast %max3A_750 : f32 to vector<16xf32>
        %max3A_752 = arith.maximumf %sub3A_749, %max3A_751 : vector<16xf32>
        %mul3A_753 = arith.mulf %max3A_748, %max3A_752 : vector<16xf32>
        %add3A_754 = arith.addf %get3A_138, %get3A_690 : vector<16xf32>
        %sub3A_755 = arith.subf %add3A_754, %mul3A_753 : vector<16xf32>
        %mul3A_756 = arith.mulf %mul3A_753, %select_n3A_604 : vector<16xf32>
        %mul3A_757 = arith.mulf %select_n3A_603, %sub3A_755 : vector<16xf32>
        %gt3A_758 = arith.cmpf ogt, %mul3A_756, %mul3A_757 : vector<16xf32>
        %select_n3A_759 = arith.select %gt3A_758, %mul3A_753, %select_n3A_603 : vector<16xi1>, vector<16xf32>
        %select_n3A_760 = arith.select %gt3A_758, %sub3A_755, %select_n3A_604 : vector<16xi1>, vector<16xf32>
        %select_n3A_761 = arith.select %gt3A_758, %get3A_695, %select_n3A_605 : vector<16xi1>, vector<16xf32>
        %select_n3A_762 = arith.select %gt3A_758, %get3A_700, %select_n3A_606 : vector<16xi1>, vector<16xf32>
        %select_n3A_763 = arith.select %gt3A_758, %get3A_705, %select_n3A_607 : vector<16xi1>, vector<16xf32>
        %select_n3A_764 = arith.select %gt3A_758, %get3A_710, %select_n3A_608 : vector<16xi1>, vector<16xf32>
        %select_n3A_765 = arith.select %gt3A_758, %get3A_715, %select_n3A_609 : vector<16xi1>, vector<16xf32>
        %max3A_766 = arith.maximumf %get3A_63, %get3A_670 : vector<16xf32>
        %max3A_767 = arith.maximumf %get3A_83, %get3A_675 : vector<16xf32>
        %min3A_768 = arith.minimumf %get3A_103, %get3A_680 : vector<16xf32>
        %min3A_769 = arith.minimumf %get3A_123, %get3A_685 : vector<16xf32>
        %sub3A_770 = arith.subf %min3A_768, %max3A_766 : vector<16xf32>
        %max3A_771 = arith.constant 0.000000e+00 : f32
        %max3A_772 = vector.broadcast %max3A_771 : f32 to vector<16xf32>
        %max3A_773 = arith.maximumf %sub3A_770, %max3A_772 : vector<16xf32>
        %sub3A_774 = arith.subf %min3A_769, %max3A_767 : vector<16xf32>
        %max3A_775 = arith.constant 0.000000e+00 : f32
        %max3A_776 = vector.broadcast %max3A_775 : f32 to vector<16xf32>
        %max3A_777 = arith.maximumf %sub3A_774, %max3A_776 : vector<16xf32>
        %mul3A_778 = arith.mulf %max3A_773, %max3A_777 : vector<16xf32>
        %add3A_779 = arith.addf %get3A_143, %get3A_690 : vector<16xf32>
        %sub3A_780 = arith.subf %add3A_779, %mul3A_778 : vector<16xf32>
        %mul3A_781 = arith.mulf %mul3A_778, %select_n3A_629 : vector<16xf32>
        %mul3A_782 = arith.mulf %select_n3A_628, %sub3A_780 : vector<16xf32>
        %gt3A_783 = arith.cmpf ogt, %mul3A_781, %mul3A_782 : vector<16xf32>
        %select_n3A_784 = arith.select %gt3A_783, %mul3A_778, %select_n3A_628 : vector<16xi1>, vector<16xf32>
        %select_n3A_785 = arith.select %gt3A_783, %sub3A_780, %select_n3A_629 : vector<16xi1>, vector<16xf32>
        %select_n3A_786 = arith.select %gt3A_783, %get3A_695, %select_n3A_630 : vector<16xi1>, vector<16xf32>
        %select_n3A_787 = arith.select %gt3A_783, %get3A_700, %select_n3A_631 : vector<16xi1>, vector<16xf32>
        %select_n3A_788 = arith.select %gt3A_783, %get3A_705, %select_n3A_632 : vector<16xi1>, vector<16xf32>
        %select_n3A_789 = arith.select %gt3A_783, %get3A_710, %select_n3A_633 : vector<16xi1>, vector<16xf32>
        %select_n3A_790 = arith.select %gt3A_783, %get3A_715, %select_n3A_634 : vector<16xi1>, vector<16xf32>
        %max3A_791 = arith.maximumf %get3A_68, %get3A_670 : vector<16xf32>
        %max3A_792 = arith.maximumf %get3A_88, %get3A_675 : vector<16xf32>
        %min3A_793 = arith.minimumf %get3A_108, %get3A_680 : vector<16xf32>
        %min3A_794 = arith.minimumf %get3A_128, %get3A_685 : vector<16xf32>
        %sub3A_795 = arith.subf %min3A_793, %max3A_791 : vector<16xf32>
        %max3A_796 = arith.constant 0.000000e+00 : f32
        %max3A_797 = vector.broadcast %max3A_796 : f32 to vector<16xf32>
        %max3A_798 = arith.maximumf %sub3A_795, %max3A_797 : vector<16xf32>
        %sub3A_799 = arith.subf %min3A_794, %max3A_792 : vector<16xf32>
        %max3A_800 = arith.constant 0.000000e+00 : f32
        %max3A_801 = vector.broadcast %max3A_800 : f32 to vector<16xf32>
        %max3A_802 = arith.maximumf %sub3A_799, %max3A_801 : vector<16xf32>
        %mul3A_803 = arith.mulf %max3A_798, %max3A_802 : vector<16xf32>
        %add3A_804 = arith.addf %get3A_148, %get3A_690 : vector<16xf32>
        %sub3A_805 = arith.subf %add3A_804, %mul3A_803 : vector<16xf32>
        %mul3A_806 = arith.mulf %mul3A_803, %select_n3A_654 : vector<16xf32>
        %mul3A_807 = arith.mulf %select_n3A_653, %sub3A_805 : vector<16xf32>
        %gt3A_808 = arith.cmpf ogt, %mul3A_806, %mul3A_807 : vector<16xf32>
        %select_n3A_809 = arith.select %gt3A_808, %mul3A_803, %select_n3A_653 : vector<16xi1>, vector<16xf32>
        %select_n3A_810 = arith.select %gt3A_808, %sub3A_805, %select_n3A_654 : vector<16xi1>, vector<16xf32>
        %select_n3A_811 = arith.select %gt3A_808, %get3A_695, %select_n3A_655 : vector<16xi1>, vector<16xf32>
        %select_n3A_812 = arith.select %gt3A_808, %get3A_700, %select_n3A_656 : vector<16xi1>, vector<16xf32>
        %select_n3A_813 = arith.select %gt3A_808, %get3A_705, %select_n3A_657 : vector<16xi1>, vector<16xf32>
        %select_n3A_814 = arith.select %gt3A_808, %get3A_710, %select_n3A_658 : vector<16xi1>, vector<16xf32>
        %select_n3A_815 = arith.select %gt3A_808, %get3A_715, %select_n3A_659 : vector<16xi1>, vector<16xf32>
        scf.yield %select_n3A_734, %select_n3A_759, %select_n3A_784, %select_n3A_809, %select_n3A_735, %select_n3A_760, %select_n3A_785, %select_n3A_810, %select_n3A_736, %select_n3A_761, %select_n3A_786, %select_n3A_811, %select_n3A_737, %select_n3A_762, %select_n3A_787, %select_n3A_812, %select_n3A_738, %select_n3A_763, %select_n3A_788, %select_n3A_813, %select_n3A_739, %select_n3A_764, %select_n3A_789, %select_n3A_814, %select_n3A_740, %select_n3A_765, %select_n3A_790, %select_n3A_815 : vector<16xf32>, vector<16xf32>, vector<16xf32>, vector<16xf32>, vector<16xf32>, vector<16xf32>, vector<16xf32>, vector<16xf32>, vector<16xf32>, vector<16xf32>, vector<16xf32>, vector<16xf32>, vector<16xf32>, vector<16xf32>, vector<16xf32>, vector<16xf32>, vector<16xf32>, vector<16xf32>, vector<16xf32>, vector<16xf32>, vector<16xf32>, vector<16xf32>, vector<16xf32>, vector<16xf32>, vector<16xf32>, vector<16xf32>, vector<16xf32>, vector<16xf32>
      }
      %scan3A_172 = arith.constant 50 : i32
      %add3A_173 = arith.constant 7680 : i32
      %add3A_174 = arith.addi %add3A_173, %add3A_43 : i32
      %get3A_175 = arith.index_cast %add3A_174 : i32 to index
      %get3A_176 = tpu.vector_load %arg6[%get3A_175] {strides = array<i32>} : memref<17280xf32, #tpu.memory_space<vmem>>, vector<16xf32>,
      %get3A_177 = vector.shape_cast %get3A_176 : vector<16xf32> to vector<16xf32>
      %mul3A_178 = arith.mulf %scan3A_171#8, %get3A_177 : vector<16xf32>
      %add3A_179 = arith.constant 10752 : i32
      %add3A_180 = arith.addi %add3A_179, %add3A_43 : i32
      %get3A_181 = arith.index_cast %add3A_180 : i32 to index
      %get3A_182 = tpu.vector_load %arg6[%get3A_181] {strides = array<i32>} : memref<17280xf32, #tpu.memory_space<vmem>>, vector<16xf32>,
      %get3A_183 = vector.shape_cast %get3A_182 : vector<16xf32> to vector<16xf32>
      %sub3A = arith.subf %mul3A_178, %get3A_183 : vector<16xf32>
      %add3A_184 = arith.constant 9216 : i32
      %add3A_185 = arith.addi %add3A_184, %add3A_43 : i32
      %get3A_186 = arith.index_cast %add3A_185 : i32 to index
      %get3A_187 = tpu.vector_load %arg6[%get3A_186] {strides = array<i32>} : memref<17280xf32, #tpu.memory_space<vmem>>, vector<16xf32>,
      %get3A_188 = vector.shape_cast %get3A_187 : vector<16xf32> to vector<16xf32>
      %mul3A_189 = arith.mulf %scan3A_171#12, %get3A_188 : vector<16xf32>
      %add3A_190 = arith.constant 12288 : i32
      %add3A_191 = arith.addi %add3A_190, %add3A_43 : i32
      %get3A_192 = arith.index_cast %add3A_191 : i32 to index
      %get3A_193 = tpu.vector_load %arg6[%get3A_192] {strides = array<i32>} : memref<17280xf32, #tpu.memory_space<vmem>>, vector<16xf32>,
      %get3A_194 = vector.shape_cast %get3A_193 : vector<16xf32> to vector<16xf32>
      %sub3A_195 = arith.subf %mul3A_189, %get3A_194 : vector<16xf32>
      %add3A_196 = arith.constant 13824 : i32
      %add3A_197 = arith.addi %add3A_196, %add3A_43 : i32
      %get3A_198 = arith.index_cast %add3A_197 : i32 to index
      %get3A_199 = tpu.vector_load %arg6[%get3A_198] {strides = array<i32>} : memref<17280xf32, #tpu.memory_space<vmem>>, vector<16xf32>,
      %get3A_200 = vector.shape_cast %get3A_199 : vector<16xf32> to vector<16xf32>
      %sub3A_201 = arith.subf %scan3A_171#16, %get3A_200 : vector<16xf32>
      %add3A_202 = arith.constant 15360 : i32
      %add3A_203 = arith.addi %add3A_202, %add3A_43 : i32
      %get3A_204 = arith.index_cast %add3A_203 : i32 to index
      %get3A_205 = tpu.vector_load %arg6[%get3A_204] {strides = array<i32>} : memref<17280xf32, #tpu.memory_space<vmem>>, vector<16xf32>,
      %get3A_206 = vector.shape_cast %get3A_205 : vector<16xf32> to vector<16xf32>
      %sub3A_207 = arith.subf %scan3A_171#20, %get3A_206 : vector<16xf32>
      %mul3A_208 = arith.constant 5.000000e-01 : f32
      %mul3A_209 = vector.broadcast %mul3A_208 : f32 to vector<16xf32>
      %mul3A_210 = arith.mulf %mul3A_209, %scan3A_171#4 : vector<16xf32>
      %ge3A = arith.cmpf oge, %scan3A_171#0, %mul3A_210 : vector<16xf32>
      %mul3A_211 = arith.constant 4.000000e-01 : f32
      %mul3A_212 = vector.broadcast %mul3A_211 : f32 to vector<16xf32>
      %mul3A_213 = arith.mulf %mul3A_212, %scan3A_171#4 : vector<16xf32>
      %lt3A = arith.cmpf olt, %scan3A_171#0, %mul3A_213 : vector<16xf32>
      %jit3A = arith.constant -1.000000e+00 : f32
      %jit3A_214 = arith.constant -2.000000e+00 : f32
      %broadcast_in_dim3A_215 = vector.broadcast %jit3A : f32 to vector<16xf32>
      %broadcast_in_dim3A_216 = vector.broadcast %jit3A_214 : f32 to vector<16xf32>
      %select_n3A = arith.select %lt3A, %broadcast_in_dim3A_215, %broadcast_in_dim3A_216 : vector<16xi1>, vector<16xf32>
      %select_n3A_217 = arith.select %ge3A, %scan3A_171#24, %select_n3A : vector<16xi1>, vector<16xf32>
      %add3A_218 = arith.constant 0 : i32
      %add3A_219 = arith.addi %add3A_218, %add3A_43 : i32
      %swap3A = arith.index_cast %add3A_219 : i32 to index
      %swap3A_220 = tpu.vector_load %arg8[%swap3A] {strides = array<i32>} : memref<6144xf32, #tpu.memory_space<vmem>>, vector<16xf32>,
      %swap3A_221 = vector.shape_cast %swap3A_220 : vector<16xf32> to vector<16xf32>
      %swap3A_222 = vector.shape_cast %sub3A : vector<16xf32> to vector<16xf32>
      tpu.vector_store %arg8[%swap3A], %swap3A_222 {strides = array<i32>} : memref<6144xf32, #tpu.memory_space<vmem>>, vector<16xf32>,
      %add3A_223 = arith.constant 1536 : i32
      %add3A_224 = arith.addi %add3A_223, %add3A_43 : i32
      %swap3A_225 = arith.index_cast %add3A_224 : i32 to index
      %swap3A_226 = tpu.vector_load %arg8[%swap3A_225] {strides = array<i32>} : memref<6144xf32, #tpu.memory_space<vmem>>, vector<16xf32>,
      %swap3A_227 = vector.shape_cast %swap3A_226 : vector<16xf32> to vector<16xf32>
      %swap3A_228 = vector.shape_cast %sub3A_195 : vector<16xf32> to vector<16xf32>
      tpu.vector_store %arg8[%swap3A_225], %swap3A_228 {strides = array<i32>} : memref<6144xf32, #tpu.memory_space<vmem>>, vector<16xf32>,
      %add3A_229 = arith.constant 3072 : i32
      %add3A_230 = arith.addi %add3A_229, %add3A_43 : i32
      %swap3A_231 = arith.index_cast %add3A_230 : i32 to index
      %swap3A_232 = tpu.vector_load %arg8[%swap3A_231] {strides = array<i32>} : memref<6144xf32, #tpu.memory_space<vmem>>, vector<16xf32>,
      %swap3A_233 = vector.shape_cast %swap3A_232 : vector<16xf32> to vector<16xf32>
      %swap3A_234 = vector.shape_cast %sub3A_201 : vector<16xf32> to vector<16xf32>
      tpu.vector_store %arg8[%swap3A_231], %swap3A_234 {strides = array<i32>} : memref<6144xf32, #tpu.memory_space<vmem>>, vector<16xf32>,
      %add3A_235 = arith.constant 4608 : i32
      %add3A_236 = arith.addi %add3A_235, %add3A_43 : i32
      %swap3A_237 = arith.index_cast %add3A_236 : i32 to index
      %swap3A_238 = tpu.vector_load %arg8[%swap3A_237] {strides = array<i32>} : memref<6144xf32, #tpu.memory_space<vmem>>, vector<16xf32>,
      %swap3A_239 = vector.shape_cast %swap3A_238 : vector<16xf32> to vector<16xf32>
      %swap3A_240 = vector.shape_cast %sub3A_207 : vector<16xf32> to vector<16xf32>
      tpu.vector_store %arg8[%swap3A_237], %swap3A_240 {strides = array<i32>} : memref<6144xf32, #tpu.memory_space<vmem>>, vector<16xf32>,
      %swap3A_241 = arith.index_cast %add3A_43 : i32 to index
      %swap3A_242 = tpu.vector_load %arg9[%swap3A_241] {strides = array<i32>} : memref<1536xf32, #tpu.memory_space<vmem>>, vector<16xf32>,
      %swap3A_243 = vector.shape_cast %swap3A_242 : vector<16xf32> to vector<16xf32>
      %swap3A_244 = vector.shape_cast %select_n3A_217 : vector<16xf32> to vector<16xf32>
      tpu.vector_store %arg9[%swap3A_241], %swap3A_244 {strides = array<i32>} : memref<1536xf32, #tpu.memory_space<vmem>>, vector<16xf32>,
      %add3A_245 = arith.constant 7680 : i32
      %add3A_246 = arith.addi %add3A_245, %add3A_45 : i32
      %get3A_247 = arith.index_cast %add3A_246 : i32 to index
      %get3A_248 = tpu.vector_load %arg6[%get3A_247] {strides = array<i32>} : memref<17280xf32, #tpu.memory_space<vmem>>, vector<16xf32>,
      %get3A_249 = vector.shape_cast %get3A_248 : vector<16xf32> to vector<16xf32>
      %mul3A_250 = arith.mulf %scan3A_171#9, %get3A_249 : vector<16xf32>
      %add3A_251 = arith.constant 10752 : i32
      %add3A_252 = arith.addi %add3A_251, %add3A_45 : i32
      %get3A_253 = arith.index_cast %add3A_252 : i32 to index
      %get3A_254 = tpu.vector_load %arg6[%get3A_253] {strides = array<i32>} : memref<17280xf32, #tpu.memory_space<vmem>>, vector<16xf32>,
      %get3A_255 = vector.shape_cast %get3A_254 : vector<16xf32> to vector<16xf32>
      %sub3A_256 = arith.subf %mul3A_250, %get3A_255 : vector<16xf32>
      %add3A_257 = arith.constant 9216 : i32
      %add3A_258 = arith.addi %add3A_257, %add3A_45 : i32
      %get3A_259 = arith.index_cast %add3A_258 : i32 to index
      %get3A_260 = tpu.vector_load %arg6[%get3A_259] {strides = array<i32>} : memref<17280xf32, #tpu.memory_space<vmem>>, vector<16xf32>,
      %get3A_261 = vector.shape_cast %get3A_260 : vector<16xf32> to vector<16xf32>
      %mul3A_262 = arith.mulf %scan3A_171#13, %get3A_261 : vector<16xf32>
      %add3A_263 = arith.constant 12288 : i32
      %add3A_264 = arith.addi %add3A_263, %add3A_45 : i32
      %get3A_265 = arith.index_cast %add3A_264 : i32 to index
      %get3A_266 = tpu.vector_load %arg6[%get3A_265] {strides = array<i32>} : memref<17280xf32, #tpu.memory_space<vmem>>, vector<16xf32>,
      %get3A_267 = vector.shape_cast %get3A_266 : vector<16xf32> to vector<16xf32>
      %sub3A_268 = arith.subf %mul3A_262, %get3A_267 : vector<16xf32>
      %add3A_269 = arith.constant 13824 : i32
      %add3A_270 = arith.addi %add3A_269, %add3A_45 : i32
      %get3A_271 = arith.index_cast %add3A_270 : i32 to index
      %get3A_272 = tpu.vector_load %arg6[%get3A_271] {strides = array<i32>} : memref<17280xf32, #tpu.memory_space<vmem>>, vector<16xf32>,
      %get3A_273 = vector.shape_cast %get3A_272 : vector<16xf32> to vector<16xf32>
      %sub3A_274 = arith.subf %scan3A_171#17, %get3A_273 : vector<16xf32>
      %add3A_275 = arith.constant 15360 : i32
      %add3A_276 = arith.addi %add3A_275, %add3A_45 : i32
      %get3A_277 = arith.index_cast %add3A_276 : i32 to index
      %get3A_278 = tpu.vector_load %arg6[%get3A_277] {strides = array<i32>} : memref<17280xf32, #tpu.memory_space<vmem>>, vector<16xf32>,
      %get3A_279 = vector.shape_cast %get3A_278 : vector<16xf32> to vector<16xf32>
      %sub3A_280 = arith.subf %scan3A_171#21, %get3A_279 : vector<16xf32>
      %mul3A_281 = arith.constant 5.000000e-01 : f32
      %mul3A_282 = vector.broadcast %mul3A_281 : f32 to vector<16xf32>
      %mul3A_283 = arith.mulf %mul3A_282, %scan3A_171#5 : vector<16xf32>
      %ge3A_284 = arith.cmpf oge, %scan3A_171#1, %mul3A_283 : vector<16xf32>
      %mul3A_285 = arith.constant 4.000000e-01 : f32
      %mul3A_286 = vector.broadcast %mul3A_285 : f32 to vector<16xf32>
      %mul3A_287 = arith.mulf %mul3A_286, %scan3A_171#5 : vector<16xf32>
      %lt3A_288 = arith.cmpf olt, %scan3A_171#1, %mul3A_287 : vector<16xf32>
      %jit3A_289 = arith.constant -1.000000e+00 : f32
      %jit3A_290 = arith.constant -2.000000e+00 : f32
      %broadcast_in_dim3A_291 = vector.broadcast %jit3A_289 : f32 to vector<16xf32>
      %broadcast_in_dim3A_292 = vector.broadcast %jit3A_290 : f32 to vector<16xf32>
      %select_n3A_293 = arith.select %lt3A_288, %broadcast_in_dim3A_291, %broadcast_in_dim3A_292 : vector<16xi1>, vector<16xf32>
      %select_n3A_294 = arith.select %ge3A_284, %scan3A_171#25, %select_n3A_293 : vector<16xi1>, vector<16xf32>
      %add3A_295 = arith.constant 0 : i32
      %add3A_296 = arith.addi %add3A_295, %add3A_45 : i32
      %swap3A_297 = arith.index_cast %add3A_296 : i32 to index
      %swap3A_298 = tpu.vector_load %arg8[%swap3A_297] {strides = array<i32>} : memref<6144xf32, #tpu.memory_space<vmem>>, vector<16xf32>,
      %swap3A_299 = vector.shape_cast %swap3A_298 : vector<16xf32> to vector<16xf32>
      %swap3A_300 = vector.shape_cast %sub3A_256 : vector<16xf32> to vector<16xf32>
      tpu.vector_store %arg8[%swap3A_297], %swap3A_300 {strides = array<i32>} : memref<6144xf32, #tpu.memory_space<vmem>>, vector<16xf32>,
      %add3A_301 = arith.constant 1536 : i32
      %add3A_302 = arith.addi %add3A_301, %add3A_45 : i32
      %swap3A_303 = arith.index_cast %add3A_302 : i32 to index
      %swap3A_304 = tpu.vector_load %arg8[%swap3A_303] {strides = array<i32>} : memref<6144xf32, #tpu.memory_space<vmem>>, vector<16xf32>,
      %swap3A_305 = vector.shape_cast %swap3A_304 : vector<16xf32> to vector<16xf32>
      %swap3A_306 = vector.shape_cast %sub3A_268 : vector<16xf32> to vector<16xf32>
      tpu.vector_store %arg8[%swap3A_303], %swap3A_306 {strides = array<i32>} : memref<6144xf32, #tpu.memory_space<vmem>>, vector<16xf32>,
      %add3A_307 = arith.constant 3072 : i32
      %add3A_308 = arith.addi %add3A_307, %add3A_45 : i32
      %swap3A_309 = arith.index_cast %add3A_308 : i32 to index
      %swap3A_310 = tpu.vector_load %arg8[%swap3A_309] {strides = array<i32>} : memref<6144xf32, #tpu.memory_space<vmem>>, vector<16xf32>,
      %swap3A_311 = vector.shape_cast %swap3A_310 : vector<16xf32> to vector<16xf32>
      %swap3A_312 = vector.shape_cast %sub3A_274 : vector<16xf32> to vector<16xf32>
      tpu.vector_store %arg8[%swap3A_309], %swap3A_312 {strides = array<i32>} : memref<6144xf32, #tpu.memory_space<vmem>>, vector<16xf32>,
      %add3A_313 = arith.constant 4608 : i32
      %add3A_314 = arith.addi %add3A_313, %add3A_45 : i32
      %swap3A_315 = arith.index_cast %add3A_314 : i32 to index
      %swap3A_316 = tpu.vector_load %arg8[%swap3A_315] {strides = array<i32>} : memref<6144xf32, #tpu.memory_space<vmem>>, vector<16xf32>,
      %swap3A_317 = vector.shape_cast %swap3A_316 : vector<16xf32> to vector<16xf32>
      %swap3A_318 = vector.shape_cast %sub3A_280 : vector<16xf32> to vector<16xf32>
      tpu.vector_store %arg8[%swap3A_315], %swap3A_318 {strides = array<i32>} : memref<6144xf32, #tpu.memory_space<vmem>>, vector<16xf32>,
      %swap3A_319 = arith.index_cast %add3A_45 : i32 to index
      %swap3A_320 = tpu.vector_load %arg9[%swap3A_319] {strides = array<i32>} : memref<1536xf32, #tpu.memory_space<vmem>>, vector<16xf32>,
      %swap3A_321 = vector.shape_cast %swap3A_320 : vector<16xf32> to vector<16xf32>
      %swap3A_322 = vector.shape_cast %select_n3A_294 : vector<16xf32> to vector<16xf32>
      tpu.vector_store %arg9[%swap3A_319], %swap3A_322 {strides = array<i32>} : memref<1536xf32, #tpu.memory_space<vmem>>, vector<16xf32>,
      %add3A_323 = arith.constant 7680 : i32
      %add3A_324 = arith.addi %add3A_323, %add3A_47 : i32
      %get3A_325 = arith.index_cast %add3A_324 : i32 to index
      %get3A_326 = tpu.vector_load %arg6[%get3A_325] {strides = array<i32>} : memref<17280xf32, #tpu.memory_space<vmem>>, vector<16xf32>,
      %get3A_327 = vector.shape_cast %get3A_326 : vector<16xf32> to vector<16xf32>
      %mul3A_328 = arith.mulf %scan3A_171#10, %get3A_327 : vector<16xf32>
      %add3A_329 = arith.constant 10752 : i32
      %add3A_330 = arith.addi %add3A_329, %add3A_47 : i32
      %get3A_331 = arith.index_cast %add3A_330 : i32 to index
      %get3A_332 = tpu.vector_load %arg6[%get3A_331] {strides = array<i32>} : memref<17280xf32, #tpu.memory_space<vmem>>, vector<16xf32>,
      %get3A_333 = vector.shape_cast %get3A_332 : vector<16xf32> to vector<16xf32>
      %sub3A_334 = arith.subf %mul3A_328, %get3A_333 : vector<16xf32>
      %add3A_335 = arith.constant 9216 : i32
      %add3A_336 = arith.addi %add3A_335, %add3A_47 : i32
      %get3A_337 = arith.index_cast %add3A_336 : i32 to index
      %get3A_338 = tpu.vector_load %arg6[%get3A_337] {strides = array<i32>} : memref<17280xf32, #tpu.memory_space<vmem>>, vector<16xf32>,
      %get3A_339 = vector.shape_cast %get3A_338 : vector<16xf32> to vector<16xf32>
      %mul3A_340 = arith.mulf %scan3A_171#14, %get3A_339 : vector<16xf32>
      %add3A_341 = arith.constant 12288 : i32
      %add3A_342 = arith.addi %add3A_341, %add3A_47 : i32
      %get3A_343 = arith.index_cast %add3A_342 : i32 to index
      %get3A_344 = tpu.vector_load %arg6[%get3A_343] {strides = array<i32>} : memref<17280xf32, #tpu.memory_space<vmem>>, vector<16xf32>,
      %get3A_345 = vector.shape_cast %get3A_344 : vector<16xf32> to vector<16xf32>
      %sub3A_346 = arith.subf %mul3A_340, %get3A_345 : vector<16xf32>
      %add3A_347 = arith.constant 13824 : i32
      %add3A_348 = arith.addi %add3A_347, %add3A_47 : i32
      %get3A_349 = arith.index_cast %add3A_348 : i32 to index
      %get3A_350 = tpu.vector_load %arg6[%get3A_349] {strides = array<i32>} : memref<17280xf32, #tpu.memory_space<vmem>>, vector<16xf32>,
      %get3A_351 = vector.shape_cast %get3A_350 : vector<16xf32> to vector<16xf32>
      %sub3A_352 = arith.subf %scan3A_171#18, %get3A_351 : vector<16xf32>
      %add3A_353 = arith.constant 15360 : i32
      %add3A_354 = arith.addi %add3A_353, %add3A_47 : i32
      %get3A_355 = arith.index_cast %add3A_354 : i32 to index
      %get3A_356 = tpu.vector_load %arg6[%get3A_355] {strides = array<i32>} : memref<17280xf32, #tpu.memory_space<vmem>>, vector<16xf32>,
      %get3A_357 = vector.shape_cast %get3A_356 : vector<16xf32> to vector<16xf32>
      %sub3A_358 = arith.subf %scan3A_171#22, %get3A_357 : vector<16xf32>
      %mul3A_359 = arith.constant 5.000000e-01 : f32
      %mul3A_360 = vector.broadcast %mul3A_359 : f32 to vector<16xf32>
      %mul3A_361 = arith.mulf %mul3A_360, %scan3A_171#6 : vector<16xf32>
      %ge3A_362 = arith.cmpf oge, %scan3A_171#2, %mul3A_361 : vector<16xf32>
      %mul3A_363 = arith.constant 4.000000e-01 : f32
      %mul3A_364 = vector.broadcast %mul3A_363 : f32 to vector<16xf32>
      %mul3A_365 = arith.mulf %mul3A_364, %scan3A_171#6 : vector<16xf32>
      %lt3A_366 = arith.cmpf olt, %scan3A_171#2, %mul3A_365 : vector<16xf32>
      %jit3A_367 = arith.constant -1.000000e+00 : f32
      %jit3A_368 = arith.constant -2.000000e+00 : f32
      %broadcast_in_dim3A_369 = vector.broadcast %jit3A_367 : f32 to vector<16xf32>
      %broadcast_in_dim3A_370 = vector.broadcast %jit3A_368 : f32 to vector<16xf32>
      %select_n3A_371 = arith.select %lt3A_366, %broadcast_in_dim3A_369, %broadcast_in_dim3A_370 : vector<16xi1>, vector<16xf32>
      %select_n3A_372 = arith.select %ge3A_362, %scan3A_171#26, %select_n3A_371 : vector<16xi1>, vector<16xf32>
      %add3A_373 = arith.constant 0 : i32
      %add3A_374 = arith.addi %add3A_373, %add3A_47 : i32
      %swap3A_375 = arith.index_cast %add3A_374 : i32 to index
      %swap3A_376 = tpu.vector_load %arg8[%swap3A_375] {strides = array<i32>} : memref<6144xf32, #tpu.memory_space<vmem>>, vector<16xf32>,
      %swap3A_377 = vector.shape_cast %swap3A_376 : vector<16xf32> to vector<16xf32>
      %swap3A_378 = vector.shape_cast %sub3A_334 : vector<16xf32> to vector<16xf32>
      tpu.vector_store %arg8[%swap3A_375], %swap3A_378 {strides = array<i32>} : memref<6144xf32, #tpu.memory_space<vmem>>, vector<16xf32>,
      %add3A_379 = arith.constant 1536 : i32
      %add3A_380 = arith.addi %add3A_379, %add3A_47 : i32
      %swap3A_381 = arith.index_cast %add3A_380 : i32 to index
      %swap3A_382 = tpu.vector_load %arg8[%swap3A_381] {strides = array<i32>} : memref<6144xf32, #tpu.memory_space<vmem>>, vector<16xf32>,
      %swap3A_383 = vector.shape_cast %swap3A_382 : vector<16xf32> to vector<16xf32>
      %swap3A_384 = vector.shape_cast %sub3A_346 : vector<16xf32> to vector<16xf32>
      tpu.vector_store %arg8[%swap3A_381], %swap3A_384 {strides = array<i32>} : memref<6144xf32, #tpu.memory_space<vmem>>, vector<16xf32>,
      %add3A_385 = arith.constant 3072 : i32
      %add3A_386 = arith.addi %add3A_385, %add3A_47 : i32
      %swap3A_387 = arith.index_cast %add3A_386 : i32 to index
      %swap3A_388 = tpu.vector_load %arg8[%swap3A_387] {strides = array<i32>} : memref<6144xf32, #tpu.memory_space<vmem>>, vector<16xf32>,
      %swap3A_389 = vector.shape_cast %swap3A_388 : vector<16xf32> to vector<16xf32>
      %swap3A_390 = vector.shape_cast %sub3A_352 : vector<16xf32> to vector<16xf32>
      tpu.vector_store %arg8[%swap3A_387], %swap3A_390 {strides = array<i32>} : memref<6144xf32, #tpu.memory_space<vmem>>, vector<16xf32>,
      %add3A_391 = arith.constant 4608 : i32
      %add3A_392 = arith.addi %add3A_391, %add3A_47 : i32
      %swap3A_393 = arith.index_cast %add3A_392 : i32 to index
      %swap3A_394 = tpu.vector_load %arg8[%swap3A_393] {strides = array<i32>} : memref<6144xf32, #tpu.memory_space<vmem>>, vector<16xf32>,
      %swap3A_395 = vector.shape_cast %swap3A_394 : vector<16xf32> to vector<16xf32>
      %swap3A_396 = vector.shape_cast %sub3A_358 : vector<16xf32> to vector<16xf32>
      tpu.vector_store %arg8[%swap3A_393], %swap3A_396 {strides = array<i32>} : memref<6144xf32, #tpu.memory_space<vmem>>, vector<16xf32>,
      %swap3A_397 = arith.index_cast %add3A_47 : i32 to index
      %swap3A_398 = tpu.vector_load %arg9[%swap3A_397] {strides = array<i32>} : memref<1536xf32, #tpu.memory_space<vmem>>, vector<16xf32>,
      %swap3A_399 = vector.shape_cast %swap3A_398 : vector<16xf32> to vector<16xf32>
      %swap3A_400 = vector.shape_cast %select_n3A_372 : vector<16xf32> to vector<16xf32>
      tpu.vector_store %arg9[%swap3A_397], %swap3A_400 {strides = array<i32>} : memref<1536xf32, #tpu.memory_space<vmem>>, vector<16xf32>,
      %add3A_401 = arith.constant 7680 : i32
      %add3A_402 = arith.addi %add3A_401, %add3A_49 : i32
      %get3A_403 = arith.index_cast %add3A_402 : i32 to index
      %get3A_404 = tpu.vector_load %arg6[%get3A_403] {strides = array<i32>} : memref<17280xf32, #tpu.memory_space<vmem>>, vector<16xf32>,
      %get3A_405 = vector.shape_cast %get3A_404 : vector<16xf32> to vector<16xf32>
      %mul3A_406 = arith.mulf %scan3A_171#11, %get3A_405 : vector<16xf32>
      %add3A_407 = arith.constant 10752 : i32
      %add3A_408 = arith.addi %add3A_407, %add3A_49 : i32
      %get3A_409 = arith.index_cast %add3A_408 : i32 to index
      %get3A_410 = tpu.vector_load %arg6[%get3A_409] {strides = array<i32>} : memref<17280xf32, #tpu.memory_space<vmem>>, vector<16xf32>,
      %get3A_411 = vector.shape_cast %get3A_410 : vector<16xf32> to vector<16xf32>
      %sub3A_412 = arith.subf %mul3A_406, %get3A_411 : vector<16xf32>
      %add3A_413 = arith.constant 9216 : i32
      %add3A_414 = arith.addi %add3A_413, %add3A_49 : i32
      %get3A_415 = arith.index_cast %add3A_414 : i32 to index
      %get3A_416 = tpu.vector_load %arg6[%get3A_415] {strides = array<i32>} : memref<17280xf32, #tpu.memory_space<vmem>>, vector<16xf32>,
      %get3A_417 = vector.shape_cast %get3A_416 : vector<16xf32> to vector<16xf32>
      %mul3A_418 = arith.mulf %scan3A_171#15, %get3A_417 : vector<16xf32>
      %add3A_419 = arith.constant 12288 : i32
      %add3A_420 = arith.addi %add3A_419, %add3A_49 : i32
      %get3A_421 = arith.index_cast %add3A_420 : i32 to index
      %get3A_422 = tpu.vector_load %arg6[%get3A_421] {strides = array<i32>} : memref<17280xf32, #tpu.memory_space<vmem>>, vector<16xf32>,
      %get3A_423 = vector.shape_cast %get3A_422 : vector<16xf32> to vector<16xf32>
      %sub3A_424 = arith.subf %mul3A_418, %get3A_423 : vector<16xf32>
      %add3A_425 = arith.constant 13824 : i32
      %add3A_426 = arith.addi %add3A_425, %add3A_49 : i32
      %get3A_427 = arith.index_cast %add3A_426 : i32 to index
      %get3A_428 = tpu.vector_load %arg6[%get3A_427] {strides = array<i32>} : memref<17280xf32, #tpu.memory_space<vmem>>, vector<16xf32>,
      %get3A_429 = vector.shape_cast %get3A_428 : vector<16xf32> to vector<16xf32>
      %sub3A_430 = arith.subf %scan3A_171#19, %get3A_429 : vector<16xf32>
      %add3A_431 = arith.constant 15360 : i32
      %add3A_432 = arith.addi %add3A_431, %add3A_49 : i32
      %get3A_433 = arith.index_cast %add3A_432 : i32 to index
      %get3A_434 = tpu.vector_load %arg6[%get3A_433] {strides = array<i32>} : memref<17280xf32, #tpu.memory_space<vmem>>, vector<16xf32>,
      %get3A_435 = vector.shape_cast %get3A_434 : vector<16xf32> to vector<16xf32>
      %sub3A_436 = arith.subf %scan3A_171#23, %get3A_435 : vector<16xf32>
      %mul3A_437 = arith.constant 5.000000e-01 : f32
      %mul3A_438 = vector.broadcast %mul3A_437 : f32 to vector<16xf32>
      %mul3A_439 = arith.mulf %mul3A_438, %scan3A_171#7 : vector<16xf32>
      %ge3A_440 = arith.cmpf oge, %scan3A_171#3, %mul3A_439 : vector<16xf32>
      %mul3A_441 = arith.constant 4.000000e-01 : f32
      %mul3A_442 = vector.broadcast %mul3A_441 : f32 to vector<16xf32>
      %mul3A_443 = arith.mulf %mul3A_442, %scan3A_171#7 : vector<16xf32>
      %lt3A_444 = arith.cmpf olt, %scan3A_171#3, %mul3A_443 : vector<16xf32>
      %jit3A_445 = arith.constant -1.000000e+00 : f32
      %jit3A_446 = arith.constant -2.000000e+00 : f32
      %broadcast_in_dim3A_447 = vector.broadcast %jit3A_445 : f32 to vector<16xf32>
      %broadcast_in_dim3A_448 = vector.broadcast %jit3A_446 : f32 to vector<16xf32>
      %select_n3A_449 = arith.select %lt3A_444, %broadcast_in_dim3A_447, %broadcast_in_dim3A_448 : vector<16xi1>, vector<16xf32>
      %select_n3A_450 = arith.select %ge3A_440, %scan3A_171#27, %select_n3A_449 : vector<16xi1>, vector<16xf32>
      %add3A_451 = arith.constant 0 : i32
      %add3A_452 = arith.addi %add3A_451, %add3A_49 : i32
      %swap3A_453 = arith.index_cast %add3A_452 : i32 to index
      %swap3A_454 = tpu.vector_load %arg8[%swap3A_453] {strides = array<i32>} : memref<6144xf32, #tpu.memory_space<vmem>>, vector<16xf32>,
      %swap3A_455 = vector.shape_cast %swap3A_454 : vector<16xf32> to vector<16xf32>
      %swap3A_456 = vector.shape_cast %sub3A_412 : vector<16xf32> to vector<16xf32>
      tpu.vector_store %arg8[%swap3A_453], %swap3A_456 {strides = array<i32>} : memref<6144xf32, #tpu.memory_space<vmem>>, vector<16xf32>,
      %add3A_457 = arith.constant 1536 : i32
      %add3A_458 = arith.addi %add3A_457, %add3A_49 : i32
      %swap3A_459 = arith.index_cast %add3A_458 : i32 to index
      %swap3A_460 = tpu.vector_load %arg8[%swap3A_459] {strides = array<i32>} : memref<6144xf32, #tpu.memory_space<vmem>>, vector<16xf32>,
      %swap3A_461 = vector.shape_cast %swap3A_460 : vector<16xf32> to vector<16xf32>
      %swap3A_462 = vector.shape_cast %sub3A_424 : vector<16xf32> to vector<16xf32>
      tpu.vector_store %arg8[%swap3A_459], %swap3A_462 {strides = array<i32>} : memref<6144xf32, #tpu.memory_space<vmem>>, vector<16xf32>,
      %add3A_463 = arith.constant 3072 : i32
      %add3A_464 = arith.addi %add3A_463, %add3A_49 : i32
      %swap3A_465 = arith.index_cast %add3A_464 : i32 to index
      %swap3A_466 = tpu.vector_load %arg8[%swap3A_465] {strides = array<i32>} : memref<6144xf32, #tpu.memory_space<vmem>>, vector<16xf32>,
      %swap3A_467 = vector.shape_cast %swap3A_466 : vector<16xf32> to vector<16xf32>
      %swap3A_468 = vector.shape_cast %sub3A_430 : vector<16xf32> to vector<16xf32>
      tpu.vector_store %arg8[%swap3A_465], %swap3A_468 {strides = array<i32>} : memref<6144xf32, #tpu.memory_space<vmem>>, vector<16xf32>,
      %add3A_469 = arith.constant 4608 : i32
      %add3A_470 = arith.addi %add3A_469, %add3A_49 : i32
      %swap3A_471 = arith.index_cast %add3A_470 : i32 to index
      %swap3A_472 = tpu.vector_load %arg8[%swap3A_471] {strides = array<i32>} : memref<6144xf32, #tpu.memory_space<vmem>>, vector<16xf32>,
      %swap3A_473 = vector.shape_cast %swap3A_472 : vector<16xf32> to vector<16xf32>
      %swap3A_474 = vector.shape_cast %sub3A_436 : vector<16xf32> to vector<16xf32>
      tpu.vector_store %arg8[%swap3A_471], %swap3A_474 {strides = array<i32>} : memref<6144xf32, #tpu.memory_space<vmem>>, vector<16xf32>,
      %swap3A_475 = arith.index_cast %add3A_49 : i32 to index
      %swap3A_476 = tpu.vector_load %arg9[%swap3A_475] {strides = array<i32>} : memref<1536xf32, #tpu.memory_space<vmem>>, vector<16xf32>,
      %swap3A_477 = vector.shape_cast %swap3A_476 : vector<16xf32> to vector<16xf32>
      %swap3A_478 = vector.shape_cast %select_n3A_450 : vector<16xf32> to vector<16xf32>
      tpu.vector_store %arg9[%swap3A_475], %swap3A_478 {strides = array<i32>} : memref<1536xf32, #tpu.memory_space<vmem>>, vector<16xf32>,
      %scan3A_479 = arith.constant 0 : i32
      scf.yield %scan3A_479 : i32
    }
    %scan3A_10 = arith.constant 24 : i32
    %add3A_11 = arith.constant 0 : i32
    %add3A_12 = arith.addi %add3A_11, %mul3A_2 : i32
    "tpu.region"() ({
      %run_scoped3A = tpu.sem_alloc : memref<!tpu.dma_semaphore, #tpu.memory_space<semaphore_mem>>
      %dma_start3A = arith.constant 0 : i32
      %dma_start3A_38 = tpu.memref_slice %arg8[%dma_start3A] : memref<6144xf32, #tpu.memory_space<vmem>> -> memref<1536xf32, #tpu.memory_space<vmem>>
      %dma_start3A_39 = tpu.memref_slice %arg4[%add3A_12] : memref<393216xf32, #tpu.memory_space<hbm>> -> memref<1536xf32, #tpu.memory_space<hbm>>
      %dma_start3A_40 = tpu.memref_slice %arg4[%add3A_12] : memref<393216xf32, #tpu.memory_space<hbm>> -> memref<1536xf32, #tpu.memory_space<hbm>>
      %dma_start3A_41 = arith.constant 0 : i32
      %dma_start3A_42 = tpu.memref_slice %arg8[%dma_start3A_41] : memref<6144xf32, #tpu.memory_space<vmem>> -> memref<1536xf32, #tpu.memory_space<vmem>>
      tpu.enqueue_dma source(%dma_start3A_42 : memref<1536xf32, #tpu.memory_space<vmem>>) target(%dma_start3A_40 : memref<1536xf32, #tpu.memory_space<hbm>>) target_semaphore(%run_scoped3A : memref<!tpu.dma_semaphore, #tpu.memory_space<semaphore_mem>>)
      %dma_wait3A = arith.constant 0 : i32
      %dma_wait3A_43 = tpu.memref_slice %arg8[%dma_wait3A] : memref<6144xf32, #tpu.memory_space<vmem>> -> memref<1536xf32, #tpu.memory_space<vmem>>
      %dma_wait3A_44 = tpu.memref_slice %arg4[%add3A_12] : memref<393216xf32, #tpu.memory_space<hbm>> -> memref<1536xf32, #tpu.memory_space<hbm>>
      %dma_wait3A_45 = tpu.memref_slice %arg4[%add3A_12] : memref<393216xf32, #tpu.memory_space<hbm>> -> memref<1536xf32, #tpu.memory_space<hbm>>
      %dma_wait3A_46 = arith.constant 0 : i32
      %dma_wait3A_47 = tpu.memref_slice %arg8[%dma_wait3A_46] : memref<6144xf32, #tpu.memory_space<vmem>> -> memref<1536xf32, #tpu.memory_space<vmem>>
      tpu.wait_dma2 semaphore(%run_scoped3A : memref<!tpu.dma_semaphore, #tpu.memory_space<semaphore_mem>>) src(%dma_wait3A_47 : memref<1536xf32, #tpu.memory_space<vmem>>) dst(%dma_wait3A_45 : memref<1536xf32, #tpu.memory_space<hbm>>)
      tpu.yield
    }) : () -> ()
    %add3A_13 = arith.constant 49152 : i32
    %add3A_14 = arith.addi %add3A_13, %mul3A_2 : i32
    "tpu.region"() ({
      %run_scoped3A = tpu.sem_alloc : memref<!tpu.dma_semaphore, #tpu.memory_space<semaphore_mem>>
      %dma_start3A = arith.constant 1536 : i32
      %dma_start3A_38 = tpu.memref_slice %arg8[%dma_start3A] : memref<6144xf32, #tpu.memory_space<vmem>> -> memref<1536xf32, #tpu.memory_space<vmem>>
      %dma_start3A_39 = tpu.memref_slice %arg4[%add3A_14] : memref<393216xf32, #tpu.memory_space<hbm>> -> memref<1536xf32, #tpu.memory_space<hbm>>
      %dma_start3A_40 = tpu.memref_slice %arg4[%add3A_14] : memref<393216xf32, #tpu.memory_space<hbm>> -> memref<1536xf32, #tpu.memory_space<hbm>>
      %dma_start3A_41 = arith.constant 1536 : i32
      %dma_start3A_42 = tpu.memref_slice %arg8[%dma_start3A_41] : memref<6144xf32, #tpu.memory_space<vmem>> -> memref<1536xf32, #tpu.memory_space<vmem>>
      tpu.enqueue_dma source(%dma_start3A_42 : memref<1536xf32, #tpu.memory_space<vmem>>) target(%dma_start3A_40 : memref<1536xf32, #tpu.memory_space<hbm>>) target_semaphore(%run_scoped3A : memref<!tpu.dma_semaphore, #tpu.memory_space<semaphore_mem>>)
      %dma_wait3A = arith.constant 1536 : i32
      %dma_wait3A_43 = tpu.memref_slice %arg8[%dma_wait3A] : memref<6144xf32, #tpu.memory_space<vmem>> -> memref<1536xf32, #tpu.memory_space<vmem>>
      %dma_wait3A_44 = tpu.memref_slice %arg4[%add3A_14] : memref<393216xf32, #tpu.memory_space<hbm>> -> memref<1536xf32, #tpu.memory_space<hbm>>
      %dma_wait3A_45 = tpu.memref_slice %arg4[%add3A_14] : memref<393216xf32, #tpu.memory_space<hbm>> -> memref<1536xf32, #tpu.memory_space<hbm>>
      %dma_wait3A_46 = arith.constant 1536 : i32
      %dma_wait3A_47 = tpu.memref_slice %arg8[%dma_wait3A_46] : memref<6144xf32, #tpu.memory_space<vmem>> -> memref<1536xf32, #tpu.memory_space<vmem>>
      tpu.wait_dma2 semaphore(%run_scoped3A : memref<!tpu.dma_semaphore, #tpu.memory_space<semaphore_mem>>) src(%dma_wait3A_47 : memref<1536xf32, #tpu.memory_space<vmem>>) dst(%dma_wait3A_45 : memref<1536xf32, #tpu.memory_space<hbm>>)
      tpu.yield
    }) : () -> ()
    %add3A_15 = arith.constant 98304 : i32
    %add3A_16 = arith.addi %add3A_15, %mul3A_2 : i32
    "tpu.region"() ({
      %run_scoped3A = tpu.sem_alloc : memref<!tpu.dma_semaphore, #tpu.memory_space<semaphore_mem>>
      %dma_start3A = arith.constant 3072 : i32
      %dma_start3A_38 = tpu.memref_slice %arg8[%dma_start3A] : memref<6144xf32, #tpu.memory_space<vmem>> -> memref<1536xf32, #tpu.memory_space<vmem>>
      %dma_start3A_39 = tpu.memref_slice %arg4[%add3A_16] : memref<393216xf32, #tpu.memory_space<hbm>> -> memref<1536xf32, #tpu.memory_space<hbm>>
      %dma_start3A_40 = tpu.memref_slice %arg4[%add3A_16] : memref<393216xf32, #tpu.memory_space<hbm>> -> memref<1536xf32, #tpu.memory_space<hbm>>
      %dma_start3A_41 = arith.constant 3072 : i32
      %dma_start3A_42 = tpu.memref_slice %arg8[%dma_start3A_41] : memref<6144xf32, #tpu.memory_space<vmem>> -> memref<1536xf32, #tpu.memory_space<vmem>>
      tpu.enqueue_dma source(%dma_start3A_42 : memref<1536xf32, #tpu.memory_space<vmem>>) target(%dma_start3A_40 : memref<1536xf32, #tpu.memory_space<hbm>>) target_semaphore(%run_scoped3A : memref<!tpu.dma_semaphore, #tpu.memory_space<semaphore_mem>>)
      %dma_wait3A = arith.constant 3072 : i32
      %dma_wait3A_43 = tpu.memref_slice %arg8[%dma_wait3A] : memref<6144xf32, #tpu.memory_space<vmem>> -> memref<1536xf32, #tpu.memory_space<vmem>>
      %dma_wait3A_44 = tpu.memref_slice %arg4[%add3A_16] : memref<393216xf32, #tpu.memory_space<hbm>> -> memref<1536xf32, #tpu.memory_space<hbm>>
      %dma_wait3A_45 = tpu.memref_slice %arg4[%add3A_16] : memref<393216xf32, #tpu.memory_space<hbm>> -> memref<1536xf32, #tpu.memory_space<hbm>>
      %dma_wait3A_46 = arith.constant 3072 : i32
      %dma_wait3A_47 = tpu.memref_slice %arg8[%dma_wait3A_46] : memref<6144xf32, #tpu.memory_space<vmem>> -> memref<1536xf32, #tpu.memory_space<vmem>>
      tpu.wait_dma2 semaphore(%run_scoped3A : memref<!tpu.dma_semaphore, #tpu.memory_space<semaphore_mem>>) src(%dma_wait3A_47 : memref<1536xf32, #tpu.memory_space<vmem>>) dst(%dma_wait3A_45 : memref<1536xf32, #tpu.memory_space<hbm>>)
      tpu.yield
    }) : () -> ()
    %add3A_17 = arith.constant 147456 : i32
    %add3A_18 = arith.addi %add3A_17, %mul3A_2 : i32
    "tpu.region"() ({
      %run_scoped3A = tpu.sem_alloc : memref<!tpu.dma_semaphore, #tpu.memory_space<semaphore_mem>>
      %dma_start3A = arith.constant 4608 : i32
      %dma_start3A_38 = tpu.memref_slice %arg8[%dma_start3A] : memref<6144xf32, #tpu.memory_space<vmem>> -> memref<1536xf32, #tpu.memory_space<vmem>>
      %dma_start3A_39 = tpu.memref_slice %arg4[%add3A_18] : memref<393216xf32, #tpu.memory_space<hbm>> -> memref<1536xf32, #tpu.memory_space<hbm>>
      %dma_start3A_40 = tpu.memref_slice %arg4[%add3A_18] : memref<393216xf32, #tpu.memory_space<hbm>> -> memref<1536xf32, #tpu.memory_space<hbm>>
      %dma_start3A_41 = arith.constant 4608 : i32
      %dma_start3A_42 = tpu.memref_slice %arg8[%dma_start3A_41] : memref<6144xf32, #tpu.memory_space<vmem>> -> memref<1536xf32, #tpu.memory_space<vmem>>
      tpu.enqueue_dma source(%dma_start3A_42 : memref<1536xf32, #tpu.memory_space<vmem>>) target(%dma_start3A_40 : memref<1536xf32, #tpu.memory_space<hbm>>) target_semaphore(%run_scoped3A : memref<!tpu.dma_semaphore, #tpu.memory_space<semaphore_mem>>)
      %dma_wait3A = arith.constant 4608 : i32
      %dma_wait3A_43 = tpu.memref_slice %arg8[%dma_wait3A] : memref<6144xf32, #tpu.memory_space<vmem>> -> memref<1536xf32, #tpu.memory_space<vmem>>
      %dma_wait3A_44 = tpu.memref_slice %arg4[%add3A_18] : memref<393216xf32, #tpu.memory_space<hbm>> -> memref<1536xf32, #tpu.memory_space<hbm>>
      %dma_wait3A_45 = tpu.memref_slice %arg4[%add3A_18] : memref<393216xf32, #tpu.memory_space<hbm>> -> memref<1536xf32, #tpu.memory_space<hbm>>
      %dma_wait3A_46 = arith.constant 4608 : i32
      %dma_wait3A_47 = tpu.memref_slice %arg8[%dma_wait3A_46] : memref<6144xf32, #tpu.memory_space<vmem>> -> memref<1536xf32, #tpu.memory_space<vmem>>
      tpu.wait_dma2 semaphore(%run_scoped3A : memref<!tpu.dma_semaphore, #tpu.memory_space<semaphore_mem>>) src(%dma_wait3A_47 : memref<1536xf32, #tpu.memory_space<vmem>>) dst(%dma_wait3A_45 : memref<1536xf32, #tpu.memory_space<hbm>>)
      tpu.yield
    }) : () -> ()
    %add3A_19 = arith.constant 0 : i32
    %add3A_20 = arith.addi %add3A_19, %mul3A_2 : i32
    "tpu.region"() ({
      %run_scoped3A = tpu.sem_alloc : memref<!tpu.dma_semaphore, #tpu.memory_space<semaphore_mem>>
      %dma_start3A = tpu.memref_slice %arg5[%add3A_20] : memref<98304xf32, #tpu.memory_space<hbm>> -> memref<1536xf32, #tpu.memory_space<hbm>>
      %dma_start3A_38 = tpu.memref_slice %arg5[%add3A_20] : memref<98304xf32, #tpu.memory_space<hbm>> -> memref<1536xf32, #tpu.memory_space<hbm>>
      tpu.enqueue_dma source(%arg9 : memref<1536xf32, #tpu.memory_space<vmem>>) target(%dma_start3A_38 : memref<1536xf32, #tpu.memory_space<hbm>>) target_semaphore(%run_scoped3A : memref<!tpu.dma_semaphore, #tpu.memory_space<semaphore_mem>>)
      %dma_wait3A = tpu.memref_slice %arg5[%add3A_20] : memref<98304xf32, #tpu.memory_space<hbm>> -> memref<1536xf32, #tpu.memory_space<hbm>>
      %dma_wait3A_39 = tpu.memref_slice %arg5[%add3A_20] : memref<98304xf32, #tpu.memory_space<hbm>> -> memref<1536xf32, #tpu.memory_space<hbm>>
      tpu.wait_dma2 semaphore(%run_scoped3A : memref<!tpu.dma_semaphore, #tpu.memory_space<semaphore_mem>>) src(%arg9 : memref<1536xf32, #tpu.memory_space<vmem>>) dst(%dma_wait3A_39 : memref<1536xf32, #tpu.memory_space<hbm>>)
      tpu.yield
    }) : () -> ()
    "tpu.region"() ({
      %run_scoped3A = tpu.sem_alloc : memref<!tpu.dma_semaphore, #tpu.memory_space<semaphore_mem>>
      %dma_start3A = arith.constant 16000 : i32
      %dma_start3A_38 = tpu.memref_slice %arg3[%dma_start3A] : memref<128000xf32, #tpu.memory_space<hbm>> -> memref<16000xf32, #tpu.memory_space<hbm>>
      %dma_start3A_39 = arith.constant 16000 : i32
      %dma_start3A_40 = tpu.memref_slice %arg3[%dma_start3A_39] : memref<128000xf32, #tpu.memory_space<hbm>> -> memref<16000xf32, #tpu.memory_space<hbm>>
      tpu.enqueue_dma source(%dma_start3A_40 : memref<16000xf32, #tpu.memory_space<hbm>>) target(%arg7 : memref<16000xf32, #tpu.memory_space<vmem>>) target_semaphore(%run_scoped3A : memref<!tpu.dma_semaphore, #tpu.memory_space<semaphore_mem>>)
      %dma_wait3A = arith.constant 16000 : i32
      %dma_wait3A_41 = tpu.memref_slice %arg3[%dma_wait3A] : memref<128000xf32, #tpu.memory_space<hbm>> -> memref<16000xf32, #tpu.memory_space<hbm>>
      %dma_wait3A_42 = arith.constant 16000 : i32
      %dma_wait3A_43 = tpu.memref_slice %arg3[%dma_wait3A_42] : memref<128000xf32, #tpu.memory_space<hbm>> -> memref<16000xf32, #tpu.memory_space<hbm>>
      tpu.wait_dma2 semaphore(%run_scoped3A : memref<!tpu.dma_semaphore, #tpu.memory_space<semaphore_mem>>) src(%dma_wait3A_43 : memref<16000xf32, #tpu.memory_space<hbm>>) dst(%arg7 : memref<16000xf32, #tpu.memory_space<vmem>>)
      tpu.yield
    }) : () -> ()
    %scan3A_21 = arith.constant 0 : i32
    %scan3A_22 = arith.constant 0 : i32
    %scan3A_23 = arith.constant 24 : i32
    %scan3A_24 = arith.addi %scan3A_22, %scan3A_23 : i32
    %scan3A_25 = arith.constant 1 : i32
    %scan3A_26 = scf.for %scan3A_38 = %scan3A_22 to %scan3A_24 step %scan3A_25 iter_args(%scan3A_39 = %scan3A_21) -> (i32)  : i32 {
      %mul3A_40 = arith.constant 64 : i32
      %mul3A_41 = arith.muli %scan3A_38, %mul3A_40 : i32
      %add3A_42 = arith.constant 0 : i32
      %add3A_43 = arith.addi %mul3A_41, %add3A_42 : i32
      %add3A_44 = arith.constant 16 : i32
      %add3A_45 = arith.addi %mul3A_41, %add3A_44 : i32
      %add3A_46 = arith.constant 32 : i32
      %add3A_47 = arith.addi %mul3A_41, %add3A_46 : i32
      %add3A_48 = arith.constant 48 : i32
      %add3A_49 = arith.addi %mul3A_41, %add3A_48 : i32
      %add3A_50 = arith.constant 0 : i32
      %add3A_51 = arith.addi %add3A_50, %add3A_43 : i32
      %get3A = arith.index_cast %add3A_51 : i32 to index
      %get3A_52 = tpu.vector_load %arg6[%get3A] {strides = array<i32>} : memref<17280xf32, #tpu.memory_space<vmem>>, vector<16xf32>,
      %get3A_53 = vector.shape_cast %get3A_52 : vector<16xf32> to vector<16xf32>
      %add3A_54 = arith.constant 0 : i32
      %add3A_55 = arith.addi %add3A_54, %add3A_45 : i32
      %get3A_56 = arith.index_cast %add3A_55 : i32 to index
      %get3A_57 = tpu.vector_load %arg6[%get3A_56] {strides = array<i32>} : memref<17280xf32, #tpu.memory_space<vmem>>, vector<16xf32>,
      %get3A_58 = vector.shape_cast %get3A_57 : vector<16xf32> to vector<16xf32>
      %add3A_59 = arith.constant 0 : i32
      %add3A_60 = arith.addi %add3A_59, %add3A_47 : i32
      %get3A_61 = arith.index_cast %add3A_60 : i32 to index
      %get3A_62 = tpu.vector_load %arg6[%get3A_61] {strides = array<i32>} : memref<17280xf32, #tpu.memory_space<vmem>>, vector<16xf32>,
      %get3A_63 = vector.shape_cast %get3A_62 : vector<16xf32> to vector<16xf32>
      %add3A_64 = arith.constant 0 : i32
      %add3A_65 = arith.addi %add3A_64, %add3A_49 : i32
      %get3A_66 = arith.index_cast %add3A_65 : i32 to index
      %get3A_67 = tpu.vector_load %arg6[%get3A_66] {strides = array<i32>} : memref<17280xf32, #tpu.memory_space<vmem>>, vector<16xf32>,
      %get3A_68 = vector.shape_cast %get3A_67 : vector<16xf32> to vector<16xf32>
      %add3A_69 = arith.constant 1536 : i32
      %add3A_70 = arith.addi %add3A_69, %add3A_43 : i32
      %get3A_71 = arith.index_cast %add3A_70 : i32 to index
      %get3A_72 = tpu.vector_load %arg6[%get3A_71] {strides = array<i32>} : memref<17280xf32, #tpu.memory_space<vmem>>, vector<16xf32>,
      %get3A_73 = vector.shape_cast %get3A_72 : vector<16xf32> to vector<16xf32>
      %add3A_74 = arith.constant 1536 : i32
      %add3A_75 = arith.addi %add3A_74, %add3A_45 : i32
      %get3A_76 = arith.index_cast %add3A_75 : i32 to index
      %get3A_77 = tpu.vector_load %arg6[%get3A_76] {strides = array<i32>} : memref<17280xf32, #tpu.memory_space<vmem>>, vector<16xf32>,
      %get3A_78 = vector.shape_cast %get3A_77 : vector<16xf32> to vector<16xf32>
      %add3A_79 = arith.constant 1536 : i32
      %add3A_80 = arith.addi %add3A_79, %add3A_47 : i32
      %get3A_81 = arith.index_cast %add3A_80 : i32 to index
      %get3A_82 = tpu.vector_load %arg6[%get3A_81] {strides = array<i32>} : memref<17280xf32, #tpu.memory_space<vmem>>, vector<16xf32>,
      %get3A_83 = vector.shape_cast %get3A_82 : vector<16xf32> to vector<16xf32>
      %add3A_84 = arith.constant 1536 : i32
      %add3A_85 = arith.addi %add3A_84, %add3A_49 : i32
      %get3A_86 = arith.index_cast %add3A_85 : i32 to index
      %get3A_87 = tpu.vector_load %arg6[%get3A_86] {strides = array<i32>} : memref<17280xf32, #tpu.memory_space<vmem>>, vector<16xf32>,
      %get3A_88 = vector.shape_cast %get3A_87 : vector<16xf32> to vector<16xf32>
      %add3A_89 = arith.constant 3072 : i32
      %add3A_90 = arith.addi %add3A_89, %add3A_43 : i32
      %get3A_91 = arith.index_cast %add3A_90 : i32 to index
      %get3A_92 = tpu.vector_load %arg6[%get3A_91] {strides = array<i32>} : memref<17280xf32, #tpu.memory_space<vmem>>, vector<16xf32>,
      %get3A_93 = vector.shape_cast %get3A_92 : vector<16xf32> to vector<16xf32>
      %add3A_94 = arith.constant 3072 : i32
      %add3A_95 = arith.addi %add3A_94, %add3A_45 : i32
      %get3A_96 = arith.index_cast %add3A_95 : i32 to index
      %get3A_97 = tpu.vector_load %arg6[%get3A_96] {strides = array<i32>} : memref<17280xf32, #tpu.memory_space<vmem>>, vector<16xf32>,
      %get3A_98 = vector.shape_cast %get3A_97 : vector<16xf32> to vector<16xf32>
      %add3A_99 = arith.constant 3072 : i32
      %add3A_100 = arith.addi %add3A_99, %add3A_47 : i32
      %get3A_101 = arith.index_cast %add3A_100 : i32 to index
      %get3A_102 = tpu.vector_load %arg6[%get3A_101] {strides = array<i32>} : memref<17280xf32, #tpu.memory_space<vmem>>, vector<16xf32>,
      %get3A_103 = vector.shape_cast %get3A_102 : vector<16xf32> to vector<16xf32>
      %add3A_104 = arith.constant 3072 : i32
      %add3A_105 = arith.addi %add3A_104, %add3A_49 : i32
      %get3A_106 = arith.index_cast %add3A_105 : i32 to index
      %get3A_107 = tpu.vector_load %arg6[%get3A_106] {strides = array<i32>} : memref<17280xf32, #tpu.memory_space<vmem>>, vector<16xf32>,
      %get3A_108 = vector.shape_cast %get3A_107 : vector<16xf32> to vector<16xf32>
      %add3A_109 = arith.constant 4608 : i32
      %add3A_110 = arith.addi %add3A_109, %add3A_43 : i32
      %get3A_111 = arith.index_cast %add3A_110 : i32 to index
      %get3A_112 = tpu.vector_load %arg6[%get3A_111] {strides = array<i32>} : memref<17280xf32, #tpu.memory_space<vmem>>, vector<16xf32>,
      %get3A_113 = vector.shape_cast %get3A_112 : vector<16xf32> to vector<16xf32>
      %add3A_114 = arith.constant 4608 : i32
      %add3A_115 = arith.addi %add3A_114, %add3A_45 : i32
      %get3A_116 = arith.index_cast %add3A_115 : i32 to index
      %get3A_117 = tpu.vector_load %arg6[%get3A_116] {strides = array<i32>} : memref<17280xf32, #tpu.memory_space<vmem>>, vector<16xf32>,
      %get3A_118 = vector.shape_cast %get3A_117 : vector<16xf32> to vector<16xf32>
      %add3A_119 = arith.constant 4608 : i32
      %add3A_120 = arith.addi %add3A_119, %add3A_47 : i32
      %get3A_121 = arith.index_cast %add3A_120 : i32 to index
      %get3A_122 = tpu.vector_load %arg6[%get3A_121] {strides = array<i32>} : memref<17280xf32, #tpu.memory_space<vmem>>, vector<16xf32>,
      %get3A_123 = vector.shape_cast %get3A_122 : vector<16xf32> to vector<16xf32>
      %add3A_124 = arith.constant 4608 : i32
      %add3A_125 = arith.addi %add3A_124, %add3A_49 : i32
      %get3A_126 = arith.index_cast %add3A_125 : i32 to index
      %get3A_127 = tpu.vector_load %arg6[%get3A_126] {strides = array<i32>} : memref<17280xf32, #tpu.memory_space<vmem>>, vector<16xf32>,
      %get3A_128 = vector.shape_cast %get3A_127 : vector<16xf32> to vector<16xf32>
      %add3A_129 = arith.constant 6144 : i32
      %add3A_130 = arith.addi %add3A_129, %add3A_43 : i32
      %get3A_131 = arith.index_cast %add3A_130 : i32 to index
      %get3A_132 = tpu.vector_load %arg6[%get3A_131] {strides = array<i32>} : memref<17280xf32, #tpu.memory_space<vmem>>, vector<16xf32>,
      %get3A_133 = vector.shape_cast %get3A_132 : vector<16xf32> to vector<16xf32>
      %add3A_134 = arith.constant 6144 : i32
      %add3A_135 = arith.addi %add3A_134, %add3A_45 : i32
      %get3A_136 = arith.index_cast %add3A_135 : i32 to index
      %get3A_137 = tpu.vector_load %arg6[%get3A_136] {strides = array<i32>} : memref<17280xf32, #tpu.memory_space<vmem>>, vector<16xf32>,
      %get3A_138 = vector.shape_cast %get3A_137 : vector<16xf32> to vector<16xf32>
      %add3A_139 = arith.constant 6144 : i32
      %add3A_140 = arith.addi %add3A_139, %add3A_47 : i32
      %get3A_141 = arith.index_cast %add3A_140 : i32 to index
      %get3A_142 = tpu.vector_load %arg6[%get3A_141] {strides = array<i32>} : memref<17280xf32, #tpu.memory_space<vmem>>, vector<16xf32>,
      %get3A_143 = vector.shape_cast %get3A_142 : vector<16xf32> to vector<16xf32>
      %add3A_144 = arith.constant 6144 : i32
      %add3A_145 = arith.addi %add3A_144, %add3A_49 : i32
      %get3A_146 = arith.index_cast %add3A_145 : i32 to index
      %get3A_147 = tpu.vector_load %arg6[%get3A_146] {strides = array<i32>} : memref<17280xf32, #tpu.memory_space<vmem>>, vector<16xf32>,
      %get3A_148 = vector.shape_cast %get3A_147 : vector<16xf32> to vector<16xf32>
      %broadcast_in_dim3A = arith.constant 0.000000e+00 : f32
      %broadcast_in_dim3A_149 = vector.broadcast %broadcast_in_dim3A : f32 to vector<16xf32>
      %broadcast_in_dim3A_150 = arith.constant 1.000000e+00 : f32
      %broadcast_in_dim3A_151 = vector.broadcast %broadcast_in_dim3A_150 : f32 to vector<16xf32>
      %get3A_152 = arith.constant 80 : index
      %get3A_153 = tpu.vector_load %arg7[%get3A_152] {strides = array<i32>} : memref<16000xf32, #tpu.memory_space<vmem>>, vector<16xf32>,
      %get3A_154 = vector.shape_cast %get3A_153 : vector<16xf32> to vector<16xf32>
      %get3A_155 = arith.constant 96 : index
      %get3A_156 = tpu.vector_load %arg7[%get3A_155] {strides = array<i32>} : memref<16000xf32, #tpu.memory_space<vmem>>, vector<16xf32>,
      %get3A_157 = vector.shape_cast %get3A_156 : vector<16xf32> to vector<16xf32>
      %get3A_158 = arith.constant 112 : index
      %get3A_159 = tpu.vector_load %arg7[%get3A_158] {strides = array<i32>} : memref<16000xf32, #tpu.memory_space<vmem>>, vector<16xf32>,
      %get3A_160 = vector.shape_cast %get3A_159 : vector<16xf32> to vector<16xf32>
      %get3A_161 = arith.constant 128 : index
      %get3A_162 = tpu.vector_load %arg7[%get3A_161] {strides = array<i32>} : memref<16000xf32, #tpu.memory_space<vmem>>, vector<16xf32>,
      %get3A_163 = vector.shape_cast %get3A_162 : vector<16xf32> to vector<16xf32>
      %get3A_164 = arith.constant 144 : index
      %get3A_165 = tpu.vector_load %arg7[%get3A_164] {strides = array<i32>} : memref<16000xf32, #tpu.memory_space<vmem>>, vector<16xf32>,
      %get3A_166 = vector.shape_cast %get3A_165 : vector<16xf32> to vector<16xf32>
      %scan3A_167 = arith.constant 0 : i32
      %scan3A_168 = arith.constant 50 : i32
      %scan3A_169 = arith.addi %scan3A_167, %scan3A_168 : i32
      %scan3A_170 = arith.constant 1 : i32
      %scan3A_171:28 = scf.for %scan3A_480 = %scan3A_167 to %scan3A_169 step %scan3A_170 iter_args(%scan3A_481 = %broadcast_in_dim3A_149, %scan3A_482 = %broadcast_in_dim3A_149, %scan3A_483 = %broadcast_in_dim3A_149, %scan3A_484 = %broadcast_in_dim3A_149, %scan3A_485 = %broadcast_in_dim3A_151, %scan3A_486 = %broadcast_in_dim3A_151, %scan3A_487 = %broadcast_in_dim3A_151, %scan3A_488 = %broadcast_in_dim3A_151, %scan3A_489 = %get3A_154, %scan3A_490 = %get3A_154, %scan3A_491 = %get3A_154, %scan3A_492 = %get3A_154, %scan3A_493 = %get3A_157, %scan3A_494 = %get3A_157, %scan3A_495 = %get3A_157, %scan3A_496 = %get3A_157, %scan3A_497 = %get3A_160, %scan3A_498 = %get3A_160, %scan3A_499 = %get3A_160, %scan3A_500 = %get3A_160, %scan3A_501 = %get3A_163, %scan3A_502 = %get3A_163, %scan3A_503 = %get3A_163, %scan3A_504 = %get3A_163, %scan3A_505 = %get3A_166, %scan3A_506 = %get3A_166, %scan3A_507 = %get3A_166, %scan3A_508 = %get3A_166) -> (vector<16xf32>, vector<16xf32>, vector<16xf32>, vector<16xf32>, vector<16xf32>, vector<16xf32>, vector<16xf32>, vector<16xf32>, vector<16xf32>, vector<16xf32>, vector<16xf32>, vector<16xf32>, vector<16xf32>, vector<16xf32>, vector<16xf32>, vector<16xf32>, vector<16xf32>, vector<16xf32>, vector<16xf32>, vector<16xf32>, vector<16xf32>, vector<16xf32>, vector<16xf32>, vector<16xf32>, vector<16xf32>, vector<16xf32>, vector<16xf32>, vector<16xf32>)  : i32 {
        %mul3A_509 = arith.constant 2 : i32
        %mul3A_510 = arith.muli %scan3A_480, %mul3A_509 : i32
        %mul3A_511 = arith.constant 160 : i32
        %mul3A_512 = arith.muli %mul3A_510, %mul3A_511 : i32
        %add3A_513 = arith.constant 0 : i32
        %add3A_514 = arith.addi %mul3A_512, %add3A_513 : i32
        %get3A_515 = arith.index_cast %add3A_514 : i32 to index
        %get3A_516 = tpu.vector_load %arg7[%get3A_515] {strides = array<i32>} : memref<16000xf32, #tpu.memory_space<vmem>>, vector<16xf32>,
        %get3A_517 = vector.shape_cast %get3A_516 : vector<16xf32> to vector<16xf32>
        %add3A_518 = arith.constant 16 : i32
        %add3A_519 = arith.addi %mul3A_512, %add3A_518 : i32
        %get3A_520 = arith.index_cast %add3A_519 : i32 to index
        %get3A_521 = tpu.vector_load %arg7[%get3A_520] {strides = array<i32>} : memref<16000xf32, #tpu.memory_space<vmem>>, vector<16xf32>,
        %get3A_522 = vector.shape_cast %get3A_521 : vector<16xf32> to vector<16xf32>
        %add3A_523 = arith.constant 32 : i32
        %add3A_524 = arith.addi %mul3A_512, %add3A_523 : i32
        %get3A_525 = arith.index_cast %add3A_524 : i32 to index
        %get3A_526 = tpu.vector_load %arg7[%get3A_525] {strides = array<i32>} : memref<16000xf32, #tpu.memory_space<vmem>>, vector<16xf32>,
        %get3A_527 = vector.shape_cast %get3A_526 : vector<16xf32> to vector<16xf32>
        %add3A_528 = arith.constant 48 : i32
        %add3A_529 = arith.addi %mul3A_512, %add3A_528 : i32
        %get3A_530 = arith.index_cast %add3A_529 : i32 to index
        %get3A_531 = tpu.vector_load %arg7[%get3A_530] {strides = array<i32>} : memref<16000xf32, #tpu.memory_space<vmem>>, vector<16xf32>,
        %get3A_532 = vector.shape_cast %get3A_531 : vector<16xf32> to vector<16xf32>
        %add3A_533 = arith.constant 64 : i32
        %add3A_534 = arith.addi %mul3A_512, %add3A_533 : i32
        %get3A_535 = arith.index_cast %add3A_534 : i32 to index
        %get3A_536 = tpu.vector_load %arg7[%get3A_535] {strides = array<i32>} : memref<16000xf32, #tpu.memory_space<vmem>>, vector<16xf32>,
        %get3A_537 = vector.shape_cast %get3A_536 : vector<16xf32> to vector<16xf32>
        %add3A_538 = arith.constant 80 : i32
        %add3A_539 = arith.addi %mul3A_512, %add3A_538 : i32
        %get3A_540 = arith.index_cast %add3A_539 : i32 to index
        %get3A_541 = tpu.vector_load %arg7[%get3A_540] {strides = array<i32>} : memref<16000xf32, #tpu.memory_space<vmem>>, vector<16xf32>,
        %get3A_542 = vector.shape_cast %get3A_541 : vector<16xf32> to vector<16xf32>
        %add3A_543 = arith.constant 96 : i32
        %add3A_544 = arith.addi %mul3A_512, %add3A_543 : i32
        %get3A_545 = arith.index_cast %add3A_544 : i32 to index
        %get3A_546 = tpu.vector_load %arg7[%get3A_545] {strides = array<i32>} : memref<16000xf32, #tpu.memory_space<vmem>>, vector<16xf32>,
        %get3A_547 = vector.shape_cast %get3A_546 : vector<16xf32> to vector<16xf32>
        %add3A_548 = arith.constant 112 : i32
        %add3A_549 = arith.addi %mul3A_512, %add3A_548 : i32
        %get3A_550 = arith.index_cast %add3A_549 : i32 to index
        %get3A_551 = tpu.vector_load %arg7[%get3A_550] {strides = array<i32>} : memref<16000xf32, #tpu.memory_space<vmem>>, vector<16xf32>,
        %get3A_552 = vector.shape_cast %get3A_551 : vector<16xf32> to vector<16xf32>
        %add3A_553 = arith.constant 128 : i32
        %add3A_554 = arith.addi %mul3A_512, %add3A_553 : i32
        %get3A_555 = arith.index_cast %add3A_554 : i32 to index
        %get3A_556 = tpu.vector_load %arg7[%get3A_555] {strides = array<i32>} : memref<16000xf32, #tpu.memory_space<vmem>>, vector<16xf32>,
        %get3A_557 = vector.shape_cast %get3A_556 : vector<16xf32> to vector<16xf32>
        %add3A_558 = arith.constant 144 : i32
        %add3A_559 = arith.addi %mul3A_512, %add3A_558 : i32
        %get3A_560 = arith.index_cast %add3A_559 : i32 to index
        %get3A_561 = tpu.vector_load %arg7[%get3A_560] {strides = array<i32>} : memref<16000xf32, #tpu.memory_space<vmem>>, vector<16xf32>,
        %get3A_562 = vector.shape_cast %get3A_561 : vector<16xf32> to vector<16xf32>
        %max3A = arith.maximumf %get3A_53, %get3A_517 : vector<16xf32>
        %max3A_563 = arith.maximumf %get3A_73, %get3A_522 : vector<16xf32>
        %min3A = arith.minimumf %get3A_93, %get3A_527 : vector<16xf32>
        %min3A_564 = arith.minimumf %get3A_113, %get3A_532 : vector<16xf32>
        %sub3A_565 = arith.subf %min3A, %max3A : vector<16xf32>
        %max3A_566 = arith.constant 0.000000e+00 : f32
        %max3A_567 = vector.broadcast %max3A_566 : f32 to vector<16xf32>
        %max3A_568 = arith.maximumf %sub3A_565, %max3A_567 : vector<16xf32>
        %sub3A_569 = arith.subf %min3A_564, %max3A_563 : vector<16xf32>
        %max3A_570 = arith.constant 0.000000e+00 : f32
        %max3A_571 = vector.broadcast %max3A_570 : f32 to vector<16xf32>
        %max3A_572 = arith.maximumf %sub3A_569, %max3A_571 : vector<16xf32>
        %mul3A_573 = arith.mulf %max3A_568, %max3A_572 : vector<16xf32>
        %add3A_574 = arith.addf %get3A_133, %get3A_537 : vector<16xf32>
        %sub3A_575 = arith.subf %add3A_574, %mul3A_573 : vector<16xf32>
        %mul3A_576 = arith.mulf %mul3A_573, %scan3A_485 : vector<16xf32>
        %mul3A_577 = arith.mulf %scan3A_481, %sub3A_575 : vector<16xf32>
        %gt3A = arith.cmpf ogt, %mul3A_576, %mul3A_577 : vector<16xf32>
        %select_n3A_578 = arith.select %gt3A, %mul3A_573, %scan3A_481 : vector<16xi1>, vector<16xf32>
        %select_n3A_579 = arith.select %gt3A, %sub3A_575, %scan3A_485 : vector<16xi1>, vector<16xf32>
        %select_n3A_580 = arith.select %gt3A, %get3A_542, %scan3A_489 : vector<16xi1>, vector<16xf32>
        %select_n3A_581 = arith.select %gt3A, %get3A_547, %scan3A_493 : vector<16xi1>, vector<16xf32>
        %select_n3A_582 = arith.select %gt3A, %get3A_552, %scan3A_497 : vector<16xi1>, vector<16xf32>
        %select_n3A_583 = arith.select %gt3A, %get3A_557, %scan3A_501 : vector<16xi1>, vector<16xf32>
        %select_n3A_584 = arith.select %gt3A, %get3A_562, %scan3A_505 : vector<16xi1>, vector<16xf32>
        %max3A_585 = arith.maximumf %get3A_58, %get3A_517 : vector<16xf32>
        %max3A_586 = arith.maximumf %get3A_78, %get3A_522 : vector<16xf32>
        %min3A_587 = arith.minimumf %get3A_98, %get3A_527 : vector<16xf32>
        %min3A_588 = arith.minimumf %get3A_118, %get3A_532 : vector<16xf32>
        %sub3A_589 = arith.subf %min3A_587, %max3A_585 : vector<16xf32>
        %max3A_590 = arith.constant 0.000000e+00 : f32
        %max3A_591 = vector.broadcast %max3A_590 : f32 to vector<16xf32>
        %max3A_592 = arith.maximumf %sub3A_589, %max3A_591 : vector<16xf32>
        %sub3A_593 = arith.subf %min3A_588, %max3A_586 : vector<16xf32>
        %max3A_594 = arith.constant 0.000000e+00 : f32
        %max3A_595 = vector.broadcast %max3A_594 : f32 to vector<16xf32>
        %max3A_596 = arith.maximumf %sub3A_593, %max3A_595 : vector<16xf32>
        %mul3A_597 = arith.mulf %max3A_592, %max3A_596 : vector<16xf32>
        %add3A_598 = arith.addf %get3A_138, %get3A_537 : vector<16xf32>
        %sub3A_599 = arith.subf %add3A_598, %mul3A_597 : vector<16xf32>
        %mul3A_600 = arith.mulf %mul3A_597, %scan3A_486 : vector<16xf32>
        %mul3A_601 = arith.mulf %scan3A_482, %sub3A_599 : vector<16xf32>
        %gt3A_602 = arith.cmpf ogt, %mul3A_600, %mul3A_601 : vector<16xf32>
        %select_n3A_603 = arith.select %gt3A_602, %mul3A_597, %scan3A_482 : vector<16xi1>, vector<16xf32>
        %select_n3A_604 = arith.select %gt3A_602, %sub3A_599, %scan3A_486 : vector<16xi1>, vector<16xf32>
        %select_n3A_605 = arith.select %gt3A_602, %get3A_542, %scan3A_490 : vector<16xi1>, vector<16xf32>
        %select_n3A_606 = arith.select %gt3A_602, %get3A_547, %scan3A_494 : vector<16xi1>, vector<16xf32>
        %select_n3A_607 = arith.select %gt3A_602, %get3A_552, %scan3A_498 : vector<16xi1>, vector<16xf32>
        %select_n3A_608 = arith.select %gt3A_602, %get3A_557, %scan3A_502 : vector<16xi1>, vector<16xf32>
        %select_n3A_609 = arith.select %gt3A_602, %get3A_562, %scan3A_506 : vector<16xi1>, vector<16xf32>
        %max3A_610 = arith.maximumf %get3A_63, %get3A_517 : vector<16xf32>
        %max3A_611 = arith.maximumf %get3A_83, %get3A_522 : vector<16xf32>
        %min3A_612 = arith.minimumf %get3A_103, %get3A_527 : vector<16xf32>
        %min3A_613 = arith.minimumf %get3A_123, %get3A_532 : vector<16xf32>
        %sub3A_614 = arith.subf %min3A_612, %max3A_610 : vector<16xf32>
        %max3A_615 = arith.constant 0.000000e+00 : f32
        %max3A_616 = vector.broadcast %max3A_615 : f32 to vector<16xf32>
        %max3A_617 = arith.maximumf %sub3A_614, %max3A_616 : vector<16xf32>
        %sub3A_618 = arith.subf %min3A_613, %max3A_611 : vector<16xf32>
        %max3A_619 = arith.constant 0.000000e+00 : f32
        %max3A_620 = vector.broadcast %max3A_619 : f32 to vector<16xf32>
        %max3A_621 = arith.maximumf %sub3A_618, %max3A_620 : vector<16xf32>
        %mul3A_622 = arith.mulf %max3A_617, %max3A_621 : vector<16xf32>
        %add3A_623 = arith.addf %get3A_143, %get3A_537 : vector<16xf32>
        %sub3A_624 = arith.subf %add3A_623, %mul3A_622 : vector<16xf32>
        %mul3A_625 = arith.mulf %mul3A_622, %scan3A_487 : vector<16xf32>
        %mul3A_626 = arith.mulf %scan3A_483, %sub3A_624 : vector<16xf32>
        %gt3A_627 = arith.cmpf ogt, %mul3A_625, %mul3A_626 : vector<16xf32>
        %select_n3A_628 = arith.select %gt3A_627, %mul3A_622, %scan3A_483 : vector<16xi1>, vector<16xf32>
        %select_n3A_629 = arith.select %gt3A_627, %sub3A_624, %scan3A_487 : vector<16xi1>, vector<16xf32>
        %select_n3A_630 = arith.select %gt3A_627, %get3A_542, %scan3A_491 : vector<16xi1>, vector<16xf32>
        %select_n3A_631 = arith.select %gt3A_627, %get3A_547, %scan3A_495 : vector<16xi1>, vector<16xf32>
        %select_n3A_632 = arith.select %gt3A_627, %get3A_552, %scan3A_499 : vector<16xi1>, vector<16xf32>
        %select_n3A_633 = arith.select %gt3A_627, %get3A_557, %scan3A_503 : vector<16xi1>, vector<16xf32>
        %select_n3A_634 = arith.select %gt3A_627, %get3A_562, %scan3A_507 : vector<16xi1>, vector<16xf32>
        %max3A_635 = arith.maximumf %get3A_68, %get3A_517 : vector<16xf32>
        %max3A_636 = arith.maximumf %get3A_88, %get3A_522 : vector<16xf32>
        %min3A_637 = arith.minimumf %get3A_108, %get3A_527 : vector<16xf32>
        %min3A_638 = arith.minimumf %get3A_128, %get3A_532 : vector<16xf32>
        %sub3A_639 = arith.subf %min3A_637, %max3A_635 : vector<16xf32>
        %max3A_640 = arith.constant 0.000000e+00 : f32
        %max3A_641 = vector.broadcast %max3A_640 : f32 to vector<16xf32>
        %max3A_642 = arith.maximumf %sub3A_639, %max3A_641 : vector<16xf32>
        %sub3A_643 = arith.subf %min3A_638, %max3A_636 : vector<16xf32>
        %max3A_644 = arith.constant 0.000000e+00 : f32
        %max3A_645 = vector.broadcast %max3A_644 : f32 to vector<16xf32>
        %max3A_646 = arith.maximumf %sub3A_643, %max3A_645 : vector<16xf32>
        %mul3A_647 = arith.mulf %max3A_642, %max3A_646 : vector<16xf32>
        %add3A_648 = arith.addf %get3A_148, %get3A_537 : vector<16xf32>
        %sub3A_649 = arith.subf %add3A_648, %mul3A_647 : vector<16xf32>
        %mul3A_650 = arith.mulf %mul3A_647, %scan3A_488 : vector<16xf32>
        %mul3A_651 = arith.mulf %scan3A_484, %sub3A_649 : vector<16xf32>
        %gt3A_652 = arith.cmpf ogt, %mul3A_650, %mul3A_651 : vector<16xf32>
        %select_n3A_653 = arith.select %gt3A_652, %mul3A_647, %scan3A_484 : vector<16xi1>, vector<16xf32>
        %select_n3A_654 = arith.select %gt3A_652, %sub3A_649, %scan3A_488 : vector<16xi1>, vector<16xf32>
        %select_n3A_655 = arith.select %gt3A_652, %get3A_542, %scan3A_492 : vector<16xi1>, vector<16xf32>
        %select_n3A_656 = arith.select %gt3A_652, %get3A_547, %scan3A_496 : vector<16xi1>, vector<16xf32>
        %select_n3A_657 = arith.select %gt3A_652, %get3A_552, %scan3A_500 : vector<16xi1>, vector<16xf32>
        %select_n3A_658 = arith.select %gt3A_652, %get3A_557, %scan3A_504 : vector<16xi1>, vector<16xf32>
        %select_n3A_659 = arith.select %gt3A_652, %get3A_562, %scan3A_508 : vector<16xi1>, vector<16xf32>
        %mul3A_660 = arith.constant 2 : i32
        %mul3A_661 = arith.muli %scan3A_480, %mul3A_660 : i32
        %add3A_662 = arith.constant 1 : i32
        %add3A_663 = arith.addi %mul3A_661, %add3A_662 : i32
        %mul3A_664 = arith.constant 160 : i32
        %mul3A_665 = arith.muli %add3A_663, %mul3A_664 : i32
        %add3A_666 = arith.constant 0 : i32
        %add3A_667 = arith.addi %mul3A_665, %add3A_666 : i32
        %get3A_668 = arith.index_cast %add3A_667 : i32 to index
        %get3A_669 = tpu.vector_load %arg7[%get3A_668] {strides = array<i32>} : memref<16000xf32, #tpu.memory_space<vmem>>, vector<16xf32>,
        %get3A_670 = vector.shape_cast %get3A_669 : vector<16xf32> to vector<16xf32>
        %add3A_671 = arith.constant 16 : i32
        %add3A_672 = arith.addi %mul3A_665, %add3A_671 : i32
        %get3A_673 = arith.index_cast %add3A_672 : i32 to index
        %get3A_674 = tpu.vector_load %arg7[%get3A_673] {strides = array<i32>} : memref<16000xf32, #tpu.memory_space<vmem>>, vector<16xf32>,
        %get3A_675 = vector.shape_cast %get3A_674 : vector<16xf32> to vector<16xf32>
        %add3A_676 = arith.constant 32 : i32
        %add3A_677 = arith.addi %mul3A_665, %add3A_676 : i32
        %get3A_678 = arith.index_cast %add3A_677 : i32 to index
        %get3A_679 = tpu.vector_load %arg7[%get3A_678] {strides = array<i32>} : memref<16000xf32, #tpu.memory_space<vmem>>, vector<16xf32>,
        %get3A_680 = vector.shape_cast %get3A_679 : vector<16xf32> to vector<16xf32>
        %add3A_681 = arith.constant 48 : i32
        %add3A_682 = arith.addi %mul3A_665, %add3A_681 : i32
        %get3A_683 = arith.index_cast %add3A_682 : i32 to index
        %get3A_684 = tpu.vector_load %arg7[%get3A_683] {strides = array<i32>} : memref<16000xf32, #tpu.memory_space<vmem>>, vector<16xf32>,
        %get3A_685 = vector.shape_cast %get3A_684 : vector<16xf32> to vector<16xf32>
        %add3A_686 = arith.constant 64 : i32
        %add3A_687 = arith.addi %mul3A_665, %add3A_686 : i32
        %get3A_688 = arith.index_cast %add3A_687 : i32 to index
        %get3A_689 = tpu.vector_load %arg7[%get3A_688] {strides = array<i32>} : memref<16000xf32, #tpu.memory_space<vmem>>, vector<16xf32>,
        %get3A_690 = vector.shape_cast %get3A_689 : vector<16xf32> to vector<16xf32>
        %add3A_691 = arith.constant 80 : i32
        %add3A_692 = arith.addi %mul3A_665, %add3A_691 : i32
        %get3A_693 = arith.index_cast %add3A_692 : i32 to index
        %get3A_694 = tpu.vector_load %arg7[%get3A_693] {strides = array<i32>} : memref<16000xf32, #tpu.memory_space<vmem>>, vector<16xf32>,
        %get3A_695 = vector.shape_cast %get3A_694 : vector<16xf32> to vector<16xf32>
        %add3A_696 = arith.constant 96 : i32
        %add3A_697 = arith.addi %mul3A_665, %add3A_696 : i32
        %get3A_698 = arith.index_cast %add3A_697 : i32 to index
        %get3A_699 = tpu.vector_load %arg7[%get3A_698] {strides = array<i32>} : memref<16000xf32, #tpu.memory_space<vmem>>, vector<16xf32>,
        %get3A_700 = vector.shape_cast %get3A_699 : vector<16xf32> to vector<16xf32>
        %add3A_701 = arith.constant 112 : i32
        %add3A_702 = arith.addi %mul3A_665, %add3A_701 : i32
        %get3A_703 = arith.index_cast %add3A_702 : i32 to index
        %get3A_704 = tpu.vector_load %arg7[%get3A_703] {strides = array<i32>} : memref<16000xf32, #tpu.memory_space<vmem>>, vector<16xf32>,
        %get3A_705 = vector.shape_cast %get3A_704 : vector<16xf32> to vector<16xf32>
        %add3A_706 = arith.constant 128 : i32
        %add3A_707 = arith.addi %mul3A_665, %add3A_706 : i32
        %get3A_708 = arith.index_cast %add3A_707 : i32 to index
        %get3A_709 = tpu.vector_load %arg7[%get3A_708] {strides = array<i32>} : memref<16000xf32, #tpu.memory_space<vmem>>, vector<16xf32>,
        %get3A_710 = vector.shape_cast %get3A_709 : vector<16xf32> to vector<16xf32>
        %add3A_711 = arith.constant 144 : i32
        %add3A_712 = arith.addi %mul3A_665, %add3A_711 : i32
        %get3A_713 = arith.index_cast %add3A_712 : i32 to index
        %get3A_714 = tpu.vector_load %arg7[%get3A_713] {strides = array<i32>} : memref<16000xf32, #tpu.memory_space<vmem>>, vector<16xf32>,
        %get3A_715 = vector.shape_cast %get3A_714 : vector<16xf32> to vector<16xf32>
        %max3A_716 = arith.maximumf %get3A_53, %get3A_670 : vector<16xf32>
        %max3A_717 = arith.maximumf %get3A_73, %get3A_675 : vector<16xf32>
        %min3A_718 = arith.minimumf %get3A_93, %get3A_680 : vector<16xf32>
        %min3A_719 = arith.minimumf %get3A_113, %get3A_685 : vector<16xf32>
        %sub3A_720 = arith.subf %min3A_718, %max3A_716 : vector<16xf32>
        %max3A_721 = arith.constant 0.000000e+00 : f32
        %max3A_722 = vector.broadcast %max3A_721 : f32 to vector<16xf32>
        %max3A_723 = arith.maximumf %sub3A_720, %max3A_722 : vector<16xf32>
        %sub3A_724 = arith.subf %min3A_719, %max3A_717 : vector<16xf32>
        %max3A_725 = arith.constant 0.000000e+00 : f32
        %max3A_726 = vector.broadcast %max3A_725 : f32 to vector<16xf32>
        %max3A_727 = arith.maximumf %sub3A_724, %max3A_726 : vector<16xf32>
        %mul3A_728 = arith.mulf %max3A_723, %max3A_727 : vector<16xf32>
        %add3A_729 = arith.addf %get3A_133, %get3A_690 : vector<16xf32>
        %sub3A_730 = arith.subf %add3A_729, %mul3A_728 : vector<16xf32>
        %mul3A_731 = arith.mulf %mul3A_728, %select_n3A_579 : vector<16xf32>
        %mul3A_732 = arith.mulf %select_n3A_578, %sub3A_730 : vector<16xf32>
        %gt3A_733 = arith.cmpf ogt, %mul3A_731, %mul3A_732 : vector<16xf32>
        %select_n3A_734 = arith.select %gt3A_733, %mul3A_728, %select_n3A_578 : vector<16xi1>, vector<16xf32>
        %select_n3A_735 = arith.select %gt3A_733, %sub3A_730, %select_n3A_579 : vector<16xi1>, vector<16xf32>
        %select_n3A_736 = arith.select %gt3A_733, %get3A_695, %select_n3A_580 : vector<16xi1>, vector<16xf32>
        %select_n3A_737 = arith.select %gt3A_733, %get3A_700, %select_n3A_581 : vector<16xi1>, vector<16xf32>
        %select_n3A_738 = arith.select %gt3A_733, %get3A_705, %select_n3A_582 : vector<16xi1>, vector<16xf32>
        %select_n3A_739 = arith.select %gt3A_733, %get3A_710, %select_n3A_583 : vector<16xi1>, vector<16xf32>
        %select_n3A_740 = arith.select %gt3A_733, %get3A_715, %select_n3A_584 : vector<16xi1>, vector<16xf32>
        %max3A_741 = arith.maximumf %get3A_58, %get3A_670 : vector<16xf32>
        %max3A_742 = arith.maximumf %get3A_78, %get3A_675 : vector<16xf32>
        %min3A_743 = arith.minimumf %get3A_98, %get3A_680 : vector<16xf32>
        %min3A_744 = arith.minimumf %get3A_118, %get3A_685 : vector<16xf32>
        %sub3A_745 = arith.subf %min3A_743, %max3A_741 : vector<16xf32>
        %max3A_746 = arith.constant 0.000000e+00 : f32
        %max3A_747 = vector.broadcast %max3A_746 : f32 to vector<16xf32>
        %max3A_748 = arith.maximumf %sub3A_745, %max3A_747 : vector<16xf32>
        %sub3A_749 = arith.subf %min3A_744, %max3A_742 : vector<16xf32>
        %max3A_750 = arith.constant 0.000000e+00 : f32
        %max3A_751 = vector.broadcast %max3A_750 : f32 to vector<16xf32>
        %max3A_752 = arith.maximumf %sub3A_749, %max3A_751 : vector<16xf32>
        %mul3A_753 = arith.mulf %max3A_748, %max3A_752 : vector<16xf32>
        %add3A_754 = arith.addf %get3A_138, %get3A_690 : vector<16xf32>
        %sub3A_755 = arith.subf %add3A_754, %mul3A_753 : vector<16xf32>
        %mul3A_756 = arith.mulf %mul3A_753, %select_n3A_604 : vector<16xf32>
        %mul3A_757 = arith.mulf %select_n3A_603, %sub3A_755 : vector<16xf32>
        %gt3A_758 = arith.cmpf ogt, %mul3A_756, %mul3A_757 : vector<16xf32>
        %select_n3A_759 = arith.select %gt3A_758, %mul3A_753, %select_n3A_603 : vector<16xi1>, vector<16xf32>
        %select_n3A_760 = arith.select %gt3A_758, %sub3A_755, %select_n3A_604 : vector<16xi1>, vector<16xf32>
        %select_n3A_761 = arith.select %gt3A_758, %get3A_695, %select_n3A_605 : vector<16xi1>, vector<16xf32>
        %select_n3A_762 = arith.select %gt3A_758, %get3A_700, %select_n3A_606 : vector<16xi1>, vector<16xf32>
        %select_n3A_763 = arith.select %gt3A_758, %get3A_705, %select_n3A_607 : vector<16xi1>, vector<16xf32>
        %select_n3A_764 = arith.select %gt3A_758, %get3A_710, %select_n3A_608 : vector<16xi1>, vector<16xf32>
        %select_n3A_765 = arith.select %gt3A_758, %get3A_715, %select_n3A_609 : vector<16xi1>, vector<16xf32>
        %max3A_766 = arith.maximumf %get3A_63, %get3A_670 : vector<16xf32>
        %max3A_767 = arith.maximumf %get3A_83, %get3A_675 : vector<16xf32>
        %min3A_768 = arith.minimumf %get3A_103, %get3A_680 : vector<16xf32>
        %min3A_769 = arith.minimumf %get3A_123, %get3A_685 : vector<16xf32>
        %sub3A_770 = arith.subf %min3A_768, %max3A_766 : vector<16xf32>
        %max3A_771 = arith.constant 0.000000e+00 : f32
        %max3A_772 = vector.broadcast %max3A_771 : f32 to vector<16xf32>
        %max3A_773 = arith.maximumf %sub3A_770, %max3A_772 : vector<16xf32>
        %sub3A_774 = arith.subf %min3A_769, %max3A_767 : vector<16xf32>
        %max3A_775 = arith.constant 0.000000e+00 : f32
        %max3A_776 = vector.broadcast %max3A_775 : f32 to vector<16xf32>
        %max3A_777 = arith.maximumf %sub3A_774, %max3A_776 : vector<16xf32>
        %mul3A_778 = arith.mulf %max3A_773, %max3A_777 : vector<16xf32>
        %add3A_779 = arith.addf %get3A_143, %get3A_690 : vector<16xf32>
        %sub3A_780 = arith.subf %add3A_779, %mul3A_778 : vector<16xf32>
        %mul3A_781 = arith.mulf %mul3A_778, %select_n3A_629 : vector<16xf32>
        %mul3A_782 = arith.mulf %select_n3A_628, %sub3A_780 : vector<16xf32>
        %gt3A_783 = arith.cmpf ogt, %mul3A_781, %mul3A_782 : vector<16xf32>
        %select_n3A_784 = arith.select %gt3A_783, %mul3A_778, %select_n3A_628 : vector<16xi1>, vector<16xf32>
        %select_n3A_785 = arith.select %gt3A_783, %sub3A_780, %select_n3A_629 : vector<16xi1>, vector<16xf32>
        %select_n3A_786 = arith.select %gt3A_783, %get3A_695, %select_n3A_630 : vector<16xi1>, vector<16xf32>
        %select_n3A_787 = arith.select %gt3A_783, %get3A_700, %select_n3A_631 : vector<16xi1>, vector<16xf32>
        %select_n3A_788 = arith.select %gt3A_783, %get3A_705, %select_n3A_632 : vector<16xi1>, vector<16xf32>
        %select_n3A_789 = arith.select %gt3A_783, %get3A_710, %select_n3A_633 : vector<16xi1>, vector<16xf32>
        %select_n3A_790 = arith.select %gt3A_783, %get3A_715, %select_n3A_634 : vector<16xi1>, vector<16xf32>
        %max3A_791 = arith.maximumf %get3A_68, %get3A_670 : vector<16xf32>
        %max3A_792 = arith.maximumf %get3A_88, %get3A_675 : vector<16xf32>
        %min3A_793 = arith.minimumf %get3A_108, %get3A_680 : vector<16xf32>
        %min3A_794 = arith.minimumf %get3A_128, %get3A_685 : vector<16xf32>
        %sub3A_795 = arith.subf %min3A_793, %max3A_791 : vector<16xf32>
        %max3A_796 = arith.constant 0.000000e+00 : f32
        %max3A_797 = vector.broadcast %max3A_796 : f32 to vector<16xf32>
        %max3A_798 = arith.maximumf %sub3A_795, %max3A_797 : vector<16xf32>
        %sub3A_799 = arith.subf %min3A_794, %max3A_792 : vector<16xf32>
        %max3A_800 = arith.constant 0.000000e+00 : f32
        %max3A_801 = vector.broadcast %max3A_800 : f32 to vector<16xf32>
        %max3A_802 = arith.maximumf %sub3A_799, %max3A_801 : vector<16xf32>
        %mul3A_803 = arith.mulf %max3A_798, %max3A_802 : vector<16xf32>
        %add3A_804 = arith.addf %get3A_148, %get3A_690 : vector<16xf32>
        %sub3A_805 = arith.subf %add3A_804, %mul3A_803 : vector<16xf32>
        %mul3A_806 = arith.mulf %mul3A_803, %select_n3A_654 : vector<16xf32>
        %mul3A_807 = arith.mulf %select_n3A_653, %sub3A_805 : vector<16xf32>
        %gt3A_808 = arith.cmpf ogt, %mul3A_806, %mul3A_807 : vector<16xf32>
        %select_n3A_809 = arith.select %gt3A_808, %mul3A_803, %select_n3A_653 : vector<16xi1>, vector<16xf32>
        %select_n3A_810 = arith.select %gt3A_808, %sub3A_805, %select_n3A_654 : vector<16xi1>, vector<16xf32>
        %select_n3A_811 = arith.select %gt3A_808, %get3A_695, %select_n3A_655 : vector<16xi1>, vector<16xf32>
        %select_n3A_812 = arith.select %gt3A_808, %get3A_700, %select_n3A_656 : vector<16xi1>, vector<16xf32>
        %select_n3A_813 = arith.select %gt3A_808, %get3A_705, %select_n3A_657 : vector<16xi1>, vector<16xf32>
        %select_n3A_814 = arith.select %gt3A_808, %get3A_710, %select_n3A_658 : vector<16xi1>, vector<16xf32>
        %select_n3A_815 = arith.select %gt3A_808, %get3A_715, %select_n3A_659 : vector<16xi1>, vector<16xf32>
        scf.yield %select_n3A_734, %select_n3A_759, %select_n3A_784, %select_n3A_809, %select_n3A_735, %select_n3A_760, %select_n3A_785, %select_n3A_810, %select_n3A_736, %select_n3A_761, %select_n3A_786, %select_n3A_811, %select_n3A_737, %select_n3A_762, %select_n3A_787, %select_n3A_812, %select_n3A_738, %select_n3A_763, %select_n3A_788, %select_n3A_813, %select_n3A_739, %select_n3A_764, %select_n3A_789, %select_n3A_814, %select_n3A_740, %select_n3A_765, %select_n3A_790, %select_n3A_815 : vector<16xf32>, vector<16xf32>, vector<16xf32>, vector<16xf32>, vector<16xf32>, vector<16xf32>, vector<16xf32>, vector<16xf32>, vector<16xf32>, vector<16xf32>, vector<16xf32>, vector<16xf32>, vector<16xf32>, vector<16xf32>, vector<16xf32>, vector<16xf32>, vector<16xf32>, vector<16xf32>, vector<16xf32>, vector<16xf32>, vector<16xf32>, vector<16xf32>, vector<16xf32>, vector<16xf32>, vector<16xf32>, vector<16xf32>, vector<16xf32>, vector<16xf32>
      }
      %scan3A_172 = arith.constant 50 : i32
      %add3A_173 = arith.constant 7680 : i32
      %add3A_174 = arith.addi %add3A_173, %add3A_43 : i32
      %get3A_175 = arith.index_cast %add3A_174 : i32 to index
      %get3A_176 = tpu.vector_load %arg6[%get3A_175] {strides = array<i32>} : memref<17280xf32, #tpu.memory_space<vmem>>, vector<16xf32>,
      %get3A_177 = vector.shape_cast %get3A_176 : vector<16xf32> to vector<16xf32>
      %mul3A_178 = arith.mulf %scan3A_171#8, %get3A_177 : vector<16xf32>
      %add3A_179 = arith.constant 10752 : i32
      %add3A_180 = arith.addi %add3A_179, %add3A_43 : i32
      %get3A_181 = arith.index_cast %add3A_180 : i32 to index
      %get3A_182 = tpu.vector_load %arg6[%get3A_181] {strides = array<i32>} : memref<17280xf32, #tpu.memory_space<vmem>>, vector<16xf32>,
      %get3A_183 = vector.shape_cast %get3A_182 : vector<16xf32> to vector<16xf32>
      %sub3A = arith.subf %mul3A_178, %get3A_183 : vector<16xf32>
      %add3A_184 = arith.constant 9216 : i32
      %add3A_185 = arith.addi %add3A_184, %add3A_43 : i32
      %get3A_186 = arith.index_cast %add3A_185 : i32 to index
      %get3A_187 = tpu.vector_load %arg6[%get3A_186] {strides = array<i32>} : memref<17280xf32, #tpu.memory_space<vmem>>, vector<16xf32>,
      %get3A_188 = vector.shape_cast %get3A_187 : vector<16xf32> to vector<16xf32>
      %mul3A_189 = arith.mulf %scan3A_171#12, %get3A_188 : vector<16xf32>
      %add3A_190 = arith.constant 12288 : i32
      %add3A_191 = arith.addi %add3A_190, %add3A_43 : i32
      %get3A_192 = arith.index_cast %add3A_191 : i32 to index
      %get3A_193 = tpu.vector_load %arg6[%get3A_192] {strides = array<i32>} : memref<17280xf32, #tpu.memory_space<vmem>>, vector<16xf32>,
      %get3A_194 = vector.shape_cast %get3A_193 : vector<16xf32> to vector<16xf32>
      %sub3A_195 = arith.subf %mul3A_189, %get3A_194 : vector<16xf32>
      %add3A_196 = arith.constant 13824 : i32
      %add3A_197 = arith.addi %add3A_196, %add3A_43 : i32
      %get3A_198 = arith.index_cast %add3A_197 : i32 to index
      %get3A_199 = tpu.vector_load %arg6[%get3A_198] {strides = array<i32>} : memref<17280xf32, #tpu.memory_space<vmem>>, vector<16xf32>,
      %get3A_200 = vector.shape_cast %get3A_199 : vector<16xf32> to vector<16xf32>
      %sub3A_201 = arith.subf %scan3A_171#16, %get3A_200 : vector<16xf32>
      %add3A_202 = arith.constant 15360 : i32
      %add3A_203 = arith.addi %add3A_202, %add3A_43 : i32
      %get3A_204 = arith.index_cast %add3A_203 : i32 to index
      %get3A_205 = tpu.vector_load %arg6[%get3A_204] {strides = array<i32>} : memref<17280xf32, #tpu.memory_space<vmem>>, vector<16xf32>,
      %get3A_206 = vector.shape_cast %get3A_205 : vector<16xf32> to vector<16xf32>
      %sub3A_207 = arith.subf %scan3A_171#20, %get3A_206 : vector<16xf32>
      %mul3A_208 = arith.constant 5.000000e-01 : f32
      %mul3A_209 = vector.broadcast %mul3A_208 : f32 to vector<16xf32>
      %mul3A_210 = arith.mulf %mul3A_209, %scan3A_171#4 : vector<16xf32>
      %ge3A = arith.cmpf oge, %scan3A_171#0, %mul3A_210 : vector<16xf32>
      %mul3A_211 = arith.constant 4.000000e-01 : f32
      %mul3A_212 = vector.broadcast %mul3A_211 : f32 to vector<16xf32>
      %mul3A_213 = arith.mulf %mul3A_212, %scan3A_171#4 : vector<16xf32>
      %lt3A = arith.cmpf olt, %scan3A_171#0, %mul3A_213 : vector<16xf32>
      %jit3A = arith.constant -1.000000e+00 : f32
      %jit3A_214 = arith.constant -2.000000e+00 : f32
      %broadcast_in_dim3A_215 = vector.broadcast %jit3A : f32 to vector<16xf32>
      %broadcast_in_dim3A_216 = vector.broadcast %jit3A_214 : f32 to vector<16xf32>
      %select_n3A = arith.select %lt3A, %broadcast_in_dim3A_215, %broadcast_in_dim3A_216 : vector<16xi1>, vector<16xf32>
      %select_n3A_217 = arith.select %ge3A, %scan3A_171#24, %select_n3A : vector<16xi1>, vector<16xf32>
      %add3A_218 = arith.constant 0 : i32
      %add3A_219 = arith.addi %add3A_218, %add3A_43 : i32
      %swap3A = arith.index_cast %add3A_219 : i32 to index
      %swap3A_220 = tpu.vector_load %arg8[%swap3A] {strides = array<i32>} : memref<6144xf32, #tpu.memory_space<vmem>>, vector<16xf32>,
      %swap3A_221 = vector.shape_cast %swap3A_220 : vector<16xf32> to vector<16xf32>
      %swap3A_222 = vector.shape_cast %sub3A : vector<16xf32> to vector<16xf32>
      tpu.vector_store %arg8[%swap3A], %swap3A_222 {strides = array<i32>} : memref<6144xf32, #tpu.memory_space<vmem>>, vector<16xf32>,
      %add3A_223 = arith.constant 1536 : i32
      %add3A_224 = arith.addi %add3A_223, %add3A_43 : i32
      %swap3A_225 = arith.index_cast %add3A_224 : i32 to index
      %swap3A_226 = tpu.vector_load %arg8[%swap3A_225] {strides = array<i32>} : memref<6144xf32, #tpu.memory_space<vmem>>, vector<16xf32>,
      %swap3A_227 = vector.shape_cast %swap3A_226 : vector<16xf32> to vector<16xf32>
      %swap3A_228 = vector.shape_cast %sub3A_195 : vector<16xf32> to vector<16xf32>
      tpu.vector_store %arg8[%swap3A_225], %swap3A_228 {strides = array<i32>} : memref<6144xf32, #tpu.memory_space<vmem>>, vector<16xf32>,
      %add3A_229 = arith.constant 3072 : i32
      %add3A_230 = arith.addi %add3A_229, %add3A_43 : i32
      %swap3A_231 = arith.index_cast %add3A_230 : i32 to index
      %swap3A_232 = tpu.vector_load %arg8[%swap3A_231] {strides = array<i32>} : memref<6144xf32, #tpu.memory_space<vmem>>, vector<16xf32>,
      %swap3A_233 = vector.shape_cast %swap3A_232 : vector<16xf32> to vector<16xf32>
      %swap3A_234 = vector.shape_cast %sub3A_201 : vector<16xf32> to vector<16xf32>
      tpu.vector_store %arg8[%swap3A_231], %swap3A_234 {strides = array<i32>} : memref<6144xf32, #tpu.memory_space<vmem>>, vector<16xf32>,
      %add3A_235 = arith.constant 4608 : i32
      %add3A_236 = arith.addi %add3A_235, %add3A_43 : i32
      %swap3A_237 = arith.index_cast %add3A_236 : i32 to index
      %swap3A_238 = tpu.vector_load %arg8[%swap3A_237] {strides = array<i32>} : memref<6144xf32, #tpu.memory_space<vmem>>, vector<16xf32>,
      %swap3A_239 = vector.shape_cast %swap3A_238 : vector<16xf32> to vector<16xf32>
      %swap3A_240 = vector.shape_cast %sub3A_207 : vector<16xf32> to vector<16xf32>
      tpu.vector_store %arg8[%swap3A_237], %swap3A_240 {strides = array<i32>} : memref<6144xf32, #tpu.memory_space<vmem>>, vector<16xf32>,
      %swap3A_241 = arith.index_cast %add3A_43 : i32 to index
      %swap3A_242 = tpu.vector_load %arg9[%swap3A_241] {strides = array<i32>} : memref<1536xf32, #tpu.memory_space<vmem>>, vector<16xf32>,
      %swap3A_243 = vector.shape_cast %swap3A_242 : vector<16xf32> to vector<16xf32>
      %swap3A_244 = vector.shape_cast %select_n3A_217 : vector<16xf32> to vector<16xf32>
      tpu.vector_store %arg9[%swap3A_241], %swap3A_244 {strides = array<i32>} : memref<1536xf32, #tpu.memory_space<vmem>>, vector<16xf32>,
      %add3A_245 = arith.constant 7680 : i32
      %add3A_246 = arith.addi %add3A_245, %add3A_45 : i32
      %get3A_247 = arith.index_cast %add3A_246 : i32 to index
      %get3A_248 = tpu.vector_load %arg6[%get3A_247] {strides = array<i32>} : memref<17280xf32, #tpu.memory_space<vmem>>, vector<16xf32>,
      %get3A_249 = vector.shape_cast %get3A_248 : vector<16xf32> to vector<16xf32>
      %mul3A_250 = arith.mulf %scan3A_171#9, %get3A_249 : vector<16xf32>
      %add3A_251 = arith.constant 10752 : i32
      %add3A_252 = arith.addi %add3A_251, %add3A_45 : i32
      %get3A_253 = arith.index_cast %add3A_252 : i32 to index
      %get3A_254 = tpu.vector_load %arg6[%get3A_253] {strides = array<i32>} : memref<17280xf32, #tpu.memory_space<vmem>>, vector<16xf32>,
      %get3A_255 = vector.shape_cast %get3A_254 : vector<16xf32> to vector<16xf32>
      %sub3A_256 = arith.subf %mul3A_250, %get3A_255 : vector<16xf32>
      %add3A_257 = arith.constant 9216 : i32
      %add3A_258 = arith.addi %add3A_257, %add3A_45 : i32
      %get3A_259 = arith.index_cast %add3A_258 : i32 to index
      %get3A_260 = tpu.vector_load %arg6[%get3A_259] {strides = array<i32>} : memref<17280xf32, #tpu.memory_space<vmem>>, vector<16xf32>,
      %get3A_261 = vector.shape_cast %get3A_260 : vector<16xf32> to vector<16xf32>
      %mul3A_262 = arith.mulf %scan3A_171#13, %get3A_261 : vector<16xf32>
      %add3A_263 = arith.constant 12288 : i32
      %add3A_264 = arith.addi %add3A_263, %add3A_45 : i32
      %get3A_265 = arith.index_cast %add3A_264 : i32 to index
      %get3A_266 = tpu.vector_load %arg6[%get3A_265] {strides = array<i32>} : memref<17280xf32, #tpu.memory_space<vmem>>, vector<16xf32>,
      %get3A_267 = vector.shape_cast %get3A_266 : vector<16xf32> to vector<16xf32>
      %sub3A_268 = arith.subf %mul3A_262, %get3A_267 : vector<16xf32>
      %add3A_269 = arith.constant 13824 : i32
      %add3A_270 = arith.addi %add3A_269, %add3A_45 : i32
      %get3A_271 = arith.index_cast %add3A_270 : i32 to index
      %get3A_272 = tpu.vector_load %arg6[%get3A_271] {strides = array<i32>} : memref<17280xf32, #tpu.memory_space<vmem>>, vector<16xf32>,
      %get3A_273 = vector.shape_cast %get3A_272 : vector<16xf32> to vector<16xf32>
      %sub3A_274 = arith.subf %scan3A_171#17, %get3A_273 : vector<16xf32>
      %add3A_275 = arith.constant 15360 : i32
      %add3A_276 = arith.addi %add3A_275, %add3A_45 : i32
      %get3A_277 = arith.index_cast %add3A_276 : i32 to index
      %get3A_278 = tpu.vector_load %arg6[%get3A_277] {strides = array<i32>} : memref<17280xf32, #tpu.memory_space<vmem>>, vector<16xf32>,
      %get3A_279 = vector.shape_cast %get3A_278 : vector<16xf32> to vector<16xf32>
      %sub3A_280 = arith.subf %scan3A_171#21, %get3A_279 : vector<16xf32>
      %mul3A_281 = arith.constant 5.000000e-01 : f32
      %mul3A_282 = vector.broadcast %mul3A_281 : f32 to vector<16xf32>
      %mul3A_283 = arith.mulf %mul3A_282, %scan3A_171#5 : vector<16xf32>
      %ge3A_284 = arith.cmpf oge, %scan3A_171#1, %mul3A_283 : vector<16xf32>
      %mul3A_285 = arith.constant 4.000000e-01 : f32
      %mul3A_286 = vector.broadcast %mul3A_285 : f32 to vector<16xf32>
      %mul3A_287 = arith.mulf %mul3A_286, %scan3A_171#5 : vector<16xf32>
      %lt3A_288 = arith.cmpf olt, %scan3A_171#1, %mul3A_287 : vector<16xf32>
      %jit3A_289 = arith.constant -1.000000e+00 : f32
      %jit3A_290 = arith.constant -2.000000e+00 : f32
      %broadcast_in_dim3A_291 = vector.broadcast %jit3A_289 : f32 to vector<16xf32>
      %broadcast_in_dim3A_292 = vector.broadcast %jit3A_290 : f32 to vector<16xf32>
      %select_n3A_293 = arith.select %lt3A_288, %broadcast_in_dim3A_291, %broadcast_in_dim3A_292 : vector<16xi1>, vector<16xf32>
      %select_n3A_294 = arith.select %ge3A_284, %scan3A_171#25, %select_n3A_293 : vector<16xi1>, vector<16xf32>
      %add3A_295 = arith.constant 0 : i32
      %add3A_296 = arith.addi %add3A_295, %add3A_45 : i32
      %swap3A_297 = arith.index_cast %add3A_296 : i32 to index
      %swap3A_298 = tpu.vector_load %arg8[%swap3A_297] {strides = array<i32>} : memref<6144xf32, #tpu.memory_space<vmem>>, vector<16xf32>,
      %swap3A_299 = vector.shape_cast %swap3A_298 : vector<16xf32> to vector<16xf32>
      %swap3A_300 = vector.shape_cast %sub3A_256 : vector<16xf32> to vector<16xf32>
      tpu.vector_store %arg8[%swap3A_297], %swap3A_300 {strides = array<i32>} : memref<6144xf32, #tpu.memory_space<vmem>>, vector<16xf32>,
      %add3A_301 = arith.constant 1536 : i32
      %add3A_302 = arith.addi %add3A_301, %add3A_45 : i32
      %swap3A_303 = arith.index_cast %add3A_302 : i32 to index
      %swap3A_304 = tpu.vector_load %arg8[%swap3A_303] {strides = array<i32>} : memref<6144xf32, #tpu.memory_space<vmem>>, vector<16xf32>,
      %swap3A_305 = vector.shape_cast %swap3A_304 : vector<16xf32> to vector<16xf32>
      %swap3A_306 = vector.shape_cast %sub3A_268 : vector<16xf32> to vector<16xf32>
      tpu.vector_store %arg8[%swap3A_303], %swap3A_306 {strides = array<i32>} : memref<6144xf32, #tpu.memory_space<vmem>>, vector<16xf32>,
      %add3A_307 = arith.constant 3072 : i32
      %add3A_308 = arith.addi %add3A_307, %add3A_45 : i32
      %swap3A_309 = arith.index_cast %add3A_308 : i32 to index
      %swap3A_310 = tpu.vector_load %arg8[%swap3A_309] {strides = array<i32>} : memref<6144xf32, #tpu.memory_space<vmem>>, vector<16xf32>,
      %swap3A_311 = vector.shape_cast %swap3A_310 : vector<16xf32> to vector<16xf32>
      %swap3A_312 = vector.shape_cast %sub3A_274 : vector<16xf32> to vector<16xf32>
      tpu.vector_store %arg8[%swap3A_309], %swap3A_312 {strides = array<i32>} : memref<6144xf32, #tpu.memory_space<vmem>>, vector<16xf32>,
      %add3A_313 = arith.constant 4608 : i32
      %add3A_314 = arith.addi %add3A_313, %add3A_45 : i32
      %swap3A_315 = arith.index_cast %add3A_314 : i32 to index
      %swap3A_316 = tpu.vector_load %arg8[%swap3A_315] {strides = array<i32>} : memref<6144xf32, #tpu.memory_space<vmem>>, vector<16xf32>,
      %swap3A_317 = vector.shape_cast %swap3A_316 : vector<16xf32> to vector<16xf32>
      %swap3A_318 = vector.shape_cast %sub3A_280 : vector<16xf32> to vector<16xf32>
      tpu.vector_store %arg8[%swap3A_315], %swap3A_318 {strides = array<i32>} : memref<6144xf32, #tpu.memory_space<vmem>>, vector<16xf32>,
      %swap3A_319 = arith.index_cast %add3A_45 : i32 to index
      %swap3A_320 = tpu.vector_load %arg9[%swap3A_319] {strides = array<i32>} : memref<1536xf32, #tpu.memory_space<vmem>>, vector<16xf32>,
      %swap3A_321 = vector.shape_cast %swap3A_320 : vector<16xf32> to vector<16xf32>
      %swap3A_322 = vector.shape_cast %select_n3A_294 : vector<16xf32> to vector<16xf32>
      tpu.vector_store %arg9[%swap3A_319], %swap3A_322 {strides = array<i32>} : memref<1536xf32, #tpu.memory_space<vmem>>, vector<16xf32>,
      %add3A_323 = arith.constant 7680 : i32
      %add3A_324 = arith.addi %add3A_323, %add3A_47 : i32
      %get3A_325 = arith.index_cast %add3A_324 : i32 to index
      %get3A_326 = tpu.vector_load %arg6[%get3A_325] {strides = array<i32>} : memref<17280xf32, #tpu.memory_space<vmem>>, vector<16xf32>,
      %get3A_327 = vector.shape_cast %get3A_326 : vector<16xf32> to vector<16xf32>
      %mul3A_328 = arith.mulf %scan3A_171#10, %get3A_327 : vector<16xf32>
      %add3A_329 = arith.constant 10752 : i32
      %add3A_330 = arith.addi %add3A_329, %add3A_47 : i32
      %get3A_331 = arith.index_cast %add3A_330 : i32 to index
      %get3A_332 = tpu.vector_load %arg6[%get3A_331] {strides = array<i32>} : memref<17280xf32, #tpu.memory_space<vmem>>, vector<16xf32>,
      %get3A_333 = vector.shape_cast %get3A_332 : vector<16xf32> to vector<16xf32>
      %sub3A_334 = arith.subf %mul3A_328, %get3A_333 : vector<16xf32>
      %add3A_335 = arith.constant 9216 : i32
      %add3A_336 = arith.addi %add3A_335, %add3A_47 : i32
      %get3A_337 = arith.index_cast %add3A_336 : i32 to index
      %get3A_338 = tpu.vector_load %arg6[%get3A_337] {strides = array<i32>} : memref<17280xf32, #tpu.memory_space<vmem>>, vector<16xf32>,
      %get3A_339 = vector.shape_cast %get3A_338 : vector<16xf32> to vector<16xf32>
      %mul3A_340 = arith.mulf %scan3A_171#14, %get3A_339 : vector<16xf32>
      %add3A_341 = arith.constant 12288 : i32
      %add3A_342 = arith.addi %add3A_341, %add3A_47 : i32
      %get3A_343 = arith.index_cast %add3A_342 : i32 to index
      %get3A_344 = tpu.vector_load %arg6[%get3A_343] {strides = array<i32>} : memref<17280xf32, #tpu.memory_space<vmem>>, vector<16xf32>,
      %get3A_345 = vector.shape_cast %get3A_344 : vector<16xf32> to vector<16xf32>
      %sub3A_346 = arith.subf %mul3A_340, %get3A_345 : vector<16xf32>
      %add3A_347 = arith.constant 13824 : i32
      %add3A_348 = arith.addi %add3A_347, %add3A_47 : i32
      %get3A_349 = arith.index_cast %add3A_348 : i32 to index
      %get3A_350 = tpu.vector_load %arg6[%get3A_349] {strides = array<i32>} : memref<17280xf32, #tpu.memory_space<vmem>>, vector<16xf32>,
      %get3A_351 = vector.shape_cast %get3A_350 : vector<16xf32> to vector<16xf32>
      %sub3A_352 = arith.subf %scan3A_171#18, %get3A_351 : vector<16xf32>
      %add3A_353 = arith.constant 15360 : i32
      %add3A_354 = arith.addi %add3A_353, %add3A_47 : i32
      %get3A_355 = arith.index_cast %add3A_354 : i32 to index
      %get3A_356 = tpu.vector_load %arg6[%get3A_355] {strides = array<i32>} : memref<17280xf32, #tpu.memory_space<vmem>>, vector<16xf32>,
      %get3A_357 = vector.shape_cast %get3A_356 : vector<16xf32> to vector<16xf32>
      %sub3A_358 = arith.subf %scan3A_171#22, %get3A_357 : vector<16xf32>
      %mul3A_359 = arith.constant 5.000000e-01 : f32
      %mul3A_360 = vector.broadcast %mul3A_359 : f32 to vector<16xf32>
      %mul3A_361 = arith.mulf %mul3A_360, %scan3A_171#6 : vector<16xf32>
      %ge3A_362 = arith.cmpf oge, %scan3A_171#2, %mul3A_361 : vector<16xf32>
      %mul3A_363 = arith.constant 4.000000e-01 : f32
      %mul3A_364 = vector.broadcast %mul3A_363 : f32 to vector<16xf32>
      %mul3A_365 = arith.mulf %mul3A_364, %scan3A_171#6 : vector<16xf32>
      %lt3A_366 = arith.cmpf olt, %scan3A_171#2, %mul3A_365 : vector<16xf32>
      %jit3A_367 = arith.constant -1.000000e+00 : f32
      %jit3A_368 = arith.constant -2.000000e+00 : f32
      %broadcast_in_dim3A_369 = vector.broadcast %jit3A_367 : f32 to vector<16xf32>
      %broadcast_in_dim3A_370 = vector.broadcast %jit3A_368 : f32 to vector<16xf32>
      %select_n3A_371 = arith.select %lt3A_366, %broadcast_in_dim3A_369, %broadcast_in_dim3A_370 : vector<16xi1>, vector<16xf32>
      %select_n3A_372 = arith.select %ge3A_362, %scan3A_171#26, %select_n3A_371 : vector<16xi1>, vector<16xf32>
      %add3A_373 = arith.constant 0 : i32
      %add3A_374 = arith.addi %add3A_373, %add3A_47 : i32
      %swap3A_375 = arith.index_cast %add3A_374 : i32 to index
      %swap3A_376 = tpu.vector_load %arg8[%swap3A_375] {strides = array<i32>} : memref<6144xf32, #tpu.memory_space<vmem>>, vector<16xf32>,
      %swap3A_377 = vector.shape_cast %swap3A_376 : vector<16xf32> to vector<16xf32>
      %swap3A_378 = vector.shape_cast %sub3A_334 : vector<16xf32> to vector<16xf32>
      tpu.vector_store %arg8[%swap3A_375], %swap3A_378 {strides = array<i32>} : memref<6144xf32, #tpu.memory_space<vmem>>, vector<16xf32>,
      %add3A_379 = arith.constant 1536 : i32
      %add3A_380 = arith.addi %add3A_379, %add3A_47 : i32
      %swap3A_381 = arith.index_cast %add3A_380 : i32 to index
      %swap3A_382 = tpu.vector_load %arg8[%swap3A_381] {strides = array<i32>} : memref<6144xf32, #tpu.memory_space<vmem>>, vector<16xf32>,
      %swap3A_383 = vector.shape_cast %swap3A_382 : vector<16xf32> to vector<16xf32>
      %swap3A_384 = vector.shape_cast %sub3A_346 : vector<16xf32> to vector<16xf32>
      tpu.vector_store %arg8[%swap3A_381], %swap3A_384 {strides = array<i32>} : memref<6144xf32, #tpu.memory_space<vmem>>, vector<16xf32>,
      %add3A_385 = arith.constant 3072 : i32
      %add3A_386 = arith.addi %add3A_385, %add3A_47 : i32
      %swap3A_387 = arith.index_cast %add3A_386 : i32 to index
      %swap3A_388 = tpu.vector_load %arg8[%swap3A_387] {strides = array<i32>} : memref<6144xf32, #tpu.memory_space<vmem>>, vector<16xf32>,
      %swap3A_389 = vector.shape_cast %swap3A_388 : vector<16xf32> to vector<16xf32>
      %swap3A_390 = vector.shape_cast %sub3A_352 : vector<16xf32> to vector<16xf32>
      tpu.vector_store %arg8[%swap3A_387], %swap3A_390 {strides = array<i32>} : memref<6144xf32, #tpu.memory_space<vmem>>, vector<16xf32>,
      %add3A_391 = arith.constant 4608 : i32
      %add3A_392 = arith.addi %add3A_391, %add3A_47 : i32
      %swap3A_393 = arith.index_cast %add3A_392 : i32 to index
      %swap3A_394 = tpu.vector_load %arg8[%swap3A_393] {strides = array<i32>} : memref<6144xf32, #tpu.memory_space<vmem>>, vector<16xf32>,
      %swap3A_395 = vector.shape_cast %swap3A_394 : vector<16xf32> to vector<16xf32>
      %swap3A_396 = vector.shape_cast %sub3A_358 : vector<16xf32> to vector<16xf32>
      tpu.vector_store %arg8[%swap3A_393], %swap3A_396 {strides = array<i32>} : memref<6144xf32, #tpu.memory_space<vmem>>, vector<16xf32>,
      %swap3A_397 = arith.index_cast %add3A_47 : i32 to index
      %swap3A_398 = tpu.vector_load %arg9[%swap3A_397] {strides = array<i32>} : memref<1536xf32, #tpu.memory_space<vmem>>, vector<16xf32>,
      %swap3A_399 = vector.shape_cast %swap3A_398 : vector<16xf32> to vector<16xf32>
      %swap3A_400 = vector.shape_cast %select_n3A_372 : vector<16xf32> to vector<16xf32>
      tpu.vector_store %arg9[%swap3A_397], %swap3A_400 {strides = array<i32>} : memref<1536xf32, #tpu.memory_space<vmem>>, vector<16xf32>,
      %add3A_401 = arith.constant 7680 : i32
      %add3A_402 = arith.addi %add3A_401, %add3A_49 : i32
      %get3A_403 = arith.index_cast %add3A_402 : i32 to index
      %get3A_404 = tpu.vector_load %arg6[%get3A_403] {strides = array<i32>} : memref<17280xf32, #tpu.memory_space<vmem>>, vector<16xf32>,
      %get3A_405 = vector.shape_cast %get3A_404 : vector<16xf32> to vector<16xf32>
      %mul3A_406 = arith.mulf %scan3A_171#11, %get3A_405 : vector<16xf32>
      %add3A_407 = arith.constant 10752 : i32
      %add3A_408 = arith.addi %add3A_407, %add3A_49 : i32
      %get3A_409 = arith.index_cast %add3A_408 : i32 to index
      %get3A_410 = tpu.vector_load %arg6[%get3A_409] {strides = array<i32>} : memref<17280xf32, #tpu.memory_space<vmem>>, vector<16xf32>,
      %get3A_411 = vector.shape_cast %get3A_410 : vector<16xf32> to vector<16xf32>
      %sub3A_412 = arith.subf %mul3A_406, %get3A_411 : vector<16xf32>
      %add3A_413 = arith.constant 9216 : i32
      %add3A_414 = arith.addi %add3A_413, %add3A_49 : i32
      %get3A_415 = arith.index_cast %add3A_414 : i32 to index
      %get3A_416 = tpu.vector_load %arg6[%get3A_415] {strides = array<i32>} : memref<17280xf32, #tpu.memory_space<vmem>>, vector<16xf32>,
      %get3A_417 = vector.shape_cast %get3A_416 : vector<16xf32> to vector<16xf32>
      %mul3A_418 = arith.mulf %scan3A_171#15, %get3A_417 : vector<16xf32>
      %add3A_419 = arith.constant 12288 : i32
      %add3A_420 = arith.addi %add3A_419, %add3A_49 : i32
      %get3A_421 = arith.index_cast %add3A_420 : i32 to index
      %get3A_422 = tpu.vector_load %arg6[%get3A_421] {strides = array<i32>} : memref<17280xf32, #tpu.memory_space<vmem>>, vector<16xf32>,
      %get3A_423 = vector.shape_cast %get3A_422 : vector<16xf32> to vector<16xf32>
      %sub3A_424 = arith.subf %mul3A_418, %get3A_423 : vector<16xf32>
      %add3A_425 = arith.constant 13824 : i32
      %add3A_426 = arith.addi %add3A_425, %add3A_49 : i32
      %get3A_427 = arith.index_cast %add3A_426 : i32 to index
      %get3A_428 = tpu.vector_load %arg6[%get3A_427] {strides = array<i32>} : memref<17280xf32, #tpu.memory_space<vmem>>, vector<16xf32>,
      %get3A_429 = vector.shape_cast %get3A_428 : vector<16xf32> to vector<16xf32>
      %sub3A_430 = arith.subf %scan3A_171#19, %get3A_429 : vector<16xf32>
      %add3A_431 = arith.constant 15360 : i32
      %add3A_432 = arith.addi %add3A_431, %add3A_49 : i32
      %get3A_433 = arith.index_cast %add3A_432 : i32 to index
      %get3A_434 = tpu.vector_load %arg6[%get3A_433] {strides = array<i32>} : memref<17280xf32, #tpu.memory_space<vmem>>, vector<16xf32>,
      %get3A_435 = vector.shape_cast %get3A_434 : vector<16xf32> to vector<16xf32>
      %sub3A_436 = arith.subf %scan3A_171#23, %get3A_435 : vector<16xf32>
      %mul3A_437 = arith.constant 5.000000e-01 : f32
      %mul3A_438 = vector.broadcast %mul3A_437 : f32 to vector<16xf32>
      %mul3A_439 = arith.mulf %mul3A_438, %scan3A_171#7 : vector<16xf32>
      %ge3A_440 = arith.cmpf oge, %scan3A_171#3, %mul3A_439 : vector<16xf32>
      %mul3A_441 = arith.constant 4.000000e-01 : f32
      %mul3A_442 = vector.broadcast %mul3A_441 : f32 to vector<16xf32>
      %mul3A_443 = arith.mulf %mul3A_442, %scan3A_171#7 : vector<16xf32>
      %lt3A_444 = arith.cmpf olt, %scan3A_171#3, %mul3A_443 : vector<16xf32>
      %jit3A_445 = arith.constant -1.000000e+00 : f32
      %jit3A_446 = arith.constant -2.000000e+00 : f32
      %broadcast_in_dim3A_447 = vector.broadcast %jit3A_445 : f32 to vector<16xf32>
      %broadcast_in_dim3A_448 = vector.broadcast %jit3A_446 : f32 to vector<16xf32>
      %select_n3A_449 = arith.select %lt3A_444, %broadcast_in_dim3A_447, %broadcast_in_dim3A_448 : vector<16xi1>, vector<16xf32>
      %select_n3A_450 = arith.select %ge3A_440, %scan3A_171#27, %select_n3A_449 : vector<16xi1>, vector<16xf32>
      %add3A_451 = arith.constant 0 : i32
      %add3A_452 = arith.addi %add3A_451, %add3A_49 : i32
      %swap3A_453 = arith.index_cast %add3A_452 : i32 to index
      %swap3A_454 = tpu.vector_load %arg8[%swap3A_453] {strides = array<i32>} : memref<6144xf32, #tpu.memory_space<vmem>>, vector<16xf32>,
      %swap3A_455 = vector.shape_cast %swap3A_454 : vector<16xf32> to vector<16xf32>
      %swap3A_456 = vector.shape_cast %sub3A_412 : vector<16xf32> to vector<16xf32>
      tpu.vector_store %arg8[%swap3A_453], %swap3A_456 {strides = array<i32>} : memref<6144xf32, #tpu.memory_space<vmem>>, vector<16xf32>,
      %add3A_457 = arith.constant 1536 : i32
      %add3A_458 = arith.addi %add3A_457, %add3A_49 : i32
      %swap3A_459 = arith.index_cast %add3A_458 : i32 to index
      %swap3A_460 = tpu.vector_load %arg8[%swap3A_459] {strides = array<i32>} : memref<6144xf32, #tpu.memory_space<vmem>>, vector<16xf32>,
      %swap3A_461 = vector.shape_cast %swap3A_460 : vector<16xf32> to vector<16xf32>
      %swap3A_462 = vector.shape_cast %sub3A_424 : vector<16xf32> to vector<16xf32>
      tpu.vector_store %arg8[%swap3A_459], %swap3A_462 {strides = array<i32>} : memref<6144xf32, #tpu.memory_space<vmem>>, vector<16xf32>,
      %add3A_463 = arith.constant 3072 : i32
      %add3A_464 = arith.addi %add3A_463, %add3A_49 : i32
      %swap3A_465 = arith.index_cast %add3A_464 : i32 to index
      %swap3A_466 = tpu.vector_load %arg8[%swap3A_465] {strides = array<i32>} : memref<6144xf32, #tpu.memory_space<vmem>>, vector<16xf32>,
      %swap3A_467 = vector.shape_cast %swap3A_466 : vector<16xf32> to vector<16xf32>
      %swap3A_468 = vector.shape_cast %sub3A_430 : vector<16xf32> to vector<16xf32>
      tpu.vector_store %arg8[%swap3A_465], %swap3A_468 {strides = array<i32>} : memref<6144xf32, #tpu.memory_space<vmem>>, vector<16xf32>,
      %add3A_469 = arith.constant 4608 : i32
      %add3A_470 = arith.addi %add3A_469, %add3A_49 : i32
      %swap3A_471 = arith.index_cast %add3A_470 : i32 to index
      %swap3A_472 = tpu.vector_load %arg8[%swap3A_471] {strides = array<i32>} : memref<6144xf32, #tpu.memory_space<vmem>>, vector<16xf32>,
      %swap3A_473 = vector.shape_cast %swap3A_472 : vector<16xf32> to vector<16xf32>
      %swap3A_474 = vector.shape_cast %sub3A_436 : vector<16xf32> to vector<16xf32>
      tpu.vector_store %arg8[%swap3A_471], %swap3A_474 {strides = array<i32>} : memref<6144xf32, #tpu.memory_space<vmem>>, vector<16xf32>,
      %swap3A_475 = arith.index_cast %add3A_49 : i32 to index
      %swap3A_476 = tpu.vector_load %arg9[%swap3A_475] {strides = array<i32>} : memref<1536xf32, #tpu.memory_space<vmem>>, vector<16xf32>,
      %swap3A_477 = vector.shape_cast %swap3A_476 : vector<16xf32> to vector<16xf32>
      %swap3A_478 = vector.shape_cast %select_n3A_450 : vector<16xf32> to vector<16xf32>
      tpu.vector_store %arg9[%swap3A_475], %swap3A_478 {strides = array<i32>} : memref<1536xf32, #tpu.memory_space<vmem>>, vector<16xf32>,
      %scan3A_479 = arith.constant 0 : i32
      scf.yield %scan3A_479 : i32
    }
    %scan3A_27 = arith.constant 24 : i32
    %add3A_28 = arith.constant 196608 : i32
    %add3A_29 = arith.addi %add3A_28, %mul3A_2 : i32
    "tpu.region"() ({
      %run_scoped3A = tpu.sem_alloc : memref<!tpu.dma_semaphore, #tpu.memory_space<semaphore_mem>>
      %dma_start3A = arith.constant 0 : i32
      %dma_start3A_38 = tpu.memref_slice %arg8[%dma_start3A] : memref<6144xf32, #tpu.memory_space<vmem>> -> memref<1536xf32, #tpu.memory_space<vmem>>
      %dma_start3A_39 = tpu.memref_slice %arg4[%add3A_29] : memref<393216xf32, #tpu.memory_space<hbm>> -> memref<1536xf32, #tpu.memory_space<hbm>>
      %dma_start3A_40 = tpu.memref_slice %arg4[%add3A_29] : memref<393216xf32, #tpu.memory_space<hbm>> -> memref<1536xf32, #tpu.memory_space<hbm>>
      %dma_start3A_41 = arith.constant 0 : i32
      %dma_start3A_42 = tpu.memref_slice %arg8[%dma_start3A_41] : memref<6144xf32, #tpu.memory_space<vmem>> -> memref<1536xf32, #tpu.memory_space<vmem>>
      tpu.enqueue_dma source(%dma_start3A_42 : memref<1536xf32, #tpu.memory_space<vmem>>) target(%dma_start3A_40 : memref<1536xf32, #tpu.memory_space<hbm>>) target_semaphore(%run_scoped3A : memref<!tpu.dma_semaphore, #tpu.memory_space<semaphore_mem>>)
      %dma_wait3A = arith.constant 0 : i32
      %dma_wait3A_43 = tpu.memref_slice %arg8[%dma_wait3A] : memref<6144xf32, #tpu.memory_space<vmem>> -> memref<1536xf32, #tpu.memory_space<vmem>>
      %dma_wait3A_44 = tpu.memref_slice %arg4[%add3A_29] : memref<393216xf32, #tpu.memory_space<hbm>> -> memref<1536xf32, #tpu.memory_space<hbm>>
      %dma_wait3A_45 = tpu.memref_slice %arg4[%add3A_29] : memref<393216xf32, #tpu.memory_space<hbm>> -> memref<1536xf32, #tpu.memory_space<hbm>>
      %dma_wait3A_46 = arith.constant 0 : i32
      %dma_wait3A_47 = tpu.memref_slice %arg8[%dma_wait3A_46] : memref<6144xf32, #tpu.memory_space<vmem>> -> memref<1536xf32, #tpu.memory_space<vmem>>
      tpu.wait_dma2 semaphore(%run_scoped3A : memref<!tpu.dma_semaphore, #tpu.memory_space<semaphore_mem>>) src(%dma_wait3A_47 : memref<1536xf32, #tpu.memory_space<vmem>>) dst(%dma_wait3A_45 : memref<1536xf32, #tpu.memory_space<hbm>>)
      tpu.yield
    }) : () -> ()
    %add3A_30 = arith.constant 245760 : i32
    %add3A_31 = arith.addi %add3A_30, %mul3A_2 : i32
    "tpu.region"() ({
      %run_scoped3A = tpu.sem_alloc : memref<!tpu.dma_semaphore, #tpu.memory_space<semaphore_mem>>
      %dma_start3A = arith.constant 1536 : i32
      %dma_start3A_38 = tpu.memref_slice %arg8[%dma_start3A] : memref<6144xf32, #tpu.memory_space<vmem>> -> memref<1536xf32, #tpu.memory_space<vmem>>
      %dma_start3A_39 = tpu.memref_slice %arg4[%add3A_31] : memref<393216xf32, #tpu.memory_space<hbm>> -> memref<1536xf32, #tpu.memory_space<hbm>>
      %dma_start3A_40 = tpu.memref_slice %arg4[%add3A_31] : memref<393216xf32, #tpu.memory_space<hbm>> -> memref<1536xf32, #tpu.memory_space<hbm>>
      %dma_start3A_41 = arith.constant 1536 : i32
      %dma_start3A_42 = tpu.memref_slice %arg8[%dma_start3A_41] : memref<6144xf32, #tpu.memory_space<vmem>> -> memref<1536xf32, #tpu.memory_space<vmem>>
      tpu.enqueue_dma source(%dma_start3A_42 : memref<1536xf32, #tpu.memory_space<vmem>>) target(%dma_start3A_40 : memref<1536xf32, #tpu.memory_space<hbm>>) target_semaphore(%run_scoped3A : memref<!tpu.dma_semaphore, #tpu.memory_space<semaphore_mem>>)
      %dma_wait3A = arith.constant 1536 : i32
      %dma_wait3A_43 = tpu.memref_slice %arg8[%dma_wait3A] : memref<6144xf32, #tpu.memory_space<vmem>> -> memref<1536xf32, #tpu.memory_space<vmem>>
      %dma_wait3A_44 = tpu.memref_slice %arg4[%add3A_31] : memref<393216xf32, #tpu.memory_space<hbm>> -> memref<1536xf32, #tpu.memory_space<hbm>>
      %dma_wait3A_45 = tpu.memref_slice %arg4[%add3A_31] : memref<393216xf32, #tpu.memory_space<hbm>> -> memref<1536xf32, #tpu.memory_space<hbm>>
      %dma_wait3A_46 = arith.constant 1536 : i32
      %dma_wait3A_47 = tpu.memref_slice %arg8[%dma_wait3A_46] : memref<6144xf32, #tpu.memory_space<vmem>> -> memref<1536xf32, #tpu.memory_space<vmem>>
      tpu.wait_dma2 semaphore(%run_scoped3A : memref<!tpu.dma_semaphore, #tpu.memory_space<semaphore_mem>>) src(%dma_wait3A_47 : memref<1536xf32, #tpu.memory_space<vmem>>) dst(%dma_wait3A_45 : memref<1536xf32, #tpu.memory_space<hbm>>)
      tpu.yield
    }) : () -> ()
    %add3A_32 = arith.constant 294912 : i32
    %add3A_33 = arith.addi %add3A_32, %mul3A_2 : i32
    "tpu.region"() ({
      %run_scoped3A = tpu.sem_alloc : memref<!tpu.dma_semaphore, #tpu.memory_space<semaphore_mem>>
      %dma_start3A = arith.constant 3072 : i32
      %dma_start3A_38 = tpu.memref_slice %arg8[%dma_start3A] : memref<6144xf32, #tpu.memory_space<vmem>> -> memref<1536xf32, #tpu.memory_space<vmem>>
      %dma_start3A_39 = tpu.memref_slice %arg4[%add3A_33] : memref<393216xf32, #tpu.memory_space<hbm>> -> memref<1536xf32, #tpu.memory_space<hbm>>
      %dma_start3A_40 = tpu.memref_slice %arg4[%add3A_33] : memref<393216xf32, #tpu.memory_space<hbm>> -> memref<1536xf32, #tpu.memory_space<hbm>>
      %dma_start3A_41 = arith.constant 3072 : i32
      %dma_start3A_42 = tpu.memref_slice %arg8[%dma_start3A_41] : memref<6144xf32, #tpu.memory_space<vmem>> -> memref<1536xf32, #tpu.memory_space<vmem>>
      tpu.enqueue_dma source(%dma_start3A_42 : memref<1536xf32, #tpu.memory_space<vmem>>) target(%dma_start3A_40 : memref<1536xf32, #tpu.memory_space<hbm>>) target_semaphore(%run_scoped3A : memref<!tpu.dma_semaphore, #tpu.memory_space<semaphore_mem>>)
      %dma_wait3A = arith.constant 3072 : i32
      %dma_wait3A_43 = tpu.memref_slice %arg8[%dma_wait3A] : memref<6144xf32, #tpu.memory_space<vmem>> -> memref<1536xf32, #tpu.memory_space<vmem>>
      %dma_wait3A_44 = tpu.memref_slice %arg4[%add3A_33] : memref<393216xf32, #tpu.memory_space<hbm>> -> memref<1536xf32, #tpu.memory_space<hbm>>
      %dma_wait3A_45 = tpu.memref_slice %arg4[%add3A_33] : memref<393216xf32, #tpu.memory_space<hbm>> -> memref<1536xf32, #tpu.memory_space<hbm>>
      %dma_wait3A_46 = arith.constant 3072 : i32
      %dma_wait3A_47 = tpu.memref_slice %arg8[%dma_wait3A_46] : memref<6144xf32, #tpu.memory_space<vmem>> -> memref<1536xf32, #tpu.memory_space<vmem>>
      tpu.wait_dma2 semaphore(%run_scoped3A : memref<!tpu.dma_semaphore, #tpu.memory_space<semaphore_mem>>) src(%dma_wait3A_47 : memref<1536xf32, #tpu.memory_space<vmem>>) dst(%dma_wait3A_45 : memref<1536xf32, #tpu.memory_space<hbm>>)
      tpu.yield
    }) : () -> ()
    %add3A_34 = arith.constant 344064 : i32
    %add3A_35 = arith.addi %add3A_34, %mul3A_2 : i32
    "tpu.region"() ({
      %run_scoped3A = tpu.sem_alloc : memref<!tpu.dma_semaphore, #tpu.memory_space<semaphore_mem>>
      %dma_start3A = arith.constant 4608 : i32
      %dma_start3A_38 = tpu.memref_slice %arg8[%dma_start3A] : memref<6144xf32, #tpu.memory_space<vmem>> -> memref<1536xf32, #tpu.memory_space<vmem>>
      %dma_start3A_39 = tpu.memref_slice %arg4[%add3A_35] : memref<393216xf32, #tpu.memory_space<hbm>> -> memref<1536xf32, #tpu.memory_space<hbm>>
      %dma_start3A_40 = tpu.memref_slice %arg4[%add3A_35] : memref<393216xf32, #tpu.memory_space<hbm>> -> memref<1536xf32, #tpu.memory_space<hbm>>
      %dma_start3A_41 = arith.constant 4608 : i32
      %dma_start3A_42 = tpu.memref_slice %arg8[%dma_start3A_41] : memref<6144xf32, #tpu.memory_space<vmem>> -> memref<1536xf32, #tpu.memory_space<vmem>>
      tpu.enqueue_dma source(%dma_start3A_42 : memref<1536xf32, #tpu.memory_space<vmem>>) target(%dma_start3A_40 : memref<1536xf32, #tpu.memory_space<hbm>>) target_semaphore(%run_scoped3A : memref<!tpu.dma_semaphore, #tpu.memory_space<semaphore_mem>>)
      %dma_wait3A = arith.constant 4608 : i32
      %dma_wait3A_43 = tpu.memref_slice %arg8[%dma_wait3A] : memref<6144xf32, #tpu.memory_space<vmem>> -> memref<1536xf32, #tpu.memory_space<vmem>>
      %dma_wait3A_44 = tpu.memref_slice %arg4[%add3A_35] : memref<393216xf32, #tpu.memory_space<hbm>> -> memref<1536xf32, #tpu.memory_space<hbm>>
      %dma_wait3A_45 = tpu.memref_slice %arg4[%add3A_35] : memref<393216xf32, #tpu.memory_space<hbm>> -> memref<1536xf32, #tpu.memory_space<hbm>>
      %dma_wait3A_46 = arith.constant 4608 : i32
      %dma_wait3A_47 = tpu.memref_slice %arg8[%dma_wait3A_46] : memref<6144xf32, #tpu.memory_space<vmem>> -> memref<1536xf32, #tpu.memory_space<vmem>>
      tpu.wait_dma2 semaphore(%run_scoped3A : memref<!tpu.dma_semaphore, #tpu.memory_space<semaphore_mem>>) src(%dma_wait3A_47 : memref<1536xf32, #tpu.memory_space<vmem>>) dst(%dma_wait3A_45 : memref<1536xf32, #tpu.memory_space<hbm>>)
      tpu.yield
    }) : () -> ()
    %add3A_36 = arith.constant 49152 : i32
    %add3A_37 = arith.addi %add3A_36, %mul3A_2 : i32
    "tpu.region"() ({
      %run_scoped3A = tpu.sem_alloc : memref<!tpu.dma_semaphore, #tpu.memory_space<semaphore_mem>>
      %dma_start3A = tpu.memref_slice %arg5[%add3A_37] : memref<98304xf32, #tpu.memory_space<hbm>> -> memref<1536xf32, #tpu.memory_space<hbm>>
      %dma_start3A_38 = tpu.memref_slice %arg5[%add3A_37] : memref<98304xf32, #tpu.memory_space<hbm>> -> memref<1536xf32, #tpu.memory_space<hbm>>
      tpu.enqueue_dma source(%arg9 : memref<1536xf32, #tpu.memory_space<vmem>>) target(%dma_start3A_38 : memref<1536xf32, #tpu.memory_space<hbm>>) target_semaphore(%run_scoped3A : memref<!tpu.dma_semaphore, #tpu.memory_space<semaphore_mem>>)
      %dma_wait3A = tpu.memref_slice %arg5[%add3A_37] : memref<98304xf32, #tpu.memory_space<hbm>> -> memref<1536xf32, #tpu.memory_space<hbm>>
      %dma_wait3A_39 = tpu.memref_slice %arg5[%add3A_37] : memref<98304xf32, #tpu.memory_space<hbm>> -> memref<1536xf32, #tpu.memory_space<hbm>>
      tpu.wait_dma2 semaphore(%run_scoped3A : memref<!tpu.dma_semaphore, #tpu.memory_space<semaphore_mem>>) src(%arg9 : memref<1536xf32, #tpu.memory_space<vmem>>) dst(%dma_wait3A_39 : memref<1536xf32, #tpu.memory_space<hbm>>)
      tpu.yield
    }) : () -> ()
    return
  }
}

module attributes {stable_mosaic.version = 14 : i64} {
  func.func @body(%arg0: i32, %arg1: i32, %arg2: memref<1x1000x128xf32, #tpu.memory_space<vmem>>, %arg3: memref<11x32x128xf32, #tpu.memory_space<vmem>>, %arg4: memref<1x4x32x128xf32, #tpu.memory_space<vmem>>, %arg5: memref<1x32x128xf32, #tpu.memory_space<vmem>>) attributes {dimension_semantics = [#tpu.dimension_semantics<arbitrary>, #tpu.dimension_semantics<arbitrary>], iteration_bounds = array<i64: 6, 12>, scalar_prefetch = 0 : i64, scratch_operands = 0 : i64, tpu.core_type = #tpu.core_type<tc>, window_params = [{transform_indices = @transform_0, window_bounds = array<i64: 1, 1000, 128>}, {transform_indices = @transform_1, window_bounds = array<i64: 11, 32, 128>}, {transform_indices = @transform_2, window_bounds = array<i64: 1, 4, 32, 128>}, {transform_indices = @transform_3, window_bounds = array<i64: 1, 32, 128>}]} {
    %get3A = arith.constant 0 : index
    %get3A_0 = arith.constant 0 : index
    %get3A_1 = arith.constant 0 : index
    %get3A_2 = vector.load %arg3[%get3A, %get3A_0, %get3A_1] : memref<11x32x128xf32, #tpu.memory_space<vmem>>, vector<1x32x128xf32>
    %get3A_3 = vector.shape_cast %get3A_2 : vector<1x32x128xf32> to vector<32x128xf32>
    %get3A_4 = arith.constant 1 : index
    %get3A_5 = arith.constant 0 : index
    %get3A_6 = arith.constant 0 : index
    %get3A_7 = vector.load %arg3[%get3A_4, %get3A_5, %get3A_6] : memref<11x32x128xf32, #tpu.memory_space<vmem>>, vector<1x32x128xf32>
    %get3A_8 = vector.shape_cast %get3A_7 : vector<1x32x128xf32> to vector<32x128xf32>
    %get3A_9 = arith.constant 2 : index
    %get3A_10 = arith.constant 0 : index
    %get3A_11 = arith.constant 0 : index
    %get3A_12 = vector.load %arg3[%get3A_9, %get3A_10, %get3A_11] : memref<11x32x128xf32, #tpu.memory_space<vmem>>, vector<1x32x128xf32>
    %get3A_13 = vector.shape_cast %get3A_12 : vector<1x32x128xf32> to vector<32x128xf32>
    %get3A_14 = arith.constant 3 : index
    %get3A_15 = arith.constant 0 : index
    %get3A_16 = arith.constant 0 : index
    %get3A_17 = vector.load %arg3[%get3A_14, %get3A_15, %get3A_16] : memref<11x32x128xf32, #tpu.memory_space<vmem>>, vector<1x32x128xf32>
    %get3A_18 = vector.shape_cast %get3A_17 : vector<1x32x128xf32> to vector<32x128xf32>
    %get3A_19 = arith.constant 4 : index
    %get3A_20 = arith.constant 0 : index
    %get3A_21 = arith.constant 0 : index
    %get3A_22 = vector.load %arg3[%get3A_19, %get3A_20, %get3A_21] : memref<11x32x128xf32, #tpu.memory_space<vmem>>, vector<1x32x128xf32>
    %get3A_23 = vector.shape_cast %get3A_22 : vector<1x32x128xf32> to vector<32x128xf32>
    %broadcast_in_dim3A = arith.constant 0.000000e+00 : f32
    %broadcast_in_dim3A_24 = vector.broadcast %broadcast_in_dim3A : f32 to vector<32x128xf32>
    %broadcast_in_dim3A_25 = arith.constant 1.000000e+00 : f32
    %broadcast_in_dim3A_26 = vector.broadcast %broadcast_in_dim3A_25 : f32 to vector<32x128xf32>
    %get3A_27 = arith.constant 0 : index
    %get3A_28 = arith.constant 5 : index
    %get3A_29 = arith.constant 0 : index
    %get3A_30 = vector.load %arg2[%get3A_27, %get3A_28, %get3A_29] : memref<1x1000x128xf32, #tpu.memory_space<vmem>>, vector<1x1x128xf32>
    %get3A_31 = vector.shape_cast %get3A_30 : vector<1x1x128xf32> to vector<1x128xf32>
    %broadcast_in_dim3A_32 = vector.shape_cast %get3A_31 : vector<1x128xf32> to vector<1x128xf32>
    %broadcast_in_dim3A_33 = vector.broadcast %broadcast_in_dim3A_32 : vector<1x128xf32> to vector<32x128xf32>
    %get3A_34 = arith.constant 0 : index
    %get3A_35 = arith.constant 6 : index
    %get3A_36 = arith.constant 0 : index
    %get3A_37 = vector.load %arg2[%get3A_34, %get3A_35, %get3A_36] : memref<1x1000x128xf32, #tpu.memory_space<vmem>>, vector<1x1x128xf32>
    %get3A_38 = vector.shape_cast %get3A_37 : vector<1x1x128xf32> to vector<1x128xf32>
    %broadcast_in_dim3A_39 = vector.shape_cast %get3A_38 : vector<1x128xf32> to vector<1x128xf32>
    %broadcast_in_dim3A_40 = vector.broadcast %broadcast_in_dim3A_39 : vector<1x128xf32> to vector<32x128xf32>
    %get3A_41 = arith.constant 0 : index
    %get3A_42 = arith.constant 7 : index
    %get3A_43 = arith.constant 0 : index
    %get3A_44 = vector.load %arg2[%get3A_41, %get3A_42, %get3A_43] : memref<1x1000x128xf32, #tpu.memory_space<vmem>>, vector<1x1x128xf32>
    %get3A_45 = vector.shape_cast %get3A_44 : vector<1x1x128xf32> to vector<1x128xf32>
    %broadcast_in_dim3A_46 = vector.shape_cast %get3A_45 : vector<1x128xf32> to vector<1x128xf32>
    %broadcast_in_dim3A_47 = vector.broadcast %broadcast_in_dim3A_46 : vector<1x128xf32> to vector<32x128xf32>
    %get3A_48 = arith.constant 0 : index
    %get3A_49 = arith.constant 8 : index
    %get3A_50 = arith.constant 0 : index
    %get3A_51 = vector.load %arg2[%get3A_48, %get3A_49, %get3A_50] : memref<1x1000x128xf32, #tpu.memory_space<vmem>>, vector<1x1x128xf32>
    %get3A_52 = vector.shape_cast %get3A_51 : vector<1x1x128xf32> to vector<1x128xf32>
    %broadcast_in_dim3A_53 = vector.shape_cast %get3A_52 : vector<1x128xf32> to vector<1x128xf32>
    %broadcast_in_dim3A_54 = vector.broadcast %broadcast_in_dim3A_53 : vector<1x128xf32> to vector<32x128xf32>
    %get3A_55 = arith.constant 0 : index
    %get3A_56 = arith.constant 9 : index
    %get3A_57 = arith.constant 0 : index
    %get3A_58 = vector.load %arg2[%get3A_55, %get3A_56, %get3A_57] : memref<1x1000x128xf32, #tpu.memory_space<vmem>>, vector<1x1x128xf32>
    %get3A_59 = vector.shape_cast %get3A_58 : vector<1x1x128xf32> to vector<1x128xf32>
    %broadcast_in_dim3A_60 = vector.shape_cast %get3A_59 : vector<1x128xf32> to vector<1x128xf32>
    %broadcast_in_dim3A_61 = vector.broadcast %broadcast_in_dim3A_60 : vector<1x128xf32> to vector<32x128xf32>
    %scan3A = arith.constant 0 : i32
    %scan3A_62 = arith.constant 5 : i32
    %scan3A_63 = arith.addi %scan3A, %scan3A_62 : i32
    %scan3A_64 = arith.constant 1 : i32
    %scan3A_65:7 = scf.for %scan3A_144 = %scan3A to %scan3A_63 step %scan3A_64 iter_args(%scan3A_145 = %broadcast_in_dim3A_24, %scan3A_146 = %broadcast_in_dim3A_26, %scan3A_147 = %broadcast_in_dim3A_33, %scan3A_148 = %broadcast_in_dim3A_40, %scan3A_149 = %broadcast_in_dim3A_47, %scan3A_150 = %broadcast_in_dim3A_54, %scan3A_151 = %broadcast_in_dim3A_61) -> (vector<32x128xf32>, vector<32x128xf32>, vector<32x128xf32>, vector<32x128xf32>, vector<32x128xf32>, vector<32x128xf32>, vector<32x128xf32>)  : i32 {
      %mul3A_152 = arith.constant 20 : i32
      %mul3A_153 = arith.muli %scan3A_144, %mul3A_152 : i32
      %add3A = arith.constant 0 : i32
      %add3A_154 = arith.addi %mul3A_153, %add3A : i32
      %mul3A_155 = arith.constant 10 : i32
      %mul3A_156 = arith.muli %add3A_154, %mul3A_155 : i32
      %add3A_157 = arith.constant 0 : i32
      %add3A_158 = arith.addi %mul3A_156, %add3A_157 : i32
      %get3A_159 = arith.constant 0 : index
      %get3A_160 = arith.index_cast %add3A_158 : i32 to index
      %get3A_161 = arith.constant 0 : index
      %get3A_162 = vector.load %arg2[%get3A_159, %get3A_160, %get3A_161] : memref<1x1000x128xf32, #tpu.memory_space<vmem>>, vector<1x1x128xf32>
      %get3A_163 = vector.shape_cast %get3A_162 : vector<1x1x128xf32> to vector<1x128xf32>
      %max3A = vector.broadcast %get3A_163 : vector<1x128xf32> to vector<32x128xf32>
      %max3A_164 = arith.maximumf %get3A_3, %max3A : vector<32x128xf32>
      %mul3A_165 = arith.constant 10 : i32
      %mul3A_166 = arith.muli %add3A_154, %mul3A_165 : i32
      %add3A_167 = arith.constant 1 : i32
      %add3A_168 = arith.addi %mul3A_166, %add3A_167 : i32
      %get3A_169 = arith.constant 0 : index
      %get3A_170 = arith.index_cast %add3A_168 : i32 to index
      %get3A_171 = arith.constant 0 : index
      %get3A_172 = vector.load %arg2[%get3A_169, %get3A_170, %get3A_171] : memref<1x1000x128xf32, #tpu.memory_space<vmem>>, vector<1x1x128xf32>
      %get3A_173 = vector.shape_cast %get3A_172 : vector<1x1x128xf32> to vector<1x128xf32>
      %max3A_174 = vector.broadcast %get3A_173 : vector<1x128xf32> to vector<32x128xf32>
      %max3A_175 = arith.maximumf %get3A_8, %max3A_174 : vector<32x128xf32>
      %mul3A_176 = arith.constant 10 : i32
      %mul3A_177 = arith.muli %add3A_154, %mul3A_176 : i32
      %add3A_178 = arith.constant 2 : i32
      %add3A_179 = arith.addi %mul3A_177, %add3A_178 : i32
      %get3A_180 = arith.constant 0 : index
      %get3A_181 = arith.index_cast %add3A_179 : i32 to index
      %get3A_182 = arith.constant 0 : index
      %get3A_183 = vector.load %arg2[%get3A_180, %get3A_181, %get3A_182] : memref<1x1000x128xf32, #tpu.memory_space<vmem>>, vector<1x1x128xf32>
      %get3A_184 = vector.shape_cast %get3A_183 : vector<1x1x128xf32> to vector<1x128xf32>
      %min3A = vector.broadcast %get3A_184 : vector<1x128xf32> to vector<32x128xf32>
      %min3A_185 = arith.minimumf %get3A_13, %min3A : vector<32x128xf32>
      %mul3A_186 = arith.constant 10 : i32
      %mul3A_187 = arith.muli %add3A_154, %mul3A_186 : i32
      %add3A_188 = arith.constant 3 : i32
      %add3A_189 = arith.addi %mul3A_187, %add3A_188 : i32
      %get3A_190 = arith.constant 0 : index
      %get3A_191 = arith.index_cast %add3A_189 : i32 to index
      %get3A_192 = arith.constant 0 : index
      %get3A_193 = vector.load %arg2[%get3A_190, %get3A_191, %get3A_192] : memref<1x1000x128xf32, #tpu.memory_space<vmem>>, vector<1x1x128xf32>
      %get3A_194 = vector.shape_cast %get3A_193 : vector<1x1x128xf32> to vector<1x128xf32>
      %min3A_195 = vector.broadcast %get3A_194 : vector<1x128xf32> to vector<32x128xf32>
      %min3A_196 = arith.minimumf %get3A_18, %min3A_195 : vector<32x128xf32>
      %sub3A_197 = arith.subf %min3A_185, %max3A_164 : vector<32x128xf32>
      %max3A_198 = arith.constant 0.000000e+00 : f32
      %max3A_199 = vector.broadcast %max3A_198 : f32 to vector<32x128xf32>
      %max3A_200 = arith.maximumf %sub3A_197, %max3A_199 : vector<32x128xf32>
      %sub3A_201 = arith.subf %min3A_196, %max3A_175 : vector<32x128xf32>
      %max3A_202 = arith.constant 0.000000e+00 : f32
      %max3A_203 = vector.broadcast %max3A_202 : f32 to vector<32x128xf32>
      %max3A_204 = arith.maximumf %sub3A_201, %max3A_203 : vector<32x128xf32>
      %mul3A_205 = arith.mulf %max3A_200, %max3A_204 : vector<32x128xf32>
      %mul3A_206 = arith.constant 10 : i32
      %mul3A_207 = arith.muli %add3A_154, %mul3A_206 : i32
      %add3A_208 = arith.constant 4 : i32
      %add3A_209 = arith.addi %mul3A_207, %add3A_208 : i32
      %get3A_210 = arith.constant 0 : index
      %get3A_211 = arith.index_cast %add3A_209 : i32 to index
      %get3A_212 = arith.constant 0 : index
      %get3A_213 = vector.load %arg2[%get3A_210, %get3A_211, %get3A_212] : memref<1x1000x128xf32, #tpu.memory_space<vmem>>, vector<1x1x128xf32>
      %get3A_214 = vector.shape_cast %get3A_213 : vector<1x1x128xf32> to vector<1x128xf32>
      %add3A_215 = vector.broadcast %get3A_214 : vector<1x128xf32> to vector<32x128xf32>
      %add3A_216 = arith.addf %get3A_23, %add3A_215 : vector<32x128xf32>
      %sub3A_217 = arith.subf %add3A_216, %mul3A_205 : vector<32x128xf32>
      %mul3A_218 = arith.mulf %mul3A_205, %scan3A_146 : vector<32x128xf32>
      %mul3A_219 = arith.mulf %scan3A_145, %sub3A_217 : vector<32x128xf32>
      %gt3A = arith.cmpf ogt, %mul3A_218, %mul3A_219 : vector<32x128xf32>
      %select_n3A_220 = arith.select %gt3A, %mul3A_205, %scan3A_145 : vector<32x128xi1>, vector<32x128xf32>
      %select_n3A_221 = arith.select %gt3A, %sub3A_217, %scan3A_146 : vector<32x128xi1>, vector<32x128xf32>
      %mul3A_222 = arith.constant 10 : i32
      %mul3A_223 = arith.muli %add3A_154, %mul3A_222 : i32
      %add3A_224 = arith.constant 5 : i32
      %add3A_225 = arith.addi %mul3A_223, %add3A_224 : i32
      %get3A_226 = arith.constant 0 : index
      %get3A_227 = arith.index_cast %add3A_225 : i32 to index
      %get3A_228 = arith.constant 0 : index
      %get3A_229 = vector.load %arg2[%get3A_226, %get3A_227, %get3A_228] : memref<1x1000x128xf32, #tpu.memory_space<vmem>>, vector<1x1x128xf32>
      %get3A_230 = vector.shape_cast %get3A_229 : vector<1x1x128xf32> to vector<1x128xf32>
      %broadcast_in_dim3A_231 = vector.shape_cast %get3A_230 : vector<1x128xf32> to vector<1x128xf32>
      %broadcast_in_dim3A_232 = vector.broadcast %broadcast_in_dim3A_231 : vector<1x128xf32> to vector<32x128xf32>
      %select_n3A_233 = arith.select %gt3A, %broadcast_in_dim3A_232, %scan3A_147 : vector<32x128xi1>, vector<32x128xf32>
      %mul3A_234 = arith.constant 10 : i32
      %mul3A_235 = arith.muli %add3A_154, %mul3A_234 : i32
      %add3A_236 = arith.constant 6 : i32
      %add3A_237 = arith.addi %mul3A_235, %add3A_236 : i32
      %get3A_238 = arith.constant 0 : index
      %get3A_239 = arith.index_cast %add3A_237 : i32 to index
      %get3A_240 = arith.constant 0 : index
      %get3A_241 = vector.load %arg2[%get3A_238, %get3A_239, %get3A_240] : memref<1x1000x128xf32, #tpu.memory_space<vmem>>, vector<1x1x128xf32>
      %get3A_242 = vector.shape_cast %get3A_241 : vector<1x1x128xf32> to vector<1x128xf32>
      %broadcast_in_dim3A_243 = vector.shape_cast %get3A_242 : vector<1x128xf32> to vector<1x128xf32>
      %broadcast_in_dim3A_244 = vector.broadcast %broadcast_in_dim3A_243 : vector<1x128xf32> to vector<32x128xf32>
      %select_n3A_245 = arith.select %gt3A, %broadcast_in_dim3A_244, %scan3A_148 : vector<32x128xi1>, vector<32x128xf32>
      %mul3A_246 = arith.constant 10 : i32
      %mul3A_247 = arith.muli %add3A_154, %mul3A_246 : i32
      %add3A_248 = arith.constant 7 : i32
      %add3A_249 = arith.addi %mul3A_247, %add3A_248 : i32
      %get3A_250 = arith.constant 0 : index
      %get3A_251 = arith.index_cast %add3A_249 : i32 to index
      %get3A_252 = arith.constant 0 : index
      %get3A_253 = vector.load %arg2[%get3A_250, %get3A_251, %get3A_252] : memref<1x1000x128xf32, #tpu.memory_space<vmem>>, vector<1x1x128xf32>
      %get3A_254 = vector.shape_cast %get3A_253 : vector<1x1x128xf32> to vector<1x128xf32>
      %broadcast_in_dim3A_255 = vector.shape_cast %get3A_254 : vector<1x128xf32> to vector<1x128xf32>
      %broadcast_in_dim3A_256 = vector.broadcast %broadcast_in_dim3A_255 : vector<1x128xf32> to vector<32x128xf32>
      %select_n3A_257 = arith.select %gt3A, %broadcast_in_dim3A_256, %scan3A_149 : vector<32x128xi1>, vector<32x128xf32>
      %mul3A_258 = arith.constant 10 : i32
      %mul3A_259 = arith.muli %add3A_154, %mul3A_258 : i32
      %add3A_260 = arith.constant 8 : i32
      %add3A_261 = arith.addi %mul3A_259, %add3A_260 : i32
      %get3A_262 = arith.constant 0 : index
      %get3A_263 = arith.index_cast %add3A_261 : i32 to index
      %get3A_264 = arith.constant 0 : index
      %get3A_265 = vector.load %arg2[%get3A_262, %get3A_263, %get3A_264] : memref<1x1000x128xf32, #tpu.memory_space<vmem>>, vector<1x1x128xf32>
      %get3A_266 = vector.shape_cast %get3A_265 : vector<1x1x128xf32> to vector<1x128xf32>
      %broadcast_in_dim3A_267 = vector.shape_cast %get3A_266 : vector<1x128xf32> to vector<1x128xf32>
      %broadcast_in_dim3A_268 = vector.broadcast %broadcast_in_dim3A_267 : vector<1x128xf32> to vector<32x128xf32>
      %select_n3A_269 = arith.select %gt3A, %broadcast_in_dim3A_268, %scan3A_150 : vector<32x128xi1>, vector<32x128xf32>
      %mul3A_270 = arith.constant 10 : i32
      %mul3A_271 = arith.muli %add3A_154, %mul3A_270 : i32
      %add3A_272 = arith.constant 9 : i32
      %add3A_273 = arith.addi %mul3A_271, %add3A_272 : i32
      %get3A_274 = arith.constant 0 : index
      %get3A_275 = arith.index_cast %add3A_273 : i32 to index
      %get3A_276 = arith.constant 0 : index
      %get3A_277 = vector.load %arg2[%get3A_274, %get3A_275, %get3A_276] : memref<1x1000x128xf32, #tpu.memory_space<vmem>>, vector<1x1x128xf32>
      %get3A_278 = vector.shape_cast %get3A_277 : vector<1x1x128xf32> to vector<1x128xf32>
      %broadcast_in_dim3A_279 = vector.shape_cast %get3A_278 : vector<1x128xf32> to vector<1x128xf32>
      %broadcast_in_dim3A_280 = vector.broadcast %broadcast_in_dim3A_279 : vector<1x128xf32> to vector<32x128xf32>
      %select_n3A_281 = arith.select %gt3A, %broadcast_in_dim3A_280, %scan3A_151 : vector<32x128xi1>, vector<32x128xf32>
      %mul3A_282 = arith.constant 20 : i32
      %mul3A_283 = arith.muli %scan3A_144, %mul3A_282 : i32
      %add3A_284 = arith.constant 1 : i32
      %add3A_285 = arith.addi %mul3A_283, %add3A_284 : i32
      %mul3A_286 = arith.constant 10 : i32
      %mul3A_287 = arith.muli %add3A_285, %mul3A_286 : i32
      %add3A_288 = arith.constant 0 : i32
      %add3A_289 = arith.addi %mul3A_287, %add3A_288 : i32
      %get3A_290 = arith.constant 0 : index
      %get3A_291 = arith.index_cast %add3A_289 : i32 to index
      %get3A_292 = arith.constant 0 : index
      %get3A_293 = vector.load %arg2[%get3A_290, %get3A_291, %get3A_292] : memref<1x1000x128xf32, #tpu.memory_space<vmem>>, vector<1x1x128xf32>
      %get3A_294 = vector.shape_cast %get3A_293 : vector<1x1x128xf32> to vector<1x128xf32>
      %max3A_295 = vector.broadcast %get3A_294 : vector<1x128xf32> to vector<32x128xf32>
      %max3A_296 = arith.maximumf %get3A_3, %max3A_295 : vector<32x128xf32>
      %mul3A_297 = arith.constant 10 : i32
      %mul3A_298 = arith.muli %add3A_285, %mul3A_297 : i32
      %add3A_299 = arith.constant 1 : i32
      %add3A_300 = arith.addi %mul3A_298, %add3A_299 : i32
      %get3A_301 = arith.constant 0 : index
      %get3A_302 = arith.index_cast %add3A_300 : i32 to index
      %get3A_303 = arith.constant 0 : index
      %get3A_304 = vector.load %arg2[%get3A_301, %get3A_302, %get3A_303] : memref<1x1000x128xf32, #tpu.memory_space<vmem>>, vector<1x1x128xf32>
      %get3A_305 = vector.shape_cast %get3A_304 : vector<1x1x128xf32> to vector<1x128xf32>
      %max3A_306 = vector.broadcast %get3A_305 : vector<1x128xf32> to vector<32x128xf32>
      %max3A_307 = arith.maximumf %get3A_8, %max3A_306 : vector<32x128xf32>
      %mul3A_308 = arith.constant 10 : i32
      %mul3A_309 = arith.muli %add3A_285, %mul3A_308 : i32
      %add3A_310 = arith.constant 2 : i32
      %add3A_311 = arith.addi %mul3A_309, %add3A_310 : i32
      %get3A_312 = arith.constant 0 : index
      %get3A_313 = arith.index_cast %add3A_311 : i32 to index
      %get3A_314 = arith.constant 0 : index
      %get3A_315 = vector.load %arg2[%get3A_312, %get3A_313, %get3A_314] : memref<1x1000x128xf32, #tpu.memory_space<vmem>>, vector<1x1x128xf32>
      %get3A_316 = vector.shape_cast %get3A_315 : vector<1x1x128xf32> to vector<1x128xf32>
      %min3A_317 = vector.broadcast %get3A_316 : vector<1x128xf32> to vector<32x128xf32>
      %min3A_318 = arith.minimumf %get3A_13, %min3A_317 : vector<32x128xf32>
      %mul3A_319 = arith.constant 10 : i32
      %mul3A_320 = arith.muli %add3A_285, %mul3A_319 : i32
      %add3A_321 = arith.constant 3 : i32
      %add3A_322 = arith.addi %mul3A_320, %add3A_321 : i32
      %get3A_323 = arith.constant 0 : index
      %get3A_324 = arith.index_cast %add3A_322 : i32 to index
      %get3A_325 = arith.constant 0 : index
      %get3A_326 = vector.load %arg2[%get3A_323, %get3A_324, %get3A_325] : memref<1x1000x128xf32, #tpu.memory_space<vmem>>, vector<1x1x128xf32>
      %get3A_327 = vector.shape_cast %get3A_326 : vector<1x1x128xf32> to vector<1x128xf32>
      %min3A_328 = vector.broadcast %get3A_327 : vector<1x128xf32> to vector<32x128xf32>
      %min3A_329 = arith.minimumf %get3A_18, %min3A_328 : vector<32x128xf32>
      %sub3A_330 = arith.subf %min3A_318, %max3A_296 : vector<32x128xf32>
      %max3A_331 = arith.constant 0.000000e+00 : f32
      %max3A_332 = vector.broadcast %max3A_331 : f32 to vector<32x128xf32>
      %max3A_333 = arith.maximumf %sub3A_330, %max3A_332 : vector<32x128xf32>
      %sub3A_334 = arith.subf %min3A_329, %max3A_307 : vector<32x128xf32>
      %max3A_335 = arith.constant 0.000000e+00 : f32
      %max3A_336 = vector.broadcast %max3A_335 : f32 to vector<32x128xf32>
      %max3A_337 = arith.maximumf %sub3A_334, %max3A_336 : vector<32x128xf32>
      %mul3A_338 = arith.mulf %max3A_333, %max3A_337 : vector<32x128xf32>
      %mul3A_339 = arith.constant 10 : i32
      %mul3A_340 = arith.muli %add3A_285, %mul3A_339 : i32
      %add3A_341 = arith.constant 4 : i32
      %add3A_342 = arith.addi %mul3A_340, %add3A_341 : i32
      %get3A_343 = arith.constant 0 : index
      %get3A_344 = arith.index_cast %add3A_342 : i32 to index
      %get3A_345 = arith.constant 0 : index
      %get3A_346 = vector.load %arg2[%get3A_343, %get3A_344, %get3A_345] : memref<1x1000x128xf32, #tpu.memory_space<vmem>>, vector<1x1x128xf32>
      %get3A_347 = vector.shape_cast %get3A_346 : vector<1x1x128xf32> to vector<1x128xf32>
      %add3A_348 = vector.broadcast %get3A_347 : vector<1x128xf32> to vector<32x128xf32>
      %add3A_349 = arith.addf %get3A_23, %add3A_348 : vector<32x128xf32>
      %sub3A_350 = arith.subf %add3A_349, %mul3A_338 : vector<32x128xf32>
      %mul3A_351 = arith.mulf %mul3A_338, %select_n3A_221 : vector<32x128xf32>
      %mul3A_352 = arith.mulf %select_n3A_220, %sub3A_350 : vector<32x128xf32>
      %gt3A_353 = arith.cmpf ogt, %mul3A_351, %mul3A_352 : vector<32x128xf32>
      %select_n3A_354 = arith.select %gt3A_353, %mul3A_338, %select_n3A_220 : vector<32x128xi1>, vector<32x128xf32>
      %select_n3A_355 = arith.select %gt3A_353, %sub3A_350, %select_n3A_221 : vector<32x128xi1>, vector<32x128xf32>
      %mul3A_356 = arith.constant 10 : i32
      %mul3A_357 = arith.muli %add3A_285, %mul3A_356 : i32
      %add3A_358 = arith.constant 5 : i32
      %add3A_359 = arith.addi %mul3A_357, %add3A_358 : i32
      %get3A_360 = arith.constant 0 : index
      %get3A_361 = arith.index_cast %add3A_359 : i32 to index
      %get3A_362 = arith.constant 0 : index
      %get3A_363 = vector.load %arg2[%get3A_360, %get3A_361, %get3A_362] : memref<1x1000x128xf32, #tpu.memory_space<vmem>>, vector<1x1x128xf32>
      %get3A_364 = vector.shape_cast %get3A_363 : vector<1x1x128xf32> to vector<1x128xf32>
      %broadcast_in_dim3A_365 = vector.shape_cast %get3A_364 : vector<1x128xf32> to vector<1x128xf32>
      %broadcast_in_dim3A_366 = vector.broadcast %broadcast_in_dim3A_365 : vector<1x128xf32> to vector<32x128xf32>
      %select_n3A_367 = arith.select %gt3A_353, %broadcast_in_dim3A_366, %select_n3A_233 : vector<32x128xi1>, vector<32x128xf32>
      %mul3A_368 = arith.constant 10 : i32
      %mul3A_369 = arith.muli %add3A_285, %mul3A_368 : i32
      %add3A_370 = arith.constant 6 : i32
      %add3A_371 = arith.addi %mul3A_369, %add3A_370 : i32
      %get3A_372 = arith.constant 0 : index
      %get3A_373 = arith.index_cast %add3A_371 : i32 to index
      %get3A_374 = arith.constant 0 : index
      %get3A_375 = vector.load %arg2[%get3A_372, %get3A_373, %get3A_374] : memref<1x1000x128xf32, #tpu.memory_space<vmem>>, vector<1x1x128xf32>
      %get3A_376 = vector.shape_cast %get3A_375 : vector<1x1x128xf32> to vector<1x128xf32>
      %broadcast_in_dim3A_377 = vector.shape_cast %get3A_376 : vector<1x128xf32> to vector<1x128xf32>
      %broadcast_in_dim3A_378 = vector.broadcast %broadcast_in_dim3A_377 : vector<1x128xf32> to vector<32x128xf32>
      %select_n3A_379 = arith.select %gt3A_353, %broadcast_in_dim3A_378, %select_n3A_245 : vector<32x128xi1>, vector<32x128xf32>
      %mul3A_380 = arith.constant 10 : i32
      %mul3A_381 = arith.muli %add3A_285, %mul3A_380 : i32
      %add3A_382 = arith.constant 7 : i32
      %add3A_383 = arith.addi %mul3A_381, %add3A_382 : i32
      %get3A_384 = arith.constant 0 : index
      %get3A_385 = arith.index_cast %add3A_383 : i32 to index
      %get3A_386 = arith.constant 0 : index
      %get3A_387 = vector.load %arg2[%get3A_384, %get3A_385, %get3A_386] : memref<1x1000x128xf32, #tpu.memory_space<vmem>>, vector<1x1x128xf32>
      %get3A_388 = vector.shape_cast %get3A_387 : vector<1x1x128xf32> to vector<1x128xf32>
      %broadcast_in_dim3A_389 = vector.shape_cast %get3A_388 : vector<1x128xf32> to vector<1x128xf32>
      %broadcast_in_dim3A_390 = vector.broadcast %broadcast_in_dim3A_389 : vector<1x128xf32> to vector<32x128xf32>
      %select_n3A_391 = arith.select %gt3A_353, %broadcast_in_dim3A_390, %select_n3A_257 : vector<32x128xi1>, vector<32x128xf32>
      %mul3A_392 = arith.constant 10 : i32
      %mul3A_393 = arith.muli %add3A_285, %mul3A_392 : i32
      %add3A_394 = arith.constant 8 : i32
      %add3A_395 = arith.addi %mul3A_393, %add3A_394 : i32
      %get3A_396 = arith.constant 0 : index
      %get3A_397 = arith.index_cast %add3A_395 : i32 to index
      %get3A_398 = arith.constant 0 : index
      %get3A_399 = vector.load %arg2[%get3A_396, %get3A_397, %get3A_398] : memref<1x1000x128xf32, #tpu.memory_space<vmem>>, vector<1x1x128xf32>
      %get3A_400 = vector.shape_cast %get3A_399 : vector<1x1x128xf32> to vector<1x128xf32>
      %broadcast_in_dim3A_401 = vector.shape_cast %get3A_400 : vector<1x128xf32> to vector<1x128xf32>
      %broadcast_in_dim3A_402 = vector.broadcast %broadcast_in_dim3A_401 : vector<1x128xf32> to vector<32x128xf32>
      %select_n3A_403 = arith.select %gt3A_353, %broadcast_in_dim3A_402, %select_n3A_269 : vector<32x128xi1>, vector<32x128xf32>
      %mul3A_404 = arith.constant 10 : i32
      %mul3A_405 = arith.muli %add3A_285, %mul3A_404 : i32
      %add3A_406 = arith.constant 9 : i32
      %add3A_407 = arith.addi %mul3A_405, %add3A_406 : i32
      %get3A_408 = arith.constant 0 : index
      %get3A_409 = arith.index_cast %add3A_407 : i32 to index
      %get3A_410 = arith.constant 0 : index
      %get3A_411 = vector.load %arg2[%get3A_408, %get3A_409, %get3A_410] : memref<1x1000x128xf32, #tpu.memory_space<vmem>>, vector<1x1x128xf32>
      %get3A_412 = vector.shape_cast %get3A_411 : vector<1x1x128xf32> to vector<1x128xf32>
      %broadcast_in_dim3A_413 = vector.shape_cast %get3A_412 : vector<1x128xf32> to vector<1x128xf32>
      %broadcast_in_dim3A_414 = vector.broadcast %broadcast_in_dim3A_413 : vector<1x128xf32> to vector<32x128xf32>
      %select_n3A_415 = arith.select %gt3A_353, %broadcast_in_dim3A_414, %select_n3A_281 : vector<32x128xi1>, vector<32x128xf32>
      %mul3A_416 = arith.constant 20 : i32
      %mul3A_417 = arith.muli %scan3A_144, %mul3A_416 : i32
      %add3A_418 = arith.constant 2 : i32
      %add3A_419 = arith.addi %mul3A_417, %add3A_418 : i32
      %mul3A_420 = arith.constant 10 : i32
      %mul3A_421 = arith.muli %add3A_419, %mul3A_420 : i32
      %add3A_422 = arith.constant 0 : i32
      %add3A_423 = arith.addi %mul3A_421, %add3A_422 : i32
      %get3A_424 = arith.constant 0 : index
      %get3A_425 = arith.index_cast %add3A_423 : i32 to index
      %get3A_426 = arith.constant 0 : index
      %get3A_427 = vector.load %arg2[%get3A_424, %get3A_425, %get3A_426] : memref<1x1000x128xf32, #tpu.memory_space<vmem>>, vector<1x1x128xf32>
      %get3A_428 = vector.shape_cast %get3A_427 : vector<1x1x128xf32> to vector<1x128xf32>
      %max3A_429 = vector.broadcast %get3A_428 : vector<1x128xf32> to vector<32x128xf32>
      %max3A_430 = arith.maximumf %get3A_3, %max3A_429 : vector<32x128xf32>
      %mul3A_431 = arith.constant 10 : i32
      %mul3A_432 = arith.muli %add3A_419, %mul3A_431 : i32
      %add3A_433 = arith.constant 1 : i32
      %add3A_434 = arith.addi %mul3A_432, %add3A_433 : i32
      %get3A_435 = arith.constant 0 : index
      %get3A_436 = arith.index_cast %add3A_434 : i32 to index
      %get3A_437 = arith.constant 0 : index
      %get3A_438 = vector.load %arg2[%get3A_435, %get3A_436, %get3A_437] : memref<1x1000x128xf32, #tpu.memory_space<vmem>>, vector<1x1x128xf32>
      %get3A_439 = vector.shape_cast %get3A_438 : vector<1x1x128xf32> to vector<1x128xf32>
      %max3A_440 = vector.broadcast %get3A_439 : vector<1x128xf32> to vector<32x128xf32>
      %max3A_441 = arith.maximumf %get3A_8, %max3A_440 : vector<32x128xf32>
      %mul3A_442 = arith.constant 10 : i32
      %mul3A_443 = arith.muli %add3A_419, %mul3A_442 : i32
      %add3A_444 = arith.constant 2 : i32
      %add3A_445 = arith.addi %mul3A_443, %add3A_444 : i32
      %get3A_446 = arith.constant 0 : index
      %get3A_447 = arith.index_cast %add3A_445 : i32 to index
      %get3A_448 = arith.constant 0 : index
      %get3A_449 = vector.load %arg2[%get3A_446, %get3A_447, %get3A_448] : memref<1x1000x128xf32, #tpu.memory_space<vmem>>, vector<1x1x128xf32>
      %get3A_450 = vector.shape_cast %get3A_449 : vector<1x1x128xf32> to vector<1x128xf32>
      %min3A_451 = vector.broadcast %get3A_450 : vector<1x128xf32> to vector<32x128xf32>
      %min3A_452 = arith.minimumf %get3A_13, %min3A_451 : vector<32x128xf32>
      %mul3A_453 = arith.constant 10 : i32
      %mul3A_454 = arith.muli %add3A_419, %mul3A_453 : i32
      %add3A_455 = arith.constant 3 : i32
      %add3A_456 = arith.addi %mul3A_454, %add3A_455 : i32
      %get3A_457 = arith.constant 0 : index
      %get3A_458 = arith.index_cast %add3A_456 : i32 to index
      %get3A_459 = arith.constant 0 : index
      %get3A_460 = vector.load %arg2[%get3A_457, %get3A_458, %get3A_459] : memref<1x1000x128xf32, #tpu.memory_space<vmem>>, vector<1x1x128xf32>
      %get3A_461 = vector.shape_cast %get3A_460 : vector<1x1x128xf32> to vector<1x128xf32>
      %min3A_462 = vector.broadcast %get3A_461 : vector<1x128xf32> to vector<32x128xf32>
      %min3A_463 = arith.minimumf %get3A_18, %min3A_462 : vector<32x128xf32>
      %sub3A_464 = arith.subf %min3A_452, %max3A_430 : vector<32x128xf32>
      %max3A_465 = arith.constant 0.000000e+00 : f32
      %max3A_466 = vector.broadcast %max3A_465 : f32 to vector<32x128xf32>
      %max3A_467 = arith.maximumf %sub3A_464, %max3A_466 : vector<32x128xf32>
      %sub3A_468 = arith.subf %min3A_463, %max3A_441 : vector<32x128xf32>
      %max3A_469 = arith.constant 0.000000e+00 : f32
      %max3A_470 = vector.broadcast %max3A_469 : f32 to vector<32x128xf32>
      %max3A_471 = arith.maximumf %sub3A_468, %max3A_470 : vector<32x128xf32>
      %mul3A_472 = arith.mulf %max3A_467, %max3A_471 : vector<32x128xf32>
      %mul3A_473 = arith.constant 10 : i32
      %mul3A_474 = arith.muli %add3A_419, %mul3A_473 : i32
      %add3A_475 = arith.constant 4 : i32
      %add3A_476 = arith.addi %mul3A_474, %add3A_475 : i32
      %get3A_477 = arith.constant 0 : index
      %get3A_478 = arith.index_cast %add3A_476 : i32 to index
      %get3A_479 = arith.constant 0 : index
      %get3A_480 = vector.load %arg2[%get3A_477, %get3A_478, %get3A_479] : memref<1x1000x128xf32, #tpu.memory_space<vmem>>, vector<1x1x128xf32>
      %get3A_481 = vector.shape_cast %get3A_480 : vector<1x1x128xf32> to vector<1x128xf32>
      %add3A_482 = vector.broadcast %get3A_481 : vector<1x128xf32> to vector<32x128xf32>
      %add3A_483 = arith.addf %get3A_23, %add3A_482 : vector<32x128xf32>
      %sub3A_484 = arith.subf %add3A_483, %mul3A_472 : vector<32x128xf32>
      %mul3A_485 = arith.mulf %mul3A_472, %select_n3A_355 : vector<32x128xf32>
      %mul3A_486 = arith.mulf %select_n3A_354, %sub3A_484 : vector<32x128xf32>
      %gt3A_487 = arith.cmpf ogt, %mul3A_485, %mul3A_486 : vector<32x128xf32>
      %select_n3A_488 = arith.select %gt3A_487, %mul3A_472, %select_n3A_354 : vector<32x128xi1>, vector<32x128xf32>
      %select_n3A_489 = arith.select %gt3A_487, %sub3A_484, %select_n3A_355 : vector<32x128xi1>, vector<32x128xf32>
      %mul3A_490 = arith.constant 10 : i32
      %mul3A_491 = arith.muli %add3A_419, %mul3A_490 : i32
      %add3A_492 = arith.constant 5 : i32
      %add3A_493 = arith.addi %mul3A_491, %add3A_492 : i32
      %get3A_494 = arith.constant 0 : index
      %get3A_495 = arith.index_cast %add3A_493 : i32 to index
      %get3A_496 = arith.constant 0 : index
      %get3A_497 = vector.load %arg2[%get3A_494, %get3A_495, %get3A_496] : memref<1x1000x128xf32, #tpu.memory_space<vmem>>, vector<1x1x128xf32>
      %get3A_498 = vector.shape_cast %get3A_497 : vector<1x1x128xf32> to vector<1x128xf32>
      %broadcast_in_dim3A_499 = vector.shape_cast %get3A_498 : vector<1x128xf32> to vector<1x128xf32>
      %broadcast_in_dim3A_500 = vector.broadcast %broadcast_in_dim3A_499 : vector<1x128xf32> to vector<32x128xf32>
      %select_n3A_501 = arith.select %gt3A_487, %broadcast_in_dim3A_500, %select_n3A_367 : vector<32x128xi1>, vector<32x128xf32>
      %mul3A_502 = arith.constant 10 : i32
      %mul3A_503 = arith.muli %add3A_419, %mul3A_502 : i32
      %add3A_504 = arith.constant 6 : i32
      %add3A_505 = arith.addi %mul3A_503, %add3A_504 : i32
      %get3A_506 = arith.constant 0 : index
      %get3A_507 = arith.index_cast %add3A_505 : i32 to index
      %get3A_508 = arith.constant 0 : index
      %get3A_509 = vector.load %arg2[%get3A_506, %get3A_507, %get3A_508] : memref<1x1000x128xf32, #tpu.memory_space<vmem>>, vector<1x1x128xf32>
      %get3A_510 = vector.shape_cast %get3A_509 : vector<1x1x128xf32> to vector<1x128xf32>
      %broadcast_in_dim3A_511 = vector.shape_cast %get3A_510 : vector<1x128xf32> to vector<1x128xf32>
      %broadcast_in_dim3A_512 = vector.broadcast %broadcast_in_dim3A_511 : vector<1x128xf32> to vector<32x128xf32>
      %select_n3A_513 = arith.select %gt3A_487, %broadcast_in_dim3A_512, %select_n3A_379 : vector<32x128xi1>, vector<32x128xf32>
      %mul3A_514 = arith.constant 10 : i32
      %mul3A_515 = arith.muli %add3A_419, %mul3A_514 : i32
      %add3A_516 = arith.constant 7 : i32
      %add3A_517 = arith.addi %mul3A_515, %add3A_516 : i32
      %get3A_518 = arith.constant 0 : index
      %get3A_519 = arith.index_cast %add3A_517 : i32 to index
      %get3A_520 = arith.constant 0 : index
      %get3A_521 = vector.load %arg2[%get3A_518, %get3A_519, %get3A_520] : memref<1x1000x128xf32, #tpu.memory_space<vmem>>, vector<1x1x128xf32>
      %get3A_522 = vector.shape_cast %get3A_521 : vector<1x1x128xf32> to vector<1x128xf32>
      %broadcast_in_dim3A_523 = vector.shape_cast %get3A_522 : vector<1x128xf32> to vector<1x128xf32>
      %broadcast_in_dim3A_524 = vector.broadcast %broadcast_in_dim3A_523 : vector<1x128xf32> to vector<32x128xf32>
      %select_n3A_525 = arith.select %gt3A_487, %broadcast_in_dim3A_524, %select_n3A_391 : vector<32x128xi1>, vector<32x128xf32>
      %mul3A_526 = arith.constant 10 : i32
      %mul3A_527 = arith.muli %add3A_419, %mul3A_526 : i32
      %add3A_528 = arith.constant 8 : i32
      %add3A_529 = arith.addi %mul3A_527, %add3A_528 : i32
      %get3A_530 = arith.constant 0 : index
      %get3A_531 = arith.index_cast %add3A_529 : i32 to index
      %get3A_532 = arith.constant 0 : index
      %get3A_533 = vector.load %arg2[%get3A_530, %get3A_531, %get3A_532] : memref<1x1000x128xf32, #tpu.memory_space<vmem>>, vector<1x1x128xf32>
      %get3A_534 = vector.shape_cast %get3A_533 : vector<1x1x128xf32> to vector<1x128xf32>
      %broadcast_in_dim3A_535 = vector.shape_cast %get3A_534 : vector<1x128xf32> to vector<1x128xf32>
      %broadcast_in_dim3A_536 = vector.broadcast %broadcast_in_dim3A_535 : vector<1x128xf32> to vector<32x128xf32>
      %select_n3A_537 = arith.select %gt3A_487, %broadcast_in_dim3A_536, %select_n3A_403 : vector<32x128xi1>, vector<32x128xf32>
      %mul3A_538 = arith.constant 10 : i32
      %mul3A_539 = arith.muli %add3A_419, %mul3A_538 : i32
      %add3A_540 = arith.constant 9 : i32
      %add3A_541 = arith.addi %mul3A_539, %add3A_540 : i32
      %get3A_542 = arith.constant 0 : index
      %get3A_543 = arith.index_cast %add3A_541 : i32 to index
      %get3A_544 = arith.constant 0 : index
      %get3A_545 = vector.load %arg2[%get3A_542, %get3A_543, %get3A_544] : memref<1x1000x128xf32, #tpu.memory_space<vmem>>, vector<1x1x128xf32>
      %get3A_546 = vector.shape_cast %get3A_545 : vector<1x1x128xf32> to vector<1x128xf32>
      %broadcast_in_dim3A_547 = vector.shape_cast %get3A_546 : vector<1x128xf32> to vector<1x128xf32>
      %broadcast_in_dim3A_548 = vector.broadcast %broadcast_in_dim3A_547 : vector<1x128xf32> to vector<32x128xf32>
      %select_n3A_549 = arith.select %gt3A_487, %broadcast_in_dim3A_548, %select_n3A_415 : vector<32x128xi1>, vector<32x128xf32>
      %mul3A_550 = arith.constant 20 : i32
      %mul3A_551 = arith.muli %scan3A_144, %mul3A_550 : i32
      %add3A_552 = arith.constant 3 : i32
      %add3A_553 = arith.addi %mul3A_551, %add3A_552 : i32
      %mul3A_554 = arith.constant 10 : i32
      %mul3A_555 = arith.muli %add3A_553, %mul3A_554 : i32
      %add3A_556 = arith.constant 0 : i32
      %add3A_557 = arith.addi %mul3A_555, %add3A_556 : i32
      %get3A_558 = arith.constant 0 : index
      %get3A_559 = arith.index_cast %add3A_557 : i32 to index
      %get3A_560 = arith.constant 0 : index
      %get3A_561 = vector.load %arg2[%get3A_558, %get3A_559, %get3A_560] : memref<1x1000x128xf32, #tpu.memory_space<vmem>>, vector<1x1x128xf32>
      %get3A_562 = vector.shape_cast %get3A_561 : vector<1x1x128xf32> to vector<1x128xf32>
      %max3A_563 = vector.broadcast %get3A_562 : vector<1x128xf32> to vector<32x128xf32>
      %max3A_564 = arith.maximumf %get3A_3, %max3A_563 : vector<32x128xf32>
      %mul3A_565 = arith.constant 10 : i32
      %mul3A_566 = arith.muli %add3A_553, %mul3A_565 : i32
      %add3A_567 = arith.constant 1 : i32
      %add3A_568 = arith.addi %mul3A_566, %add3A_567 : i32
      %get3A_569 = arith.constant 0 : index
      %get3A_570 = arith.index_cast %add3A_568 : i32 to index
      %get3A_571 = arith.constant 0 : index
      %get3A_572 = vector.load %arg2[%get3A_569, %get3A_570, %get3A_571] : memref<1x1000x128xf32, #tpu.memory_space<vmem>>, vector<1x1x128xf32>
      %get3A_573 = vector.shape_cast %get3A_572 : vector<1x1x128xf32> to vector<1x128xf32>
      %max3A_574 = vector.broadcast %get3A_573 : vector<1x128xf32> to vector<32x128xf32>
      %max3A_575 = arith.maximumf %get3A_8, %max3A_574 : vector<32x128xf32>
      %mul3A_576 = arith.constant 10 : i32
      %mul3A_577 = arith.muli %add3A_553, %mul3A_576 : i32
      %add3A_578 = arith.constant 2 : i32
      %add3A_579 = arith.addi %mul3A_577, %add3A_578 : i32
      %get3A_580 = arith.constant 0 : index
      %get3A_581 = arith.index_cast %add3A_579 : i32 to index
      %get3A_582 = arith.constant 0 : index
      %get3A_583 = vector.load %arg2[%get3A_580, %get3A_581, %get3A_582] : memref<1x1000x128xf32, #tpu.memory_space<vmem>>, vector<1x1x128xf32>
      %get3A_584 = vector.shape_cast %get3A_583 : vector<1x1x128xf32> to vector<1x128xf32>
      %min3A_585 = vector.broadcast %get3A_584 : vector<1x128xf32> to vector<32x128xf32>
      %min3A_586 = arith.minimumf %get3A_13, %min3A_585 : vector<32x128xf32>
      %mul3A_587 = arith.constant 10 : i32
      %mul3A_588 = arith.muli %add3A_553, %mul3A_587 : i32
      %add3A_589 = arith.constant 3 : i32
      %add3A_590 = arith.addi %mul3A_588, %add3A_589 : i32
      %get3A_591 = arith.constant 0 : index
      %get3A_592 = arith.index_cast %add3A_590 : i32 to index
      %get3A_593 = arith.constant 0 : index
      %get3A_594 = vector.load %arg2[%get3A_591, %get3A_592, %get3A_593] : memref<1x1000x128xf32, #tpu.memory_space<vmem>>, vector<1x1x128xf32>
      %get3A_595 = vector.shape_cast %get3A_594 : vector<1x1x128xf32> to vector<1x128xf32>
      %min3A_596 = vector.broadcast %get3A_595 : vector<1x128xf32> to vector<32x128xf32>
      %min3A_597 = arith.minimumf %get3A_18, %min3A_596 : vector<32x128xf32>
      %sub3A_598 = arith.subf %min3A_586, %max3A_564 : vector<32x128xf32>
      %max3A_599 = arith.constant 0.000000e+00 : f32
      %max3A_600 = vector.broadcast %max3A_599 : f32 to vector<32x128xf32>
      %max3A_601 = arith.maximumf %sub3A_598, %max3A_600 : vector<32x128xf32>
      %sub3A_602 = arith.subf %min3A_597, %max3A_575 : vector<32x128xf32>
      %max3A_603 = arith.constant 0.000000e+00 : f32
      %max3A_604 = vector.broadcast %max3A_603 : f32 to vector<32x128xf32>
      %max3A_605 = arith.maximumf %sub3A_602, %max3A_604 : vector<32x128xf32>
      %mul3A_606 = arith.mulf %max3A_601, %max3A_605 : vector<32x128xf32>
      %mul3A_607 = arith.constant 10 : i32
      %mul3A_608 = arith.muli %add3A_553, %mul3A_607 : i32
      %add3A_609 = arith.constant 4 : i32
      %add3A_610 = arith.addi %mul3A_608, %add3A_609 : i32
      %get3A_611 = arith.constant 0 : index
      %get3A_612 = arith.index_cast %add3A_610 : i32 to index
      %get3A_613 = arith.constant 0 : index
      %get3A_614 = vector.load %arg2[%get3A_611, %get3A_612, %get3A_613] : memref<1x1000x128xf32, #tpu.memory_space<vmem>>, vector<1x1x128xf32>
      %get3A_615 = vector.shape_cast %get3A_614 : vector<1x1x128xf32> to vector<1x128xf32>
      %add3A_616 = vector.broadcast %get3A_615 : vector<1x128xf32> to vector<32x128xf32>
      %add3A_617 = arith.addf %get3A_23, %add3A_616 : vector<32x128xf32>
      %sub3A_618 = arith.subf %add3A_617, %mul3A_606 : vector<32x128xf32>
      %mul3A_619 = arith.mulf %mul3A_606, %select_n3A_489 : vector<32x128xf32>
      %mul3A_620 = arith.mulf %select_n3A_488, %sub3A_618 : vector<32x128xf32>
      %gt3A_621 = arith.cmpf ogt, %mul3A_619, %mul3A_620 : vector<32x128xf32>
      %select_n3A_622 = arith.select %gt3A_621, %mul3A_606, %select_n3A_488 : vector<32x128xi1>, vector<32x128xf32>
      %select_n3A_623 = arith.select %gt3A_621, %sub3A_618, %select_n3A_489 : vector<32x128xi1>, vector<32x128xf32>
      %mul3A_624 = arith.constant 10 : i32
      %mul3A_625 = arith.muli %add3A_553, %mul3A_624 : i32
      %add3A_626 = arith.constant 5 : i32
      %add3A_627 = arith.addi %mul3A_625, %add3A_626 : i32
      %get3A_628 = arith.constant 0 : index
      %get3A_629 = arith.index_cast %add3A_627 : i32 to index
      %get3A_630 = arith.constant 0 : index
      %get3A_631 = vector.load %arg2[%get3A_628, %get3A_629, %get3A_630] : memref<1x1000x128xf32, #tpu.memory_space<vmem>>, vector<1x1x128xf32>
      %get3A_632 = vector.shape_cast %get3A_631 : vector<1x1x128xf32> to vector<1x128xf32>
      %broadcast_in_dim3A_633 = vector.shape_cast %get3A_632 : vector<1x128xf32> to vector<1x128xf32>
      %broadcast_in_dim3A_634 = vector.broadcast %broadcast_in_dim3A_633 : vector<1x128xf32> to vector<32x128xf32>
      %select_n3A_635 = arith.select %gt3A_621, %broadcast_in_dim3A_634, %select_n3A_501 : vector<32x128xi1>, vector<32x128xf32>
      %mul3A_636 = arith.constant 10 : i32
      %mul3A_637 = arith.muli %add3A_553, %mul3A_636 : i32
      %add3A_638 = arith.constant 6 : i32
      %add3A_639 = arith.addi %mul3A_637, %add3A_638 : i32
      %get3A_640 = arith.constant 0 : index
      %get3A_641 = arith.index_cast %add3A_639 : i32 to index
      %get3A_642 = arith.constant 0 : index
      %get3A_643 = vector.load %arg2[%get3A_640, %get3A_641, %get3A_642] : memref<1x1000x128xf32, #tpu.memory_space<vmem>>, vector<1x1x128xf32>
      %get3A_644 = vector.shape_cast %get3A_643 : vector<1x1x128xf32> to vector<1x128xf32>
      %broadcast_in_dim3A_645 = vector.shape_cast %get3A_644 : vector<1x128xf32> to vector<1x128xf32>
      %broadcast_in_dim3A_646 = vector.broadcast %broadcast_in_dim3A_645 : vector<1x128xf32> to vector<32x128xf32>
      %select_n3A_647 = arith.select %gt3A_621, %broadcast_in_dim3A_646, %select_n3A_513 : vector<32x128xi1>, vector<32x128xf32>
      %mul3A_648 = arith.constant 10 : i32
      %mul3A_649 = arith.muli %add3A_553, %mul3A_648 : i32
      %add3A_650 = arith.constant 7 : i32
      %add3A_651 = arith.addi %mul3A_649, %add3A_650 : i32
      %get3A_652 = arith.constant 0 : index
      %get3A_653 = arith.index_cast %add3A_651 : i32 to index
      %get3A_654 = arith.constant 0 : index
      %get3A_655 = vector.load %arg2[%get3A_652, %get3A_653, %get3A_654] : memref<1x1000x128xf32, #tpu.memory_space<vmem>>, vector<1x1x128xf32>
      %get3A_656 = vector.shape_cast %get3A_655 : vector<1x1x128xf32> to vector<1x128xf32>
      %broadcast_in_dim3A_657 = vector.shape_cast %get3A_656 : vector<1x128xf32> to vector<1x128xf32>
      %broadcast_in_dim3A_658 = vector.broadcast %broadcast_in_dim3A_657 : vector<1x128xf32> to vector<32x128xf32>
      %select_n3A_659 = arith.select %gt3A_621, %broadcast_in_dim3A_658, %select_n3A_525 : vector<32x128xi1>, vector<32x128xf32>
      %mul3A_660 = arith.constant 10 : i32
      %mul3A_661 = arith.muli %add3A_553, %mul3A_660 : i32
      %add3A_662 = arith.constant 8 : i32
      %add3A_663 = arith.addi %mul3A_661, %add3A_662 : i32
      %get3A_664 = arith.constant 0 : index
      %get3A_665 = arith.index_cast %add3A_663 : i32 to index
      %get3A_666 = arith.constant 0 : index
      %get3A_667 = vector.load %arg2[%get3A_664, %get3A_665, %get3A_666] : memref<1x1000x128xf32, #tpu.memory_space<vmem>>, vector<1x1x128xf32>
      %get3A_668 = vector.shape_cast %get3A_667 : vector<1x1x128xf32> to vector<1x128xf32>
      %broadcast_in_dim3A_669 = vector.shape_cast %get3A_668 : vector<1x128xf32> to vector<1x128xf32>
      %broadcast_in_dim3A_670 = vector.broadcast %broadcast_in_dim3A_669 : vector<1x128xf32> to vector<32x128xf32>
      %select_n3A_671 = arith.select %gt3A_621, %broadcast_in_dim3A_670, %select_n3A_537 : vector<32x128xi1>, vector<32x128xf32>
      %mul3A_672 = arith.constant 10 : i32
      %mul3A_673 = arith.muli %add3A_553, %mul3A_672 : i32
      %add3A_674 = arith.constant 9 : i32
      %add3A_675 = arith.addi %mul3A_673, %add3A_674 : i32
      %get3A_676 = arith.constant 0 : index
      %get3A_677 = arith.index_cast %add3A_675 : i32 to index
      %get3A_678 = arith.constant 0 : index
      %get3A_679 = vector.load %arg2[%get3A_676, %get3A_677, %get3A_678] : memref<1x1000x128xf32, #tpu.memory_space<vmem>>, vector<1x1x128xf32>
      %get3A_680 = vector.shape_cast %get3A_679 : vector<1x1x128xf32> to vector<1x128xf32>
      %broadcast_in_dim3A_681 = vector.shape_cast %get3A_680 : vector<1x128xf32> to vector<1x128xf32>
      %broadcast_in_dim3A_682 = vector.broadcast %broadcast_in_dim3A_681 : vector<1x128xf32> to vector<32x128xf32>
      %select_n3A_683 = arith.select %gt3A_621, %broadcast_in_dim3A_682, %select_n3A_549 : vector<32x128xi1>, vector<32x128xf32>
      %mul3A_684 = arith.constant 20 : i32
      %mul3A_685 = arith.muli %scan3A_144, %mul3A_684 : i32
      %add3A_686 = arith.constant 4 : i32
      %add3A_687 = arith.addi %mul3A_685, %add3A_686 : i32
      %mul3A_688 = arith.constant 10 : i32
      %mul3A_689 = arith.muli %add3A_687, %mul3A_688 : i32
      %add3A_690 = arith.constant 0 : i32
      %add3A_691 = arith.addi %mul3A_689, %add3A_690 : i32
      %get3A_692 = arith.constant 0 : index
      %get3A_693 = arith.index_cast %add3A_691 : i32 to index
      %get3A_694 = arith.constant 0 : index
      %get3A_695 = vector.load %arg2[%get3A_692, %get3A_693, %get3A_694] : memref<1x1000x128xf32, #tpu.memory_space<vmem>>, vector<1x1x128xf32>
      %get3A_696 = vector.shape_cast %get3A_695 : vector<1x1x128xf32> to vector<1x128xf32>
      %max3A_697 = vector.broadcast %get3A_696 : vector<1x128xf32> to vector<32x128xf32>
      %max3A_698 = arith.maximumf %get3A_3, %max3A_697 : vector<32x128xf32>
      %mul3A_699 = arith.constant 10 : i32
      %mul3A_700 = arith.muli %add3A_687, %mul3A_699 : i32
      %add3A_701 = arith.constant 1 : i32
      %add3A_702 = arith.addi %mul3A_700, %add3A_701 : i32
      %get3A_703 = arith.constant 0 : index
      %get3A_704 = arith.index_cast %add3A_702 : i32 to index
      %get3A_705 = arith.constant 0 : index
      %get3A_706 = vector.load %arg2[%get3A_703, %get3A_704, %get3A_705] : memref<1x1000x128xf32, #tpu.memory_space<vmem>>, vector<1x1x128xf32>
      %get3A_707 = vector.shape_cast %get3A_706 : vector<1x1x128xf32> to vector<1x128xf32>
      %max3A_708 = vector.broadcast %get3A_707 : vector<1x128xf32> to vector<32x128xf32>
      %max3A_709 = arith.maximumf %get3A_8, %max3A_708 : vector<32x128xf32>
      %mul3A_710 = arith.constant 10 : i32
      %mul3A_711 = arith.muli %add3A_687, %mul3A_710 : i32
      %add3A_712 = arith.constant 2 : i32
      %add3A_713 = arith.addi %mul3A_711, %add3A_712 : i32
      %get3A_714 = arith.constant 0 : index
      %get3A_715 = arith.index_cast %add3A_713 : i32 to index
      %get3A_716 = arith.constant 0 : index
      %get3A_717 = vector.load %arg2[%get3A_714, %get3A_715, %get3A_716] : memref<1x1000x128xf32, #tpu.memory_space<vmem>>, vector<1x1x128xf32>
      %get3A_718 = vector.shape_cast %get3A_717 : vector<1x1x128xf32> to vector<1x128xf32>
      %min3A_719 = vector.broadcast %get3A_718 : vector<1x128xf32> to vector<32x128xf32>
      %min3A_720 = arith.minimumf %get3A_13, %min3A_719 : vector<32x128xf32>
      %mul3A_721 = arith.constant 10 : i32
      %mul3A_722 = arith.muli %add3A_687, %mul3A_721 : i32
      %add3A_723 = arith.constant 3 : i32
      %add3A_724 = arith.addi %mul3A_722, %add3A_723 : i32
      %get3A_725 = arith.constant 0 : index
      %get3A_726 = arith.index_cast %add3A_724 : i32 to index
      %get3A_727 = arith.constant 0 : index
      %get3A_728 = vector.load %arg2[%get3A_725, %get3A_726, %get3A_727] : memref<1x1000x128xf32, #tpu.memory_space<vmem>>, vector<1x1x128xf32>
      %get3A_729 = vector.shape_cast %get3A_728 : vector<1x1x128xf32> to vector<1x128xf32>
      %min3A_730 = vector.broadcast %get3A_729 : vector<1x128xf32> to vector<32x128xf32>
      %min3A_731 = arith.minimumf %get3A_18, %min3A_730 : vector<32x128xf32>
      %sub3A_732 = arith.subf %min3A_720, %max3A_698 : vector<32x128xf32>
      %max3A_733 = arith.constant 0.000000e+00 : f32
      %max3A_734 = vector.broadcast %max3A_733 : f32 to vector<32x128xf32>
      %max3A_735 = arith.maximumf %sub3A_732, %max3A_734 : vector<32x128xf32>
      %sub3A_736 = arith.subf %min3A_731, %max3A_709 : vector<32x128xf32>
      %max3A_737 = arith.constant 0.000000e+00 : f32
      %max3A_738 = vector.broadcast %max3A_737 : f32 to vector<32x128xf32>
      %max3A_739 = arith.maximumf %sub3A_736, %max3A_738 : vector<32x128xf32>
      %mul3A_740 = arith.mulf %max3A_735, %max3A_739 : vector<32x128xf32>
      %mul3A_741 = arith.constant 10 : i32
      %mul3A_742 = arith.muli %add3A_687, %mul3A_741 : i32
      %add3A_743 = arith.constant 4 : i32
      %add3A_744 = arith.addi %mul3A_742, %add3A_743 : i32
      %get3A_745 = arith.constant 0 : index
      %get3A_746 = arith.index_cast %add3A_744 : i32 to index
      %get3A_747 = arith.constant 0 : index
      %get3A_748 = vector.load %arg2[%get3A_745, %get3A_746, %get3A_747] : memref<1x1000x128xf32, #tpu.memory_space<vmem>>, vector<1x1x128xf32>
      %get3A_749 = vector.shape_cast %get3A_748 : vector<1x1x128xf32> to vector<1x128xf32>
      %add3A_750 = vector.broadcast %get3A_749 : vector<1x128xf32> to vector<32x128xf32>
      %add3A_751 = arith.addf %get3A_23, %add3A_750 : vector<32x128xf32>
      %sub3A_752 = arith.subf %add3A_751, %mul3A_740 : vector<32x128xf32>
      %mul3A_753 = arith.mulf %mul3A_740, %select_n3A_623 : vector<32x128xf32>
      %mul3A_754 = arith.mulf %select_n3A_622, %sub3A_752 : vector<32x128xf32>
      %gt3A_755 = arith.cmpf ogt, %mul3A_753, %mul3A_754 : vector<32x128xf32>
      %select_n3A_756 = arith.select %gt3A_755, %mul3A_740, %select_n3A_622 : vector<32x128xi1>, vector<32x128xf32>
      %select_n3A_757 = arith.select %gt3A_755, %sub3A_752, %select_n3A_623 : vector<32x128xi1>, vector<32x128xf32>
      %mul3A_758 = arith.constant 10 : i32
      %mul3A_759 = arith.muli %add3A_687, %mul3A_758 : i32
      %add3A_760 = arith.constant 5 : i32
      %add3A_761 = arith.addi %mul3A_759, %add3A_760 : i32
      %get3A_762 = arith.constant 0 : index
      %get3A_763 = arith.index_cast %add3A_761 : i32 to index
      %get3A_764 = arith.constant 0 : index
      %get3A_765 = vector.load %arg2[%get3A_762, %get3A_763, %get3A_764] : memref<1x1000x128xf32, #tpu.memory_space<vmem>>, vector<1x1x128xf32>
      %get3A_766 = vector.shape_cast %get3A_765 : vector<1x1x128xf32> to vector<1x128xf32>
      %broadcast_in_dim3A_767 = vector.shape_cast %get3A_766 : vector<1x128xf32> to vector<1x128xf32>
      %broadcast_in_dim3A_768 = vector.broadcast %broadcast_in_dim3A_767 : vector<1x128xf32> to vector<32x128xf32>
      %select_n3A_769 = arith.select %gt3A_755, %broadcast_in_dim3A_768, %select_n3A_635 : vector<32x128xi1>, vector<32x128xf32>
      %mul3A_770 = arith.constant 10 : i32
      %mul3A_771 = arith.muli %add3A_687, %mul3A_770 : i32
      %add3A_772 = arith.constant 6 : i32
      %add3A_773 = arith.addi %mul3A_771, %add3A_772 : i32
      %get3A_774 = arith.constant 0 : index
      %get3A_775 = arith.index_cast %add3A_773 : i32 to index
      %get3A_776 = arith.constant 0 : index
      %get3A_777 = vector.load %arg2[%get3A_774, %get3A_775, %get3A_776] : memref<1x1000x128xf32, #tpu.memory_space<vmem>>, vector<1x1x128xf32>
      %get3A_778 = vector.shape_cast %get3A_777 : vector<1x1x128xf32> to vector<1x128xf32>
      %broadcast_in_dim3A_779 = vector.shape_cast %get3A_778 : vector<1x128xf32> to vector<1x128xf32>
      %broadcast_in_dim3A_780 = vector.broadcast %broadcast_in_dim3A_779 : vector<1x128xf32> to vector<32x128xf32>
      %select_n3A_781 = arith.select %gt3A_755, %broadcast_in_dim3A_780, %select_n3A_647 : vector<32x128xi1>, vector<32x128xf32>
      %mul3A_782 = arith.constant 10 : i32
      %mul3A_783 = arith.muli %add3A_687, %mul3A_782 : i32
      %add3A_784 = arith.constant 7 : i32
      %add3A_785 = arith.addi %mul3A_783, %add3A_784 : i32
      %get3A_786 = arith.constant 0 : index
      %get3A_787 = arith.index_cast %add3A_785 : i32 to index
      %get3A_788 = arith.constant 0 : index
      %get3A_789 = vector.load %arg2[%get3A_786, %get3A_787, %get3A_788] : memref<1x1000x128xf32, #tpu.memory_space<vmem>>, vector<1x1x128xf32>
      %get3A_790 = vector.shape_cast %get3A_789 : vector<1x1x128xf32> to vector<1x128xf32>
      %broadcast_in_dim3A_791 = vector.shape_cast %get3A_790 : vector<1x128xf32> to vector<1x128xf32>
      %broadcast_in_dim3A_792 = vector.broadcast %broadcast_in_dim3A_791 : vector<1x128xf32> to vector<32x128xf32>
      %select_n3A_793 = arith.select %gt3A_755, %broadcast_in_dim3A_792, %select_n3A_659 : vector<32x128xi1>, vector<32x128xf32>
      %mul3A_794 = arith.constant 10 : i32
      %mul3A_795 = arith.muli %add3A_687, %mul3A_794 : i32
      %add3A_796 = arith.constant 8 : i32
      %add3A_797 = arith.addi %mul3A_795, %add3A_796 : i32
      %get3A_798 = arith.constant 0 : index
      %get3A_799 = arith.index_cast %add3A_797 : i32 to index
      %get3A_800 = arith.constant 0 : index
      %get3A_801 = vector.load %arg2[%get3A_798, %get3A_799, %get3A_800] : memref<1x1000x128xf32, #tpu.memory_space<vmem>>, vector<1x1x128xf32>
      %get3A_802 = vector.shape_cast %get3A_801 : vector<1x1x128xf32> to vector<1x128xf32>
      %broadcast_in_dim3A_803 = vector.shape_cast %get3A_802 : vector<1x128xf32> to vector<1x128xf32>
      %broadcast_in_dim3A_804 = vector.broadcast %broadcast_in_dim3A_803 : vector<1x128xf32> to vector<32x128xf32>
      %select_n3A_805 = arith.select %gt3A_755, %broadcast_in_dim3A_804, %select_n3A_671 : vector<32x128xi1>, vector<32x128xf32>
      %mul3A_806 = arith.constant 10 : i32
      %mul3A_807 = arith.muli %add3A_687, %mul3A_806 : i32
      %add3A_808 = arith.constant 9 : i32
      %add3A_809 = arith.addi %mul3A_807, %add3A_808 : i32
      %get3A_810 = arith.constant 0 : index
      %get3A_811 = arith.index_cast %add3A_809 : i32 to index
      %get3A_812 = arith.constant 0 : index
      %get3A_813 = vector.load %arg2[%get3A_810, %get3A_811, %get3A_812] : memref<1x1000x128xf32, #tpu.memory_space<vmem>>, vector<1x1x128xf32>
      %get3A_814 = vector.shape_cast %get3A_813 : vector<1x1x128xf32> to vector<1x128xf32>
      %broadcast_in_dim3A_815 = vector.shape_cast %get3A_814 : vector<1x128xf32> to vector<1x128xf32>
      %broadcast_in_dim3A_816 = vector.broadcast %broadcast_in_dim3A_815 : vector<1x128xf32> to vector<32x128xf32>
      %select_n3A_817 = arith.select %gt3A_755, %broadcast_in_dim3A_816, %select_n3A_683 : vector<32x128xi1>, vector<32x128xf32>
      %mul3A_818 = arith.constant 20 : i32
      %mul3A_819 = arith.muli %scan3A_144, %mul3A_818 : i32
      %add3A_820 = arith.constant 5 : i32
      %add3A_821 = arith.addi %mul3A_819, %add3A_820 : i32
      %mul3A_822 = arith.constant 10 : i32
      %mul3A_823 = arith.muli %add3A_821, %mul3A_822 : i32
      %add3A_824 = arith.constant 0 : i32
      %add3A_825 = arith.addi %mul3A_823, %add3A_824 : i32
      %get3A_826 = arith.constant 0 : index
      %get3A_827 = arith.index_cast %add3A_825 : i32 to index
      %get3A_828 = arith.constant 0 : index
      %get3A_829 = vector.load %arg2[%get3A_826, %get3A_827, %get3A_828] : memref<1x1000x128xf32, #tpu.memory_space<vmem>>, vector<1x1x128xf32>
      %get3A_830 = vector.shape_cast %get3A_829 : vector<1x1x128xf32> to vector<1x128xf32>
      %max3A_831 = vector.broadcast %get3A_830 : vector<1x128xf32> to vector<32x128xf32>
      %max3A_832 = arith.maximumf %get3A_3, %max3A_831 : vector<32x128xf32>
      %mul3A_833 = arith.constant 10 : i32
      %mul3A_834 = arith.muli %add3A_821, %mul3A_833 : i32
      %add3A_835 = arith.constant 1 : i32
      %add3A_836 = arith.addi %mul3A_834, %add3A_835 : i32
      %get3A_837 = arith.constant 0 : index
      %get3A_838 = arith.index_cast %add3A_836 : i32 to index
      %get3A_839 = arith.constant 0 : index
      %get3A_840 = vector.load %arg2[%get3A_837, %get3A_838, %get3A_839] : memref<1x1000x128xf32, #tpu.memory_space<vmem>>, vector<1x1x128xf32>
      %get3A_841 = vector.shape_cast %get3A_840 : vector<1x1x128xf32> to vector<1x128xf32>
      %max3A_842 = vector.broadcast %get3A_841 : vector<1x128xf32> to vector<32x128xf32>
      %max3A_843 = arith.maximumf %get3A_8, %max3A_842 : vector<32x128xf32>
      %mul3A_844 = arith.constant 10 : i32
      %mul3A_845 = arith.muli %add3A_821, %mul3A_844 : i32
      %add3A_846 = arith.constant 2 : i32
      %add3A_847 = arith.addi %mul3A_845, %add3A_846 : i32
      %get3A_848 = arith.constant 0 : index
      %get3A_849 = arith.index_cast %add3A_847 : i32 to index
      %get3A_850 = arith.constant 0 : index
      %get3A_851 = vector.load %arg2[%get3A_848, %get3A_849, %get3A_850] : memref<1x1000x128xf32, #tpu.memory_space<vmem>>, vector<1x1x128xf32>
      %get3A_852 = vector.shape_cast %get3A_851 : vector<1x1x128xf32> to vector<1x128xf32>
      %min3A_853 = vector.broadcast %get3A_852 : vector<1x128xf32> to vector<32x128xf32>
      %min3A_854 = arith.minimumf %get3A_13, %min3A_853 : vector<32x128xf32>
      %mul3A_855 = arith.constant 10 : i32
      %mul3A_856 = arith.muli %add3A_821, %mul3A_855 : i32
      %add3A_857 = arith.constant 3 : i32
      %add3A_858 = arith.addi %mul3A_856, %add3A_857 : i32
      %get3A_859 = arith.constant 0 : index
      %get3A_860 = arith.index_cast %add3A_858 : i32 to index
      %get3A_861 = arith.constant 0 : index
      %get3A_862 = vector.load %arg2[%get3A_859, %get3A_860, %get3A_861] : memref<1x1000x128xf32, #tpu.memory_space<vmem>>, vector<1x1x128xf32>
      %get3A_863 = vector.shape_cast %get3A_862 : vector<1x1x128xf32> to vector<1x128xf32>
      %min3A_864 = vector.broadcast %get3A_863 : vector<1x128xf32> to vector<32x128xf32>
      %min3A_865 = arith.minimumf %get3A_18, %min3A_864 : vector<32x128xf32>
      %sub3A_866 = arith.subf %min3A_854, %max3A_832 : vector<32x128xf32>
      %max3A_867 = arith.constant 0.000000e+00 : f32
      %max3A_868 = vector.broadcast %max3A_867 : f32 to vector<32x128xf32>
      %max3A_869 = arith.maximumf %sub3A_866, %max3A_868 : vector<32x128xf32>
      %sub3A_870 = arith.subf %min3A_865, %max3A_843 : vector<32x128xf32>
      %max3A_871 = arith.constant 0.000000e+00 : f32
      %max3A_872 = vector.broadcast %max3A_871 : f32 to vector<32x128xf32>
      %max3A_873 = arith.maximumf %sub3A_870, %max3A_872 : vector<32x128xf32>
      %mul3A_874 = arith.mulf %max3A_869, %max3A_873 : vector<32x128xf32>
      %mul3A_875 = arith.constant 10 : i32
      %mul3A_876 = arith.muli %add3A_821, %mul3A_875 : i32
      %add3A_877 = arith.constant 4 : i32
      %add3A_878 = arith.addi %mul3A_876, %add3A_877 : i32
      %get3A_879 = arith.constant 0 : index
      %get3A_880 = arith.index_cast %add3A_878 : i32 to index
      %get3A_881 = arith.constant 0 : index
      %get3A_882 = vector.load %arg2[%get3A_879, %get3A_880, %get3A_881] : memref<1x1000x128xf32, #tpu.memory_space<vmem>>, vector<1x1x128xf32>
      %get3A_883 = vector.shape_cast %get3A_882 : vector<1x1x128xf32> to vector<1x128xf32>
      %add3A_884 = vector.broadcast %get3A_883 : vector<1x128xf32> to vector<32x128xf32>
      %add3A_885 = arith.addf %get3A_23, %add3A_884 : vector<32x128xf32>
      %sub3A_886 = arith.subf %add3A_885, %mul3A_874 : vector<32x128xf32>
      %mul3A_887 = arith.mulf %mul3A_874, %select_n3A_757 : vector<32x128xf32>
      %mul3A_888 = arith.mulf %select_n3A_756, %sub3A_886 : vector<32x128xf32>
      %gt3A_889 = arith.cmpf ogt, %mul3A_887, %mul3A_888 : vector<32x128xf32>
      %select_n3A_890 = arith.select %gt3A_889, %mul3A_874, %select_n3A_756 : vector<32x128xi1>, vector<32x128xf32>
      %select_n3A_891 = arith.select %gt3A_889, %sub3A_886, %select_n3A_757 : vector<32x128xi1>, vector<32x128xf32>
      %mul3A_892 = arith.constant 10 : i32
      %mul3A_893 = arith.muli %add3A_821, %mul3A_892 : i32
      %add3A_894 = arith.constant 5 : i32
      %add3A_895 = arith.addi %mul3A_893, %add3A_894 : i32
      %get3A_896 = arith.constant 0 : index
      %get3A_897 = arith.index_cast %add3A_895 : i32 to index
      %get3A_898 = arith.constant 0 : index
      %get3A_899 = vector.load %arg2[%get3A_896, %get3A_897, %get3A_898] : memref<1x1000x128xf32, #tpu.memory_space<vmem>>, vector<1x1x128xf32>
      %get3A_900 = vector.shape_cast %get3A_899 : vector<1x1x128xf32> to vector<1x128xf32>
      %broadcast_in_dim3A_901 = vector.shape_cast %get3A_900 : vector<1x128xf32> to vector<1x128xf32>
      %broadcast_in_dim3A_902 = vector.broadcast %broadcast_in_dim3A_901 : vector<1x128xf32> to vector<32x128xf32>
      %select_n3A_903 = arith.select %gt3A_889, %broadcast_in_dim3A_902, %select_n3A_769 : vector<32x128xi1>, vector<32x128xf32>
      %mul3A_904 = arith.constant 10 : i32
      %mul3A_905 = arith.muli %add3A_821, %mul3A_904 : i32
      %add3A_906 = arith.constant 6 : i32
      %add3A_907 = arith.addi %mul3A_905, %add3A_906 : i32
      %get3A_908 = arith.constant 0 : index
      %get3A_909 = arith.index_cast %add3A_907 : i32 to index
      %get3A_910 = arith.constant 0 : index
      %get3A_911 = vector.load %arg2[%get3A_908, %get3A_909, %get3A_910] : memref<1x1000x128xf32, #tpu.memory_space<vmem>>, vector<1x1x128xf32>
      %get3A_912 = vector.shape_cast %get3A_911 : vector<1x1x128xf32> to vector<1x128xf32>
      %broadcast_in_dim3A_913 = vector.shape_cast %get3A_912 : vector<1x128xf32> to vector<1x128xf32>
      %broadcast_in_dim3A_914 = vector.broadcast %broadcast_in_dim3A_913 : vector<1x128xf32> to vector<32x128xf32>
      %select_n3A_915 = arith.select %gt3A_889, %broadcast_in_dim3A_914, %select_n3A_781 : vector<32x128xi1>, vector<32x128xf32>
      %mul3A_916 = arith.constant 10 : i32
      %mul3A_917 = arith.muli %add3A_821, %mul3A_916 : i32
      %add3A_918 = arith.constant 7 : i32
      %add3A_919 = arith.addi %mul3A_917, %add3A_918 : i32
      %get3A_920 = arith.constant 0 : index
      %get3A_921 = arith.index_cast %add3A_919 : i32 to index
      %get3A_922 = arith.constant 0 : index
      %get3A_923 = vector.load %arg2[%get3A_920, %get3A_921, %get3A_922] : memref<1x1000x128xf32, #tpu.memory_space<vmem>>, vector<1x1x128xf32>
      %get3A_924 = vector.shape_cast %get3A_923 : vector<1x1x128xf32> to vector<1x128xf32>
      %broadcast_in_dim3A_925 = vector.shape_cast %get3A_924 : vector<1x128xf32> to vector<1x128xf32>
      %broadcast_in_dim3A_926 = vector.broadcast %broadcast_in_dim3A_925 : vector<1x128xf32> to vector<32x128xf32>
      %select_n3A_927 = arith.select %gt3A_889, %broadcast_in_dim3A_926, %select_n3A_793 : vector<32x128xi1>, vector<32x128xf32>
      %mul3A_928 = arith.constant 10 : i32
      %mul3A_929 = arith.muli %add3A_821, %mul3A_928 : i32
      %add3A_930 = arith.constant 8 : i32
      %add3A_931 = arith.addi %mul3A_929, %add3A_930 : i32
      %get3A_932 = arith.constant 0 : index
      %get3A_933 = arith.index_cast %add3A_931 : i32 to index
      %get3A_934 = arith.constant 0 : index
      %get3A_935 = vector.load %arg2[%get3A_932, %get3A_933, %get3A_934] : memref<1x1000x128xf32, #tpu.memory_space<vmem>>, vector<1x1x128xf32>
      %get3A_936 = vector.shape_cast %get3A_935 : vector<1x1x128xf32> to vector<1x128xf32>
      %broadcast_in_dim3A_937 = vector.shape_cast %get3A_936 : vector<1x128xf32> to vector<1x128xf32>
      %broadcast_in_dim3A_938 = vector.broadcast %broadcast_in_dim3A_937 : vector<1x128xf32> to vector<32x128xf32>
      %select_n3A_939 = arith.select %gt3A_889, %broadcast_in_dim3A_938, %select_n3A_805 : vector<32x128xi1>, vector<32x128xf32>
      %mul3A_940 = arith.constant 10 : i32
      %mul3A_941 = arith.muli %add3A_821, %mul3A_940 : i32
      %add3A_942 = arith.constant 9 : i32
      %add3A_943 = arith.addi %mul3A_941, %add3A_942 : i32
      %get3A_944 = arith.constant 0 : index
      %get3A_945 = arith.index_cast %add3A_943 : i32 to index
      %get3A_946 = arith.constant 0 : index
      %get3A_947 = vector.load %arg2[%get3A_944, %get3A_945, %get3A_946] : memref<1x1000x128xf32, #tpu.memory_space<vmem>>, vector<1x1x128xf32>
      %get3A_948 = vector.shape_cast %get3A_947 : vector<1x1x128xf32> to vector<1x128xf32>
      %broadcast_in_dim3A_949 = vector.shape_cast %get3A_948 : vector<1x128xf32> to vector<1x128xf32>
      %broadcast_in_dim3A_950 = vector.broadcast %broadcast_in_dim3A_949 : vector<1x128xf32> to vector<32x128xf32>
      %select_n3A_951 = arith.select %gt3A_889, %broadcast_in_dim3A_950, %select_n3A_817 : vector<32x128xi1>, vector<32x128xf32>
      %mul3A_952 = arith.constant 20 : i32
      %mul3A_953 = arith.muli %scan3A_144, %mul3A_952 : i32
      %add3A_954 = arith.constant 6 : i32
      %add3A_955 = arith.addi %mul3A_953, %add3A_954 : i32
      %mul3A_956 = arith.constant 10 : i32
      %mul3A_957 = arith.muli %add3A_955, %mul3A_956 : i32
      %add3A_958 = arith.constant 0 : i32
      %add3A_959 = arith.addi %mul3A_957, %add3A_958 : i32
      %get3A_960 = arith.constant 0 : index
      %get3A_961 = arith.index_cast %add3A_959 : i32 to index
      %get3A_962 = arith.constant 0 : index
      %get3A_963 = vector.load %arg2[%get3A_960, %get3A_961, %get3A_962] : memref<1x1000x128xf32, #tpu.memory_space<vmem>>, vector<1x1x128xf32>
      %get3A_964 = vector.shape_cast %get3A_963 : vector<1x1x128xf32> to vector<1x128xf32>
      %max3A_965 = vector.broadcast %get3A_964 : vector<1x128xf32> to vector<32x128xf32>
      %max3A_966 = arith.maximumf %get3A_3, %max3A_965 : vector<32x128xf32>
      %mul3A_967 = arith.constant 10 : i32
      %mul3A_968 = arith.muli %add3A_955, %mul3A_967 : i32
      %add3A_969 = arith.constant 1 : i32
      %add3A_970 = arith.addi %mul3A_968, %add3A_969 : i32
      %get3A_971 = arith.constant 0 : index
      %get3A_972 = arith.index_cast %add3A_970 : i32 to index
      %get3A_973 = arith.constant 0 : index
      %get3A_974 = vector.load %arg2[%get3A_971, %get3A_972, %get3A_973] : memref<1x1000x128xf32, #tpu.memory_space<vmem>>, vector<1x1x128xf32>
      %get3A_975 = vector.shape_cast %get3A_974 : vector<1x1x128xf32> to vector<1x128xf32>
      %max3A_976 = vector.broadcast %get3A_975 : vector<1x128xf32> to vector<32x128xf32>
      %max3A_977 = arith.maximumf %get3A_8, %max3A_976 : vector<32x128xf32>
      %mul3A_978 = arith.constant 10 : i32
      %mul3A_979 = arith.muli %add3A_955, %mul3A_978 : i32
      %add3A_980 = arith.constant 2 : i32
      %add3A_981 = arith.addi %mul3A_979, %add3A_980 : i32
      %get3A_982 = arith.constant 0 : index
      %get3A_983 = arith.index_cast %add3A_981 : i32 to index
      %get3A_984 = arith.constant 0 : index
      %get3A_985 = vector.load %arg2[%get3A_982, %get3A_983, %get3A_984] : memref<1x1000x128xf32, #tpu.memory_space<vmem>>, vector<1x1x128xf32>
      %get3A_986 = vector.shape_cast %get3A_985 : vector<1x1x128xf32> to vector<1x128xf32>
      %min3A_987 = vector.broadcast %get3A_986 : vector<1x128xf32> to vector<32x128xf32>
      %min3A_988 = arith.minimumf %get3A_13, %min3A_987 : vector<32x128xf32>
      %mul3A_989 = arith.constant 10 : i32
      %mul3A_990 = arith.muli %add3A_955, %mul3A_989 : i32
      %add3A_991 = arith.constant 3 : i32
      %add3A_992 = arith.addi %mul3A_990, %add3A_991 : i32
      %get3A_993 = arith.constant 0 : index
      %get3A_994 = arith.index_cast %add3A_992 : i32 to index
      %get3A_995 = arith.constant 0 : index
      %get3A_996 = vector.load %arg2[%get3A_993, %get3A_994, %get3A_995] : memref<1x1000x128xf32, #tpu.memory_space<vmem>>, vector<1x1x128xf32>
      %get3A_997 = vector.shape_cast %get3A_996 : vector<1x1x128xf32> to vector<1x128xf32>
      %min3A_998 = vector.broadcast %get3A_997 : vector<1x128xf32> to vector<32x128xf32>
      %min3A_999 = arith.minimumf %get3A_18, %min3A_998 : vector<32x128xf32>
      %sub3A_1000 = arith.subf %min3A_988, %max3A_966 : vector<32x128xf32>
      %max3A_1001 = arith.constant 0.000000e+00 : f32
      %max3A_1002 = vector.broadcast %max3A_1001 : f32 to vector<32x128xf32>
      %max3A_1003 = arith.maximumf %sub3A_1000, %max3A_1002 : vector<32x128xf32>
      %sub3A_1004 = arith.subf %min3A_999, %max3A_977 : vector<32x128xf32>
      %max3A_1005 = arith.constant 0.000000e+00 : f32
      %max3A_1006 = vector.broadcast %max3A_1005 : f32 to vector<32x128xf32>
      %max3A_1007 = arith.maximumf %sub3A_1004, %max3A_1006 : vector<32x128xf32>
      %mul3A_1008 = arith.mulf %max3A_1003, %max3A_1007 : vector<32x128xf32>
      %mul3A_1009 = arith.constant 10 : i32
      %mul3A_1010 = arith.muli %add3A_955, %mul3A_1009 : i32
      %add3A_1011 = arith.constant 4 : i32
      %add3A_1012 = arith.addi %mul3A_1010, %add3A_1011 : i32
      %get3A_1013 = arith.constant 0 : index
      %get3A_1014 = arith.index_cast %add3A_1012 : i32 to index
      %get3A_1015 = arith.constant 0 : index
      %get3A_1016 = vector.load %arg2[%get3A_1013, %get3A_1014, %get3A_1015] : memref<1x1000x128xf32, #tpu.memory_space<vmem>>, vector<1x1x128xf32>
      %get3A_1017 = vector.shape_cast %get3A_1016 : vector<1x1x128xf32> to vector<1x128xf32>
      %add3A_1018 = vector.broadcast %get3A_1017 : vector<1x128xf32> to vector<32x128xf32>
      %add3A_1019 = arith.addf %get3A_23, %add3A_1018 : vector<32x128xf32>
      %sub3A_1020 = arith.subf %add3A_1019, %mul3A_1008 : vector<32x128xf32>
      %mul3A_1021 = arith.mulf %mul3A_1008, %select_n3A_891 : vector<32x128xf32>
      %mul3A_1022 = arith.mulf %select_n3A_890, %sub3A_1020 : vector<32x128xf32>
      %gt3A_1023 = arith.cmpf ogt, %mul3A_1021, %mul3A_1022 : vector<32x128xf32>
      %select_n3A_1024 = arith.select %gt3A_1023, %mul3A_1008, %select_n3A_890 : vector<32x128xi1>, vector<32x128xf32>
      %select_n3A_1025 = arith.select %gt3A_1023, %sub3A_1020, %select_n3A_891 : vector<32x128xi1>, vector<32x128xf32>
      %mul3A_1026 = arith.constant 10 : i32
      %mul3A_1027 = arith.muli %add3A_955, %mul3A_1026 : i32
      %add3A_1028 = arith.constant 5 : i32
      %add3A_1029 = arith.addi %mul3A_1027, %add3A_1028 : i32
      %get3A_1030 = arith.constant 0 : index
      %get3A_1031 = arith.index_cast %add3A_1029 : i32 to index
      %get3A_1032 = arith.constant 0 : index
      %get3A_1033 = vector.load %arg2[%get3A_1030, %get3A_1031, %get3A_1032] : memref<1x1000x128xf32, #tpu.memory_space<vmem>>, vector<1x1x128xf32>
      %get3A_1034 = vector.shape_cast %get3A_1033 : vector<1x1x128xf32> to vector<1x128xf32>
      %broadcast_in_dim3A_1035 = vector.shape_cast %get3A_1034 : vector<1x128xf32> to vector<1x128xf32>
      %broadcast_in_dim3A_1036 = vector.broadcast %broadcast_in_dim3A_1035 : vector<1x128xf32> to vector<32x128xf32>
      %select_n3A_1037 = arith.select %gt3A_1023, %broadcast_in_dim3A_1036, %select_n3A_903 : vector<32x128xi1>, vector<32x128xf32>
      %mul3A_1038 = arith.constant 10 : i32
      %mul3A_1039 = arith.muli %add3A_955, %mul3A_1038 : i32
      %add3A_1040 = arith.constant 6 : i32
      %add3A_1041 = arith.addi %mul3A_1039, %add3A_1040 : i32
      %get3A_1042 = arith.constant 0 : index
      %get3A_1043 = arith.index_cast %add3A_1041 : i32 to index
      %get3A_1044 = arith.constant 0 : index
      %get3A_1045 = vector.load %arg2[%get3A_1042, %get3A_1043, %get3A_1044] : memref<1x1000x128xf32, #tpu.memory_space<vmem>>, vector<1x1x128xf32>
      %get3A_1046 = vector.shape_cast %get3A_1045 : vector<1x1x128xf32> to vector<1x128xf32>
      %broadcast_in_dim3A_1047 = vector.shape_cast %get3A_1046 : vector<1x128xf32> to vector<1x128xf32>
      %broadcast_in_dim3A_1048 = vector.broadcast %broadcast_in_dim3A_1047 : vector<1x128xf32> to vector<32x128xf32>
      %select_n3A_1049 = arith.select %gt3A_1023, %broadcast_in_dim3A_1048, %select_n3A_915 : vector<32x128xi1>, vector<32x128xf32>
      %mul3A_1050 = arith.constant 10 : i32
      %mul3A_1051 = arith.muli %add3A_955, %mul3A_1050 : i32
      %add3A_1052 = arith.constant 7 : i32
      %add3A_1053 = arith.addi %mul3A_1051, %add3A_1052 : i32
      %get3A_1054 = arith.constant 0 : index
      %get3A_1055 = arith.index_cast %add3A_1053 : i32 to index
      %get3A_1056 = arith.constant 0 : index
      %get3A_1057 = vector.load %arg2[%get3A_1054, %get3A_1055, %get3A_1056] : memref<1x1000x128xf32, #tpu.memory_space<vmem>>, vector<1x1x128xf32>
      %get3A_1058 = vector.shape_cast %get3A_1057 : vector<1x1x128xf32> to vector<1x128xf32>
      %broadcast_in_dim3A_1059 = vector.shape_cast %get3A_1058 : vector<1x128xf32> to vector<1x128xf32>
      %broadcast_in_dim3A_1060 = vector.broadcast %broadcast_in_dim3A_1059 : vector<1x128xf32> to vector<32x128xf32>
      %select_n3A_1061 = arith.select %gt3A_1023, %broadcast_in_dim3A_1060, %select_n3A_927 : vector<32x128xi1>, vector<32x128xf32>
      %mul3A_1062 = arith.constant 10 : i32
      %mul3A_1063 = arith.muli %add3A_955, %mul3A_1062 : i32
      %add3A_1064 = arith.constant 8 : i32
      %add3A_1065 = arith.addi %mul3A_1063, %add3A_1064 : i32
      %get3A_1066 = arith.constant 0 : index
      %get3A_1067 = arith.index_cast %add3A_1065 : i32 to index
      %get3A_1068 = arith.constant 0 : index
      %get3A_1069 = vector.load %arg2[%get3A_1066, %get3A_1067, %get3A_1068] : memref<1x1000x128xf32, #tpu.memory_space<vmem>>, vector<1x1x128xf32>
      %get3A_1070 = vector.shape_cast %get3A_1069 : vector<1x1x128xf32> to vector<1x128xf32>
      %broadcast_in_dim3A_1071 = vector.shape_cast %get3A_1070 : vector<1x128xf32> to vector<1x128xf32>
      %broadcast_in_dim3A_1072 = vector.broadcast %broadcast_in_dim3A_1071 : vector<1x128xf32> to vector<32x128xf32>
      %select_n3A_1073 = arith.select %gt3A_1023, %broadcast_in_dim3A_1072, %select_n3A_939 : vector<32x128xi1>, vector<32x128xf32>
      %mul3A_1074 = arith.constant 10 : i32
      %mul3A_1075 = arith.muli %add3A_955, %mul3A_1074 : i32
      %add3A_1076 = arith.constant 9 : i32
      %add3A_1077 = arith.addi %mul3A_1075, %add3A_1076 : i32
      %get3A_1078 = arith.constant 0 : index
      %get3A_1079 = arith.index_cast %add3A_1077 : i32 to index
      %get3A_1080 = arith.constant 0 : index
      %get3A_1081 = vector.load %arg2[%get3A_1078, %get3A_1079, %get3A_1080] : memref<1x1000x128xf32, #tpu.memory_space<vmem>>, vector<1x1x128xf32>
      %get3A_1082 = vector.shape_cast %get3A_1081 : vector<1x1x128xf32> to vector<1x128xf32>
      %broadcast_in_dim3A_1083 = vector.shape_cast %get3A_1082 : vector<1x128xf32> to vector<1x128xf32>
      %broadcast_in_dim3A_1084 = vector.broadcast %broadcast_in_dim3A_1083 : vector<1x128xf32> to vector<32x128xf32>
      %select_n3A_1085 = arith.select %gt3A_1023, %broadcast_in_dim3A_1084, %select_n3A_951 : vector<32x128xi1>, vector<32x128xf32>
      %mul3A_1086 = arith.constant 20 : i32
      %mul3A_1087 = arith.muli %scan3A_144, %mul3A_1086 : i32
      %add3A_1088 = arith.constant 7 : i32
      %add3A_1089 = arith.addi %mul3A_1087, %add3A_1088 : i32
      %mul3A_1090 = arith.constant 10 : i32
      %mul3A_1091 = arith.muli %add3A_1089, %mul3A_1090 : i32
      %add3A_1092 = arith.constant 0 : i32
      %add3A_1093 = arith.addi %mul3A_1091, %add3A_1092 : i32
      %get3A_1094 = arith.constant 0 : index
      %get3A_1095 = arith.index_cast %add3A_1093 : i32 to index
      %get3A_1096 = arith.constant 0 : index
      %get3A_1097 = vector.load %arg2[%get3A_1094, %get3A_1095, %get3A_1096] : memref<1x1000x128xf32, #tpu.memory_space<vmem>>, vector<1x1x128xf32>
      %get3A_1098 = vector.shape_cast %get3A_1097 : vector<1x1x128xf32> to vector<1x128xf32>
      %max3A_1099 = vector.broadcast %get3A_1098 : vector<1x128xf32> to vector<32x128xf32>
      %max3A_1100 = arith.maximumf %get3A_3, %max3A_1099 : vector<32x128xf32>
      %mul3A_1101 = arith.constant 10 : i32
      %mul3A_1102 = arith.muli %add3A_1089, %mul3A_1101 : i32
      %add3A_1103 = arith.constant 1 : i32
      %add3A_1104 = arith.addi %mul3A_1102, %add3A_1103 : i32
      %get3A_1105 = arith.constant 0 : index
      %get3A_1106 = arith.index_cast %add3A_1104 : i32 to index
      %get3A_1107 = arith.constant 0 : index
      %get3A_1108 = vector.load %arg2[%get3A_1105, %get3A_1106, %get3A_1107] : memref<1x1000x128xf32, #tpu.memory_space<vmem>>, vector<1x1x128xf32>
      %get3A_1109 = vector.shape_cast %get3A_1108 : vector<1x1x128xf32> to vector<1x128xf32>
      %max3A_1110 = vector.broadcast %get3A_1109 : vector<1x128xf32> to vector<32x128xf32>
      %max3A_1111 = arith.maximumf %get3A_8, %max3A_1110 : vector<32x128xf32>
      %mul3A_1112 = arith.constant 10 : i32
      %mul3A_1113 = arith.muli %add3A_1089, %mul3A_1112 : i32
      %add3A_1114 = arith.constant 2 : i32
      %add3A_1115 = arith.addi %mul3A_1113, %add3A_1114 : i32
      %get3A_1116 = arith.constant 0 : index
      %get3A_1117 = arith.index_cast %add3A_1115 : i32 to index
      %get3A_1118 = arith.constant 0 : index
      %get3A_1119 = vector.load %arg2[%get3A_1116, %get3A_1117, %get3A_1118] : memref<1x1000x128xf32, #tpu.memory_space<vmem>>, vector<1x1x128xf32>
      %get3A_1120 = vector.shape_cast %get3A_1119 : vector<1x1x128xf32> to vector<1x128xf32>
      %min3A_1121 = vector.broadcast %get3A_1120 : vector<1x128xf32> to vector<32x128xf32>
      %min3A_1122 = arith.minimumf %get3A_13, %min3A_1121 : vector<32x128xf32>
      %mul3A_1123 = arith.constant 10 : i32
      %mul3A_1124 = arith.muli %add3A_1089, %mul3A_1123 : i32
      %add3A_1125 = arith.constant 3 : i32
      %add3A_1126 = arith.addi %mul3A_1124, %add3A_1125 : i32
      %get3A_1127 = arith.constant 0 : index
      %get3A_1128 = arith.index_cast %add3A_1126 : i32 to index
      %get3A_1129 = arith.constant 0 : index
      %get3A_1130 = vector.load %arg2[%get3A_1127, %get3A_1128, %get3A_1129] : memref<1x1000x128xf32, #tpu.memory_space<vmem>>, vector<1x1x128xf32>
      %get3A_1131 = vector.shape_cast %get3A_1130 : vector<1x1x128xf32> to vector<1x128xf32>
      %min3A_1132 = vector.broadcast %get3A_1131 : vector<1x128xf32> to vector<32x128xf32>
      %min3A_1133 = arith.minimumf %get3A_18, %min3A_1132 : vector<32x128xf32>
      %sub3A_1134 = arith.subf %min3A_1122, %max3A_1100 : vector<32x128xf32>
      %max3A_1135 = arith.constant 0.000000e+00 : f32
      %max3A_1136 = vector.broadcast %max3A_1135 : f32 to vector<32x128xf32>
      %max3A_1137 = arith.maximumf %sub3A_1134, %max3A_1136 : vector<32x128xf32>
      %sub3A_1138 = arith.subf %min3A_1133, %max3A_1111 : vector<32x128xf32>
      %max3A_1139 = arith.constant 0.000000e+00 : f32
      %max3A_1140 = vector.broadcast %max3A_1139 : f32 to vector<32x128xf32>
      %max3A_1141 = arith.maximumf %sub3A_1138, %max3A_1140 : vector<32x128xf32>
      %mul3A_1142 = arith.mulf %max3A_1137, %max3A_1141 : vector<32x128xf32>
      %mul3A_1143 = arith.constant 10 : i32
      %mul3A_1144 = arith.muli %add3A_1089, %mul3A_1143 : i32
      %add3A_1145 = arith.constant 4 : i32
      %add3A_1146 = arith.addi %mul3A_1144, %add3A_1145 : i32
      %get3A_1147 = arith.constant 0 : index
      %get3A_1148 = arith.index_cast %add3A_1146 : i32 to index
      %get3A_1149 = arith.constant 0 : index
      %get3A_1150 = vector.load %arg2[%get3A_1147, %get3A_1148, %get3A_1149] : memref<1x1000x128xf32, #tpu.memory_space<vmem>>, vector<1x1x128xf32>
      %get3A_1151 = vector.shape_cast %get3A_1150 : vector<1x1x128xf32> to vector<1x128xf32>
      %add3A_1152 = vector.broadcast %get3A_1151 : vector<1x128xf32> to vector<32x128xf32>
      %add3A_1153 = arith.addf %get3A_23, %add3A_1152 : vector<32x128xf32>
      %sub3A_1154 = arith.subf %add3A_1153, %mul3A_1142 : vector<32x128xf32>
      %mul3A_1155 = arith.mulf %mul3A_1142, %select_n3A_1025 : vector<32x128xf32>
      %mul3A_1156 = arith.mulf %select_n3A_1024, %sub3A_1154 : vector<32x128xf32>
      %gt3A_1157 = arith.cmpf ogt, %mul3A_1155, %mul3A_1156 : vector<32x128xf32>
      %select_n3A_1158 = arith.select %gt3A_1157, %mul3A_1142, %select_n3A_1024 : vector<32x128xi1>, vector<32x128xf32>
      %select_n3A_1159 = arith.select %gt3A_1157, %sub3A_1154, %select_n3A_1025 : vector<32x128xi1>, vector<32x128xf32>
      %mul3A_1160 = arith.constant 10 : i32
      %mul3A_1161 = arith.muli %add3A_1089, %mul3A_1160 : i32
      %add3A_1162 = arith.constant 5 : i32
      %add3A_1163 = arith.addi %mul3A_1161, %add3A_1162 : i32
      %get3A_1164 = arith.constant 0 : index
      %get3A_1165 = arith.index_cast %add3A_1163 : i32 to index
      %get3A_1166 = arith.constant 0 : index
      %get3A_1167 = vector.load %arg2[%get3A_1164, %get3A_1165, %get3A_1166] : memref<1x1000x128xf32, #tpu.memory_space<vmem>>, vector<1x1x128xf32>
      %get3A_1168 = vector.shape_cast %get3A_1167 : vector<1x1x128xf32> to vector<1x128xf32>
      %broadcast_in_dim3A_1169 = vector.shape_cast %get3A_1168 : vector<1x128xf32> to vector<1x128xf32>
      %broadcast_in_dim3A_1170 = vector.broadcast %broadcast_in_dim3A_1169 : vector<1x128xf32> to vector<32x128xf32>
      %select_n3A_1171 = arith.select %gt3A_1157, %broadcast_in_dim3A_1170, %select_n3A_1037 : vector<32x128xi1>, vector<32x128xf32>
      %mul3A_1172 = arith.constant 10 : i32
      %mul3A_1173 = arith.muli %add3A_1089, %mul3A_1172 : i32
      %add3A_1174 = arith.constant 6 : i32
      %add3A_1175 = arith.addi %mul3A_1173, %add3A_1174 : i32
      %get3A_1176 = arith.constant 0 : index
      %get3A_1177 = arith.index_cast %add3A_1175 : i32 to index
      %get3A_1178 = arith.constant 0 : index
      %get3A_1179 = vector.load %arg2[%get3A_1176, %get3A_1177, %get3A_1178] : memref<1x1000x128xf32, #tpu.memory_space<vmem>>, vector<1x1x128xf32>
      %get3A_1180 = vector.shape_cast %get3A_1179 : vector<1x1x128xf32> to vector<1x128xf32>
      %broadcast_in_dim3A_1181 = vector.shape_cast %get3A_1180 : vector<1x128xf32> to vector<1x128xf32>
      %broadcast_in_dim3A_1182 = vector.broadcast %broadcast_in_dim3A_1181 : vector<1x128xf32> to vector<32x128xf32>
      %select_n3A_1183 = arith.select %gt3A_1157, %broadcast_in_dim3A_1182, %select_n3A_1049 : vector<32x128xi1>, vector<32x128xf32>
      %mul3A_1184 = arith.constant 10 : i32
      %mul3A_1185 = arith.muli %add3A_1089, %mul3A_1184 : i32
      %add3A_1186 = arith.constant 7 : i32
      %add3A_1187 = arith.addi %mul3A_1185, %add3A_1186 : i32
      %get3A_1188 = arith.constant 0 : index
      %get3A_1189 = arith.index_cast %add3A_1187 : i32 to index
      %get3A_1190 = arith.constant 0 : index
      %get3A_1191 = vector.load %arg2[%get3A_1188, %get3A_1189, %get3A_1190] : memref<1x1000x128xf32, #tpu.memory_space<vmem>>, vector<1x1x128xf32>
      %get3A_1192 = vector.shape_cast %get3A_1191 : vector<1x1x128xf32> to vector<1x128xf32>
      %broadcast_in_dim3A_1193 = vector.shape_cast %get3A_1192 : vector<1x128xf32> to vector<1x128xf32>
      %broadcast_in_dim3A_1194 = vector.broadcast %broadcast_in_dim3A_1193 : vector<1x128xf32> to vector<32x128xf32>
      %select_n3A_1195 = arith.select %gt3A_1157, %broadcast_in_dim3A_1194, %select_n3A_1061 : vector<32x128xi1>, vector<32x128xf32>
      %mul3A_1196 = arith.constant 10 : i32
      %mul3A_1197 = arith.muli %add3A_1089, %mul3A_1196 : i32
      %add3A_1198 = arith.constant 8 : i32
      %add3A_1199 = arith.addi %mul3A_1197, %add3A_1198 : i32
      %get3A_1200 = arith.constant 0 : index
      %get3A_1201 = arith.index_cast %add3A_1199 : i32 to index
      %get3A_1202 = arith.constant 0 : index
      %get3A_1203 = vector.load %arg2[%get3A_1200, %get3A_1201, %get3A_1202] : memref<1x1000x128xf32, #tpu.memory_space<vmem>>, vector<1x1x128xf32>
      %get3A_1204 = vector.shape_cast %get3A_1203 : vector<1x1x128xf32> to vector<1x128xf32>
      %broadcast_in_dim3A_1205 = vector.shape_cast %get3A_1204 : vector<1x128xf32> to vector<1x128xf32>
      %broadcast_in_dim3A_1206 = vector.broadcast %broadcast_in_dim3A_1205 : vector<1x128xf32> to vector<32x128xf32>
      %select_n3A_1207 = arith.select %gt3A_1157, %broadcast_in_dim3A_1206, %select_n3A_1073 : vector<32x128xi1>, vector<32x128xf32>
      %mul3A_1208 = arith.constant 10 : i32
      %mul3A_1209 = arith.muli %add3A_1089, %mul3A_1208 : i32
      %add3A_1210 = arith.constant 9 : i32
      %add3A_1211 = arith.addi %mul3A_1209, %add3A_1210 : i32
      %get3A_1212 = arith.constant 0 : index
      %get3A_1213 = arith.index_cast %add3A_1211 : i32 to index
      %get3A_1214 = arith.constant 0 : index
      %get3A_1215 = vector.load %arg2[%get3A_1212, %get3A_1213, %get3A_1214] : memref<1x1000x128xf32, #tpu.memory_space<vmem>>, vector<1x1x128xf32>
      %get3A_1216 = vector.shape_cast %get3A_1215 : vector<1x1x128xf32> to vector<1x128xf32>
      %broadcast_in_dim3A_1217 = vector.shape_cast %get3A_1216 : vector<1x128xf32> to vector<1x128xf32>
      %broadcast_in_dim3A_1218 = vector.broadcast %broadcast_in_dim3A_1217 : vector<1x128xf32> to vector<32x128xf32>
      %select_n3A_1219 = arith.select %gt3A_1157, %broadcast_in_dim3A_1218, %select_n3A_1085 : vector<32x128xi1>, vector<32x128xf32>
      %mul3A_1220 = arith.constant 20 : i32
      %mul3A_1221 = arith.muli %scan3A_144, %mul3A_1220 : i32
      %add3A_1222 = arith.constant 8 : i32
      %add3A_1223 = arith.addi %mul3A_1221, %add3A_1222 : i32
      %mul3A_1224 = arith.constant 10 : i32
      %mul3A_1225 = arith.muli %add3A_1223, %mul3A_1224 : i32
      %add3A_1226 = arith.constant 0 : i32
      %add3A_1227 = arith.addi %mul3A_1225, %add3A_1226 : i32
      %get3A_1228 = arith.constant 0 : index
      %get3A_1229 = arith.index_cast %add3A_1227 : i32 to index
      %get3A_1230 = arith.constant 0 : index
      %get3A_1231 = vector.load %arg2[%get3A_1228, %get3A_1229, %get3A_1230] : memref<1x1000x128xf32, #tpu.memory_space<vmem>>, vector<1x1x128xf32>
      %get3A_1232 = vector.shape_cast %get3A_1231 : vector<1x1x128xf32> to vector<1x128xf32>
      %max3A_1233 = vector.broadcast %get3A_1232 : vector<1x128xf32> to vector<32x128xf32>
      %max3A_1234 = arith.maximumf %get3A_3, %max3A_1233 : vector<32x128xf32>
      %mul3A_1235 = arith.constant 10 : i32
      %mul3A_1236 = arith.muli %add3A_1223, %mul3A_1235 : i32
      %add3A_1237 = arith.constant 1 : i32
      %add3A_1238 = arith.addi %mul3A_1236, %add3A_1237 : i32
      %get3A_1239 = arith.constant 0 : index
      %get3A_1240 = arith.index_cast %add3A_1238 : i32 to index
      %get3A_1241 = arith.constant 0 : index
      %get3A_1242 = vector.load %arg2[%get3A_1239, %get3A_1240, %get3A_1241] : memref<1x1000x128xf32, #tpu.memory_space<vmem>>, vector<1x1x128xf32>
      %get3A_1243 = vector.shape_cast %get3A_1242 : vector<1x1x128xf32> to vector<1x128xf32>
      %max3A_1244 = vector.broadcast %get3A_1243 : vector<1x128xf32> to vector<32x128xf32>
      %max3A_1245 = arith.maximumf %get3A_8, %max3A_1244 : vector<32x128xf32>
      %mul3A_1246 = arith.constant 10 : i32
      %mul3A_1247 = arith.muli %add3A_1223, %mul3A_1246 : i32
      %add3A_1248 = arith.constant 2 : i32
      %add3A_1249 = arith.addi %mul3A_1247, %add3A_1248 : i32
      %get3A_1250 = arith.constant 0 : index
      %get3A_1251 = arith.index_cast %add3A_1249 : i32 to index
      %get3A_1252 = arith.constant 0 : index
      %get3A_1253 = vector.load %arg2[%get3A_1250, %get3A_1251, %get3A_1252] : memref<1x1000x128xf32, #tpu.memory_space<vmem>>, vector<1x1x128xf32>
      %get3A_1254 = vector.shape_cast %get3A_1253 : vector<1x1x128xf32> to vector<1x128xf32>
      %min3A_1255 = vector.broadcast %get3A_1254 : vector<1x128xf32> to vector<32x128xf32>
      %min3A_1256 = arith.minimumf %get3A_13, %min3A_1255 : vector<32x128xf32>
      %mul3A_1257 = arith.constant 10 : i32
      %mul3A_1258 = arith.muli %add3A_1223, %mul3A_1257 : i32
      %add3A_1259 = arith.constant 3 : i32
      %add3A_1260 = arith.addi %mul3A_1258, %add3A_1259 : i32
      %get3A_1261 = arith.constant 0 : index
      %get3A_1262 = arith.index_cast %add3A_1260 : i32 to index
      %get3A_1263 = arith.constant 0 : index
      %get3A_1264 = vector.load %arg2[%get3A_1261, %get3A_1262, %get3A_1263] : memref<1x1000x128xf32, #tpu.memory_space<vmem>>, vector<1x1x128xf32>
      %get3A_1265 = vector.shape_cast %get3A_1264 : vector<1x1x128xf32> to vector<1x128xf32>
      %min3A_1266 = vector.broadcast %get3A_1265 : vector<1x128xf32> to vector<32x128xf32>
      %min3A_1267 = arith.minimumf %get3A_18, %min3A_1266 : vector<32x128xf32>
      %sub3A_1268 = arith.subf %min3A_1256, %max3A_1234 : vector<32x128xf32>
      %max3A_1269 = arith.constant 0.000000e+00 : f32
      %max3A_1270 = vector.broadcast %max3A_1269 : f32 to vector<32x128xf32>
      %max3A_1271 = arith.maximumf %sub3A_1268, %max3A_1270 : vector<32x128xf32>
      %sub3A_1272 = arith.subf %min3A_1267, %max3A_1245 : vector<32x128xf32>
      %max3A_1273 = arith.constant 0.000000e+00 : f32
      %max3A_1274 = vector.broadcast %max3A_1273 : f32 to vector<32x128xf32>
      %max3A_1275 = arith.maximumf %sub3A_1272, %max3A_1274 : vector<32x128xf32>
      %mul3A_1276 = arith.mulf %max3A_1271, %max3A_1275 : vector<32x128xf32>
      %mul3A_1277 = arith.constant 10 : i32
      %mul3A_1278 = arith.muli %add3A_1223, %mul3A_1277 : i32
      %add3A_1279 = arith.constant 4 : i32
      %add3A_1280 = arith.addi %mul3A_1278, %add3A_1279 : i32
      %get3A_1281 = arith.constant 0 : index
      %get3A_1282 = arith.index_cast %add3A_1280 : i32 to index
      %get3A_1283 = arith.constant 0 : index
      %get3A_1284 = vector.load %arg2[%get3A_1281, %get3A_1282, %get3A_1283] : memref<1x1000x128xf32, #tpu.memory_space<vmem>>, vector<1x1x128xf32>
      %get3A_1285 = vector.shape_cast %get3A_1284 : vector<1x1x128xf32> to vector<1x128xf32>
      %add3A_1286 = vector.broadcast %get3A_1285 : vector<1x128xf32> to vector<32x128xf32>
      %add3A_1287 = arith.addf %get3A_23, %add3A_1286 : vector<32x128xf32>
      %sub3A_1288 = arith.subf %add3A_1287, %mul3A_1276 : vector<32x128xf32>
      %mul3A_1289 = arith.mulf %mul3A_1276, %select_n3A_1159 : vector<32x128xf32>
      %mul3A_1290 = arith.mulf %select_n3A_1158, %sub3A_1288 : vector<32x128xf32>
      %gt3A_1291 = arith.cmpf ogt, %mul3A_1289, %mul3A_1290 : vector<32x128xf32>
      %select_n3A_1292 = arith.select %gt3A_1291, %mul3A_1276, %select_n3A_1158 : vector<32x128xi1>, vector<32x128xf32>
      %select_n3A_1293 = arith.select %gt3A_1291, %sub3A_1288, %select_n3A_1159 : vector<32x128xi1>, vector<32x128xf32>
      %mul3A_1294 = arith.constant 10 : i32
      %mul3A_1295 = arith.muli %add3A_1223, %mul3A_1294 : i32
      %add3A_1296 = arith.constant 5 : i32
      %add3A_1297 = arith.addi %mul3A_1295, %add3A_1296 : i32
      %get3A_1298 = arith.constant 0 : index
      %get3A_1299 = arith.index_cast %add3A_1297 : i32 to index
      %get3A_1300 = arith.constant 0 : index
      %get3A_1301 = vector.load %arg2[%get3A_1298, %get3A_1299, %get3A_1300] : memref<1x1000x128xf32, #tpu.memory_space<vmem>>, vector<1x1x128xf32>
      %get3A_1302 = vector.shape_cast %get3A_1301 : vector<1x1x128xf32> to vector<1x128xf32>
      %broadcast_in_dim3A_1303 = vector.shape_cast %get3A_1302 : vector<1x128xf32> to vector<1x128xf32>
      %broadcast_in_dim3A_1304 = vector.broadcast %broadcast_in_dim3A_1303 : vector<1x128xf32> to vector<32x128xf32>
      %select_n3A_1305 = arith.select %gt3A_1291, %broadcast_in_dim3A_1304, %select_n3A_1171 : vector<32x128xi1>, vector<32x128xf32>
      %mul3A_1306 = arith.constant 10 : i32
      %mul3A_1307 = arith.muli %add3A_1223, %mul3A_1306 : i32
      %add3A_1308 = arith.constant 6 : i32
      %add3A_1309 = arith.addi %mul3A_1307, %add3A_1308 : i32
      %get3A_1310 = arith.constant 0 : index
      %get3A_1311 = arith.index_cast %add3A_1309 : i32 to index
      %get3A_1312 = arith.constant 0 : index
      %get3A_1313 = vector.load %arg2[%get3A_1310, %get3A_1311, %get3A_1312] : memref<1x1000x128xf32, #tpu.memory_space<vmem>>, vector<1x1x128xf32>
      %get3A_1314 = vector.shape_cast %get3A_1313 : vector<1x1x128xf32> to vector<1x128xf32>
      %broadcast_in_dim3A_1315 = vector.shape_cast %get3A_1314 : vector<1x128xf32> to vector<1x128xf32>
      %broadcast_in_dim3A_1316 = vector.broadcast %broadcast_in_dim3A_1315 : vector<1x128xf32> to vector<32x128xf32>
      %select_n3A_1317 = arith.select %gt3A_1291, %broadcast_in_dim3A_1316, %select_n3A_1183 : vector<32x128xi1>, vector<32x128xf32>
      %mul3A_1318 = arith.constant 10 : i32
      %mul3A_1319 = arith.muli %add3A_1223, %mul3A_1318 : i32
      %add3A_1320 = arith.constant 7 : i32
      %add3A_1321 = arith.addi %mul3A_1319, %add3A_1320 : i32
      %get3A_1322 = arith.constant 0 : index
      %get3A_1323 = arith.index_cast %add3A_1321 : i32 to index
      %get3A_1324 = arith.constant 0 : index
      %get3A_1325 = vector.load %arg2[%get3A_1322, %get3A_1323, %get3A_1324] : memref<1x1000x128xf32, #tpu.memory_space<vmem>>, vector<1x1x128xf32>
      %get3A_1326 = vector.shape_cast %get3A_1325 : vector<1x1x128xf32> to vector<1x128xf32>
      %broadcast_in_dim3A_1327 = vector.shape_cast %get3A_1326 : vector<1x128xf32> to vector<1x128xf32>
      %broadcast_in_dim3A_1328 = vector.broadcast %broadcast_in_dim3A_1327 : vector<1x128xf32> to vector<32x128xf32>
      %select_n3A_1329 = arith.select %gt3A_1291, %broadcast_in_dim3A_1328, %select_n3A_1195 : vector<32x128xi1>, vector<32x128xf32>
      %mul3A_1330 = arith.constant 10 : i32
      %mul3A_1331 = arith.muli %add3A_1223, %mul3A_1330 : i32
      %add3A_1332 = arith.constant 8 : i32
      %add3A_1333 = arith.addi %mul3A_1331, %add3A_1332 : i32
      %get3A_1334 = arith.constant 0 : index
      %get3A_1335 = arith.index_cast %add3A_1333 : i32 to index
      %get3A_1336 = arith.constant 0 : index
      %get3A_1337 = vector.load %arg2[%get3A_1334, %get3A_1335, %get3A_1336] : memref<1x1000x128xf32, #tpu.memory_space<vmem>>, vector<1x1x128xf32>
      %get3A_1338 = vector.shape_cast %get3A_1337 : vector<1x1x128xf32> to vector<1x128xf32>
      %broadcast_in_dim3A_1339 = vector.shape_cast %get3A_1338 : vector<1x128xf32> to vector<1x128xf32>
      %broadcast_in_dim3A_1340 = vector.broadcast %broadcast_in_dim3A_1339 : vector<1x128xf32> to vector<32x128xf32>
      %select_n3A_1341 = arith.select %gt3A_1291, %broadcast_in_dim3A_1340, %select_n3A_1207 : vector<32x128xi1>, vector<32x128xf32>
      %mul3A_1342 = arith.constant 10 : i32
      %mul3A_1343 = arith.muli %add3A_1223, %mul3A_1342 : i32
      %add3A_1344 = arith.constant 9 : i32
      %add3A_1345 = arith.addi %mul3A_1343, %add3A_1344 : i32
      %get3A_1346 = arith.constant 0 : index
      %get3A_1347 = arith.index_cast %add3A_1345 : i32 to index
      %get3A_1348 = arith.constant 0 : index
      %get3A_1349 = vector.load %arg2[%get3A_1346, %get3A_1347, %get3A_1348] : memref<1x1000x128xf32, #tpu.memory_space<vmem>>, vector<1x1x128xf32>
      %get3A_1350 = vector.shape_cast %get3A_1349 : vector<1x1x128xf32> to vector<1x128xf32>
      %broadcast_in_dim3A_1351 = vector.shape_cast %get3A_1350 : vector<1x128xf32> to vector<1x128xf32>
      %broadcast_in_dim3A_1352 = vector.broadcast %broadcast_in_dim3A_1351 : vector<1x128xf32> to vector<32x128xf32>
      %select_n3A_1353 = arith.select %gt3A_1291, %broadcast_in_dim3A_1352, %select_n3A_1219 : vector<32x128xi1>, vector<32x128xf32>
      %mul3A_1354 = arith.constant 20 : i32
      %mul3A_1355 = arith.muli %scan3A_144, %mul3A_1354 : i32
      %add3A_1356 = arith.constant 9 : i32
      %add3A_1357 = arith.addi %mul3A_1355, %add3A_1356 : i32
      %mul3A_1358 = arith.constant 10 : i32
      %mul3A_1359 = arith.muli %add3A_1357, %mul3A_1358 : i32
      %add3A_1360 = arith.constant 0 : i32
      %add3A_1361 = arith.addi %mul3A_1359, %add3A_1360 : i32
      %get3A_1362 = arith.constant 0 : index
      %get3A_1363 = arith.index_cast %add3A_1361 : i32 to index
      %get3A_1364 = arith.constant 0 : index
      %get3A_1365 = vector.load %arg2[%get3A_1362, %get3A_1363, %get3A_1364] : memref<1x1000x128xf32, #tpu.memory_space<vmem>>, vector<1x1x128xf32>
      %get3A_1366 = vector.shape_cast %get3A_1365 : vector<1x1x128xf32> to vector<1x128xf32>
      %max3A_1367 = vector.broadcast %get3A_1366 : vector<1x128xf32> to vector<32x128xf32>
      %max3A_1368 = arith.maximumf %get3A_3, %max3A_1367 : vector<32x128xf32>
      %mul3A_1369 = arith.constant 10 : i32
      %mul3A_1370 = arith.muli %add3A_1357, %mul3A_1369 : i32
      %add3A_1371 = arith.constant 1 : i32
      %add3A_1372 = arith.addi %mul3A_1370, %add3A_1371 : i32
      %get3A_1373 = arith.constant 0 : index
      %get3A_1374 = arith.index_cast %add3A_1372 : i32 to index
      %get3A_1375 = arith.constant 0 : index
      %get3A_1376 = vector.load %arg2[%get3A_1373, %get3A_1374, %get3A_1375] : memref<1x1000x128xf32, #tpu.memory_space<vmem>>, vector<1x1x128xf32>
      %get3A_1377 = vector.shape_cast %get3A_1376 : vector<1x1x128xf32> to vector<1x128xf32>
      %max3A_1378 = vector.broadcast %get3A_1377 : vector<1x128xf32> to vector<32x128xf32>
      %max3A_1379 = arith.maximumf %get3A_8, %max3A_1378 : vector<32x128xf32>
      %mul3A_1380 = arith.constant 10 : i32
      %mul3A_1381 = arith.muli %add3A_1357, %mul3A_1380 : i32
      %add3A_1382 = arith.constant 2 : i32
      %add3A_1383 = arith.addi %mul3A_1381, %add3A_1382 : i32
      %get3A_1384 = arith.constant 0 : index
      %get3A_1385 = arith.index_cast %add3A_1383 : i32 to index
      %get3A_1386 = arith.constant 0 : index
      %get3A_1387 = vector.load %arg2[%get3A_1384, %get3A_1385, %get3A_1386] : memref<1x1000x128xf32, #tpu.memory_space<vmem>>, vector<1x1x128xf32>
      %get3A_1388 = vector.shape_cast %get3A_1387 : vector<1x1x128xf32> to vector<1x128xf32>
      %min3A_1389 = vector.broadcast %get3A_1388 : vector<1x128xf32> to vector<32x128xf32>
      %min3A_1390 = arith.minimumf %get3A_13, %min3A_1389 : vector<32x128xf32>
      %mul3A_1391 = arith.constant 10 : i32
      %mul3A_1392 = arith.muli %add3A_1357, %mul3A_1391 : i32
      %add3A_1393 = arith.constant 3 : i32
      %add3A_1394 = arith.addi %mul3A_1392, %add3A_1393 : i32
      %get3A_1395 = arith.constant 0 : index
      %get3A_1396 = arith.index_cast %add3A_1394 : i32 to index
      %get3A_1397 = arith.constant 0 : index
      %get3A_1398 = vector.load %arg2[%get3A_1395, %get3A_1396, %get3A_1397] : memref<1x1000x128xf32, #tpu.memory_space<vmem>>, vector<1x1x128xf32>
      %get3A_1399 = vector.shape_cast %get3A_1398 : vector<1x1x128xf32> to vector<1x128xf32>
      %min3A_1400 = vector.broadcast %get3A_1399 : vector<1x128xf32> to vector<32x128xf32>
      %min3A_1401 = arith.minimumf %get3A_18, %min3A_1400 : vector<32x128xf32>
      %sub3A_1402 = arith.subf %min3A_1390, %max3A_1368 : vector<32x128xf32>
      %max3A_1403 = arith.constant 0.000000e+00 : f32
      %max3A_1404 = vector.broadcast %max3A_1403 : f32 to vector<32x128xf32>
      %max3A_1405 = arith.maximumf %sub3A_1402, %max3A_1404 : vector<32x128xf32>
      %sub3A_1406 = arith.subf %min3A_1401, %max3A_1379 : vector<32x128xf32>
      %max3A_1407 = arith.constant 0.000000e+00 : f32
      %max3A_1408 = vector.broadcast %max3A_1407 : f32 to vector<32x128xf32>
      %max3A_1409 = arith.maximumf %sub3A_1406, %max3A_1408 : vector<32x128xf32>
      %mul3A_1410 = arith.mulf %max3A_1405, %max3A_1409 : vector<32x128xf32>
      %mul3A_1411 = arith.constant 10 : i32
      %mul3A_1412 = arith.muli %add3A_1357, %mul3A_1411 : i32
      %add3A_1413 = arith.constant 4 : i32
      %add3A_1414 = arith.addi %mul3A_1412, %add3A_1413 : i32
      %get3A_1415 = arith.constant 0 : index
      %get3A_1416 = arith.index_cast %add3A_1414 : i32 to index
      %get3A_1417 = arith.constant 0 : index
      %get3A_1418 = vector.load %arg2[%get3A_1415, %get3A_1416, %get3A_1417] : memref<1x1000x128xf32, #tpu.memory_space<vmem>>, vector<1x1x128xf32>
      %get3A_1419 = vector.shape_cast %get3A_1418 : vector<1x1x128xf32> to vector<1x128xf32>
      %add3A_1420 = vector.broadcast %get3A_1419 : vector<1x128xf32> to vector<32x128xf32>
      %add3A_1421 = arith.addf %get3A_23, %add3A_1420 : vector<32x128xf32>
      %sub3A_1422 = arith.subf %add3A_1421, %mul3A_1410 : vector<32x128xf32>
      %mul3A_1423 = arith.mulf %mul3A_1410, %select_n3A_1293 : vector<32x128xf32>
      %mul3A_1424 = arith.mulf %select_n3A_1292, %sub3A_1422 : vector<32x128xf32>
      %gt3A_1425 = arith.cmpf ogt, %mul3A_1423, %mul3A_1424 : vector<32x128xf32>
      %select_n3A_1426 = arith.select %gt3A_1425, %mul3A_1410, %select_n3A_1292 : vector<32x128xi1>, vector<32x128xf32>
      %select_n3A_1427 = arith.select %gt3A_1425, %sub3A_1422, %select_n3A_1293 : vector<32x128xi1>, vector<32x128xf32>
      %mul3A_1428 = arith.constant 10 : i32
      %mul3A_1429 = arith.muli %add3A_1357, %mul3A_1428 : i32
      %add3A_1430 = arith.constant 5 : i32
      %add3A_1431 = arith.addi %mul3A_1429, %add3A_1430 : i32
      %get3A_1432 = arith.constant 0 : index
      %get3A_1433 = arith.index_cast %add3A_1431 : i32 to index
      %get3A_1434 = arith.constant 0 : index
      %get3A_1435 = vector.load %arg2[%get3A_1432, %get3A_1433, %get3A_1434] : memref<1x1000x128xf32, #tpu.memory_space<vmem>>, vector<1x1x128xf32>
      %get3A_1436 = vector.shape_cast %get3A_1435 : vector<1x1x128xf32> to vector<1x128xf32>
      %broadcast_in_dim3A_1437 = vector.shape_cast %get3A_1436 : vector<1x128xf32> to vector<1x128xf32>
      %broadcast_in_dim3A_1438 = vector.broadcast %broadcast_in_dim3A_1437 : vector<1x128xf32> to vector<32x128xf32>
      %select_n3A_1439 = arith.select %gt3A_1425, %broadcast_in_dim3A_1438, %select_n3A_1305 : vector<32x128xi1>, vector<32x128xf32>
      %mul3A_1440 = arith.constant 10 : i32
      %mul3A_1441 = arith.muli %add3A_1357, %mul3A_1440 : i32
      %add3A_1442 = arith.constant 6 : i32
      %add3A_1443 = arith.addi %mul3A_1441, %add3A_1442 : i32
      %get3A_1444 = arith.constant 0 : index
      %get3A_1445 = arith.index_cast %add3A_1443 : i32 to index
      %get3A_1446 = arith.constant 0 : index
      %get3A_1447 = vector.load %arg2[%get3A_1444, %get3A_1445, %get3A_1446] : memref<1x1000x128xf32, #tpu.memory_space<vmem>>, vector<1x1x128xf32>
      %get3A_1448 = vector.shape_cast %get3A_1447 : vector<1x1x128xf32> to vector<1x128xf32>
      %broadcast_in_dim3A_1449 = vector.shape_cast %get3A_1448 : vector<1x128xf32> to vector<1x128xf32>
      %broadcast_in_dim3A_1450 = vector.broadcast %broadcast_in_dim3A_1449 : vector<1x128xf32> to vector<32x128xf32>
      %select_n3A_1451 = arith.select %gt3A_1425, %broadcast_in_dim3A_1450, %select_n3A_1317 : vector<32x128xi1>, vector<32x128xf32>
      %mul3A_1452 = arith.constant 10 : i32
      %mul3A_1453 = arith.muli %add3A_1357, %mul3A_1452 : i32
      %add3A_1454 = arith.constant 7 : i32
      %add3A_1455 = arith.addi %mul3A_1453, %add3A_1454 : i32
      %get3A_1456 = arith.constant 0 : index
      %get3A_1457 = arith.index_cast %add3A_1455 : i32 to index
      %get3A_1458 = arith.constant 0 : index
      %get3A_1459 = vector.load %arg2[%get3A_1456, %get3A_1457, %get3A_1458] : memref<1x1000x128xf32, #tpu.memory_space<vmem>>, vector<1x1x128xf32>
      %get3A_1460 = vector.shape_cast %get3A_1459 : vector<1x1x128xf32> to vector<1x128xf32>
      %broadcast_in_dim3A_1461 = vector.shape_cast %get3A_1460 : vector<1x128xf32> to vector<1x128xf32>
      %broadcast_in_dim3A_1462 = vector.broadcast %broadcast_in_dim3A_1461 : vector<1x128xf32> to vector<32x128xf32>
      %select_n3A_1463 = arith.select %gt3A_1425, %broadcast_in_dim3A_1462, %select_n3A_1329 : vector<32x128xi1>, vector<32x128xf32>
      %mul3A_1464 = arith.constant 10 : i32
      %mul3A_1465 = arith.muli %add3A_1357, %mul3A_1464 : i32
      %add3A_1466 = arith.constant 8 : i32
      %add3A_1467 = arith.addi %mul3A_1465, %add3A_1466 : i32
      %get3A_1468 = arith.constant 0 : index
      %get3A_1469 = arith.index_cast %add3A_1467 : i32 to index
      %get3A_1470 = arith.constant 0 : index
      %get3A_1471 = vector.load %arg2[%get3A_1468, %get3A_1469, %get3A_1470] : memref<1x1000x128xf32, #tpu.memory_space<vmem>>, vector<1x1x128xf32>
      %get3A_1472 = vector.shape_cast %get3A_1471 : vector<1x1x128xf32> to vector<1x128xf32>
      %broadcast_in_dim3A_1473 = vector.shape_cast %get3A_1472 : vector<1x128xf32> to vector<1x128xf32>
      %broadcast_in_dim3A_1474 = vector.broadcast %broadcast_in_dim3A_1473 : vector<1x128xf32> to vector<32x128xf32>
      %select_n3A_1475 = arith.select %gt3A_1425, %broadcast_in_dim3A_1474, %select_n3A_1341 : vector<32x128xi1>, vector<32x128xf32>
      %mul3A_1476 = arith.constant 10 : i32
      %mul3A_1477 = arith.muli %add3A_1357, %mul3A_1476 : i32
      %add3A_1478 = arith.constant 9 : i32
      %add3A_1479 = arith.addi %mul3A_1477, %add3A_1478 : i32
      %get3A_1480 = arith.constant 0 : index
      %get3A_1481 = arith.index_cast %add3A_1479 : i32 to index
      %get3A_1482 = arith.constant 0 : index
      %get3A_1483 = vector.load %arg2[%get3A_1480, %get3A_1481, %get3A_1482] : memref<1x1000x128xf32, #tpu.memory_space<vmem>>, vector<1x1x128xf32>
      %get3A_1484 = vector.shape_cast %get3A_1483 : vector<1x1x128xf32> to vector<1x128xf32>
      %broadcast_in_dim3A_1485 = vector.shape_cast %get3A_1484 : vector<1x128xf32> to vector<1x128xf32>
      %broadcast_in_dim3A_1486 = vector.broadcast %broadcast_in_dim3A_1485 : vector<1x128xf32> to vector<32x128xf32>
      %select_n3A_1487 = arith.select %gt3A_1425, %broadcast_in_dim3A_1486, %select_n3A_1353 : vector<32x128xi1>, vector<32x128xf32>
      %mul3A_1488 = arith.constant 20 : i32
      %mul3A_1489 = arith.muli %scan3A_144, %mul3A_1488 : i32
      %add3A_1490 = arith.constant 10 : i32
      %add3A_1491 = arith.addi %mul3A_1489, %add3A_1490 : i32
      %mul3A_1492 = arith.constant 10 : i32
      %mul3A_1493 = arith.muli %add3A_1491, %mul3A_1492 : i32
      %add3A_1494 = arith.constant 0 : i32
      %add3A_1495 = arith.addi %mul3A_1493, %add3A_1494 : i32
      %get3A_1496 = arith.constant 0 : index
      %get3A_1497 = arith.index_cast %add3A_1495 : i32 to index
      %get3A_1498 = arith.constant 0 : index
      %get3A_1499 = vector.load %arg2[%get3A_1496, %get3A_1497, %get3A_1498] : memref<1x1000x128xf32, #tpu.memory_space<vmem>>, vector<1x1x128xf32>
      %get3A_1500 = vector.shape_cast %get3A_1499 : vector<1x1x128xf32> to vector<1x128xf32>
      %max3A_1501 = vector.broadcast %get3A_1500 : vector<1x128xf32> to vector<32x128xf32>
      %max3A_1502 = arith.maximumf %get3A_3, %max3A_1501 : vector<32x128xf32>
      %mul3A_1503 = arith.constant 10 : i32
      %mul3A_1504 = arith.muli %add3A_1491, %mul3A_1503 : i32
      %add3A_1505 = arith.constant 1 : i32
      %add3A_1506 = arith.addi %mul3A_1504, %add3A_1505 : i32
      %get3A_1507 = arith.constant 0 : index
      %get3A_1508 = arith.index_cast %add3A_1506 : i32 to index
      %get3A_1509 = arith.constant 0 : index
      %get3A_1510 = vector.load %arg2[%get3A_1507, %get3A_1508, %get3A_1509] : memref<1x1000x128xf32, #tpu.memory_space<vmem>>, vector<1x1x128xf32>
      %get3A_1511 = vector.shape_cast %get3A_1510 : vector<1x1x128xf32> to vector<1x128xf32>
      %max3A_1512 = vector.broadcast %get3A_1511 : vector<1x128xf32> to vector<32x128xf32>
      %max3A_1513 = arith.maximumf %get3A_8, %max3A_1512 : vector<32x128xf32>
      %mul3A_1514 = arith.constant 10 : i32
      %mul3A_1515 = arith.muli %add3A_1491, %mul3A_1514 : i32
      %add3A_1516 = arith.constant 2 : i32
      %add3A_1517 = arith.addi %mul3A_1515, %add3A_1516 : i32
      %get3A_1518 = arith.constant 0 : index
      %get3A_1519 = arith.index_cast %add3A_1517 : i32 to index
      %get3A_1520 = arith.constant 0 : index
      %get3A_1521 = vector.load %arg2[%get3A_1518, %get3A_1519, %get3A_1520] : memref<1x1000x128xf32, #tpu.memory_space<vmem>>, vector<1x1x128xf32>
      %get3A_1522 = vector.shape_cast %get3A_1521 : vector<1x1x128xf32> to vector<1x128xf32>
      %min3A_1523 = vector.broadcast %get3A_1522 : vector<1x128xf32> to vector<32x128xf32>
      %min3A_1524 = arith.minimumf %get3A_13, %min3A_1523 : vector<32x128xf32>
      %mul3A_1525 = arith.constant 10 : i32
      %mul3A_1526 = arith.muli %add3A_1491, %mul3A_1525 : i32
      %add3A_1527 = arith.constant 3 : i32
      %add3A_1528 = arith.addi %mul3A_1526, %add3A_1527 : i32
      %get3A_1529 = arith.constant 0 : index
      %get3A_1530 = arith.index_cast %add3A_1528 : i32 to index
      %get3A_1531 = arith.constant 0 : index
      %get3A_1532 = vector.load %arg2[%get3A_1529, %get3A_1530, %get3A_1531] : memref<1x1000x128xf32, #tpu.memory_space<vmem>>, vector<1x1x128xf32>
      %get3A_1533 = vector.shape_cast %get3A_1532 : vector<1x1x128xf32> to vector<1x128xf32>
      %min3A_1534 = vector.broadcast %get3A_1533 : vector<1x128xf32> to vector<32x128xf32>
      %min3A_1535 = arith.minimumf %get3A_18, %min3A_1534 : vector<32x128xf32>
      %sub3A_1536 = arith.subf %min3A_1524, %max3A_1502 : vector<32x128xf32>
      %max3A_1537 = arith.constant 0.000000e+00 : f32
      %max3A_1538 = vector.broadcast %max3A_1537 : f32 to vector<32x128xf32>
      %max3A_1539 = arith.maximumf %sub3A_1536, %max3A_1538 : vector<32x128xf32>
      %sub3A_1540 = arith.subf %min3A_1535, %max3A_1513 : vector<32x128xf32>
      %max3A_1541 = arith.constant 0.000000e+00 : f32
      %max3A_1542 = vector.broadcast %max3A_1541 : f32 to vector<32x128xf32>
      %max3A_1543 = arith.maximumf %sub3A_1540, %max3A_1542 : vector<32x128xf32>
      %mul3A_1544 = arith.mulf %max3A_1539, %max3A_1543 : vector<32x128xf32>
      %mul3A_1545 = arith.constant 10 : i32
      %mul3A_1546 = arith.muli %add3A_1491, %mul3A_1545 : i32
      %add3A_1547 = arith.constant 4 : i32
      %add3A_1548 = arith.addi %mul3A_1546, %add3A_1547 : i32
      %get3A_1549 = arith.constant 0 : index
      %get3A_1550 = arith.index_cast %add3A_1548 : i32 to index
      %get3A_1551 = arith.constant 0 : index
      %get3A_1552 = vector.load %arg2[%get3A_1549, %get3A_1550, %get3A_1551] : memref<1x1000x128xf32, #tpu.memory_space<vmem>>, vector<1x1x128xf32>
      %get3A_1553 = vector.shape_cast %get3A_1552 : vector<1x1x128xf32> to vector<1x128xf32>
      %add3A_1554 = vector.broadcast %get3A_1553 : vector<1x128xf32> to vector<32x128xf32>
      %add3A_1555 = arith.addf %get3A_23, %add3A_1554 : vector<32x128xf32>
      %sub3A_1556 = arith.subf %add3A_1555, %mul3A_1544 : vector<32x128xf32>
      %mul3A_1557 = arith.mulf %mul3A_1544, %select_n3A_1427 : vector<32x128xf32>
      %mul3A_1558 = arith.mulf %select_n3A_1426, %sub3A_1556 : vector<32x128xf32>
      %gt3A_1559 = arith.cmpf ogt, %mul3A_1557, %mul3A_1558 : vector<32x128xf32>
      %select_n3A_1560 = arith.select %gt3A_1559, %mul3A_1544, %select_n3A_1426 : vector<32x128xi1>, vector<32x128xf32>
      %select_n3A_1561 = arith.select %gt3A_1559, %sub3A_1556, %select_n3A_1427 : vector<32x128xi1>, vector<32x128xf32>
      %mul3A_1562 = arith.constant 10 : i32
      %mul3A_1563 = arith.muli %add3A_1491, %mul3A_1562 : i32
      %add3A_1564 = arith.constant 5 : i32
      %add3A_1565 = arith.addi %mul3A_1563, %add3A_1564 : i32
      %get3A_1566 = arith.constant 0 : index
      %get3A_1567 = arith.index_cast %add3A_1565 : i32 to index
      %get3A_1568 = arith.constant 0 : index
      %get3A_1569 = vector.load %arg2[%get3A_1566, %get3A_1567, %get3A_1568] : memref<1x1000x128xf32, #tpu.memory_space<vmem>>, vector<1x1x128xf32>
      %get3A_1570 = vector.shape_cast %get3A_1569 : vector<1x1x128xf32> to vector<1x128xf32>
      %broadcast_in_dim3A_1571 = vector.shape_cast %get3A_1570 : vector<1x128xf32> to vector<1x128xf32>
      %broadcast_in_dim3A_1572 = vector.broadcast %broadcast_in_dim3A_1571 : vector<1x128xf32> to vector<32x128xf32>
      %select_n3A_1573 = arith.select %gt3A_1559, %broadcast_in_dim3A_1572, %select_n3A_1439 : vector<32x128xi1>, vector<32x128xf32>
      %mul3A_1574 = arith.constant 10 : i32
      %mul3A_1575 = arith.muli %add3A_1491, %mul3A_1574 : i32
      %add3A_1576 = arith.constant 6 : i32
      %add3A_1577 = arith.addi %mul3A_1575, %add3A_1576 : i32
      %get3A_1578 = arith.constant 0 : index
      %get3A_1579 = arith.index_cast %add3A_1577 : i32 to index
      %get3A_1580 = arith.constant 0 : index
      %get3A_1581 = vector.load %arg2[%get3A_1578, %get3A_1579, %get3A_1580] : memref<1x1000x128xf32, #tpu.memory_space<vmem>>, vector<1x1x128xf32>
      %get3A_1582 = vector.shape_cast %get3A_1581 : vector<1x1x128xf32> to vector<1x128xf32>
      %broadcast_in_dim3A_1583 = vector.shape_cast %get3A_1582 : vector<1x128xf32> to vector<1x128xf32>
      %broadcast_in_dim3A_1584 = vector.broadcast %broadcast_in_dim3A_1583 : vector<1x128xf32> to vector<32x128xf32>
      %select_n3A_1585 = arith.select %gt3A_1559, %broadcast_in_dim3A_1584, %select_n3A_1451 : vector<32x128xi1>, vector<32x128xf32>
      %mul3A_1586 = arith.constant 10 : i32
      %mul3A_1587 = arith.muli %add3A_1491, %mul3A_1586 : i32
      %add3A_1588 = arith.constant 7 : i32
      %add3A_1589 = arith.addi %mul3A_1587, %add3A_1588 : i32
      %get3A_1590 = arith.constant 0 : index
      %get3A_1591 = arith.index_cast %add3A_1589 : i32 to index
      %get3A_1592 = arith.constant 0 : index
      %get3A_1593 = vector.load %arg2[%get3A_1590, %get3A_1591, %get3A_1592] : memref<1x1000x128xf32, #tpu.memory_space<vmem>>, vector<1x1x128xf32>
      %get3A_1594 = vector.shape_cast %get3A_1593 : vector<1x1x128xf32> to vector<1x128xf32>
      %broadcast_in_dim3A_1595 = vector.shape_cast %get3A_1594 : vector<1x128xf32> to vector<1x128xf32>
      %broadcast_in_dim3A_1596 = vector.broadcast %broadcast_in_dim3A_1595 : vector<1x128xf32> to vector<32x128xf32>
      %select_n3A_1597 = arith.select %gt3A_1559, %broadcast_in_dim3A_1596, %select_n3A_1463 : vector<32x128xi1>, vector<32x128xf32>
      %mul3A_1598 = arith.constant 10 : i32
      %mul3A_1599 = arith.muli %add3A_1491, %mul3A_1598 : i32
      %add3A_1600 = arith.constant 8 : i32
      %add3A_1601 = arith.addi %mul3A_1599, %add3A_1600 : i32
      %get3A_1602 = arith.constant 0 : index
      %get3A_1603 = arith.index_cast %add3A_1601 : i32 to index
      %get3A_1604 = arith.constant 0 : index
      %get3A_1605 = vector.load %arg2[%get3A_1602, %get3A_1603, %get3A_1604] : memref<1x1000x128xf32, #tpu.memory_space<vmem>>, vector<1x1x128xf32>
      %get3A_1606 = vector.shape_cast %get3A_1605 : vector<1x1x128xf32> to vector<1x128xf32>
      %broadcast_in_dim3A_1607 = vector.shape_cast %get3A_1606 : vector<1x128xf32> to vector<1x128xf32>
      %broadcast_in_dim3A_1608 = vector.broadcast %broadcast_in_dim3A_1607 : vector<1x128xf32> to vector<32x128xf32>
      %select_n3A_1609 = arith.select %gt3A_1559, %broadcast_in_dim3A_1608, %select_n3A_1475 : vector<32x128xi1>, vector<32x128xf32>
      %mul3A_1610 = arith.constant 10 : i32
      %mul3A_1611 = arith.muli %add3A_1491, %mul3A_1610 : i32
      %add3A_1612 = arith.constant 9 : i32
      %add3A_1613 = arith.addi %mul3A_1611, %add3A_1612 : i32
      %get3A_1614 = arith.constant 0 : index
      %get3A_1615 = arith.index_cast %add3A_1613 : i32 to index
      %get3A_1616 = arith.constant 0 : index
      %get3A_1617 = vector.load %arg2[%get3A_1614, %get3A_1615, %get3A_1616] : memref<1x1000x128xf32, #tpu.memory_space<vmem>>, vector<1x1x128xf32>
      %get3A_1618 = vector.shape_cast %get3A_1617 : vector<1x1x128xf32> to vector<1x128xf32>
      %broadcast_in_dim3A_1619 = vector.shape_cast %get3A_1618 : vector<1x128xf32> to vector<1x128xf32>
      %broadcast_in_dim3A_1620 = vector.broadcast %broadcast_in_dim3A_1619 : vector<1x128xf32> to vector<32x128xf32>
      %select_n3A_1621 = arith.select %gt3A_1559, %broadcast_in_dim3A_1620, %select_n3A_1487 : vector<32x128xi1>, vector<32x128xf32>
      %mul3A_1622 = arith.constant 20 : i32
      %mul3A_1623 = arith.muli %scan3A_144, %mul3A_1622 : i32
      %add3A_1624 = arith.constant 11 : i32
      %add3A_1625 = arith.addi %mul3A_1623, %add3A_1624 : i32
      %mul3A_1626 = arith.constant 10 : i32
      %mul3A_1627 = arith.muli %add3A_1625, %mul3A_1626 : i32
      %add3A_1628 = arith.constant 0 : i32
      %add3A_1629 = arith.addi %mul3A_1627, %add3A_1628 : i32
      %get3A_1630 = arith.constant 0 : index
      %get3A_1631 = arith.index_cast %add3A_1629 : i32 to index
      %get3A_1632 = arith.constant 0 : index
      %get3A_1633 = vector.load %arg2[%get3A_1630, %get3A_1631, %get3A_1632] : memref<1x1000x128xf32, #tpu.memory_space<vmem>>, vector<1x1x128xf32>
      %get3A_1634 = vector.shape_cast %get3A_1633 : vector<1x1x128xf32> to vector<1x128xf32>
      %max3A_1635 = vector.broadcast %get3A_1634 : vector<1x128xf32> to vector<32x128xf32>
      %max3A_1636 = arith.maximumf %get3A_3, %max3A_1635 : vector<32x128xf32>
      %mul3A_1637 = arith.constant 10 : i32
      %mul3A_1638 = arith.muli %add3A_1625, %mul3A_1637 : i32
      %add3A_1639 = arith.constant 1 : i32
      %add3A_1640 = arith.addi %mul3A_1638, %add3A_1639 : i32
      %get3A_1641 = arith.constant 0 : index
      %get3A_1642 = arith.index_cast %add3A_1640 : i32 to index
      %get3A_1643 = arith.constant 0 : index
      %get3A_1644 = vector.load %arg2[%get3A_1641, %get3A_1642, %get3A_1643] : memref<1x1000x128xf32, #tpu.memory_space<vmem>>, vector<1x1x128xf32>
      %get3A_1645 = vector.shape_cast %get3A_1644 : vector<1x1x128xf32> to vector<1x128xf32>
      %max3A_1646 = vector.broadcast %get3A_1645 : vector<1x128xf32> to vector<32x128xf32>
      %max3A_1647 = arith.maximumf %get3A_8, %max3A_1646 : vector<32x128xf32>
      %mul3A_1648 = arith.constant 10 : i32
      %mul3A_1649 = arith.muli %add3A_1625, %mul3A_1648 : i32
      %add3A_1650 = arith.constant 2 : i32
      %add3A_1651 = arith.addi %mul3A_1649, %add3A_1650 : i32
      %get3A_1652 = arith.constant 0 : index
      %get3A_1653 = arith.index_cast %add3A_1651 : i32 to index
      %get3A_1654 = arith.constant 0 : index
      %get3A_1655 = vector.load %arg2[%get3A_1652, %get3A_1653, %get3A_1654] : memref<1x1000x128xf32, #tpu.memory_space<vmem>>, vector<1x1x128xf32>
      %get3A_1656 = vector.shape_cast %get3A_1655 : vector<1x1x128xf32> to vector<1x128xf32>
      %min3A_1657 = vector.broadcast %get3A_1656 : vector<1x128xf32> to vector<32x128xf32>
      %min3A_1658 = arith.minimumf %get3A_13, %min3A_1657 : vector<32x128xf32>
      %mul3A_1659 = arith.constant 10 : i32
      %mul3A_1660 = arith.muli %add3A_1625, %mul3A_1659 : i32
      %add3A_1661 = arith.constant 3 : i32
      %add3A_1662 = arith.addi %mul3A_1660, %add3A_1661 : i32
      %get3A_1663 = arith.constant 0 : index
      %get3A_1664 = arith.index_cast %add3A_1662 : i32 to index
      %get3A_1665 = arith.constant 0 : index
      %get3A_1666 = vector.load %arg2[%get3A_1663, %get3A_1664, %get3A_1665] : memref<1x1000x128xf32, #tpu.memory_space<vmem>>, vector<1x1x128xf32>
      %get3A_1667 = vector.shape_cast %get3A_1666 : vector<1x1x128xf32> to vector<1x128xf32>
      %min3A_1668 = vector.broadcast %get3A_1667 : vector<1x128xf32> to vector<32x128xf32>
      %min3A_1669 = arith.minimumf %get3A_18, %min3A_1668 : vector<32x128xf32>
      %sub3A_1670 = arith.subf %min3A_1658, %max3A_1636 : vector<32x128xf32>
      %max3A_1671 = arith.constant 0.000000e+00 : f32
      %max3A_1672 = vector.broadcast %max3A_1671 : f32 to vector<32x128xf32>
      %max3A_1673 = arith.maximumf %sub3A_1670, %max3A_1672 : vector<32x128xf32>
      %sub3A_1674 = arith.subf %min3A_1669, %max3A_1647 : vector<32x128xf32>
      %max3A_1675 = arith.constant 0.000000e+00 : f32
      %max3A_1676 = vector.broadcast %max3A_1675 : f32 to vector<32x128xf32>
      %max3A_1677 = arith.maximumf %sub3A_1674, %max3A_1676 : vector<32x128xf32>
      %mul3A_1678 = arith.mulf %max3A_1673, %max3A_1677 : vector<32x128xf32>
      %mul3A_1679 = arith.constant 10 : i32
      %mul3A_1680 = arith.muli %add3A_1625, %mul3A_1679 : i32
      %add3A_1681 = arith.constant 4 : i32
      %add3A_1682 = arith.addi %mul3A_1680, %add3A_1681 : i32
      %get3A_1683 = arith.constant 0 : index
      %get3A_1684 = arith.index_cast %add3A_1682 : i32 to index
      %get3A_1685 = arith.constant 0 : index
      %get3A_1686 = vector.load %arg2[%get3A_1683, %get3A_1684, %get3A_1685] : memref<1x1000x128xf32, #tpu.memory_space<vmem>>, vector<1x1x128xf32>
      %get3A_1687 = vector.shape_cast %get3A_1686 : vector<1x1x128xf32> to vector<1x128xf32>
      %add3A_1688 = vector.broadcast %get3A_1687 : vector<1x128xf32> to vector<32x128xf32>
      %add3A_1689 = arith.addf %get3A_23, %add3A_1688 : vector<32x128xf32>
      %sub3A_1690 = arith.subf %add3A_1689, %mul3A_1678 : vector<32x128xf32>
      %mul3A_1691 = arith.mulf %mul3A_1678, %select_n3A_1561 : vector<32x128xf32>
      %mul3A_1692 = arith.mulf %select_n3A_1560, %sub3A_1690 : vector<32x128xf32>
      %gt3A_1693 = arith.cmpf ogt, %mul3A_1691, %mul3A_1692 : vector<32x128xf32>
      %select_n3A_1694 = arith.select %gt3A_1693, %mul3A_1678, %select_n3A_1560 : vector<32x128xi1>, vector<32x128xf32>
      %select_n3A_1695 = arith.select %gt3A_1693, %sub3A_1690, %select_n3A_1561 : vector<32x128xi1>, vector<32x128xf32>
      %mul3A_1696 = arith.constant 10 : i32
      %mul3A_1697 = arith.muli %add3A_1625, %mul3A_1696 : i32
      %add3A_1698 = arith.constant 5 : i32
      %add3A_1699 = arith.addi %mul3A_1697, %add3A_1698 : i32
      %get3A_1700 = arith.constant 0 : index
      %get3A_1701 = arith.index_cast %add3A_1699 : i32 to index
      %get3A_1702 = arith.constant 0 : index
      %get3A_1703 = vector.load %arg2[%get3A_1700, %get3A_1701, %get3A_1702] : memref<1x1000x128xf32, #tpu.memory_space<vmem>>, vector<1x1x128xf32>
      %get3A_1704 = vector.shape_cast %get3A_1703 : vector<1x1x128xf32> to vector<1x128xf32>
      %broadcast_in_dim3A_1705 = vector.shape_cast %get3A_1704 : vector<1x128xf32> to vector<1x128xf32>
      %broadcast_in_dim3A_1706 = vector.broadcast %broadcast_in_dim3A_1705 : vector<1x128xf32> to vector<32x128xf32>
      %select_n3A_1707 = arith.select %gt3A_1693, %broadcast_in_dim3A_1706, %select_n3A_1573 : vector<32x128xi1>, vector<32x128xf32>
      %mul3A_1708 = arith.constant 10 : i32
      %mul3A_1709 = arith.muli %add3A_1625, %mul3A_1708 : i32
      %add3A_1710 = arith.constant 6 : i32
      %add3A_1711 = arith.addi %mul3A_1709, %add3A_1710 : i32
      %get3A_1712 = arith.constant 0 : index
      %get3A_1713 = arith.index_cast %add3A_1711 : i32 to index
      %get3A_1714 = arith.constant 0 : index
      %get3A_1715 = vector.load %arg2[%get3A_1712, %get3A_1713, %get3A_1714] : memref<1x1000x128xf32, #tpu.memory_space<vmem>>, vector<1x1x128xf32>
      %get3A_1716 = vector.shape_cast %get3A_1715 : vector<1x1x128xf32> to vector<1x128xf32>
      %broadcast_in_dim3A_1717 = vector.shape_cast %get3A_1716 : vector<1x128xf32> to vector<1x128xf32>
      %broadcast_in_dim3A_1718 = vector.broadcast %broadcast_in_dim3A_1717 : vector<1x128xf32> to vector<32x128xf32>
      %select_n3A_1719 = arith.select %gt3A_1693, %broadcast_in_dim3A_1718, %select_n3A_1585 : vector<32x128xi1>, vector<32x128xf32>
      %mul3A_1720 = arith.constant 10 : i32
      %mul3A_1721 = arith.muli %add3A_1625, %mul3A_1720 : i32
      %add3A_1722 = arith.constant 7 : i32
      %add3A_1723 = arith.addi %mul3A_1721, %add3A_1722 : i32
      %get3A_1724 = arith.constant 0 : index
      %get3A_1725 = arith.index_cast %add3A_1723 : i32 to index
      %get3A_1726 = arith.constant 0 : index
      %get3A_1727 = vector.load %arg2[%get3A_1724, %get3A_1725, %get3A_1726] : memref<1x1000x128xf32, #tpu.memory_space<vmem>>, vector<1x1x128xf32>
      %get3A_1728 = vector.shape_cast %get3A_1727 : vector<1x1x128xf32> to vector<1x128xf32>
      %broadcast_in_dim3A_1729 = vector.shape_cast %get3A_1728 : vector<1x128xf32> to vector<1x128xf32>
      %broadcast_in_dim3A_1730 = vector.broadcast %broadcast_in_dim3A_1729 : vector<1x128xf32> to vector<32x128xf32>
      %select_n3A_1731 = arith.select %gt3A_1693, %broadcast_in_dim3A_1730, %select_n3A_1597 : vector<32x128xi1>, vector<32x128xf32>
      %mul3A_1732 = arith.constant 10 : i32
      %mul3A_1733 = arith.muli %add3A_1625, %mul3A_1732 : i32
      %add3A_1734 = arith.constant 8 : i32
      %add3A_1735 = arith.addi %mul3A_1733, %add3A_1734 : i32
      %get3A_1736 = arith.constant 0 : index
      %get3A_1737 = arith.index_cast %add3A_1735 : i32 to index
      %get3A_1738 = arith.constant 0 : index
      %get3A_1739 = vector.load %arg2[%get3A_1736, %get3A_1737, %get3A_1738] : memref<1x1000x128xf32, #tpu.memory_space<vmem>>, vector<1x1x128xf32>
      %get3A_1740 = vector.shape_cast %get3A_1739 : vector<1x1x128xf32> to vector<1x128xf32>
      %broadcast_in_dim3A_1741 = vector.shape_cast %get3A_1740 : vector<1x128xf32> to vector<1x128xf32>
      %broadcast_in_dim3A_1742 = vector.broadcast %broadcast_in_dim3A_1741 : vector<1x128xf32> to vector<32x128xf32>
      %select_n3A_1743 = arith.select %gt3A_1693, %broadcast_in_dim3A_1742, %select_n3A_1609 : vector<32x128xi1>, vector<32x128xf32>
      %mul3A_1744 = arith.constant 10 : i32
      %mul3A_1745 = arith.muli %add3A_1625, %mul3A_1744 : i32
      %add3A_1746 = arith.constant 9 : i32
      %add3A_1747 = arith.addi %mul3A_1745, %add3A_1746 : i32
      %get3A_1748 = arith.constant 0 : index
      %get3A_1749 = arith.index_cast %add3A_1747 : i32 to index
      %get3A_1750 = arith.constant 0 : index
      %get3A_1751 = vector.load %arg2[%get3A_1748, %get3A_1749, %get3A_1750] : memref<1x1000x128xf32, #tpu.memory_space<vmem>>, vector<1x1x128xf32>
      %get3A_1752 = vector.shape_cast %get3A_1751 : vector<1x1x128xf32> to vector<1x128xf32>
      %broadcast_in_dim3A_1753 = vector.shape_cast %get3A_1752 : vector<1x128xf32> to vector<1x128xf32>
      %broadcast_in_dim3A_1754 = vector.broadcast %broadcast_in_dim3A_1753 : vector<1x128xf32> to vector<32x128xf32>
      %select_n3A_1755 = arith.select %gt3A_1693, %broadcast_in_dim3A_1754, %select_n3A_1621 : vector<32x128xi1>, vector<32x128xf32>
      %mul3A_1756 = arith.constant 20 : i32
      %mul3A_1757 = arith.muli %scan3A_144, %mul3A_1756 : i32
      %add3A_1758 = arith.constant 12 : i32
      %add3A_1759 = arith.addi %mul3A_1757, %add3A_1758 : i32
      %mul3A_1760 = arith.constant 10 : i32
      %mul3A_1761 = arith.muli %add3A_1759, %mul3A_1760 : i32
      %add3A_1762 = arith.constant 0 : i32
      %add3A_1763 = arith.addi %mul3A_1761, %add3A_1762 : i32
      %get3A_1764 = arith.constant 0 : index
      %get3A_1765 = arith.index_cast %add3A_1763 : i32 to index
      %get3A_1766 = arith.constant 0 : index
      %get3A_1767 = vector.load %arg2[%get3A_1764, %get3A_1765, %get3A_1766] : memref<1x1000x128xf32, #tpu.memory_space<vmem>>, vector<1x1x128xf32>
      %get3A_1768 = vector.shape_cast %get3A_1767 : vector<1x1x128xf32> to vector<1x128xf32>
      %max3A_1769 = vector.broadcast %get3A_1768 : vector<1x128xf32> to vector<32x128xf32>
      %max3A_1770 = arith.maximumf %get3A_3, %max3A_1769 : vector<32x128xf32>
      %mul3A_1771 = arith.constant 10 : i32
      %mul3A_1772 = arith.muli %add3A_1759, %mul3A_1771 : i32
      %add3A_1773 = arith.constant 1 : i32
      %add3A_1774 = arith.addi %mul3A_1772, %add3A_1773 : i32
      %get3A_1775 = arith.constant 0 : index
      %get3A_1776 = arith.index_cast %add3A_1774 : i32 to index
      %get3A_1777 = arith.constant 0 : index
      %get3A_1778 = vector.load %arg2[%get3A_1775, %get3A_1776, %get3A_1777] : memref<1x1000x128xf32, #tpu.memory_space<vmem>>, vector<1x1x128xf32>
      %get3A_1779 = vector.shape_cast %get3A_1778 : vector<1x1x128xf32> to vector<1x128xf32>
      %max3A_1780 = vector.broadcast %get3A_1779 : vector<1x128xf32> to vector<32x128xf32>
      %max3A_1781 = arith.maximumf %get3A_8, %max3A_1780 : vector<32x128xf32>
      %mul3A_1782 = arith.constant 10 : i32
      %mul3A_1783 = arith.muli %add3A_1759, %mul3A_1782 : i32
      %add3A_1784 = arith.constant 2 : i32
      %add3A_1785 = arith.addi %mul3A_1783, %add3A_1784 : i32
      %get3A_1786 = arith.constant 0 : index
      %get3A_1787 = arith.index_cast %add3A_1785 : i32 to index
      %get3A_1788 = arith.constant 0 : index
      %get3A_1789 = vector.load %arg2[%get3A_1786, %get3A_1787, %get3A_1788] : memref<1x1000x128xf32, #tpu.memory_space<vmem>>, vector<1x1x128xf32>
      %get3A_1790 = vector.shape_cast %get3A_1789 : vector<1x1x128xf32> to vector<1x128xf32>
      %min3A_1791 = vector.broadcast %get3A_1790 : vector<1x128xf32> to vector<32x128xf32>
      %min3A_1792 = arith.minimumf %get3A_13, %min3A_1791 : vector<32x128xf32>
      %mul3A_1793 = arith.constant 10 : i32
      %mul3A_1794 = arith.muli %add3A_1759, %mul3A_1793 : i32
      %add3A_1795 = arith.constant 3 : i32
      %add3A_1796 = arith.addi %mul3A_1794, %add3A_1795 : i32
      %get3A_1797 = arith.constant 0 : index
      %get3A_1798 = arith.index_cast %add3A_1796 : i32 to index
      %get3A_1799 = arith.constant 0 : index
      %get3A_1800 = vector.load %arg2[%get3A_1797, %get3A_1798, %get3A_1799] : memref<1x1000x128xf32, #tpu.memory_space<vmem>>, vector<1x1x128xf32>
      %get3A_1801 = vector.shape_cast %get3A_1800 : vector<1x1x128xf32> to vector<1x128xf32>
      %min3A_1802 = vector.broadcast %get3A_1801 : vector<1x128xf32> to vector<32x128xf32>
      %min3A_1803 = arith.minimumf %get3A_18, %min3A_1802 : vector<32x128xf32>
      %sub3A_1804 = arith.subf %min3A_1792, %max3A_1770 : vector<32x128xf32>
      %max3A_1805 = arith.constant 0.000000e+00 : f32
      %max3A_1806 = vector.broadcast %max3A_1805 : f32 to vector<32x128xf32>
      %max3A_1807 = arith.maximumf %sub3A_1804, %max3A_1806 : vector<32x128xf32>
      %sub3A_1808 = arith.subf %min3A_1803, %max3A_1781 : vector<32x128xf32>
      %max3A_1809 = arith.constant 0.000000e+00 : f32
      %max3A_1810 = vector.broadcast %max3A_1809 : f32 to vector<32x128xf32>
      %max3A_1811 = arith.maximumf %sub3A_1808, %max3A_1810 : vector<32x128xf32>
      %mul3A_1812 = arith.mulf %max3A_1807, %max3A_1811 : vector<32x128xf32>
      %mul3A_1813 = arith.constant 10 : i32
      %mul3A_1814 = arith.muli %add3A_1759, %mul3A_1813 : i32
      %add3A_1815 = arith.constant 4 : i32
      %add3A_1816 = arith.addi %mul3A_1814, %add3A_1815 : i32
      %get3A_1817 = arith.constant 0 : index
      %get3A_1818 = arith.index_cast %add3A_1816 : i32 to index
      %get3A_1819 = arith.constant 0 : index
      %get3A_1820 = vector.load %arg2[%get3A_1817, %get3A_1818, %get3A_1819] : memref<1x1000x128xf32, #tpu.memory_space<vmem>>, vector<1x1x128xf32>
      %get3A_1821 = vector.shape_cast %get3A_1820 : vector<1x1x128xf32> to vector<1x128xf32>
      %add3A_1822 = vector.broadcast %get3A_1821 : vector<1x128xf32> to vector<32x128xf32>
      %add3A_1823 = arith.addf %get3A_23, %add3A_1822 : vector<32x128xf32>
      %sub3A_1824 = arith.subf %add3A_1823, %mul3A_1812 : vector<32x128xf32>
      %mul3A_1825 = arith.mulf %mul3A_1812, %select_n3A_1695 : vector<32x128xf32>
      %mul3A_1826 = arith.mulf %select_n3A_1694, %sub3A_1824 : vector<32x128xf32>
      %gt3A_1827 = arith.cmpf ogt, %mul3A_1825, %mul3A_1826 : vector<32x128xf32>
      %select_n3A_1828 = arith.select %gt3A_1827, %mul3A_1812, %select_n3A_1694 : vector<32x128xi1>, vector<32x128xf32>
      %select_n3A_1829 = arith.select %gt3A_1827, %sub3A_1824, %select_n3A_1695 : vector<32x128xi1>, vector<32x128xf32>
      %mul3A_1830 = arith.constant 10 : i32
      %mul3A_1831 = arith.muli %add3A_1759, %mul3A_1830 : i32
      %add3A_1832 = arith.constant 5 : i32
      %add3A_1833 = arith.addi %mul3A_1831, %add3A_1832 : i32
      %get3A_1834 = arith.constant 0 : index
      %get3A_1835 = arith.index_cast %add3A_1833 : i32 to index
      %get3A_1836 = arith.constant 0 : index
      %get3A_1837 = vector.load %arg2[%get3A_1834, %get3A_1835, %get3A_1836] : memref<1x1000x128xf32, #tpu.memory_space<vmem>>, vector<1x1x128xf32>
      %get3A_1838 = vector.shape_cast %get3A_1837 : vector<1x1x128xf32> to vector<1x128xf32>
      %broadcast_in_dim3A_1839 = vector.shape_cast %get3A_1838 : vector<1x128xf32> to vector<1x128xf32>
      %broadcast_in_dim3A_1840 = vector.broadcast %broadcast_in_dim3A_1839 : vector<1x128xf32> to vector<32x128xf32>
      %select_n3A_1841 = arith.select %gt3A_1827, %broadcast_in_dim3A_1840, %select_n3A_1707 : vector<32x128xi1>, vector<32x128xf32>
      %mul3A_1842 = arith.constant 10 : i32
      %mul3A_1843 = arith.muli %add3A_1759, %mul3A_1842 : i32
      %add3A_1844 = arith.constant 6 : i32
      %add3A_1845 = arith.addi %mul3A_1843, %add3A_1844 : i32
      %get3A_1846 = arith.constant 0 : index
      %get3A_1847 = arith.index_cast %add3A_1845 : i32 to index
      %get3A_1848 = arith.constant 0 : index
      %get3A_1849 = vector.load %arg2[%get3A_1846, %get3A_1847, %get3A_1848] : memref<1x1000x128xf32, #tpu.memory_space<vmem>>, vector<1x1x128xf32>
      %get3A_1850 = vector.shape_cast %get3A_1849 : vector<1x1x128xf32> to vector<1x128xf32>
      %broadcast_in_dim3A_1851 = vector.shape_cast %get3A_1850 : vector<1x128xf32> to vector<1x128xf32>
      %broadcast_in_dim3A_1852 = vector.broadcast %broadcast_in_dim3A_1851 : vector<1x128xf32> to vector<32x128xf32>
      %select_n3A_1853 = arith.select %gt3A_1827, %broadcast_in_dim3A_1852, %select_n3A_1719 : vector<32x128xi1>, vector<32x128xf32>
      %mul3A_1854 = arith.constant 10 : i32
      %mul3A_1855 = arith.muli %add3A_1759, %mul3A_1854 : i32
      %add3A_1856 = arith.constant 7 : i32
      %add3A_1857 = arith.addi %mul3A_1855, %add3A_1856 : i32
      %get3A_1858 = arith.constant 0 : index
      %get3A_1859 = arith.index_cast %add3A_1857 : i32 to index
      %get3A_1860 = arith.constant 0 : index
      %get3A_1861 = vector.load %arg2[%get3A_1858, %get3A_1859, %get3A_1860] : memref<1x1000x128xf32, #tpu.memory_space<vmem>>, vector<1x1x128xf32>
      %get3A_1862 = vector.shape_cast %get3A_1861 : vector<1x1x128xf32> to vector<1x128xf32>
      %broadcast_in_dim3A_1863 = vector.shape_cast %get3A_1862 : vector<1x128xf32> to vector<1x128xf32>
      %broadcast_in_dim3A_1864 = vector.broadcast %broadcast_in_dim3A_1863 : vector<1x128xf32> to vector<32x128xf32>
      %select_n3A_1865 = arith.select %gt3A_1827, %broadcast_in_dim3A_1864, %select_n3A_1731 : vector<32x128xi1>, vector<32x128xf32>
      %mul3A_1866 = arith.constant 10 : i32
      %mul3A_1867 = arith.muli %add3A_1759, %mul3A_1866 : i32
      %add3A_1868 = arith.constant 8 : i32
      %add3A_1869 = arith.addi %mul3A_1867, %add3A_1868 : i32
      %get3A_1870 = arith.constant 0 : index
      %get3A_1871 = arith.index_cast %add3A_1869 : i32 to index
      %get3A_1872 = arith.constant 0 : index
      %get3A_1873 = vector.load %arg2[%get3A_1870, %get3A_1871, %get3A_1872] : memref<1x1000x128xf32, #tpu.memory_space<vmem>>, vector<1x1x128xf32>
      %get3A_1874 = vector.shape_cast %get3A_1873 : vector<1x1x128xf32> to vector<1x128xf32>
      %broadcast_in_dim3A_1875 = vector.shape_cast %get3A_1874 : vector<1x128xf32> to vector<1x128xf32>
      %broadcast_in_dim3A_1876 = vector.broadcast %broadcast_in_dim3A_1875 : vector<1x128xf32> to vector<32x128xf32>
      %select_n3A_1877 = arith.select %gt3A_1827, %broadcast_in_dim3A_1876, %select_n3A_1743 : vector<32x128xi1>, vector<32x128xf32>
      %mul3A_1878 = arith.constant 10 : i32
      %mul3A_1879 = arith.muli %add3A_1759, %mul3A_1878 : i32
      %add3A_1880 = arith.constant 9 : i32
      %add3A_1881 = arith.addi %mul3A_1879, %add3A_1880 : i32
      %get3A_1882 = arith.constant 0 : index
      %get3A_1883 = arith.index_cast %add3A_1881 : i32 to index
      %get3A_1884 = arith.constant 0 : index
      %get3A_1885 = vector.load %arg2[%get3A_1882, %get3A_1883, %get3A_1884] : memref<1x1000x128xf32, #tpu.memory_space<vmem>>, vector<1x1x128xf32>
      %get3A_1886 = vector.shape_cast %get3A_1885 : vector<1x1x128xf32> to vector<1x128xf32>
      %broadcast_in_dim3A_1887 = vector.shape_cast %get3A_1886 : vector<1x128xf32> to vector<1x128xf32>
      %broadcast_in_dim3A_1888 = vector.broadcast %broadcast_in_dim3A_1887 : vector<1x128xf32> to vector<32x128xf32>
      %select_n3A_1889 = arith.select %gt3A_1827, %broadcast_in_dim3A_1888, %select_n3A_1755 : vector<32x128xi1>, vector<32x128xf32>
      %mul3A_1890 = arith.constant 20 : i32
      %mul3A_1891 = arith.muli %scan3A_144, %mul3A_1890 : i32
      %add3A_1892 = arith.constant 13 : i32
      %add3A_1893 = arith.addi %mul3A_1891, %add3A_1892 : i32
      %mul3A_1894 = arith.constant 10 : i32
      %mul3A_1895 = arith.muli %add3A_1893, %mul3A_1894 : i32
      %add3A_1896 = arith.constant 0 : i32
      %add3A_1897 = arith.addi %mul3A_1895, %add3A_1896 : i32
      %get3A_1898 = arith.constant 0 : index
      %get3A_1899 = arith.index_cast %add3A_1897 : i32 to index
      %get3A_1900 = arith.constant 0 : index
      %get3A_1901 = vector.load %arg2[%get3A_1898, %get3A_1899, %get3A_1900] : memref<1x1000x128xf32, #tpu.memory_space<vmem>>, vector<1x1x128xf32>
      %get3A_1902 = vector.shape_cast %get3A_1901 : vector<1x1x128xf32> to vector<1x128xf32>
      %max3A_1903 = vector.broadcast %get3A_1902 : vector<1x128xf32> to vector<32x128xf32>
      %max3A_1904 = arith.maximumf %get3A_3, %max3A_1903 : vector<32x128xf32>
      %mul3A_1905 = arith.constant 10 : i32
      %mul3A_1906 = arith.muli %add3A_1893, %mul3A_1905 : i32
      %add3A_1907 = arith.constant 1 : i32
      %add3A_1908 = arith.addi %mul3A_1906, %add3A_1907 : i32
      %get3A_1909 = arith.constant 0 : index
      %get3A_1910 = arith.index_cast %add3A_1908 : i32 to index
      %get3A_1911 = arith.constant 0 : index
      %get3A_1912 = vector.load %arg2[%get3A_1909, %get3A_1910, %get3A_1911] : memref<1x1000x128xf32, #tpu.memory_space<vmem>>, vector<1x1x128xf32>
      %get3A_1913 = vector.shape_cast %get3A_1912 : vector<1x1x128xf32> to vector<1x128xf32>
      %max3A_1914 = vector.broadcast %get3A_1913 : vector<1x128xf32> to vector<32x128xf32>
      %max3A_1915 = arith.maximumf %get3A_8, %max3A_1914 : vector<32x128xf32>
      %mul3A_1916 = arith.constant 10 : i32
      %mul3A_1917 = arith.muli %add3A_1893, %mul3A_1916 : i32
      %add3A_1918 = arith.constant 2 : i32
      %add3A_1919 = arith.addi %mul3A_1917, %add3A_1918 : i32
      %get3A_1920 = arith.constant 0 : index
      %get3A_1921 = arith.index_cast %add3A_1919 : i32 to index
      %get3A_1922 = arith.constant 0 : index
      %get3A_1923 = vector.load %arg2[%get3A_1920, %get3A_1921, %get3A_1922] : memref<1x1000x128xf32, #tpu.memory_space<vmem>>, vector<1x1x128xf32>
      %get3A_1924 = vector.shape_cast %get3A_1923 : vector<1x1x128xf32> to vector<1x128xf32>
      %min3A_1925 = vector.broadcast %get3A_1924 : vector<1x128xf32> to vector<32x128xf32>
      %min3A_1926 = arith.minimumf %get3A_13, %min3A_1925 : vector<32x128xf32>
      %mul3A_1927 = arith.constant 10 : i32
      %mul3A_1928 = arith.muli %add3A_1893, %mul3A_1927 : i32
      %add3A_1929 = arith.constant 3 : i32
      %add3A_1930 = arith.addi %mul3A_1928, %add3A_1929 : i32
      %get3A_1931 = arith.constant 0 : index
      %get3A_1932 = arith.index_cast %add3A_1930 : i32 to index
      %get3A_1933 = arith.constant 0 : index
      %get3A_1934 = vector.load %arg2[%get3A_1931, %get3A_1932, %get3A_1933] : memref<1x1000x128xf32, #tpu.memory_space<vmem>>, vector<1x1x128xf32>
      %get3A_1935 = vector.shape_cast %get3A_1934 : vector<1x1x128xf32> to vector<1x128xf32>
      %min3A_1936 = vector.broadcast %get3A_1935 : vector<1x128xf32> to vector<32x128xf32>
      %min3A_1937 = arith.minimumf %get3A_18, %min3A_1936 : vector<32x128xf32>
      %sub3A_1938 = arith.subf %min3A_1926, %max3A_1904 : vector<32x128xf32>
      %max3A_1939 = arith.constant 0.000000e+00 : f32
      %max3A_1940 = vector.broadcast %max3A_1939 : f32 to vector<32x128xf32>
      %max3A_1941 = arith.maximumf %sub3A_1938, %max3A_1940 : vector<32x128xf32>
      %sub3A_1942 = arith.subf %min3A_1937, %max3A_1915 : vector<32x128xf32>
      %max3A_1943 = arith.constant 0.000000e+00 : f32
      %max3A_1944 = vector.broadcast %max3A_1943 : f32 to vector<32x128xf32>
      %max3A_1945 = arith.maximumf %sub3A_1942, %max3A_1944 : vector<32x128xf32>
      %mul3A_1946 = arith.mulf %max3A_1941, %max3A_1945 : vector<32x128xf32>
      %mul3A_1947 = arith.constant 10 : i32
      %mul3A_1948 = arith.muli %add3A_1893, %mul3A_1947 : i32
      %add3A_1949 = arith.constant 4 : i32
      %add3A_1950 = arith.addi %mul3A_1948, %add3A_1949 : i32
      %get3A_1951 = arith.constant 0 : index
      %get3A_1952 = arith.index_cast %add3A_1950 : i32 to index
      %get3A_1953 = arith.constant 0 : index
      %get3A_1954 = vector.load %arg2[%get3A_1951, %get3A_1952, %get3A_1953] : memref<1x1000x128xf32, #tpu.memory_space<vmem>>, vector<1x1x128xf32>
      %get3A_1955 = vector.shape_cast %get3A_1954 : vector<1x1x128xf32> to vector<1x128xf32>
      %add3A_1956 = vector.broadcast %get3A_1955 : vector<1x128xf32> to vector<32x128xf32>
      %add3A_1957 = arith.addf %get3A_23, %add3A_1956 : vector<32x128xf32>
      %sub3A_1958 = arith.subf %add3A_1957, %mul3A_1946 : vector<32x128xf32>
      %mul3A_1959 = arith.mulf %mul3A_1946, %select_n3A_1829 : vector<32x128xf32>
      %mul3A_1960 = arith.mulf %select_n3A_1828, %sub3A_1958 : vector<32x128xf32>
      %gt3A_1961 = arith.cmpf ogt, %mul3A_1959, %mul3A_1960 : vector<32x128xf32>
      %select_n3A_1962 = arith.select %gt3A_1961, %mul3A_1946, %select_n3A_1828 : vector<32x128xi1>, vector<32x128xf32>
      %select_n3A_1963 = arith.select %gt3A_1961, %sub3A_1958, %select_n3A_1829 : vector<32x128xi1>, vector<32x128xf32>
      %mul3A_1964 = arith.constant 10 : i32
      %mul3A_1965 = arith.muli %add3A_1893, %mul3A_1964 : i32
      %add3A_1966 = arith.constant 5 : i32
      %add3A_1967 = arith.addi %mul3A_1965, %add3A_1966 : i32
      %get3A_1968 = arith.constant 0 : index
      %get3A_1969 = arith.index_cast %add3A_1967 : i32 to index
      %get3A_1970 = arith.constant 0 : index
      %get3A_1971 = vector.load %arg2[%get3A_1968, %get3A_1969, %get3A_1970] : memref<1x1000x128xf32, #tpu.memory_space<vmem>>, vector<1x1x128xf32>
      %get3A_1972 = vector.shape_cast %get3A_1971 : vector<1x1x128xf32> to vector<1x128xf32>
      %broadcast_in_dim3A_1973 = vector.shape_cast %get3A_1972 : vector<1x128xf32> to vector<1x128xf32>
      %broadcast_in_dim3A_1974 = vector.broadcast %broadcast_in_dim3A_1973 : vector<1x128xf32> to vector<32x128xf32>
      %select_n3A_1975 = arith.select %gt3A_1961, %broadcast_in_dim3A_1974, %select_n3A_1841 : vector<32x128xi1>, vector<32x128xf32>
      %mul3A_1976 = arith.constant 10 : i32
      %mul3A_1977 = arith.muli %add3A_1893, %mul3A_1976 : i32
      %add3A_1978 = arith.constant 6 : i32
      %add3A_1979 = arith.addi %mul3A_1977, %add3A_1978 : i32
      %get3A_1980 = arith.constant 0 : index
      %get3A_1981 = arith.index_cast %add3A_1979 : i32 to index
      %get3A_1982 = arith.constant 0 : index
      %get3A_1983 = vector.load %arg2[%get3A_1980, %get3A_1981, %get3A_1982] : memref<1x1000x128xf32, #tpu.memory_space<vmem>>, vector<1x1x128xf32>
      %get3A_1984 = vector.shape_cast %get3A_1983 : vector<1x1x128xf32> to vector<1x128xf32>
      %broadcast_in_dim3A_1985 = vector.shape_cast %get3A_1984 : vector<1x128xf32> to vector<1x128xf32>
      %broadcast_in_dim3A_1986 = vector.broadcast %broadcast_in_dim3A_1985 : vector<1x128xf32> to vector<32x128xf32>
      %select_n3A_1987 = arith.select %gt3A_1961, %broadcast_in_dim3A_1986, %select_n3A_1853 : vector<32x128xi1>, vector<32x128xf32>
      %mul3A_1988 = arith.constant 10 : i32
      %mul3A_1989 = arith.muli %add3A_1893, %mul3A_1988 : i32
      %add3A_1990 = arith.constant 7 : i32
      %add3A_1991 = arith.addi %mul3A_1989, %add3A_1990 : i32
      %get3A_1992 = arith.constant 0 : index
      %get3A_1993 = arith.index_cast %add3A_1991 : i32 to index
      %get3A_1994 = arith.constant 0 : index
      %get3A_1995 = vector.load %arg2[%get3A_1992, %get3A_1993, %get3A_1994] : memref<1x1000x128xf32, #tpu.memory_space<vmem>>, vector<1x1x128xf32>
      %get3A_1996 = vector.shape_cast %get3A_1995 : vector<1x1x128xf32> to vector<1x128xf32>
      %broadcast_in_dim3A_1997 = vector.shape_cast %get3A_1996 : vector<1x128xf32> to vector<1x128xf32>
      %broadcast_in_dim3A_1998 = vector.broadcast %broadcast_in_dim3A_1997 : vector<1x128xf32> to vector<32x128xf32>
      %select_n3A_1999 = arith.select %gt3A_1961, %broadcast_in_dim3A_1998, %select_n3A_1865 : vector<32x128xi1>, vector<32x128xf32>
      %mul3A_2000 = arith.constant 10 : i32
      %mul3A_2001 = arith.muli %add3A_1893, %mul3A_2000 : i32
      %add3A_2002 = arith.constant 8 : i32
      %add3A_2003 = arith.addi %mul3A_2001, %add3A_2002 : i32
      %get3A_2004 = arith.constant 0 : index
      %get3A_2005 = arith.index_cast %add3A_2003 : i32 to index
      %get3A_2006 = arith.constant 0 : index
      %get3A_2007 = vector.load %arg2[%get3A_2004, %get3A_2005, %get3A_2006] : memref<1x1000x128xf32, #tpu.memory_space<vmem>>, vector<1x1x128xf32>
      %get3A_2008 = vector.shape_cast %get3A_2007 : vector<1x1x128xf32> to vector<1x128xf32>
      %broadcast_in_dim3A_2009 = vector.shape_cast %get3A_2008 : vector<1x128xf32> to vector<1x128xf32>
      %broadcast_in_dim3A_2010 = vector.broadcast %broadcast_in_dim3A_2009 : vector<1x128xf32> to vector<32x128xf32>
      %select_n3A_2011 = arith.select %gt3A_1961, %broadcast_in_dim3A_2010, %select_n3A_1877 : vector<32x128xi1>, vector<32x128xf32>
      %mul3A_2012 = arith.constant 10 : i32
      %mul3A_2013 = arith.muli %add3A_1893, %mul3A_2012 : i32
      %add3A_2014 = arith.constant 9 : i32
      %add3A_2015 = arith.addi %mul3A_2013, %add3A_2014 : i32
      %get3A_2016 = arith.constant 0 : index
      %get3A_2017 = arith.index_cast %add3A_2015 : i32 to index
      %get3A_2018 = arith.constant 0 : index
      %get3A_2019 = vector.load %arg2[%get3A_2016, %get3A_2017, %get3A_2018] : memref<1x1000x128xf32, #tpu.memory_space<vmem>>, vector<1x1x128xf32>
      %get3A_2020 = vector.shape_cast %get3A_2019 : vector<1x1x128xf32> to vector<1x128xf32>
      %broadcast_in_dim3A_2021 = vector.shape_cast %get3A_2020 : vector<1x128xf32> to vector<1x128xf32>
      %broadcast_in_dim3A_2022 = vector.broadcast %broadcast_in_dim3A_2021 : vector<1x128xf32> to vector<32x128xf32>
      %select_n3A_2023 = arith.select %gt3A_1961, %broadcast_in_dim3A_2022, %select_n3A_1889 : vector<32x128xi1>, vector<32x128xf32>
      %mul3A_2024 = arith.constant 20 : i32
      %mul3A_2025 = arith.muli %scan3A_144, %mul3A_2024 : i32
      %add3A_2026 = arith.constant 14 : i32
      %add3A_2027 = arith.addi %mul3A_2025, %add3A_2026 : i32
      %mul3A_2028 = arith.constant 10 : i32
      %mul3A_2029 = arith.muli %add3A_2027, %mul3A_2028 : i32
      %add3A_2030 = arith.constant 0 : i32
      %add3A_2031 = arith.addi %mul3A_2029, %add3A_2030 : i32
      %get3A_2032 = arith.constant 0 : index
      %get3A_2033 = arith.index_cast %add3A_2031 : i32 to index
      %get3A_2034 = arith.constant 0 : index
      %get3A_2035 = vector.load %arg2[%get3A_2032, %get3A_2033, %get3A_2034] : memref<1x1000x128xf32, #tpu.memory_space<vmem>>, vector<1x1x128xf32>
      %get3A_2036 = vector.shape_cast %get3A_2035 : vector<1x1x128xf32> to vector<1x128xf32>
      %max3A_2037 = vector.broadcast %get3A_2036 : vector<1x128xf32> to vector<32x128xf32>
      %max3A_2038 = arith.maximumf %get3A_3, %max3A_2037 : vector<32x128xf32>
      %mul3A_2039 = arith.constant 10 : i32
      %mul3A_2040 = arith.muli %add3A_2027, %mul3A_2039 : i32
      %add3A_2041 = arith.constant 1 : i32
      %add3A_2042 = arith.addi %mul3A_2040, %add3A_2041 : i32
      %get3A_2043 = arith.constant 0 : index
      %get3A_2044 = arith.index_cast %add3A_2042 : i32 to index
      %get3A_2045 = arith.constant 0 : index
      %get3A_2046 = vector.load %arg2[%get3A_2043, %get3A_2044, %get3A_2045] : memref<1x1000x128xf32, #tpu.memory_space<vmem>>, vector<1x1x128xf32>
      %get3A_2047 = vector.shape_cast %get3A_2046 : vector<1x1x128xf32> to vector<1x128xf32>
      %max3A_2048 = vector.broadcast %get3A_2047 : vector<1x128xf32> to vector<32x128xf32>
      %max3A_2049 = arith.maximumf %get3A_8, %max3A_2048 : vector<32x128xf32>
      %mul3A_2050 = arith.constant 10 : i32
      %mul3A_2051 = arith.muli %add3A_2027, %mul3A_2050 : i32
      %add3A_2052 = arith.constant 2 : i32
      %add3A_2053 = arith.addi %mul3A_2051, %add3A_2052 : i32
      %get3A_2054 = arith.constant 0 : index
      %get3A_2055 = arith.index_cast %add3A_2053 : i32 to index
      %get3A_2056 = arith.constant 0 : index
      %get3A_2057 = vector.load %arg2[%get3A_2054, %get3A_2055, %get3A_2056] : memref<1x1000x128xf32, #tpu.memory_space<vmem>>, vector<1x1x128xf32>
      %get3A_2058 = vector.shape_cast %get3A_2057 : vector<1x1x128xf32> to vector<1x128xf32>
      %min3A_2059 = vector.broadcast %get3A_2058 : vector<1x128xf32> to vector<32x128xf32>
      %min3A_2060 = arith.minimumf %get3A_13, %min3A_2059 : vector<32x128xf32>
      %mul3A_2061 = arith.constant 10 : i32
      %mul3A_2062 = arith.muli %add3A_2027, %mul3A_2061 : i32
      %add3A_2063 = arith.constant 3 : i32
      %add3A_2064 = arith.addi %mul3A_2062, %add3A_2063 : i32
      %get3A_2065 = arith.constant 0 : index
      %get3A_2066 = arith.index_cast %add3A_2064 : i32 to index
      %get3A_2067 = arith.constant 0 : index
      %get3A_2068 = vector.load %arg2[%get3A_2065, %get3A_2066, %get3A_2067] : memref<1x1000x128xf32, #tpu.memory_space<vmem>>, vector<1x1x128xf32>
      %get3A_2069 = vector.shape_cast %get3A_2068 : vector<1x1x128xf32> to vector<1x128xf32>
      %min3A_2070 = vector.broadcast %get3A_2069 : vector<1x128xf32> to vector<32x128xf32>
      %min3A_2071 = arith.minimumf %get3A_18, %min3A_2070 : vector<32x128xf32>
      %sub3A_2072 = arith.subf %min3A_2060, %max3A_2038 : vector<32x128xf32>
      %max3A_2073 = arith.constant 0.000000e+00 : f32
      %max3A_2074 = vector.broadcast %max3A_2073 : f32 to vector<32x128xf32>
      %max3A_2075 = arith.maximumf %sub3A_2072, %max3A_2074 : vector<32x128xf32>
      %sub3A_2076 = arith.subf %min3A_2071, %max3A_2049 : vector<32x128xf32>
      %max3A_2077 = arith.constant 0.000000e+00 : f32
      %max3A_2078 = vector.broadcast %max3A_2077 : f32 to vector<32x128xf32>
      %max3A_2079 = arith.maximumf %sub3A_2076, %max3A_2078 : vector<32x128xf32>
      %mul3A_2080 = arith.mulf %max3A_2075, %max3A_2079 : vector<32x128xf32>
      %mul3A_2081 = arith.constant 10 : i32
      %mul3A_2082 = arith.muli %add3A_2027, %mul3A_2081 : i32
      %add3A_2083 = arith.constant 4 : i32
      %add3A_2084 = arith.addi %mul3A_2082, %add3A_2083 : i32
      %get3A_2085 = arith.constant 0 : index
      %get3A_2086 = arith.index_cast %add3A_2084 : i32 to index
      %get3A_2087 = arith.constant 0 : index
      %get3A_2088 = vector.load %arg2[%get3A_2085, %get3A_2086, %get3A_2087] : memref<1x1000x128xf32, #tpu.memory_space<vmem>>, vector<1x1x128xf32>
      %get3A_2089 = vector.shape_cast %get3A_2088 : vector<1x1x128xf32> to vector<1x128xf32>
      %add3A_2090 = vector.broadcast %get3A_2089 : vector<1x128xf32> to vector<32x128xf32>
      %add3A_2091 = arith.addf %get3A_23, %add3A_2090 : vector<32x128xf32>
      %sub3A_2092 = arith.subf %add3A_2091, %mul3A_2080 : vector<32x128xf32>
      %mul3A_2093 = arith.mulf %mul3A_2080, %select_n3A_1963 : vector<32x128xf32>
      %mul3A_2094 = arith.mulf %select_n3A_1962, %sub3A_2092 : vector<32x128xf32>
      %gt3A_2095 = arith.cmpf ogt, %mul3A_2093, %mul3A_2094 : vector<32x128xf32>
      %select_n3A_2096 = arith.select %gt3A_2095, %mul3A_2080, %select_n3A_1962 : vector<32x128xi1>, vector<32x128xf32>
      %select_n3A_2097 = arith.select %gt3A_2095, %sub3A_2092, %select_n3A_1963 : vector<32x128xi1>, vector<32x128xf32>
      %mul3A_2098 = arith.constant 10 : i32
      %mul3A_2099 = arith.muli %add3A_2027, %mul3A_2098 : i32
      %add3A_2100 = arith.constant 5 : i32
      %add3A_2101 = arith.addi %mul3A_2099, %add3A_2100 : i32
      %get3A_2102 = arith.constant 0 : index
      %get3A_2103 = arith.index_cast %add3A_2101 : i32 to index
      %get3A_2104 = arith.constant 0 : index
      %get3A_2105 = vector.load %arg2[%get3A_2102, %get3A_2103, %get3A_2104] : memref<1x1000x128xf32, #tpu.memory_space<vmem>>, vector<1x1x128xf32>
      %get3A_2106 = vector.shape_cast %get3A_2105 : vector<1x1x128xf32> to vector<1x128xf32>
      %broadcast_in_dim3A_2107 = vector.shape_cast %get3A_2106 : vector<1x128xf32> to vector<1x128xf32>
      %broadcast_in_dim3A_2108 = vector.broadcast %broadcast_in_dim3A_2107 : vector<1x128xf32> to vector<32x128xf32>
      %select_n3A_2109 = arith.select %gt3A_2095, %broadcast_in_dim3A_2108, %select_n3A_1975 : vector<32x128xi1>, vector<32x128xf32>
      %mul3A_2110 = arith.constant 10 : i32
      %mul3A_2111 = arith.muli %add3A_2027, %mul3A_2110 : i32
      %add3A_2112 = arith.constant 6 : i32
      %add3A_2113 = arith.addi %mul3A_2111, %add3A_2112 : i32
      %get3A_2114 = arith.constant 0 : index
      %get3A_2115 = arith.index_cast %add3A_2113 : i32 to index
      %get3A_2116 = arith.constant 0 : index
      %get3A_2117 = vector.load %arg2[%get3A_2114, %get3A_2115, %get3A_2116] : memref<1x1000x128xf32, #tpu.memory_space<vmem>>, vector<1x1x128xf32>
      %get3A_2118 = vector.shape_cast %get3A_2117 : vector<1x1x128xf32> to vector<1x128xf32>
      %broadcast_in_dim3A_2119 = vector.shape_cast %get3A_2118 : vector<1x128xf32> to vector<1x128xf32>
      %broadcast_in_dim3A_2120 = vector.broadcast %broadcast_in_dim3A_2119 : vector<1x128xf32> to vector<32x128xf32>
      %select_n3A_2121 = arith.select %gt3A_2095, %broadcast_in_dim3A_2120, %select_n3A_1987 : vector<32x128xi1>, vector<32x128xf32>
      %mul3A_2122 = arith.constant 10 : i32
      %mul3A_2123 = arith.muli %add3A_2027, %mul3A_2122 : i32
      %add3A_2124 = arith.constant 7 : i32
      %add3A_2125 = arith.addi %mul3A_2123, %add3A_2124 : i32
      %get3A_2126 = arith.constant 0 : index
      %get3A_2127 = arith.index_cast %add3A_2125 : i32 to index
      %get3A_2128 = arith.constant 0 : index
      %get3A_2129 = vector.load %arg2[%get3A_2126, %get3A_2127, %get3A_2128] : memref<1x1000x128xf32, #tpu.memory_space<vmem>>, vector<1x1x128xf32>
      %get3A_2130 = vector.shape_cast %get3A_2129 : vector<1x1x128xf32> to vector<1x128xf32>
      %broadcast_in_dim3A_2131 = vector.shape_cast %get3A_2130 : vector<1x128xf32> to vector<1x128xf32>
      %broadcast_in_dim3A_2132 = vector.broadcast %broadcast_in_dim3A_2131 : vector<1x128xf32> to vector<32x128xf32>
      %select_n3A_2133 = arith.select %gt3A_2095, %broadcast_in_dim3A_2132, %select_n3A_1999 : vector<32x128xi1>, vector<32x128xf32>
      %mul3A_2134 = arith.constant 10 : i32
      %mul3A_2135 = arith.muli %add3A_2027, %mul3A_2134 : i32
      %add3A_2136 = arith.constant 8 : i32
      %add3A_2137 = arith.addi %mul3A_2135, %add3A_2136 : i32
      %get3A_2138 = arith.constant 0 : index
      %get3A_2139 = arith.index_cast %add3A_2137 : i32 to index
      %get3A_2140 = arith.constant 0 : index
      %get3A_2141 = vector.load %arg2[%get3A_2138, %get3A_2139, %get3A_2140] : memref<1x1000x128xf32, #tpu.memory_space<vmem>>, vector<1x1x128xf32>
      %get3A_2142 = vector.shape_cast %get3A_2141 : vector<1x1x128xf32> to vector<1x128xf32>
      %broadcast_in_dim3A_2143 = vector.shape_cast %get3A_2142 : vector<1x128xf32> to vector<1x128xf32>
      %broadcast_in_dim3A_2144 = vector.broadcast %broadcast_in_dim3A_2143 : vector<1x128xf32> to vector<32x128xf32>
      %select_n3A_2145 = arith.select %gt3A_2095, %broadcast_in_dim3A_2144, %select_n3A_2011 : vector<32x128xi1>, vector<32x128xf32>
      %mul3A_2146 = arith.constant 10 : i32
      %mul3A_2147 = arith.muli %add3A_2027, %mul3A_2146 : i32
      %add3A_2148 = arith.constant 9 : i32
      %add3A_2149 = arith.addi %mul3A_2147, %add3A_2148 : i32
      %get3A_2150 = arith.constant 0 : index
      %get3A_2151 = arith.index_cast %add3A_2149 : i32 to index
      %get3A_2152 = arith.constant 0 : index
      %get3A_2153 = vector.load %arg2[%get3A_2150, %get3A_2151, %get3A_2152] : memref<1x1000x128xf32, #tpu.memory_space<vmem>>, vector<1x1x128xf32>
      %get3A_2154 = vector.shape_cast %get3A_2153 : vector<1x1x128xf32> to vector<1x128xf32>
      %broadcast_in_dim3A_2155 = vector.shape_cast %get3A_2154 : vector<1x128xf32> to vector<1x128xf32>
      %broadcast_in_dim3A_2156 = vector.broadcast %broadcast_in_dim3A_2155 : vector<1x128xf32> to vector<32x128xf32>
      %select_n3A_2157 = arith.select %gt3A_2095, %broadcast_in_dim3A_2156, %select_n3A_2023 : vector<32x128xi1>, vector<32x128xf32>
      %mul3A_2158 = arith.constant 20 : i32
      %mul3A_2159 = arith.muli %scan3A_144, %mul3A_2158 : i32
      %add3A_2160 = arith.constant 15 : i32
      %add3A_2161 = arith.addi %mul3A_2159, %add3A_2160 : i32
      %mul3A_2162 = arith.constant 10 : i32
      %mul3A_2163 = arith.muli %add3A_2161, %mul3A_2162 : i32
      %add3A_2164 = arith.constant 0 : i32
      %add3A_2165 = arith.addi %mul3A_2163, %add3A_2164 : i32
      %get3A_2166 = arith.constant 0 : index
      %get3A_2167 = arith.index_cast %add3A_2165 : i32 to index
      %get3A_2168 = arith.constant 0 : index
      %get3A_2169 = vector.load %arg2[%get3A_2166, %get3A_2167, %get3A_2168] : memref<1x1000x128xf32, #tpu.memory_space<vmem>>, vector<1x1x128xf32>
      %get3A_2170 = vector.shape_cast %get3A_2169 : vector<1x1x128xf32> to vector<1x128xf32>
      %max3A_2171 = vector.broadcast %get3A_2170 : vector<1x128xf32> to vector<32x128xf32>
      %max3A_2172 = arith.maximumf %get3A_3, %max3A_2171 : vector<32x128xf32>
      %mul3A_2173 = arith.constant 10 : i32
      %mul3A_2174 = arith.muli %add3A_2161, %mul3A_2173 : i32
      %add3A_2175 = arith.constant 1 : i32
      %add3A_2176 = arith.addi %mul3A_2174, %add3A_2175 : i32
      %get3A_2177 = arith.constant 0 : index
      %get3A_2178 = arith.index_cast %add3A_2176 : i32 to index
      %get3A_2179 = arith.constant 0 : index
      %get3A_2180 = vector.load %arg2[%get3A_2177, %get3A_2178, %get3A_2179] : memref<1x1000x128xf32, #tpu.memory_space<vmem>>, vector<1x1x128xf32>
      %get3A_2181 = vector.shape_cast %get3A_2180 : vector<1x1x128xf32> to vector<1x128xf32>
      %max3A_2182 = vector.broadcast %get3A_2181 : vector<1x128xf32> to vector<32x128xf32>
      %max3A_2183 = arith.maximumf %get3A_8, %max3A_2182 : vector<32x128xf32>
      %mul3A_2184 = arith.constant 10 : i32
      %mul3A_2185 = arith.muli %add3A_2161, %mul3A_2184 : i32
      %add3A_2186 = arith.constant 2 : i32
      %add3A_2187 = arith.addi %mul3A_2185, %add3A_2186 : i32
      %get3A_2188 = arith.constant 0 : index
      %get3A_2189 = arith.index_cast %add3A_2187 : i32 to index
      %get3A_2190 = arith.constant 0 : index
      %get3A_2191 = vector.load %arg2[%get3A_2188, %get3A_2189, %get3A_2190] : memref<1x1000x128xf32, #tpu.memory_space<vmem>>, vector<1x1x128xf32>
      %get3A_2192 = vector.shape_cast %get3A_2191 : vector<1x1x128xf32> to vector<1x128xf32>
      %min3A_2193 = vector.broadcast %get3A_2192 : vector<1x128xf32> to vector<32x128xf32>
      %min3A_2194 = arith.minimumf %get3A_13, %min3A_2193 : vector<32x128xf32>
      %mul3A_2195 = arith.constant 10 : i32
      %mul3A_2196 = arith.muli %add3A_2161, %mul3A_2195 : i32
      %add3A_2197 = arith.constant 3 : i32
      %add3A_2198 = arith.addi %mul3A_2196, %add3A_2197 : i32
      %get3A_2199 = arith.constant 0 : index
      %get3A_2200 = arith.index_cast %add3A_2198 : i32 to index
      %get3A_2201 = arith.constant 0 : index
      %get3A_2202 = vector.load %arg2[%get3A_2199, %get3A_2200, %get3A_2201] : memref<1x1000x128xf32, #tpu.memory_space<vmem>>, vector<1x1x128xf32>
      %get3A_2203 = vector.shape_cast %get3A_2202 : vector<1x1x128xf32> to vector<1x128xf32>
      %min3A_2204 = vector.broadcast %get3A_2203 : vector<1x128xf32> to vector<32x128xf32>
      %min3A_2205 = arith.minimumf %get3A_18, %min3A_2204 : vector<32x128xf32>
      %sub3A_2206 = arith.subf %min3A_2194, %max3A_2172 : vector<32x128xf32>
      %max3A_2207 = arith.constant 0.000000e+00 : f32
      %max3A_2208 = vector.broadcast %max3A_2207 : f32 to vector<32x128xf32>
      %max3A_2209 = arith.maximumf %sub3A_2206, %max3A_2208 : vector<32x128xf32>
      %sub3A_2210 = arith.subf %min3A_2205, %max3A_2183 : vector<32x128xf32>
      %max3A_2211 = arith.constant 0.000000e+00 : f32
      %max3A_2212 = vector.broadcast %max3A_2211 : f32 to vector<32x128xf32>
      %max3A_2213 = arith.maximumf %sub3A_2210, %max3A_2212 : vector<32x128xf32>
      %mul3A_2214 = arith.mulf %max3A_2209, %max3A_2213 : vector<32x128xf32>
      %mul3A_2215 = arith.constant 10 : i32
      %mul3A_2216 = arith.muli %add3A_2161, %mul3A_2215 : i32
      %add3A_2217 = arith.constant 4 : i32
      %add3A_2218 = arith.addi %mul3A_2216, %add3A_2217 : i32
      %get3A_2219 = arith.constant 0 : index
      %get3A_2220 = arith.index_cast %add3A_2218 : i32 to index
      %get3A_2221 = arith.constant 0 : index
      %get3A_2222 = vector.load %arg2[%get3A_2219, %get3A_2220, %get3A_2221] : memref<1x1000x128xf32, #tpu.memory_space<vmem>>, vector<1x1x128xf32>
      %get3A_2223 = vector.shape_cast %get3A_2222 : vector<1x1x128xf32> to vector<1x128xf32>
      %add3A_2224 = vector.broadcast %get3A_2223 : vector<1x128xf32> to vector<32x128xf32>
      %add3A_2225 = arith.addf %get3A_23, %add3A_2224 : vector<32x128xf32>
      %sub3A_2226 = arith.subf %add3A_2225, %mul3A_2214 : vector<32x128xf32>
      %mul3A_2227 = arith.mulf %mul3A_2214, %select_n3A_2097 : vector<32x128xf32>
      %mul3A_2228 = arith.mulf %select_n3A_2096, %sub3A_2226 : vector<32x128xf32>
      %gt3A_2229 = arith.cmpf ogt, %mul3A_2227, %mul3A_2228 : vector<32x128xf32>
      %select_n3A_2230 = arith.select %gt3A_2229, %mul3A_2214, %select_n3A_2096 : vector<32x128xi1>, vector<32x128xf32>
      %select_n3A_2231 = arith.select %gt3A_2229, %sub3A_2226, %select_n3A_2097 : vector<32x128xi1>, vector<32x128xf32>
      %mul3A_2232 = arith.constant 10 : i32
      %mul3A_2233 = arith.muli %add3A_2161, %mul3A_2232 : i32
      %add3A_2234 = arith.constant 5 : i32
      %add3A_2235 = arith.addi %mul3A_2233, %add3A_2234 : i32
      %get3A_2236 = arith.constant 0 : index
      %get3A_2237 = arith.index_cast %add3A_2235 : i32 to index
      %get3A_2238 = arith.constant 0 : index
      %get3A_2239 = vector.load %arg2[%get3A_2236, %get3A_2237, %get3A_2238] : memref<1x1000x128xf32, #tpu.memory_space<vmem>>, vector<1x1x128xf32>
      %get3A_2240 = vector.shape_cast %get3A_2239 : vector<1x1x128xf32> to vector<1x128xf32>
      %broadcast_in_dim3A_2241 = vector.shape_cast %get3A_2240 : vector<1x128xf32> to vector<1x128xf32>
      %broadcast_in_dim3A_2242 = vector.broadcast %broadcast_in_dim3A_2241 : vector<1x128xf32> to vector<32x128xf32>
      %select_n3A_2243 = arith.select %gt3A_2229, %broadcast_in_dim3A_2242, %select_n3A_2109 : vector<32x128xi1>, vector<32x128xf32>
      %mul3A_2244 = arith.constant 10 : i32
      %mul3A_2245 = arith.muli %add3A_2161, %mul3A_2244 : i32
      %add3A_2246 = arith.constant 6 : i32
      %add3A_2247 = arith.addi %mul3A_2245, %add3A_2246 : i32
      %get3A_2248 = arith.constant 0 : index
      %get3A_2249 = arith.index_cast %add3A_2247 : i32 to index
      %get3A_2250 = arith.constant 0 : index
      %get3A_2251 = vector.load %arg2[%get3A_2248, %get3A_2249, %get3A_2250] : memref<1x1000x128xf32, #tpu.memory_space<vmem>>, vector<1x1x128xf32>
      %get3A_2252 = vector.shape_cast %get3A_2251 : vector<1x1x128xf32> to vector<1x128xf32>
      %broadcast_in_dim3A_2253 = vector.shape_cast %get3A_2252 : vector<1x128xf32> to vector<1x128xf32>
      %broadcast_in_dim3A_2254 = vector.broadcast %broadcast_in_dim3A_2253 : vector<1x128xf32> to vector<32x128xf32>
      %select_n3A_2255 = arith.select %gt3A_2229, %broadcast_in_dim3A_2254, %select_n3A_2121 : vector<32x128xi1>, vector<32x128xf32>
      %mul3A_2256 = arith.constant 10 : i32
      %mul3A_2257 = arith.muli %add3A_2161, %mul3A_2256 : i32
      %add3A_2258 = arith.constant 7 : i32
      %add3A_2259 = arith.addi %mul3A_2257, %add3A_2258 : i32
      %get3A_2260 = arith.constant 0 : index
      %get3A_2261 = arith.index_cast %add3A_2259 : i32 to index
      %get3A_2262 = arith.constant 0 : index
      %get3A_2263 = vector.load %arg2[%get3A_2260, %get3A_2261, %get3A_2262] : memref<1x1000x128xf32, #tpu.memory_space<vmem>>, vector<1x1x128xf32>
      %get3A_2264 = vector.shape_cast %get3A_2263 : vector<1x1x128xf32> to vector<1x128xf32>
      %broadcast_in_dim3A_2265 = vector.shape_cast %get3A_2264 : vector<1x128xf32> to vector<1x128xf32>
      %broadcast_in_dim3A_2266 = vector.broadcast %broadcast_in_dim3A_2265 : vector<1x128xf32> to vector<32x128xf32>
      %select_n3A_2267 = arith.select %gt3A_2229, %broadcast_in_dim3A_2266, %select_n3A_2133 : vector<32x128xi1>, vector<32x128xf32>
      %mul3A_2268 = arith.constant 10 : i32
      %mul3A_2269 = arith.muli %add3A_2161, %mul3A_2268 : i32
      %add3A_2270 = arith.constant 8 : i32
      %add3A_2271 = arith.addi %mul3A_2269, %add3A_2270 : i32
      %get3A_2272 = arith.constant 0 : index
      %get3A_2273 = arith.index_cast %add3A_2271 : i32 to index
      %get3A_2274 = arith.constant 0 : index
      %get3A_2275 = vector.load %arg2[%get3A_2272, %get3A_2273, %get3A_2274] : memref<1x1000x128xf32, #tpu.memory_space<vmem>>, vector<1x1x128xf32>
      %get3A_2276 = vector.shape_cast %get3A_2275 : vector<1x1x128xf32> to vector<1x128xf32>
      %broadcast_in_dim3A_2277 = vector.shape_cast %get3A_2276 : vector<1x128xf32> to vector<1x128xf32>
      %broadcast_in_dim3A_2278 = vector.broadcast %broadcast_in_dim3A_2277 : vector<1x128xf32> to vector<32x128xf32>
      %select_n3A_2279 = arith.select %gt3A_2229, %broadcast_in_dim3A_2278, %select_n3A_2145 : vector<32x128xi1>, vector<32x128xf32>
      %mul3A_2280 = arith.constant 10 : i32
      %mul3A_2281 = arith.muli %add3A_2161, %mul3A_2280 : i32
      %add3A_2282 = arith.constant 9 : i32
      %add3A_2283 = arith.addi %mul3A_2281, %add3A_2282 : i32
      %get3A_2284 = arith.constant 0 : index
      %get3A_2285 = arith.index_cast %add3A_2283 : i32 to index
      %get3A_2286 = arith.constant 0 : index
      %get3A_2287 = vector.load %arg2[%get3A_2284, %get3A_2285, %get3A_2286] : memref<1x1000x128xf32, #tpu.memory_space<vmem>>, vector<1x1x128xf32>
      %get3A_2288 = vector.shape_cast %get3A_2287 : vector<1x1x128xf32> to vector<1x128xf32>
      %broadcast_in_dim3A_2289 = vector.shape_cast %get3A_2288 : vector<1x128xf32> to vector<1x128xf32>
      %broadcast_in_dim3A_2290 = vector.broadcast %broadcast_in_dim3A_2289 : vector<1x128xf32> to vector<32x128xf32>
      %select_n3A_2291 = arith.select %gt3A_2229, %broadcast_in_dim3A_2290, %select_n3A_2157 : vector<32x128xi1>, vector<32x128xf32>
      %mul3A_2292 = arith.constant 20 : i32
      %mul3A_2293 = arith.muli %scan3A_144, %mul3A_2292 : i32
      %add3A_2294 = arith.constant 16 : i32
      %add3A_2295 = arith.addi %mul3A_2293, %add3A_2294 : i32
      %mul3A_2296 = arith.constant 10 : i32
      %mul3A_2297 = arith.muli %add3A_2295, %mul3A_2296 : i32
      %add3A_2298 = arith.constant 0 : i32
      %add3A_2299 = arith.addi %mul3A_2297, %add3A_2298 : i32
      %get3A_2300 = arith.constant 0 : index
      %get3A_2301 = arith.index_cast %add3A_2299 : i32 to index
      %get3A_2302 = arith.constant 0 : index
      %get3A_2303 = vector.load %arg2[%get3A_2300, %get3A_2301, %get3A_2302] : memref<1x1000x128xf32, #tpu.memory_space<vmem>>, vector<1x1x128xf32>
      %get3A_2304 = vector.shape_cast %get3A_2303 : vector<1x1x128xf32> to vector<1x128xf32>
      %max3A_2305 = vector.broadcast %get3A_2304 : vector<1x128xf32> to vector<32x128xf32>
      %max3A_2306 = arith.maximumf %get3A_3, %max3A_2305 : vector<32x128xf32>
      %mul3A_2307 = arith.constant 10 : i32
      %mul3A_2308 = arith.muli %add3A_2295, %mul3A_2307 : i32
      %add3A_2309 = arith.constant 1 : i32
      %add3A_2310 = arith.addi %mul3A_2308, %add3A_2309 : i32
      %get3A_2311 = arith.constant 0 : index
      %get3A_2312 = arith.index_cast %add3A_2310 : i32 to index
      %get3A_2313 = arith.constant 0 : index
      %get3A_2314 = vector.load %arg2[%get3A_2311, %get3A_2312, %get3A_2313] : memref<1x1000x128xf32, #tpu.memory_space<vmem>>, vector<1x1x128xf32>
      %get3A_2315 = vector.shape_cast %get3A_2314 : vector<1x1x128xf32> to vector<1x128xf32>
      %max3A_2316 = vector.broadcast %get3A_2315 : vector<1x128xf32> to vector<32x128xf32>
      %max3A_2317 = arith.maximumf %get3A_8, %max3A_2316 : vector<32x128xf32>
      %mul3A_2318 = arith.constant 10 : i32
      %mul3A_2319 = arith.muli %add3A_2295, %mul3A_2318 : i32
      %add3A_2320 = arith.constant 2 : i32
      %add3A_2321 = arith.addi %mul3A_2319, %add3A_2320 : i32
      %get3A_2322 = arith.constant 0 : index
      %get3A_2323 = arith.index_cast %add3A_2321 : i32 to index
      %get3A_2324 = arith.constant 0 : index
      %get3A_2325 = vector.load %arg2[%get3A_2322, %get3A_2323, %get3A_2324] : memref<1x1000x128xf32, #tpu.memory_space<vmem>>, vector<1x1x128xf32>
      %get3A_2326 = vector.shape_cast %get3A_2325 : vector<1x1x128xf32> to vector<1x128xf32>
      %min3A_2327 = vector.broadcast %get3A_2326 : vector<1x128xf32> to vector<32x128xf32>
      %min3A_2328 = arith.minimumf %get3A_13, %min3A_2327 : vector<32x128xf32>
      %mul3A_2329 = arith.constant 10 : i32
      %mul3A_2330 = arith.muli %add3A_2295, %mul3A_2329 : i32
      %add3A_2331 = arith.constant 3 : i32
      %add3A_2332 = arith.addi %mul3A_2330, %add3A_2331 : i32
      %get3A_2333 = arith.constant 0 : index
      %get3A_2334 = arith.index_cast %add3A_2332 : i32 to index
      %get3A_2335 = arith.constant 0 : index
      %get3A_2336 = vector.load %arg2[%get3A_2333, %get3A_2334, %get3A_2335] : memref<1x1000x128xf32, #tpu.memory_space<vmem>>, vector<1x1x128xf32>
      %get3A_2337 = vector.shape_cast %get3A_2336 : vector<1x1x128xf32> to vector<1x128xf32>
      %min3A_2338 = vector.broadcast %get3A_2337 : vector<1x128xf32> to vector<32x128xf32>
      %min3A_2339 = arith.minimumf %get3A_18, %min3A_2338 : vector<32x128xf32>
      %sub3A_2340 = arith.subf %min3A_2328, %max3A_2306 : vector<32x128xf32>
      %max3A_2341 = arith.constant 0.000000e+00 : f32
      %max3A_2342 = vector.broadcast %max3A_2341 : f32 to vector<32x128xf32>
      %max3A_2343 = arith.maximumf %sub3A_2340, %max3A_2342 : vector<32x128xf32>
      %sub3A_2344 = arith.subf %min3A_2339, %max3A_2317 : vector<32x128xf32>
      %max3A_2345 = arith.constant 0.000000e+00 : f32
      %max3A_2346 = vector.broadcast %max3A_2345 : f32 to vector<32x128xf32>
      %max3A_2347 = arith.maximumf %sub3A_2344, %max3A_2346 : vector<32x128xf32>
      %mul3A_2348 = arith.mulf %max3A_2343, %max3A_2347 : vector<32x128xf32>
      %mul3A_2349 = arith.constant 10 : i32
      %mul3A_2350 = arith.muli %add3A_2295, %mul3A_2349 : i32
      %add3A_2351 = arith.constant 4 : i32
      %add3A_2352 = arith.addi %mul3A_2350, %add3A_2351 : i32
      %get3A_2353 = arith.constant 0 : index
      %get3A_2354 = arith.index_cast %add3A_2352 : i32 to index
      %get3A_2355 = arith.constant 0 : index
      %get3A_2356 = vector.load %arg2[%get3A_2353, %get3A_2354, %get3A_2355] : memref<1x1000x128xf32, #tpu.memory_space<vmem>>, vector<1x1x128xf32>
      %get3A_2357 = vector.shape_cast %get3A_2356 : vector<1x1x128xf32> to vector<1x128xf32>
      %add3A_2358 = vector.broadcast %get3A_2357 : vector<1x128xf32> to vector<32x128xf32>
      %add3A_2359 = arith.addf %get3A_23, %add3A_2358 : vector<32x128xf32>
      %sub3A_2360 = arith.subf %add3A_2359, %mul3A_2348 : vector<32x128xf32>
      %mul3A_2361 = arith.mulf %mul3A_2348, %select_n3A_2231 : vector<32x128xf32>
      %mul3A_2362 = arith.mulf %select_n3A_2230, %sub3A_2360 : vector<32x128xf32>
      %gt3A_2363 = arith.cmpf ogt, %mul3A_2361, %mul3A_2362 : vector<32x128xf32>
      %select_n3A_2364 = arith.select %gt3A_2363, %mul3A_2348, %select_n3A_2230 : vector<32x128xi1>, vector<32x128xf32>
      %select_n3A_2365 = arith.select %gt3A_2363, %sub3A_2360, %select_n3A_2231 : vector<32x128xi1>, vector<32x128xf32>
      %mul3A_2366 = arith.constant 10 : i32
      %mul3A_2367 = arith.muli %add3A_2295, %mul3A_2366 : i32
      %add3A_2368 = arith.constant 5 : i32
      %add3A_2369 = arith.addi %mul3A_2367, %add3A_2368 : i32
      %get3A_2370 = arith.constant 0 : index
      %get3A_2371 = arith.index_cast %add3A_2369 : i32 to index
      %get3A_2372 = arith.constant 0 : index
      %get3A_2373 = vector.load %arg2[%get3A_2370, %get3A_2371, %get3A_2372] : memref<1x1000x128xf32, #tpu.memory_space<vmem>>, vector<1x1x128xf32>
      %get3A_2374 = vector.shape_cast %get3A_2373 : vector<1x1x128xf32> to vector<1x128xf32>
      %broadcast_in_dim3A_2375 = vector.shape_cast %get3A_2374 : vector<1x128xf32> to vector<1x128xf32>
      %broadcast_in_dim3A_2376 = vector.broadcast %broadcast_in_dim3A_2375 : vector<1x128xf32> to vector<32x128xf32>
      %select_n3A_2377 = arith.select %gt3A_2363, %broadcast_in_dim3A_2376, %select_n3A_2243 : vector<32x128xi1>, vector<32x128xf32>
      %mul3A_2378 = arith.constant 10 : i32
      %mul3A_2379 = arith.muli %add3A_2295, %mul3A_2378 : i32
      %add3A_2380 = arith.constant 6 : i32
      %add3A_2381 = arith.addi %mul3A_2379, %add3A_2380 : i32
      %get3A_2382 = arith.constant 0 : index
      %get3A_2383 = arith.index_cast %add3A_2381 : i32 to index
      %get3A_2384 = arith.constant 0 : index
      %get3A_2385 = vector.load %arg2[%get3A_2382, %get3A_2383, %get3A_2384] : memref<1x1000x128xf32, #tpu.memory_space<vmem>>, vector<1x1x128xf32>
      %get3A_2386 = vector.shape_cast %get3A_2385 : vector<1x1x128xf32> to vector<1x128xf32>
      %broadcast_in_dim3A_2387 = vector.shape_cast %get3A_2386 : vector<1x128xf32> to vector<1x128xf32>
      %broadcast_in_dim3A_2388 = vector.broadcast %broadcast_in_dim3A_2387 : vector<1x128xf32> to vector<32x128xf32>
      %select_n3A_2389 = arith.select %gt3A_2363, %broadcast_in_dim3A_2388, %select_n3A_2255 : vector<32x128xi1>, vector<32x128xf32>
      %mul3A_2390 = arith.constant 10 : i32
      %mul3A_2391 = arith.muli %add3A_2295, %mul3A_2390 : i32
      %add3A_2392 = arith.constant 7 : i32
      %add3A_2393 = arith.addi %mul3A_2391, %add3A_2392 : i32
      %get3A_2394 = arith.constant 0 : index
      %get3A_2395 = arith.index_cast %add3A_2393 : i32 to index
      %get3A_2396 = arith.constant 0 : index
      %get3A_2397 = vector.load %arg2[%get3A_2394, %get3A_2395, %get3A_2396] : memref<1x1000x128xf32, #tpu.memory_space<vmem>>, vector<1x1x128xf32>
      %get3A_2398 = vector.shape_cast %get3A_2397 : vector<1x1x128xf32> to vector<1x128xf32>
      %broadcast_in_dim3A_2399 = vector.shape_cast %get3A_2398 : vector<1x128xf32> to vector<1x128xf32>
      %broadcast_in_dim3A_2400 = vector.broadcast %broadcast_in_dim3A_2399 : vector<1x128xf32> to vector<32x128xf32>
      %select_n3A_2401 = arith.select %gt3A_2363, %broadcast_in_dim3A_2400, %select_n3A_2267 : vector<32x128xi1>, vector<32x128xf32>
      %mul3A_2402 = arith.constant 10 : i32
      %mul3A_2403 = arith.muli %add3A_2295, %mul3A_2402 : i32
      %add3A_2404 = arith.constant 8 : i32
      %add3A_2405 = arith.addi %mul3A_2403, %add3A_2404 : i32
      %get3A_2406 = arith.constant 0 : index
      %get3A_2407 = arith.index_cast %add3A_2405 : i32 to index
      %get3A_2408 = arith.constant 0 : index
      %get3A_2409 = vector.load %arg2[%get3A_2406, %get3A_2407, %get3A_2408] : memref<1x1000x128xf32, #tpu.memory_space<vmem>>, vector<1x1x128xf32>
      %get3A_2410 = vector.shape_cast %get3A_2409 : vector<1x1x128xf32> to vector<1x128xf32>
      %broadcast_in_dim3A_2411 = vector.shape_cast %get3A_2410 : vector<1x128xf32> to vector<1x128xf32>
      %broadcast_in_dim3A_2412 = vector.broadcast %broadcast_in_dim3A_2411 : vector<1x128xf32> to vector<32x128xf32>
      %select_n3A_2413 = arith.select %gt3A_2363, %broadcast_in_dim3A_2412, %select_n3A_2279 : vector<32x128xi1>, vector<32x128xf32>
      %mul3A_2414 = arith.constant 10 : i32
      %mul3A_2415 = arith.muli %add3A_2295, %mul3A_2414 : i32
      %add3A_2416 = arith.constant 9 : i32
      %add3A_2417 = arith.addi %mul3A_2415, %add3A_2416 : i32
      %get3A_2418 = arith.constant 0 : index
      %get3A_2419 = arith.index_cast %add3A_2417 : i32 to index
      %get3A_2420 = arith.constant 0 : index
      %get3A_2421 = vector.load %arg2[%get3A_2418, %get3A_2419, %get3A_2420] : memref<1x1000x128xf32, #tpu.memory_space<vmem>>, vector<1x1x128xf32>
      %get3A_2422 = vector.shape_cast %get3A_2421 : vector<1x1x128xf32> to vector<1x128xf32>
      %broadcast_in_dim3A_2423 = vector.shape_cast %get3A_2422 : vector<1x128xf32> to vector<1x128xf32>
      %broadcast_in_dim3A_2424 = vector.broadcast %broadcast_in_dim3A_2423 : vector<1x128xf32> to vector<32x128xf32>
      %select_n3A_2425 = arith.select %gt3A_2363, %broadcast_in_dim3A_2424, %select_n3A_2291 : vector<32x128xi1>, vector<32x128xf32>
      %mul3A_2426 = arith.constant 20 : i32
      %mul3A_2427 = arith.muli %scan3A_144, %mul3A_2426 : i32
      %add3A_2428 = arith.constant 17 : i32
      %add3A_2429 = arith.addi %mul3A_2427, %add3A_2428 : i32
      %mul3A_2430 = arith.constant 10 : i32
      %mul3A_2431 = arith.muli %add3A_2429, %mul3A_2430 : i32
      %add3A_2432 = arith.constant 0 : i32
      %add3A_2433 = arith.addi %mul3A_2431, %add3A_2432 : i32
      %get3A_2434 = arith.constant 0 : index
      %get3A_2435 = arith.index_cast %add3A_2433 : i32 to index
      %get3A_2436 = arith.constant 0 : index
      %get3A_2437 = vector.load %arg2[%get3A_2434, %get3A_2435, %get3A_2436] : memref<1x1000x128xf32, #tpu.memory_space<vmem>>, vector<1x1x128xf32>
      %get3A_2438 = vector.shape_cast %get3A_2437 : vector<1x1x128xf32> to vector<1x128xf32>
      %max3A_2439 = vector.broadcast %get3A_2438 : vector<1x128xf32> to vector<32x128xf32>
      %max3A_2440 = arith.maximumf %get3A_3, %max3A_2439 : vector<32x128xf32>
      %mul3A_2441 = arith.constant 10 : i32
      %mul3A_2442 = arith.muli %add3A_2429, %mul3A_2441 : i32
      %add3A_2443 = arith.constant 1 : i32
      %add3A_2444 = arith.addi %mul3A_2442, %add3A_2443 : i32
      %get3A_2445 = arith.constant 0 : index
      %get3A_2446 = arith.index_cast %add3A_2444 : i32 to index
      %get3A_2447 = arith.constant 0 : index
      %get3A_2448 = vector.load %arg2[%get3A_2445, %get3A_2446, %get3A_2447] : memref<1x1000x128xf32, #tpu.memory_space<vmem>>, vector<1x1x128xf32>
      %get3A_2449 = vector.shape_cast %get3A_2448 : vector<1x1x128xf32> to vector<1x128xf32>
      %max3A_2450 = vector.broadcast %get3A_2449 : vector<1x128xf32> to vector<32x128xf32>
      %max3A_2451 = arith.maximumf %get3A_8, %max3A_2450 : vector<32x128xf32>
      %mul3A_2452 = arith.constant 10 : i32
      %mul3A_2453 = arith.muli %add3A_2429, %mul3A_2452 : i32
      %add3A_2454 = arith.constant 2 : i32
      %add3A_2455 = arith.addi %mul3A_2453, %add3A_2454 : i32
      %get3A_2456 = arith.constant 0 : index
      %get3A_2457 = arith.index_cast %add3A_2455 : i32 to index
      %get3A_2458 = arith.constant 0 : index
      %get3A_2459 = vector.load %arg2[%get3A_2456, %get3A_2457, %get3A_2458] : memref<1x1000x128xf32, #tpu.memory_space<vmem>>, vector<1x1x128xf32>
      %get3A_2460 = vector.shape_cast %get3A_2459 : vector<1x1x128xf32> to vector<1x128xf32>
      %min3A_2461 = vector.broadcast %get3A_2460 : vector<1x128xf32> to vector<32x128xf32>
      %min3A_2462 = arith.minimumf %get3A_13, %min3A_2461 : vector<32x128xf32>
      %mul3A_2463 = arith.constant 10 : i32
      %mul3A_2464 = arith.muli %add3A_2429, %mul3A_2463 : i32
      %add3A_2465 = arith.constant 3 : i32
      %add3A_2466 = arith.addi %mul3A_2464, %add3A_2465 : i32
      %get3A_2467 = arith.constant 0 : index
      %get3A_2468 = arith.index_cast %add3A_2466 : i32 to index
      %get3A_2469 = arith.constant 0 : index
      %get3A_2470 = vector.load %arg2[%get3A_2467, %get3A_2468, %get3A_2469] : memref<1x1000x128xf32, #tpu.memory_space<vmem>>, vector<1x1x128xf32>
      %get3A_2471 = vector.shape_cast %get3A_2470 : vector<1x1x128xf32> to vector<1x128xf32>
      %min3A_2472 = vector.broadcast %get3A_2471 : vector<1x128xf32> to vector<32x128xf32>
      %min3A_2473 = arith.minimumf %get3A_18, %min3A_2472 : vector<32x128xf32>
      %sub3A_2474 = arith.subf %min3A_2462, %max3A_2440 : vector<32x128xf32>
      %max3A_2475 = arith.constant 0.000000e+00 : f32
      %max3A_2476 = vector.broadcast %max3A_2475 : f32 to vector<32x128xf32>
      %max3A_2477 = arith.maximumf %sub3A_2474, %max3A_2476 : vector<32x128xf32>
      %sub3A_2478 = arith.subf %min3A_2473, %max3A_2451 : vector<32x128xf32>
      %max3A_2479 = arith.constant 0.000000e+00 : f32
      %max3A_2480 = vector.broadcast %max3A_2479 : f32 to vector<32x128xf32>
      %max3A_2481 = arith.maximumf %sub3A_2478, %max3A_2480 : vector<32x128xf32>
      %mul3A_2482 = arith.mulf %max3A_2477, %max3A_2481 : vector<32x128xf32>
      %mul3A_2483 = arith.constant 10 : i32
      %mul3A_2484 = arith.muli %add3A_2429, %mul3A_2483 : i32
      %add3A_2485 = arith.constant 4 : i32
      %add3A_2486 = arith.addi %mul3A_2484, %add3A_2485 : i32
      %get3A_2487 = arith.constant 0 : index
      %get3A_2488 = arith.index_cast %add3A_2486 : i32 to index
      %get3A_2489 = arith.constant 0 : index
      %get3A_2490 = vector.load %arg2[%get3A_2487, %get3A_2488, %get3A_2489] : memref<1x1000x128xf32, #tpu.memory_space<vmem>>, vector<1x1x128xf32>
      %get3A_2491 = vector.shape_cast %get3A_2490 : vector<1x1x128xf32> to vector<1x128xf32>
      %add3A_2492 = vector.broadcast %get3A_2491 : vector<1x128xf32> to vector<32x128xf32>
      %add3A_2493 = arith.addf %get3A_23, %add3A_2492 : vector<32x128xf32>
      %sub3A_2494 = arith.subf %add3A_2493, %mul3A_2482 : vector<32x128xf32>
      %mul3A_2495 = arith.mulf %mul3A_2482, %select_n3A_2365 : vector<32x128xf32>
      %mul3A_2496 = arith.mulf %select_n3A_2364, %sub3A_2494 : vector<32x128xf32>
      %gt3A_2497 = arith.cmpf ogt, %mul3A_2495, %mul3A_2496 : vector<32x128xf32>
      %select_n3A_2498 = arith.select %gt3A_2497, %mul3A_2482, %select_n3A_2364 : vector<32x128xi1>, vector<32x128xf32>
      %select_n3A_2499 = arith.select %gt3A_2497, %sub3A_2494, %select_n3A_2365 : vector<32x128xi1>, vector<32x128xf32>
      %mul3A_2500 = arith.constant 10 : i32
      %mul3A_2501 = arith.muli %add3A_2429, %mul3A_2500 : i32
      %add3A_2502 = arith.constant 5 : i32
      %add3A_2503 = arith.addi %mul3A_2501, %add3A_2502 : i32
      %get3A_2504 = arith.constant 0 : index
      %get3A_2505 = arith.index_cast %add3A_2503 : i32 to index
      %get3A_2506 = arith.constant 0 : index
      %get3A_2507 = vector.load %arg2[%get3A_2504, %get3A_2505, %get3A_2506] : memref<1x1000x128xf32, #tpu.memory_space<vmem>>, vector<1x1x128xf32>
      %get3A_2508 = vector.shape_cast %get3A_2507 : vector<1x1x128xf32> to vector<1x128xf32>
      %broadcast_in_dim3A_2509 = vector.shape_cast %get3A_2508 : vector<1x128xf32> to vector<1x128xf32>
      %broadcast_in_dim3A_2510 = vector.broadcast %broadcast_in_dim3A_2509 : vector<1x128xf32> to vector<32x128xf32>
      %select_n3A_2511 = arith.select %gt3A_2497, %broadcast_in_dim3A_2510, %select_n3A_2377 : vector<32x128xi1>, vector<32x128xf32>
      %mul3A_2512 = arith.constant 10 : i32
      %mul3A_2513 = arith.muli %add3A_2429, %mul3A_2512 : i32
      %add3A_2514 = arith.constant 6 : i32
      %add3A_2515 = arith.addi %mul3A_2513, %add3A_2514 : i32
      %get3A_2516 = arith.constant 0 : index
      %get3A_2517 = arith.index_cast %add3A_2515 : i32 to index
      %get3A_2518 = arith.constant 0 : index
      %get3A_2519 = vector.load %arg2[%get3A_2516, %get3A_2517, %get3A_2518] : memref<1x1000x128xf32, #tpu.memory_space<vmem>>, vector<1x1x128xf32>
      %get3A_2520 = vector.shape_cast %get3A_2519 : vector<1x1x128xf32> to vector<1x128xf32>
      %broadcast_in_dim3A_2521 = vector.shape_cast %get3A_2520 : vector<1x128xf32> to vector<1x128xf32>
      %broadcast_in_dim3A_2522 = vector.broadcast %broadcast_in_dim3A_2521 : vector<1x128xf32> to vector<32x128xf32>
      %select_n3A_2523 = arith.select %gt3A_2497, %broadcast_in_dim3A_2522, %select_n3A_2389 : vector<32x128xi1>, vector<32x128xf32>
      %mul3A_2524 = arith.constant 10 : i32
      %mul3A_2525 = arith.muli %add3A_2429, %mul3A_2524 : i32
      %add3A_2526 = arith.constant 7 : i32
      %add3A_2527 = arith.addi %mul3A_2525, %add3A_2526 : i32
      %get3A_2528 = arith.constant 0 : index
      %get3A_2529 = arith.index_cast %add3A_2527 : i32 to index
      %get3A_2530 = arith.constant 0 : index
      %get3A_2531 = vector.load %arg2[%get3A_2528, %get3A_2529, %get3A_2530] : memref<1x1000x128xf32, #tpu.memory_space<vmem>>, vector<1x1x128xf32>
      %get3A_2532 = vector.shape_cast %get3A_2531 : vector<1x1x128xf32> to vector<1x128xf32>
      %broadcast_in_dim3A_2533 = vector.shape_cast %get3A_2532 : vector<1x128xf32> to vector<1x128xf32>
      %broadcast_in_dim3A_2534 = vector.broadcast %broadcast_in_dim3A_2533 : vector<1x128xf32> to vector<32x128xf32>
      %select_n3A_2535 = arith.select %gt3A_2497, %broadcast_in_dim3A_2534, %select_n3A_2401 : vector<32x128xi1>, vector<32x128xf32>
      %mul3A_2536 = arith.constant 10 : i32
      %mul3A_2537 = arith.muli %add3A_2429, %mul3A_2536 : i32
      %add3A_2538 = arith.constant 8 : i32
      %add3A_2539 = arith.addi %mul3A_2537, %add3A_2538 : i32
      %get3A_2540 = arith.constant 0 : index
      %get3A_2541 = arith.index_cast %add3A_2539 : i32 to index
      %get3A_2542 = arith.constant 0 : index
      %get3A_2543 = vector.load %arg2[%get3A_2540, %get3A_2541, %get3A_2542] : memref<1x1000x128xf32, #tpu.memory_space<vmem>>, vector<1x1x128xf32>
      %get3A_2544 = vector.shape_cast %get3A_2543 : vector<1x1x128xf32> to vector<1x128xf32>
      %broadcast_in_dim3A_2545 = vector.shape_cast %get3A_2544 : vector<1x128xf32> to vector<1x128xf32>
      %broadcast_in_dim3A_2546 = vector.broadcast %broadcast_in_dim3A_2545 : vector<1x128xf32> to vector<32x128xf32>
      %select_n3A_2547 = arith.select %gt3A_2497, %broadcast_in_dim3A_2546, %select_n3A_2413 : vector<32x128xi1>, vector<32x128xf32>
      %mul3A_2548 = arith.constant 10 : i32
      %mul3A_2549 = arith.muli %add3A_2429, %mul3A_2548 : i32
      %add3A_2550 = arith.constant 9 : i32
      %add3A_2551 = arith.addi %mul3A_2549, %add3A_2550 : i32
      %get3A_2552 = arith.constant 0 : index
      %get3A_2553 = arith.index_cast %add3A_2551 : i32 to index
      %get3A_2554 = arith.constant 0 : index
      %get3A_2555 = vector.load %arg2[%get3A_2552, %get3A_2553, %get3A_2554] : memref<1x1000x128xf32, #tpu.memory_space<vmem>>, vector<1x1x128xf32>
      %get3A_2556 = vector.shape_cast %get3A_2555 : vector<1x1x128xf32> to vector<1x128xf32>
      %broadcast_in_dim3A_2557 = vector.shape_cast %get3A_2556 : vector<1x128xf32> to vector<1x128xf32>
      %broadcast_in_dim3A_2558 = vector.broadcast %broadcast_in_dim3A_2557 : vector<1x128xf32> to vector<32x128xf32>
      %select_n3A_2559 = arith.select %gt3A_2497, %broadcast_in_dim3A_2558, %select_n3A_2425 : vector<32x128xi1>, vector<32x128xf32>
      %mul3A_2560 = arith.constant 20 : i32
      %mul3A_2561 = arith.muli %scan3A_144, %mul3A_2560 : i32
      %add3A_2562 = arith.constant 18 : i32
      %add3A_2563 = arith.addi %mul3A_2561, %add3A_2562 : i32
      %mul3A_2564 = arith.constant 10 : i32
      %mul3A_2565 = arith.muli %add3A_2563, %mul3A_2564 : i32
      %add3A_2566 = arith.constant 0 : i32
      %add3A_2567 = arith.addi %mul3A_2565, %add3A_2566 : i32
      %get3A_2568 = arith.constant 0 : index
      %get3A_2569 = arith.index_cast %add3A_2567 : i32 to index
      %get3A_2570 = arith.constant 0 : index
      %get3A_2571 = vector.load %arg2[%get3A_2568, %get3A_2569, %get3A_2570] : memref<1x1000x128xf32, #tpu.memory_space<vmem>>, vector<1x1x128xf32>
      %get3A_2572 = vector.shape_cast %get3A_2571 : vector<1x1x128xf32> to vector<1x128xf32>
      %max3A_2573 = vector.broadcast %get3A_2572 : vector<1x128xf32> to vector<32x128xf32>
      %max3A_2574 = arith.maximumf %get3A_3, %max3A_2573 : vector<32x128xf32>
      %mul3A_2575 = arith.constant 10 : i32
      %mul3A_2576 = arith.muli %add3A_2563, %mul3A_2575 : i32
      %add3A_2577 = arith.constant 1 : i32
      %add3A_2578 = arith.addi %mul3A_2576, %add3A_2577 : i32
      %get3A_2579 = arith.constant 0 : index
      %get3A_2580 = arith.index_cast %add3A_2578 : i32 to index
      %get3A_2581 = arith.constant 0 : index
      %get3A_2582 = vector.load %arg2[%get3A_2579, %get3A_2580, %get3A_2581] : memref<1x1000x128xf32, #tpu.memory_space<vmem>>, vector<1x1x128xf32>
      %get3A_2583 = vector.shape_cast %get3A_2582 : vector<1x1x128xf32> to vector<1x128xf32>
      %max3A_2584 = vector.broadcast %get3A_2583 : vector<1x128xf32> to vector<32x128xf32>
      %max3A_2585 = arith.maximumf %get3A_8, %max3A_2584 : vector<32x128xf32>
      %mul3A_2586 = arith.constant 10 : i32
      %mul3A_2587 = arith.muli %add3A_2563, %mul3A_2586 : i32
      %add3A_2588 = arith.constant 2 : i32
      %add3A_2589 = arith.addi %mul3A_2587, %add3A_2588 : i32
      %get3A_2590 = arith.constant 0 : index
      %get3A_2591 = arith.index_cast %add3A_2589 : i32 to index
      %get3A_2592 = arith.constant 0 : index
      %get3A_2593 = vector.load %arg2[%get3A_2590, %get3A_2591, %get3A_2592] : memref<1x1000x128xf32, #tpu.memory_space<vmem>>, vector<1x1x128xf32>
      %get3A_2594 = vector.shape_cast %get3A_2593 : vector<1x1x128xf32> to vector<1x128xf32>
      %min3A_2595 = vector.broadcast %get3A_2594 : vector<1x128xf32> to vector<32x128xf32>
      %min3A_2596 = arith.minimumf %get3A_13, %min3A_2595 : vector<32x128xf32>
      %mul3A_2597 = arith.constant 10 : i32
      %mul3A_2598 = arith.muli %add3A_2563, %mul3A_2597 : i32
      %add3A_2599 = arith.constant 3 : i32
      %add3A_2600 = arith.addi %mul3A_2598, %add3A_2599 : i32
      %get3A_2601 = arith.constant 0 : index
      %get3A_2602 = arith.index_cast %add3A_2600 : i32 to index
      %get3A_2603 = arith.constant 0 : index
      %get3A_2604 = vector.load %arg2[%get3A_2601, %get3A_2602, %get3A_2603] : memref<1x1000x128xf32, #tpu.memory_space<vmem>>, vector<1x1x128xf32>
      %get3A_2605 = vector.shape_cast %get3A_2604 : vector<1x1x128xf32> to vector<1x128xf32>
      %min3A_2606 = vector.broadcast %get3A_2605 : vector<1x128xf32> to vector<32x128xf32>
      %min3A_2607 = arith.minimumf %get3A_18, %min3A_2606 : vector<32x128xf32>
      %sub3A_2608 = arith.subf %min3A_2596, %max3A_2574 : vector<32x128xf32>
      %max3A_2609 = arith.constant 0.000000e+00 : f32
      %max3A_2610 = vector.broadcast %max3A_2609 : f32 to vector<32x128xf32>
      %max3A_2611 = arith.maximumf %sub3A_2608, %max3A_2610 : vector<32x128xf32>
      %sub3A_2612 = arith.subf %min3A_2607, %max3A_2585 : vector<32x128xf32>
      %max3A_2613 = arith.constant 0.000000e+00 : f32
      %max3A_2614 = vector.broadcast %max3A_2613 : f32 to vector<32x128xf32>
      %max3A_2615 = arith.maximumf %sub3A_2612, %max3A_2614 : vector<32x128xf32>
      %mul3A_2616 = arith.mulf %max3A_2611, %max3A_2615 : vector<32x128xf32>
      %mul3A_2617 = arith.constant 10 : i32
      %mul3A_2618 = arith.muli %add3A_2563, %mul3A_2617 : i32
      %add3A_2619 = arith.constant 4 : i32
      %add3A_2620 = arith.addi %mul3A_2618, %add3A_2619 : i32
      %get3A_2621 = arith.constant 0 : index
      %get3A_2622 = arith.index_cast %add3A_2620 : i32 to index
      %get3A_2623 = arith.constant 0 : index
      %get3A_2624 = vector.load %arg2[%get3A_2621, %get3A_2622, %get3A_2623] : memref<1x1000x128xf32, #tpu.memory_space<vmem>>, vector<1x1x128xf32>
      %get3A_2625 = vector.shape_cast %get3A_2624 : vector<1x1x128xf32> to vector<1x128xf32>
      %add3A_2626 = vector.broadcast %get3A_2625 : vector<1x128xf32> to vector<32x128xf32>
      %add3A_2627 = arith.addf %get3A_23, %add3A_2626 : vector<32x128xf32>
      %sub3A_2628 = arith.subf %add3A_2627, %mul3A_2616 : vector<32x128xf32>
      %mul3A_2629 = arith.mulf %mul3A_2616, %select_n3A_2499 : vector<32x128xf32>
      %mul3A_2630 = arith.mulf %select_n3A_2498, %sub3A_2628 : vector<32x128xf32>
      %gt3A_2631 = arith.cmpf ogt, %mul3A_2629, %mul3A_2630 : vector<32x128xf32>
      %select_n3A_2632 = arith.select %gt3A_2631, %mul3A_2616, %select_n3A_2498 : vector<32x128xi1>, vector<32x128xf32>
      %select_n3A_2633 = arith.select %gt3A_2631, %sub3A_2628, %select_n3A_2499 : vector<32x128xi1>, vector<32x128xf32>
      %mul3A_2634 = arith.constant 10 : i32
      %mul3A_2635 = arith.muli %add3A_2563, %mul3A_2634 : i32
      %add3A_2636 = arith.constant 5 : i32
      %add3A_2637 = arith.addi %mul3A_2635, %add3A_2636 : i32
      %get3A_2638 = arith.constant 0 : index
      %get3A_2639 = arith.index_cast %add3A_2637 : i32 to index
      %get3A_2640 = arith.constant 0 : index
      %get3A_2641 = vector.load %arg2[%get3A_2638, %get3A_2639, %get3A_2640] : memref<1x1000x128xf32, #tpu.memory_space<vmem>>, vector<1x1x128xf32>
      %get3A_2642 = vector.shape_cast %get3A_2641 : vector<1x1x128xf32> to vector<1x128xf32>
      %broadcast_in_dim3A_2643 = vector.shape_cast %get3A_2642 : vector<1x128xf32> to vector<1x128xf32>
      %broadcast_in_dim3A_2644 = vector.broadcast %broadcast_in_dim3A_2643 : vector<1x128xf32> to vector<32x128xf32>
      %select_n3A_2645 = arith.select %gt3A_2631, %broadcast_in_dim3A_2644, %select_n3A_2511 : vector<32x128xi1>, vector<32x128xf32>
      %mul3A_2646 = arith.constant 10 : i32
      %mul3A_2647 = arith.muli %add3A_2563, %mul3A_2646 : i32
      %add3A_2648 = arith.constant 6 : i32
      %add3A_2649 = arith.addi %mul3A_2647, %add3A_2648 : i32
      %get3A_2650 = arith.constant 0 : index
      %get3A_2651 = arith.index_cast %add3A_2649 : i32 to index
      %get3A_2652 = arith.constant 0 : index
      %get3A_2653 = vector.load %arg2[%get3A_2650, %get3A_2651, %get3A_2652] : memref<1x1000x128xf32, #tpu.memory_space<vmem>>, vector<1x1x128xf32>
      %get3A_2654 = vector.shape_cast %get3A_2653 : vector<1x1x128xf32> to vector<1x128xf32>
      %broadcast_in_dim3A_2655 = vector.shape_cast %get3A_2654 : vector<1x128xf32> to vector<1x128xf32>
      %broadcast_in_dim3A_2656 = vector.broadcast %broadcast_in_dim3A_2655 : vector<1x128xf32> to vector<32x128xf32>
      %select_n3A_2657 = arith.select %gt3A_2631, %broadcast_in_dim3A_2656, %select_n3A_2523 : vector<32x128xi1>, vector<32x128xf32>
      %mul3A_2658 = arith.constant 10 : i32
      %mul3A_2659 = arith.muli %add3A_2563, %mul3A_2658 : i32
      %add3A_2660 = arith.constant 7 : i32
      %add3A_2661 = arith.addi %mul3A_2659, %add3A_2660 : i32
      %get3A_2662 = arith.constant 0 : index
      %get3A_2663 = arith.index_cast %add3A_2661 : i32 to index
      %get3A_2664 = arith.constant 0 : index
      %get3A_2665 = vector.load %arg2[%get3A_2662, %get3A_2663, %get3A_2664] : memref<1x1000x128xf32, #tpu.memory_space<vmem>>, vector<1x1x128xf32>
      %get3A_2666 = vector.shape_cast %get3A_2665 : vector<1x1x128xf32> to vector<1x128xf32>
      %broadcast_in_dim3A_2667 = vector.shape_cast %get3A_2666 : vector<1x128xf32> to vector<1x128xf32>
      %broadcast_in_dim3A_2668 = vector.broadcast %broadcast_in_dim3A_2667 : vector<1x128xf32> to vector<32x128xf32>
      %select_n3A_2669 = arith.select %gt3A_2631, %broadcast_in_dim3A_2668, %select_n3A_2535 : vector<32x128xi1>, vector<32x128xf32>
      %mul3A_2670 = arith.constant 10 : i32
      %mul3A_2671 = arith.muli %add3A_2563, %mul3A_2670 : i32
      %add3A_2672 = arith.constant 8 : i32
      %add3A_2673 = arith.addi %mul3A_2671, %add3A_2672 : i32
      %get3A_2674 = arith.constant 0 : index
      %get3A_2675 = arith.index_cast %add3A_2673 : i32 to index
      %get3A_2676 = arith.constant 0 : index
      %get3A_2677 = vector.load %arg2[%get3A_2674, %get3A_2675, %get3A_2676] : memref<1x1000x128xf32, #tpu.memory_space<vmem>>, vector<1x1x128xf32>
      %get3A_2678 = vector.shape_cast %get3A_2677 : vector<1x1x128xf32> to vector<1x128xf32>
      %broadcast_in_dim3A_2679 = vector.shape_cast %get3A_2678 : vector<1x128xf32> to vector<1x128xf32>
      %broadcast_in_dim3A_2680 = vector.broadcast %broadcast_in_dim3A_2679 : vector<1x128xf32> to vector<32x128xf32>
      %select_n3A_2681 = arith.select %gt3A_2631, %broadcast_in_dim3A_2680, %select_n3A_2547 : vector<32x128xi1>, vector<32x128xf32>
      %mul3A_2682 = arith.constant 10 : i32
      %mul3A_2683 = arith.muli %add3A_2563, %mul3A_2682 : i32
      %add3A_2684 = arith.constant 9 : i32
      %add3A_2685 = arith.addi %mul3A_2683, %add3A_2684 : i32
      %get3A_2686 = arith.constant 0 : index
      %get3A_2687 = arith.index_cast %add3A_2685 : i32 to index
      %get3A_2688 = arith.constant 0 : index
      %get3A_2689 = vector.load %arg2[%get3A_2686, %get3A_2687, %get3A_2688] : memref<1x1000x128xf32, #tpu.memory_space<vmem>>, vector<1x1x128xf32>
      %get3A_2690 = vector.shape_cast %get3A_2689 : vector<1x1x128xf32> to vector<1x128xf32>
      %broadcast_in_dim3A_2691 = vector.shape_cast %get3A_2690 : vector<1x128xf32> to vector<1x128xf32>
      %broadcast_in_dim3A_2692 = vector.broadcast %broadcast_in_dim3A_2691 : vector<1x128xf32> to vector<32x128xf32>
      %select_n3A_2693 = arith.select %gt3A_2631, %broadcast_in_dim3A_2692, %select_n3A_2559 : vector<32x128xi1>, vector<32x128xf32>
      %mul3A_2694 = arith.constant 20 : i32
      %mul3A_2695 = arith.muli %scan3A_144, %mul3A_2694 : i32
      %add3A_2696 = arith.constant 19 : i32
      %add3A_2697 = arith.addi %mul3A_2695, %add3A_2696 : i32
      %mul3A_2698 = arith.constant 10 : i32
      %mul3A_2699 = arith.muli %add3A_2697, %mul3A_2698 : i32
      %add3A_2700 = arith.constant 0 : i32
      %add3A_2701 = arith.addi %mul3A_2699, %add3A_2700 : i32
      %get3A_2702 = arith.constant 0 : index
      %get3A_2703 = arith.index_cast %add3A_2701 : i32 to index
      %get3A_2704 = arith.constant 0 : index
      %get3A_2705 = vector.load %arg2[%get3A_2702, %get3A_2703, %get3A_2704] : memref<1x1000x128xf32, #tpu.memory_space<vmem>>, vector<1x1x128xf32>
      %get3A_2706 = vector.shape_cast %get3A_2705 : vector<1x1x128xf32> to vector<1x128xf32>
      %max3A_2707 = vector.broadcast %get3A_2706 : vector<1x128xf32> to vector<32x128xf32>
      %max3A_2708 = arith.maximumf %get3A_3, %max3A_2707 : vector<32x128xf32>
      %mul3A_2709 = arith.constant 10 : i32
      %mul3A_2710 = arith.muli %add3A_2697, %mul3A_2709 : i32
      %add3A_2711 = arith.constant 1 : i32
      %add3A_2712 = arith.addi %mul3A_2710, %add3A_2711 : i32
      %get3A_2713 = arith.constant 0 : index
      %get3A_2714 = arith.index_cast %add3A_2712 : i32 to index
      %get3A_2715 = arith.constant 0 : index
      %get3A_2716 = vector.load %arg2[%get3A_2713, %get3A_2714, %get3A_2715] : memref<1x1000x128xf32, #tpu.memory_space<vmem>>, vector<1x1x128xf32>
      %get3A_2717 = vector.shape_cast %get3A_2716 : vector<1x1x128xf32> to vector<1x128xf32>
      %max3A_2718 = vector.broadcast %get3A_2717 : vector<1x128xf32> to vector<32x128xf32>
      %max3A_2719 = arith.maximumf %get3A_8, %max3A_2718 : vector<32x128xf32>
      %mul3A_2720 = arith.constant 10 : i32
      %mul3A_2721 = arith.muli %add3A_2697, %mul3A_2720 : i32
      %add3A_2722 = arith.constant 2 : i32
      %add3A_2723 = arith.addi %mul3A_2721, %add3A_2722 : i32
      %get3A_2724 = arith.constant 0 : index
      %get3A_2725 = arith.index_cast %add3A_2723 : i32 to index
      %get3A_2726 = arith.constant 0 : index
      %get3A_2727 = vector.load %arg2[%get3A_2724, %get3A_2725, %get3A_2726] : memref<1x1000x128xf32, #tpu.memory_space<vmem>>, vector<1x1x128xf32>
      %get3A_2728 = vector.shape_cast %get3A_2727 : vector<1x1x128xf32> to vector<1x128xf32>
      %min3A_2729 = vector.broadcast %get3A_2728 : vector<1x128xf32> to vector<32x128xf32>
      %min3A_2730 = arith.minimumf %get3A_13, %min3A_2729 : vector<32x128xf32>
      %mul3A_2731 = arith.constant 10 : i32
      %mul3A_2732 = arith.muli %add3A_2697, %mul3A_2731 : i32
      %add3A_2733 = arith.constant 3 : i32
      %add3A_2734 = arith.addi %mul3A_2732, %add3A_2733 : i32
      %get3A_2735 = arith.constant 0 : index
      %get3A_2736 = arith.index_cast %add3A_2734 : i32 to index
      %get3A_2737 = arith.constant 0 : index
      %get3A_2738 = vector.load %arg2[%get3A_2735, %get3A_2736, %get3A_2737] : memref<1x1000x128xf32, #tpu.memory_space<vmem>>, vector<1x1x128xf32>
      %get3A_2739 = vector.shape_cast %get3A_2738 : vector<1x1x128xf32> to vector<1x128xf32>
      %min3A_2740 = vector.broadcast %get3A_2739 : vector<1x128xf32> to vector<32x128xf32>
      %min3A_2741 = arith.minimumf %get3A_18, %min3A_2740 : vector<32x128xf32>
      %sub3A_2742 = arith.subf %min3A_2730, %max3A_2708 : vector<32x128xf32>
      %max3A_2743 = arith.constant 0.000000e+00 : f32
      %max3A_2744 = vector.broadcast %max3A_2743 : f32 to vector<32x128xf32>
      %max3A_2745 = arith.maximumf %sub3A_2742, %max3A_2744 : vector<32x128xf32>
      %sub3A_2746 = arith.subf %min3A_2741, %max3A_2719 : vector<32x128xf32>
      %max3A_2747 = arith.constant 0.000000e+00 : f32
      %max3A_2748 = vector.broadcast %max3A_2747 : f32 to vector<32x128xf32>
      %max3A_2749 = arith.maximumf %sub3A_2746, %max3A_2748 : vector<32x128xf32>
      %mul3A_2750 = arith.mulf %max3A_2745, %max3A_2749 : vector<32x128xf32>
      %mul3A_2751 = arith.constant 10 : i32
      %mul3A_2752 = arith.muli %add3A_2697, %mul3A_2751 : i32
      %add3A_2753 = arith.constant 4 : i32
      %add3A_2754 = arith.addi %mul3A_2752, %add3A_2753 : i32
      %get3A_2755 = arith.constant 0 : index
      %get3A_2756 = arith.index_cast %add3A_2754 : i32 to index
      %get3A_2757 = arith.constant 0 : index
      %get3A_2758 = vector.load %arg2[%get3A_2755, %get3A_2756, %get3A_2757] : memref<1x1000x128xf32, #tpu.memory_space<vmem>>, vector<1x1x128xf32>
      %get3A_2759 = vector.shape_cast %get3A_2758 : vector<1x1x128xf32> to vector<1x128xf32>
      %add3A_2760 = vector.broadcast %get3A_2759 : vector<1x128xf32> to vector<32x128xf32>
      %add3A_2761 = arith.addf %get3A_23, %add3A_2760 : vector<32x128xf32>
      %sub3A_2762 = arith.subf %add3A_2761, %mul3A_2750 : vector<32x128xf32>
      %mul3A_2763 = arith.mulf %mul3A_2750, %select_n3A_2633 : vector<32x128xf32>
      %mul3A_2764 = arith.mulf %select_n3A_2632, %sub3A_2762 : vector<32x128xf32>
      %gt3A_2765 = arith.cmpf ogt, %mul3A_2763, %mul3A_2764 : vector<32x128xf32>
      %select_n3A_2766 = arith.select %gt3A_2765, %mul3A_2750, %select_n3A_2632 : vector<32x128xi1>, vector<32x128xf32>
      %select_n3A_2767 = arith.select %gt3A_2765, %sub3A_2762, %select_n3A_2633 : vector<32x128xi1>, vector<32x128xf32>
      %mul3A_2768 = arith.constant 10 : i32
      %mul3A_2769 = arith.muli %add3A_2697, %mul3A_2768 : i32
      %add3A_2770 = arith.constant 5 : i32
      %add3A_2771 = arith.addi %mul3A_2769, %add3A_2770 : i32
      %get3A_2772 = arith.constant 0 : index
      %get3A_2773 = arith.index_cast %add3A_2771 : i32 to index
      %get3A_2774 = arith.constant 0 : index
      %get3A_2775 = vector.load %arg2[%get3A_2772, %get3A_2773, %get3A_2774] : memref<1x1000x128xf32, #tpu.memory_space<vmem>>, vector<1x1x128xf32>
      %get3A_2776 = vector.shape_cast %get3A_2775 : vector<1x1x128xf32> to vector<1x128xf32>
      %broadcast_in_dim3A_2777 = vector.shape_cast %get3A_2776 : vector<1x128xf32> to vector<1x128xf32>
      %broadcast_in_dim3A_2778 = vector.broadcast %broadcast_in_dim3A_2777 : vector<1x128xf32> to vector<32x128xf32>
      %select_n3A_2779 = arith.select %gt3A_2765, %broadcast_in_dim3A_2778, %select_n3A_2645 : vector<32x128xi1>, vector<32x128xf32>
      %mul3A_2780 = arith.constant 10 : i32
      %mul3A_2781 = arith.muli %add3A_2697, %mul3A_2780 : i32
      %add3A_2782 = arith.constant 6 : i32
      %add3A_2783 = arith.addi %mul3A_2781, %add3A_2782 : i32
      %get3A_2784 = arith.constant 0 : index
      %get3A_2785 = arith.index_cast %add3A_2783 : i32 to index
      %get3A_2786 = arith.constant 0 : index
      %get3A_2787 = vector.load %arg2[%get3A_2784, %get3A_2785, %get3A_2786] : memref<1x1000x128xf32, #tpu.memory_space<vmem>>, vector<1x1x128xf32>
      %get3A_2788 = vector.shape_cast %get3A_2787 : vector<1x1x128xf32> to vector<1x128xf32>
      %broadcast_in_dim3A_2789 = vector.shape_cast %get3A_2788 : vector<1x128xf32> to vector<1x128xf32>
      %broadcast_in_dim3A_2790 = vector.broadcast %broadcast_in_dim3A_2789 : vector<1x128xf32> to vector<32x128xf32>
      %select_n3A_2791 = arith.select %gt3A_2765, %broadcast_in_dim3A_2790, %select_n3A_2657 : vector<32x128xi1>, vector<32x128xf32>
      %mul3A_2792 = arith.constant 10 : i32
      %mul3A_2793 = arith.muli %add3A_2697, %mul3A_2792 : i32
      %add3A_2794 = arith.constant 7 : i32
      %add3A_2795 = arith.addi %mul3A_2793, %add3A_2794 : i32
      %get3A_2796 = arith.constant 0 : index
      %get3A_2797 = arith.index_cast %add3A_2795 : i32 to index
      %get3A_2798 = arith.constant 0 : index
      %get3A_2799 = vector.load %arg2[%get3A_2796, %get3A_2797, %get3A_2798] : memref<1x1000x128xf32, #tpu.memory_space<vmem>>, vector<1x1x128xf32>
      %get3A_2800 = vector.shape_cast %get3A_2799 : vector<1x1x128xf32> to vector<1x128xf32>
      %broadcast_in_dim3A_2801 = vector.shape_cast %get3A_2800 : vector<1x128xf32> to vector<1x128xf32>
      %broadcast_in_dim3A_2802 = vector.broadcast %broadcast_in_dim3A_2801 : vector<1x128xf32> to vector<32x128xf32>
      %select_n3A_2803 = arith.select %gt3A_2765, %broadcast_in_dim3A_2802, %select_n3A_2669 : vector<32x128xi1>, vector<32x128xf32>
      %mul3A_2804 = arith.constant 10 : i32
      %mul3A_2805 = arith.muli %add3A_2697, %mul3A_2804 : i32
      %add3A_2806 = arith.constant 8 : i32
      %add3A_2807 = arith.addi %mul3A_2805, %add3A_2806 : i32
      %get3A_2808 = arith.constant 0 : index
      %get3A_2809 = arith.index_cast %add3A_2807 : i32 to index
      %get3A_2810 = arith.constant 0 : index
      %get3A_2811 = vector.load %arg2[%get3A_2808, %get3A_2809, %get3A_2810] : memref<1x1000x128xf32, #tpu.memory_space<vmem>>, vector<1x1x128xf32>
      %get3A_2812 = vector.shape_cast %get3A_2811 : vector<1x1x128xf32> to vector<1x128xf32>
      %broadcast_in_dim3A_2813 = vector.shape_cast %get3A_2812 : vector<1x128xf32> to vector<1x128xf32>
      %broadcast_in_dim3A_2814 = vector.broadcast %broadcast_in_dim3A_2813 : vector<1x128xf32> to vector<32x128xf32>
      %select_n3A_2815 = arith.select %gt3A_2765, %broadcast_in_dim3A_2814, %select_n3A_2681 : vector<32x128xi1>, vector<32x128xf32>
      %mul3A_2816 = arith.constant 10 : i32
      %mul3A_2817 = arith.muli %add3A_2697, %mul3A_2816 : i32
      %add3A_2818 = arith.constant 9 : i32
      %add3A_2819 = arith.addi %mul3A_2817, %add3A_2818 : i32
      %get3A_2820 = arith.constant 0 : index
      %get3A_2821 = arith.index_cast %add3A_2819 : i32 to index
      %get3A_2822 = arith.constant 0 : index
      %get3A_2823 = vector.load %arg2[%get3A_2820, %get3A_2821, %get3A_2822] : memref<1x1000x128xf32, #tpu.memory_space<vmem>>, vector<1x1x128xf32>
      %get3A_2824 = vector.shape_cast %get3A_2823 : vector<1x1x128xf32> to vector<1x128xf32>
      %broadcast_in_dim3A_2825 = vector.shape_cast %get3A_2824 : vector<1x128xf32> to vector<1x128xf32>
      %broadcast_in_dim3A_2826 = vector.broadcast %broadcast_in_dim3A_2825 : vector<1x128xf32> to vector<32x128xf32>
      %select_n3A_2827 = arith.select %gt3A_2765, %broadcast_in_dim3A_2826, %select_n3A_2693 : vector<32x128xi1>, vector<32x128xf32>
      scf.yield %select_n3A_2766, %select_n3A_2767, %select_n3A_2779, %select_n3A_2791, %select_n3A_2803, %select_n3A_2815, %select_n3A_2827 : vector<32x128xf32>, vector<32x128xf32>, vector<32x128xf32>, vector<32x128xf32>, vector<32x128xf32>, vector<32x128xf32>, vector<32x128xf32>
    }
    %scan3A_66 = arith.constant 5 : i32
    %get3A_67 = arith.constant 5 : index
    %get3A_68 = arith.constant 0 : index
    %get3A_69 = arith.constant 0 : index
    %get3A_70 = vector.load %arg3[%get3A_67, %get3A_68, %get3A_69] : memref<11x32x128xf32, #tpu.memory_space<vmem>>, vector<1x32x128xf32>
    %get3A_71 = vector.shape_cast %get3A_70 : vector<1x32x128xf32> to vector<32x128xf32>
    %mul3A = arith.mulf %scan3A_65#2, %get3A_71 : vector<32x128xf32>
    %get3A_72 = arith.constant 7 : index
    %get3A_73 = arith.constant 0 : index
    %get3A_74 = arith.constant 0 : index
    %get3A_75 = vector.load %arg3[%get3A_72, %get3A_73, %get3A_74] : memref<11x32x128xf32, #tpu.memory_space<vmem>>, vector<1x32x128xf32>
    %get3A_76 = vector.shape_cast %get3A_75 : vector<1x32x128xf32> to vector<32x128xf32>
    %sub3A = arith.subf %mul3A, %get3A_76 : vector<32x128xf32>
    %get3A_77 = arith.constant 6 : index
    %get3A_78 = arith.constant 0 : index
    %get3A_79 = arith.constant 0 : index
    %get3A_80 = vector.load %arg3[%get3A_77, %get3A_78, %get3A_79] : memref<11x32x128xf32, #tpu.memory_space<vmem>>, vector<1x32x128xf32>
    %get3A_81 = vector.shape_cast %get3A_80 : vector<1x32x128xf32> to vector<32x128xf32>
    %mul3A_82 = arith.mulf %scan3A_65#3, %get3A_81 : vector<32x128xf32>
    %get3A_83 = arith.constant 8 : index
    %get3A_84 = arith.constant 0 : index
    %get3A_85 = arith.constant 0 : index
    %get3A_86 = vector.load %arg3[%get3A_83, %get3A_84, %get3A_85] : memref<11x32x128xf32, #tpu.memory_space<vmem>>, vector<1x32x128xf32>
    %get3A_87 = vector.shape_cast %get3A_86 : vector<1x32x128xf32> to vector<32x128xf32>
    %sub3A_88 = arith.subf %mul3A_82, %get3A_87 : vector<32x128xf32>
    %get3A_89 = arith.constant 9 : index
    %get3A_90 = arith.constant 0 : index
    %get3A_91 = arith.constant 0 : index
    %get3A_92 = vector.load %arg3[%get3A_89, %get3A_90, %get3A_91] : memref<11x32x128xf32, #tpu.memory_space<vmem>>, vector<1x32x128xf32>
    %get3A_93 = vector.shape_cast %get3A_92 : vector<1x32x128xf32> to vector<32x128xf32>
    %sub3A_94 = arith.subf %scan3A_65#4, %get3A_93 : vector<32x128xf32>
    %get3A_95 = arith.constant 10 : index
    %get3A_96 = arith.constant 0 : index
    %get3A_97 = arith.constant 0 : index
    %get3A_98 = vector.load %arg3[%get3A_95, %get3A_96, %get3A_97] : memref<11x32x128xf32, #tpu.memory_space<vmem>>, vector<1x32x128xf32>
    %get3A_99 = vector.shape_cast %get3A_98 : vector<1x32x128xf32> to vector<32x128xf32>
    %sub3A_100 = arith.subf %scan3A_65#5, %get3A_99 : vector<32x128xf32>
    %mul3A_101 = arith.constant 5.000000e-01 : f32
    %mul3A_102 = vector.broadcast %mul3A_101 : f32 to vector<32x128xf32>
    %mul3A_103 = arith.mulf %mul3A_102, %scan3A_65#1 : vector<32x128xf32>
    %ge3A = arith.cmpf oge, %scan3A_65#0, %mul3A_103 : vector<32x128xf32>
    %mul3A_104 = arith.constant 4.000000e-01 : f32
    %mul3A_105 = vector.broadcast %mul3A_104 : f32 to vector<32x128xf32>
    %mul3A_106 = arith.mulf %mul3A_105, %scan3A_65#1 : vector<32x128xf32>
    %lt3A = arith.cmpf olt, %scan3A_65#0, %mul3A_106 : vector<32x128xf32>
    %jit3A = arith.constant -1.000000e+00 : f32
    %jit3A_107 = arith.constant -2.000000e+00 : f32
    %broadcast_in_dim3A_108 = vector.broadcast %jit3A : f32 to vector<32x128xf32>
    %broadcast_in_dim3A_109 = vector.broadcast %jit3A_107 : f32 to vector<32x128xf32>
    %select_n3A = arith.select %lt3A, %broadcast_in_dim3A_108, %broadcast_in_dim3A_109 : vector<32x128xi1>, vector<32x128xf32>
    %select_n3A_110 = arith.select %ge3A, %scan3A_65#6, %select_n3A : vector<32x128xi1>, vector<32x128xf32>
    %swap3A = arith.constant 0 : index
    %swap3A_111 = arith.constant 0 : index
    %swap3A_112 = arith.constant 0 : index
    %swap3A_113 = arith.constant 0 : index
    %swap3A_114 = vector.load %arg4[%swap3A, %swap3A_111, %swap3A_112, %swap3A_113] : memref<1x4x32x128xf32, #tpu.memory_space<vmem>>, vector<1x1x32x128xf32>
    %swap3A_115 = vector.shape_cast %swap3A_114 : vector<1x1x32x128xf32> to vector<32x128xf32>
    %swap3A_116 = vector.shape_cast %sub3A : vector<32x128xf32> to vector<1x1x32x128xf32>
    tpu.vector_store %arg4[%swap3A, %swap3A_111, %swap3A_112, %swap3A_113], %swap3A_116 {strides = array<i32>} : memref<1x4x32x128xf32, #tpu.memory_space<vmem>>, vector<1x1x32x128xf32>,
    %swap3A_117 = arith.constant 0 : index
    %swap3A_118 = arith.constant 1 : index
    %swap3A_119 = arith.constant 0 : index
    %swap3A_120 = arith.constant 0 : index
    %swap3A_121 = vector.load %arg4[%swap3A_117, %swap3A_118, %swap3A_119, %swap3A_120] : memref<1x4x32x128xf32, #tpu.memory_space<vmem>>, vector<1x1x32x128xf32>
    %swap3A_122 = vector.shape_cast %swap3A_121 : vector<1x1x32x128xf32> to vector<32x128xf32>
    %swap3A_123 = vector.shape_cast %sub3A_88 : vector<32x128xf32> to vector<1x1x32x128xf32>
    tpu.vector_store %arg4[%swap3A_117, %swap3A_118, %swap3A_119, %swap3A_120], %swap3A_123 {strides = array<i32>} : memref<1x4x32x128xf32, #tpu.memory_space<vmem>>, vector<1x1x32x128xf32>,
    %swap3A_124 = arith.constant 0 : index
    %swap3A_125 = arith.constant 2 : index
    %swap3A_126 = arith.constant 0 : index
    %swap3A_127 = arith.constant 0 : index
    %swap3A_128 = vector.load %arg4[%swap3A_124, %swap3A_125, %swap3A_126, %swap3A_127] : memref<1x4x32x128xf32, #tpu.memory_space<vmem>>, vector<1x1x32x128xf32>
    %swap3A_129 = vector.shape_cast %swap3A_128 : vector<1x1x32x128xf32> to vector<32x128xf32>
    %swap3A_130 = vector.shape_cast %sub3A_94 : vector<32x128xf32> to vector<1x1x32x128xf32>
    tpu.vector_store %arg4[%swap3A_124, %swap3A_125, %swap3A_126, %swap3A_127], %swap3A_130 {strides = array<i32>} : memref<1x4x32x128xf32, #tpu.memory_space<vmem>>, vector<1x1x32x128xf32>,
    %swap3A_131 = arith.constant 0 : index
    %swap3A_132 = arith.constant 3 : index
    %swap3A_133 = arith.constant 0 : index
    %swap3A_134 = arith.constant 0 : index
    %swap3A_135 = vector.load %arg4[%swap3A_131, %swap3A_132, %swap3A_133, %swap3A_134] : memref<1x4x32x128xf32, #tpu.memory_space<vmem>>, vector<1x1x32x128xf32>
    %swap3A_136 = vector.shape_cast %swap3A_135 : vector<1x1x32x128xf32> to vector<32x128xf32>
    %swap3A_137 = vector.shape_cast %sub3A_100 : vector<32x128xf32> to vector<1x1x32x128xf32>
    tpu.vector_store %arg4[%swap3A_131, %swap3A_132, %swap3A_133, %swap3A_134], %swap3A_137 {strides = array<i32>} : memref<1x4x32x128xf32, #tpu.memory_space<vmem>>, vector<1x1x32x128xf32>,
    %swap3A_138 = arith.constant 0 : index
    %swap3A_139 = arith.constant 0 : index
    %swap3A_140 = arith.constant 0 : index
    %swap3A_141 = vector.load %arg5[%swap3A_138, %swap3A_139, %swap3A_140] : memref<1x32x128xf32, #tpu.memory_space<vmem>>, vector<1x32x128xf32>
    %swap3A_142 = vector.shape_cast %swap3A_141 : vector<1x32x128xf32> to vector<32x128xf32>
    %swap3A_143 = vector.shape_cast %select_n3A_110 : vector<32x128xf32> to vector<1x32x128xf32>
    tpu.vector_store %arg5[%swap3A_138, %swap3A_139, %swap3A_140], %swap3A_143 {strides = array<i32>} : memref<1x32x128xf32, #tpu.memory_space<vmem>>, vector<1x32x128xf32>,
    return
  }
  func.func @transform_0(%arg0: i32, %arg1: i32) -> (i32, i32, i32) {
    %add3A = arith.constant 2 : i32
    %add3A_0 = arith.addi %arg0, %add3A : i32
    %c0_i32 = arith.constant 0 : i32
    %c0_i32_1 = arith.constant 0 : i32
    %c0_i32_2 = arith.constant 0 : i32
    return %add3A_0, %c0_i32, %c0_i32_1 : i32, i32, i32
  }
  func.func @transform_1(%arg0: i32, %arg1: i32) -> (i32, i32, i32) {
    %c0_i32 = arith.constant 0 : i32
    %c0_i32_0 = arith.constant 0 : i32
    %c0_i32_1 = arith.constant 0 : i32
    return %c0_i32, %arg1, %c0_i32_0 : i32, i32, i32
  }
  func.func @transform_2(%arg0: i32, %arg1: i32) -> (i32, i32, i32, i32) {
    %c0_i32 = arith.constant 0 : i32
    %c0_i32_0 = arith.constant 0 : i32
    %c0_i32_1 = arith.constant 0 : i32
    return %arg0, %c0_i32, %arg1, %c0_i32_0 : i32, i32, i32, i32
  }
  func.func @transform_3(%arg0: i32, %arg1: i32) -> (i32, i32, i32) {
    %c0_i32 = arith.constant 0 : i32
    %c0_i32_0 = arith.constant 0 : i32
    return %arg0, %arg1, %c0_i32 : i32, i32, i32
  }
}

</mosaic_0001>

<sc_bundles>
// kernel: kernel.4.cloned.1.call-start
scs
__scs_entry_jumppad:
0x0: {  	(pc) =	sbr.rel $0x88, $3  }
0x1: {  	(tag) =	ssettag $0x0;
	lr =	simm.s32 $0x1  }
0x2: {  	[smem:$0x3F9F] =	sst lr;
	_ =	strace $0xD0000000  }
0x3: {  	_ = 	snop  }
0x4: {  	_ = 	snop  }
0x5: {  	_ = 	snop  }
0x6: {  	_ = 	snop  }
0x7: {  	_ = 	snop  }
__scs_overlays_trampoline_lowered:
0x8: {  	[smem:$0x3FAE] =	sst s0  }
0x9: {  	[smem:$0x3FAF] =	sst s1  }
0xa: {  	[smem:$0x3FB0] =	sst s2  }
0xb: {  	[smem:$0x3FB1] =	sst s3  }
0xc: {  	[smem:$0x3FB2] =	sst s4  }
0xd: {  	[smem:$0x3FB3] =	sst s5  }
0xe: {  	[smem:$0x3FB4] =	sst s6  }
0xf: {  	[smem:$0x3FB5] =	sst s7  }
0x10: {  	[smem:$0x3FB6] =	sst s8  }
0x11: {  	[smem:$0x3FB7] =	sst s9;
	s0 =	simm.s32 @!p0 $0x0  }
0x12: {  	s1 =	sld [smem:$0x3F9D];
	s0 =	simm.s32 @p0 $0x1  }
0x13: {  	[smem:$0x3FB8] =	sst s0;
	s0 =	simm.s32 @!p1 $0x0  }
0x14: {  	s2 =	sld [smem:$0x3F9C];
	s0 =	simm.s32 @p1 $0x1  }
0x15: {  	[smem:$0x3FB9] =	sst s0;
	s0 =	simm.s32 @!p2 $0x0  }
0x16: {  	s3 =	sld [smem:$0x3FDB];
	s0 =	simm.s32 @p2 $0x1  }
0x17: {  	s4 =	simm.s32 $0x1BF5;
	[smem:$0x3FBB] =	sst s0  }
0x18: {  	s0 =	sld [smem:$0x3F9E];
	_ =	swait.ge [sflag:s4], $0x0  }
0x19: {  	s7 =	sld [smem:$0x3F9F]  }
0x1a: {  	s8 =	sadd.s32 $0xFFFFE003, lr  }
0x1b: {  	s9 =	sadd.s32 $0xFFFFFEF7, lr;
	s5 =	simm.s32 $0xFFFFFFFF;
	p2 =	slt.u32 s8, $0xFFFFF086  }
0x1c: {  	p1 =	slt.u32 s9, $0xF7A;
	s5 =	simm.s32 @!p2 $0x0  }
0x1d: {  	s5 =	simm.s32 @p1 $0x1;
	p0 =	seq.s32 s7, s2  }
0x1e: {  	s7 =	smul.u32 @!p0 $0xF7A, s2;
	p2 =	seq.s32 @!p0 s5, $0x0  }
0x1f: {  	s9 =	smul.u32 $0xF7A, s1;
	s8 =	simm.s32 @!p0 $0x1BF5;
	p2 =	por !p2, p0  }
0x20: {  	[sflag:s8] =	ssyncset.s32 @!p0 $0xFFFFF086;
	s6 =	sadd.s32 @!p0 s3, s7;
	s7 =	simm.s32 @!p0 $0x108  }
0x21: {  	s3 =	sadd.s32 s3, s9;
	s6 =	sadd.s32 @!p0 $0x88, s6;
	s7 =	simm.s32 @p2 $0x1082  }
0x22: {  	[simem:s7], [sflag:s8] =	dma.local @!p0 [hbm:s6], $0xF7A  }
0x23: {  	s9 =	sor.u32 $0xD0000000, s2;
	s6 =	simm.s32 $0x108;
	_ =	swait.ge @!p0 [sflag:s8], $0x0  }
0x24: {  	s3 =	sadd.s32 $0x88, s3;
	s6 =	simm.s32 @!p1 $0x1082;
	[sflag:s4] =	ssyncset.s32 $0xFFFFF086  }
0x25: {  	[simem:s6], [sflag:s4] =	dma.local [hbm:s3], $0xF7A  }
0x26: {  	[smem:$0x3F9F] =	sst s1;
	(tag) =	ssettag s2;
	_ =	strace s9  }
0x27: {  	s1 =	sld [smem:$0x3FAF]  }
0x28: {  	s2 =	sld [smem:$0x3FB0]  }
0x29: {  	s4 =	sld [smem:$0x3FB2]  }
0x2a: {  	p0 =	seq.s32 s5, $0x0;
	s5 =	sld [smem:$0x3FB3]  }
0x2b: {  	s6 =	sld [smem:$0x3FB4]  }
0x2c: {  	s7 =	sld [smem:$0x3FB5]  }
0x2d: {  	s3 =	simm.s32 $0x108;
	s8 =	sld [smem:$0x3FB6]  }
0x2e: {  	s3 =	simm.s32 @!p0 $0x1082;
	s9 =	sld [smem:$0x3FB7]  }
0x2f: {  	lr =	sadd.s32 s0, s3;
	s0 =	sld [smem:$0x3FAE]  }
0x30: {  	s3 =	sld [smem:$0x3FB1]  }
0x31: {  	[smem:$0x3FBA] =	sst s10  }
0x32: {  	s10 =	sld [smem:$0x3FB8];
	_ =	sdelay $0x3  }
0x33: {  	p0 =	seq.s32 s10, $0x1;
	s10 =	sld [smem:$0x3FBA];
	_ =	sdelay $0x3  }
0x34: {  	[smem:$0x3FBA] =	sst s10  }
0x35: {  	s10 =	sld [smem:$0x3FB9];
	_ =	sdelay $0x3  }
0x36: {  	p1 =	seq.s32 s10, $0x1;
	s10 =	sld [smem:$0x3FBA];
	_ =	sdelay $0x3  }
0x37: {  	[smem:$0x3FBA] =	sst s10  }
0x38: {  	s10 =	sld [smem:$0x3FBB]  }
0x39: {  	_ = 	snop;
	(pc) =	sbr.ind lr, $3  }
0x3a: {  	_ = 	snop  }
0x3b: {  	_ = 	snop  }
0x3c: {  	p2 =	seq.s32 s10, $0x1;
	s10 =	sld [smem:$0x3FBA]  }
0x3d: {  	_ =	shalt  }
0x3e: {  	_ =	shalt  }
0x3f: {  	_ =	shalt  }
0x40: {  	_ =	shalt  }
0x41: {  	_ =	shalt  }
0x42: {  	_ =	shalt  }
0x43: {  	_ =	shalt  }
0x44: {  	_ =	shalt  }
0x45: {  	_ =	shalt  }
0x46: {  	_ =	shalt  }
0x47: {  	_ =	shalt  }
0x48: {  	_ =	shalt  }
0x49: {  	_ =	shalt  }
0x4a: {  	_ =	shalt  }
0x4b: {  	_ =	shalt  }
0x4c: {  	_ =	shalt  }
0x4d: {  	_ =	shalt  }
0x4e: {  	_ =	shalt  }
0x4f: {  	_ =	shalt  }
0x50: {  	_ =	shalt  }
0x51: {  	_ =	shalt  }
0x52: {  	_ =	shalt  }
0x53: {  	_ =	shalt  }
0x54: {  	_ =	shalt  }
0x55: {  	_ =	shalt  }
0x56: {  	_ =	shalt  }
0x57: {  	_ =	shalt  }
0x58: {  	_ =	shalt  }
0x59: {  	_ =	shalt  }
0x5a: {  	_ =	shalt  }
0x5b: {  	_ =	shalt  }
0x5c: {  	_ =	shalt  }
0x5d: {  	_ =	shalt  }
0x5e: {  	_ =	shalt  }
0x5f: {  	_ =	shalt  }
0x60: {  	_ =	shalt  }
0x61: {  	_ =	shalt  }
0x62: {  	_ =	shalt  }
0x63: {  	_ =	shalt  }
0x64: {  	_ =	shalt  }
0x65: {  	_ =	shalt  }
0x66: {  	_ =	shalt  }
0x67: {  	_ =	shalt  }
0x68: {  	_ =	shalt  }
0x69: {  	_ =	shalt  }
0x6a: {  	_ =	shalt  }
0x6b: {  	_ =	shalt  }
0x6c: {  	_ =	shalt  }
0x6d: {  	_ =	shalt  }
0x6e: {  	_ =	shalt  }
0x6f: {  	_ =	shalt  }
0x70: {  	_ =	shalt  }
0x71: {  	_ =	shalt  }
0x72: {  	_ =	shalt  }
0x73: {  	_ =	shalt  }
0x74: {  	_ =	shalt  }
0x75: {  	_ =	shalt  }
0x76: {  	_ =	shalt  }
0x77: {  	_ =	shalt  }
0x78: {  	_ =	shalt  }
0x79: {  	_ =	shalt  }
0x7a: {  	_ =	shalt  }
0x7b: {  	_ =	shalt  }
0x7c: {  	_ =	shalt  }
0x7d: {  	_ =	shalt  }
0x7e: {  	_ =	shalt  }
0x7f: {  	_ =	shalt  }
0x80: {  	_ =	shalt  }
0x81: {  	_ =	shalt  }
0x82: {  	_ =	shalt  }
0x83: {  	_ =	shalt  }
0x84: {  	_ =	shalt  }
0x85: {  	_ =	shalt  }
0x86: {  	_ =	shalt  }
0x87: {  	_ =	shalt  }
.Lfunc_end0:
.L_simem_size_0:
called_computation_lowered:
.L_overlay_start_0:
0x88: {  	s2 =	sld [smem:$0x3FD9]  }
0x89: {  	s3 =	sld [smem:$0x3FFE];
	_ =	sdelay $0x1  }
0x8a: {  	s1 =	srdreg.scid  }
0x8b: {  	s0 =	sand.u32 $0x1, s1  }
0x8c: {  	s14 =	sshll.u32 s0, $0xA;
	s2 =	sadd.s32 s3, s2  }
0x8d: {  	s2 =	sadd.s32 s2, s14  }
0x8e: {  	[smem:$0x3FC6] =	sst s2  }
0x8f: {  	_ = 	snop  }
0x90: {  	s2 =	sld [smem:$0x3FD0];
	_ =	sdelay $0x2  }
0x91: {  	s15 =	simm.s32 $0xA;
	s4 =	simm.s32 $0x10  }
0x92: {  	[smem:s4], [sflag:s15] =	dma.local [hbm:s2], $0x1  }
0x93: {  	_ =	swait.eq [sflag:s15], $0x1  }
0x94: {  	[sflag:s15] =	ssyncset.done $0x0  }
0x95: {  	s16 =	sld [smem:$0x10];
	[sflag:s15] =	ssyncadd.s32 $0xFFFFFFFF  }
0x96: {  	s17 =	sld [smem:$0x11];
	(tm) =	ssettm $0x1  }
0x97: {  	s18 =	sld [smem:$0x3FFB];
	_ =	sdelay $0x3  }
0x98: {  	_ =	strace s18  }
0x99: {  	s4 =	sld [smem:$0x3FFC];
	_ =	sdelay $0x3  }
0x9a: {  	_ =	strace s4  }
0x9b: {  	s4 =	sld [smem:$0x3FFD];
	_ =	sdelay $0x3  }
0x9c: {  	_ =	strace s4  }
0x9d: {  	_ =	strace $0x8FFFFFFF  }
0x9e: {  	s19 =	sld [smem:$0x3FDB];
	_ =	sdelay $0x1  }
0x9f: {  	s5 =	simm.s32 $_scs_section_size  }
0xa0: {  	s6 =	simm.s32 $_size__tile_overlayer_lowered;
	s7 =	simm.s32 $_tile_overlayer_lowered  }
0xa1: {  	s22 =	simm.s32 $0x1BFF;
	s21 =	sshll.u32 s7, $0x1;
	s4 =	sadd.s32 s5, s19  }
0xa2: {  	s8 =	simm.s32 $0x0;
	s20 =	sshll.u32 s6, $0x1;
	s6 =	sadd.s32 s21, s4  }
0xa3: {  	[timem:s8], [sflag:s22] =	dma.local [hbm:s6], s20  }
0xa4: {  	_ =	swait.ge [sflag:s22], s20  }
0xa5: {  	s5 =	ssub.s32 $0x0, s20;
	[sflag:s22] =	ssyncset.done $0x0  }
0xa6: {  	[sflag:s22] =	ssyncadd.s32 s5;
	_ =	sdelay $0x1  }
0xa7: {  	s23 =	simm.s32 $0x1B8B  }
0xa8: {  	_ =	swait.ge [sflag:s23], $0x1  }
0xa9: {  	[sflag:s23] =	ssyncset.done $0x0  }
0xaa: {  	s25 =	simm.s32 $0x1B8E;
	s24 =	sld [smem:$0x3FFE];
	[sflag:s23] =	ssyncadd.s32 $0xFFFFFFFF  }
0xab: {  	s26 =	simm.s32 $execute0_lowered;
	[smem:$0x3FD2] =	sst s25  }
0xac: {  	s6 =	sshll.u32 s26, $0x1;
	_ =	strace $0x80000046;
	[dreg:$0x1] =	wrdreg $0xFFFFFFFF  }
0xad: {  	s28 =	simm.s32 $_size_execute0_lowered;
	s4 =	sadd.s32 s4, s6;
	[dreg:$0x0] =	wrdreg $0x0  }
0xae: {  	s6 =	sshll.u32 s28, $0x1;
	[dreg:$0x2] =	wrdreg s4  }
0xaf: {  	[dreg:$0x3] =	wrdreg s6  }
0xb0: {  	[dreg:$0x4] =	wrdreg $0xC0  }
0xb1: {  	_ =	task [dreg:s8], $0x5FFFF  }
0xb2: {  	[dreg:$0x1] =	wrdreg $0xFFFFFFFF  }
0xb3: {  	[dreg:$0x0] =	wrdreg $0x60  }
0xb4: {  	[dreg:$0x2] =	wrdreg s16  }
0xb5: {  	[dreg:$0x3] =	wrdreg s24  }
0xb6: {  	[dreg:$0x4] =	wrdreg s17  }
0xb7: {  	[dreg:$0x5] =	wrdreg $0x9  }
0xb8: {  	_ =	task.clear_ibuf [dreg:s8], $0x6FFFF;
	_ =	strace $0x90000046  }
0xb9: {  	s29 =	simm.s32 $0x9;
	_ =	strace $0x80000048  }
0xba: {  	_ =	swait.ge [sflag:s29], $0x1  }
0xbb: {  	[sflag:s29] =	ssyncadd.s32 $0xFFFFFFFF  }
0xbc: {  	_ =	strace $0x90000048  }
0xbd: {  	_ =	sfence  }
0xbe: {  	s30 =	sld [smem:$0x0];
	_ =	sdelay $0x2  }
0xbf: {  	s31 =	sshll.u32 s1, $0xD;
	s1 =	sshrl.u32 s1, $0x2  }
0xc0: {  	s3 =	sand.u32 $0x4000, s31;
	s1 =	sadd.s32 s1, s30  }
0xc1: {  	s0 =	sor.u32 s3, s0;
	s1 =	sshll.u32 s1, $0x11  }
0xc2: {  	s0 =	sor.u32 s1, s0  }
0xc3: {  	s0 =	sadd.s32 $0x8F2B, s0  }
0xc4: {  	[sflag:s0] =	ssyncadd.remote.s32 $0x1  }
0xc5: {  	_ =	sfence.sel $0xFFFF  }
0xc6: {  	[dreg:$0x0] =	wrdreg $0xFFFFFFFF;
	(pc) =	sbr.abs _section_cstart, $3  }
0xc7: {  	[dreg:$0x1] =	wrdreg $0xFFFFFFFF  }
0xc8: {  	_ =	task.clear_ibuf [dreg:s8], $0x2FFFF;
	_ =	strace $0x9FFFFFFF  }
0xc9: {  	(tm) =	ssettm $0x7FFFFFFF  }
tec
execute0_lowered:
.L_overlay_start_1:
0x0: {  	(tag) =	ssettag $0x1  }
0x1: {  	s0 =	rddreg [dreg:$0x0]  }
0x2: {  	s1 =	rddreg [dreg:$0x1];
	s2 =	srdreg.scid  }
0x3: {  	s5 =	stileid.u32;
	s3 =	rddreg [dreg:$0x2]  }
0x4: {  	s17 =	simm.s32 $0x1;
	s4 =	sand.u32 $0x1, s2;
	s5 =	sshll.u32 s5, $0x1  }
0x5: {  	s2 =	simm.s32 $0x0;
	s7 =	sadd.s32 $0x1200, s1;
	s5 =	sor.u32 s4, s5  }
0x6: {  	s8 =	sadd.s32 $0x5200, s1;
	s29 =	sadd.s32 $0x19D0, s1;
	s6 =	smul.u32 $0x600, s5  }
0x7: {  	[smem:$0x7FF] =	sst s2;
	s4 =	ssub.s32 $0x2, s4;
	s5 =	smul.u32 $0x870, s5  }
0x8: {  	_ =	strace $0x80000047;
	[dreg:$0x4] =	wrdreg s7;
	s22 =	sshrl.u32 s4, $0x1  }
0x9: {  	[dreg:$0xa] =	wrdreg s29;
	s6 =	sshrl.u32 s6, $0x3;
	s0 =	sadd.s32 s0, s5  }
0xa: {  	s23 =	sadd.s32 $0x1800, s6;
	[dreg:$0x5] =	wrdreg s0;
	s28 =	sadd.s32 s8, s6  }
0xb: {  	s5 =	sadd.s32 s3, s6;
	s24 =	sadd.s32 s3, s23;
	[dreg:$0x9] =	wrdreg s28  }
0xc: {  	s4 =	ssub.s32 s4, s22;
	s25 =	sadd.s32 $0x3000, s5;
	[dreg:$0x6] =	wrdreg s24  }
0xd: {  	s16 =	smax.u32 s4, $0x1;
	s26 =	sadd.s32 $0x4800, s5;
	[dreg:$0x7] =	wrdreg s25  }
0xe: {  	s30 =	sadd.s32 $0x6000, s5;
	s31 =	sadd.s32 $0x7800, s5;
	[dreg:$0x8] =	wrdreg s26  }
0xf: {  	s13 =	sadd.s32 $0x9000, s5;
	s14 =	sadd.s32 $0xA800, s5;
	[dreg:$0xb] =	wrdreg s30  }
0x10: {  	s15 =	sadd.s32 s8, s23;
	[dreg:$0xc] =	wrdreg s31;
	s24 =	simm.s32 $0x0  }
.LBB2_1:
0x11: {  	s0 =	rddreg [dreg:$0x5]  }
0x12: {  	[tilespmem:s2], [sflag:$0x1] =	stream.linear.gather [hbm4b:s0+s2], $0x4380, $0x38;
	[tilespmem:$0xA000] =	vst v63  }
0x13: {  	_ =	swait.ge [sflag:s17], $0x4380  }
0x14: {  	[sflag:s17] =	ssyncset.done $0x0  }
0x15: {  	s1 =	simm.s32 $0x4380;
	s31 =	rddreg [dreg:$0x4];
	[sflag:s17] =	ssyncadd.s32 $0xFFFFBC80  }
0x16: {  	[tilespmem:s1], [sflag:$0x1] =	stream.linear.gather [hbm4b:s31+s2], $0x3E80, $0x38;
	[tilespmem:$0xA000] =	vst v63  }
0x17: {  	_ =	swait.ge [sflag:s17], $0x3E80  }
0x18: {  	[sflag:s17] =	ssyncset.done $0x0  }
0x19: {  	s25 =	simm.s32 $0x0;
	[sflag:s17] =	ssyncadd.s32 $0xFFFFC180  }
.LBB2_2:
0x1a: {  	v47 =	vld [tilespmem:$0x43F0]  }
0x1b: {  	s26 =	sshll.u32 s25, $0x6;
	v53 =	vld [tilespmem:$0x4410]  }
0x1c: {  	v21 =	vld [tilespmem:s26+$0x0]  }
0x1d: {  	v22 =	vld [tilespmem:s26+$0x10]  }
0x1e: {  	v23 =	vld [tilespmem:s26+$0x20]  }
0x1f: {  	v27 =	vld [tilespmem:s26+$0x610]  }
0x20: {  	v28 =	vld [tilespmem:s26+$0x620]  }
0x21: {  	v29 =	vld [tilespmem:s26+$0x630]  }
0x22: {  	v31 =	vld [tilespmem:s26+$0xC10]  }
0x23: {  	v32 =	vld [tilespmem:s26+$0xC20]  }
0x24: {  	v33 =	vld [tilespmem:s26+$0xC30]  }
0x25: {  	v37 =	vld [tilespmem:s26+$0x1210]  }
0x26: {  	v7 =	vld [tilespmem:s26+$0x1810]  }
0x27: {  	v8 =	vld [tilespmem:s26+$0x1820]  }
0x28: {  	s19 =	simm.s32 $0x4420;
	v9 =	vld [tilespmem:s26+$0x1830]  }
0x29: {  	v0 =	vld [tilespmem:s19+$0x40]  }
0x2a: {  	v1 =	vld [tilespmem:s19+$0xFFFFFFA0]  }
0x2b: {  	v2 =	vld [tilespmem:s19+$0x0]  }
0x2c: {  	v3 =	vld [tilespmem:s19+$0x10]  }
0x2d: {  	v4 =	vld [tilespmem:s19+$0x20]  }
0x2e: {  	v5 =	vld [tilespmem:s19+$0x30];
	[tilespmem:$0x1FF90] =	vst v53  }
0x2f: {  	s21 =	sand.u32 $0x780, s26;
	s22 =	sand.u32 $0x40, s26;
	v38 =	vld [tilespmem:s26+$0x1220];
	[tilespmem:$0x1FFA0] =	vst v47  }
0x30: {  	v12 =	vld [tilespmem:s19+$0xFFFFFF90];
	s6 =	sor.u32 s22, s21;
	[tilespmem:$0x1FFC0] =	vst v47;
	v45 =	vadd.f32 v0, v7  }
0x31: {  	v39 =	vimm.f32 $0.0e+00;
	v25 =	vld [tilespmem:s6+$0x600];
	[tilespmem:$0x1FFD0] =	vst v47;
	v10 =	vadd.f32 v0, v8;
	v11 =	vadd.f32 v0, v9  }
0x32: {  	v51 =	vimm.f32 $1.000000000e+00;
	v6 =	vld [tilespmem:s6+$0x1800];
	[tilespmem:$0x1FE50] =	vst v7;
	v55 =	vadd.f32 v1, v7;
	v48 =	vadd.f32 v1, v8  }
0x33: {  	v30 =	vld [tilespmem:s6+$0xC00];
	[tilespmem:$0x1FE60] =	vst v8;
	v13 =	vmax.f32 v22, v2;
	v14 =	vmax.f32 v27, v3;
	v15 =	vmin.f32 v31, v4  }
0x34: {  	v36 =	vld [tilespmem:s6+$0x1200];
	[tilespmem:$0x1FE70] =	vst v9;
	v16 =	vmin.f32 v37, v5;
	v17 =	vmax.f32 v23, v2;
	v18 =	vmax.f32 v28, v3  }
0x35: {  	v49 =	vld [tilespmem:s26+$0x1230];
	v19 =	vmin.f32 v32, v4;
	v20 =	vmin.f32 v38, v5;
	[tilespmem:$0x1FE90] =	vst v21;
	v13 =	vsub.f32 v15, v13  }
0x36: {  	v24 =	vld [tilespmem:s26+$0x30];
	[tilespmem:$0x1FED0] =	vst v22;
	v43 =	vmin.f32 v37, v12;
	v16 =	vsub.f32 v16, v14;
	v17 =	vsub.f32 v19, v17  }
0x37: {  	v7 =	vld [tilespmem:s19+$0xFFFFFF80];
	[tilespmem:$0x1FEE0] =	vst v27;
	v14 =	vmin.f32 v38, v12;
	v18 =	vsub.f32 v20, v18;
	v54 =	vadd.f32 v0, v6  }
0x38: {  	[tilespmem:$0x1FEF0] =	vst v31;
	v56 =	vadd.f32 v1, v6;
	v1 =	vadd.f32 v1, v9;
	v8 =	vmax.f32 v25, v3  }
0x39: {  	[tilespmem:$0x1FE30] =	vst v10;
	v9 =	vmin.f32 v30, v4;
	v10 =	vmin.f32 v36, v5;
	v3 =	vmax.f32 v29, v3  }
0x3a: {  	v0 =	vld [tilespmem:s19+$0xFFFFFF60];
	v4 =	vmin.f32 v33, v4;
	v5 =	vmin.f32 v49, v5;
	[tilespmem:$0x1FEC0] =	vst v36;
	v36 =	vmin.f32 v36, v12  }
0x3b: {  	[tilespmem:$0x1FE40] =	vst v6;
	v6 =	vld [tilespmem:s19+$0xFFFFFF70];
	v8 =	vsub.f32 v10, v8;
	v5 =	vsub.f32 v5, v3;
	v63 =	vmax.f32 v17, $0.0e+00  }
0x3c: {  	[tilespmem:$0x1FE80] =	vst v1;
	v1 =	vmax.f32 v21, v2;
	v2 =	vmax.f32 v24, v2;
	v35 =	vmin.f32 v30, v7  }
0x3d: {  	[tilespmem:$0x1FF00] =	vst v37;
	v42 =	vmin.f32 v31, v7;
	v9 =	vsub.f32 v9, v1;
	v10 =	vmin.f32 v32, v7  }
0x3e: {  	[tilespmem:$0x1FF10] =	vst v23;
	v20 =	vsub.f32 v4, v2;
	v7 =	vmin.f32 v33, v7;
	v15 =	vmax.f32 v8, $0.0e+00  }
0x3f: {  	[tilespmem:$0x1FF20] =	vst v28;
	v60 =	vmax.f32 v5, $0.0e+00;
	v8 =	vimm.f32 $0.0e+00;
	v26 =	vmax.f32 v21, v0  }
0x40: {  	[tilespmem:$0x1FF30] =	vst v32;
	v34 =	vmax.f32 v25, v6;
	v40 =	vmax.f32 v22, v0;
	v41 =	vmax.f32 v27, v6  }
0x41: {  	[tilespmem:$0x1FF40] =	vst v38;
	v44 =	vmax.f32 v23, v0;
	v21 =	vmax.f32 v28, v6;
	v0 =	vmax.f32 v24, v0  }
0x42: {  	[tilespmem:$0x1FF50] =	vst v24;
	v3 =	vld [tilespmem:$0x43D0];
	v6 =	vmax.f32 v29, v6;
	v19 =	vsub.f32 v35, v26;
	v38 =	vsub.f32 v36, v34  }
0x43: {  	[tilespmem:$0x1FF60] =	vst v29;
	v4 =	vld [tilespmem:$0x43E0];
	v59 =	vmax.f32 v20, $0.0e+00;
	v42 =	vsub.f32 v42, v40;
	v43 =	vsub.f32 v43, v41  }
0x44: {  	[tilespmem:$0x1FF70] =	vst v33;
	v1 =	vld [tilespmem:$0x4400];
	v61 =	vsub.f32 v10, v44;
	v62 =	vsub.f32 v14, v21;
	v10 =	vmin.f32 v49, v12  }
0x45: {  	s10 =	simm.s32 $0x0;
	s11 =	simm.s32 $0x140;
	[tilespmem:$0x1FF80] =	vst v49;
	v58 =	vsub.f32 v7, v0;
	v14 =	vmax.f32 v9, $0.0e+00;
	v12 =	vmax.f32 v13, $0.0e+00  }
0x46: {  	s20 =	sor.u32 $0x10, s26;
	s1 =	sor.u32 $0x20, s26;
	s28 =	sor.u32 $0x30, s26;
	[tilespmem:$0x1FEA0] =	vst v25;
	v13 =	vmax.f32 v16, $0.0e+00;
	v0 =	vmax.f32 v18, $0.0e+00;
	v44 =	vimm.f32 $1.000000000e+00  }
0x47: {  	s23 =	sadd.s32 $0x610, s26;
	s0 =	sadd.s32 $0x620, s26;
	s29 =	sadd.s32 $0x630, s26;
	[tilespmem:$0x1FEB0] =	vst v30;
	v5 =	vmovc v53;
	v49 =	vimm.f32 $0.0e+00;
	v34 =	vimm.f32 $1.000000000e+00;
	v35 =	vimm.f32 $0.0e+00  }
0x48: {  	s4 =	sadd.s32 $0xC10, s26;
	s3 =	sadd.s32 $0xC20, s26;
	s30 =	sadd.s32 $0xC30, s26;
	v36 =	vmovc v3;
	v52 =	vmovc v3;
	v57 =	vsub.f32 v10, v6;
	v6 =	vimm.f32 $1.000000000e+00;
	v19 =	vmax.f32 v19, $0.0e+00;
	[tilespmem:$0x1FFB0] =	vst v4  }
0x49: {  	s18 =	sadd.s32 $0x1220, s26;
	s31 =	sadd.s32 $0x1230, s26;
	s7 =	sadd.s32 $0x600, s6;
	v20 =	vmax.f32 v38, $0.0e+00;
	v16 =	vmax.f32 v42, $0.0e+00;
	v18 =	vmax.f32 v43, $0.0e+00;
	v9 =	vmovc v1;
	v17 =	vmovc v4;
	[tilespmem:$0x1FFE0] =	vst v1  }
0x4a: {  	s8 =	sadd.s32 $0xC00, s6;
	s9 =	sadd.s32 $0x1200, s6;
	s6 =	sadd.s32 $0x1210, s26;
	v40 =	vmovc v53;
	v50 =	vmovc v4;
	[tilespmem:$0x1FFF0] =	vst v1;
	v10 =	vmov v47;
	v42 =	vmov v1;
	v43 =	vmov v3  }
.LBB2_3:
0x4b: {  	v1 =	vld [tilespmem:$0x1FE30];
	_ =	sdelay $0x2  }
0x4c: {  	v0 =	vmul.f32 v0, v63;
	_ =	sdelay $0x1  }
0x4d: {  	v14 =	vmul.f32 v15, v14;
	v38 =	vsub.f32 v1, v0;
	v1 =	vld [tilespmem:$0x1FE80]  }
0x4e: {  	v15 =	vmul.f32 v20, v19;
	v12 =	vmul.f32 v13, v12  }
0x4f: {  	v20 =	vmul.f32 v60, v59;
	v19 =	vmax.f32 v58, $0.0e+00;
	v13 =	vmax.f32 v57, $0.0e+00  }
0x50: {  	v61 =	vmax.f32 v61, $0.0e+00;
	v16 =	vmul.f32 v18, v16;
	v13 =	vmul.f32 v13, v19  }
0x51: {  	v62 =	vmax.f32 v62, $0.0e+00;
	v56 =	vsub.f32 v56, v15;
	v19 =	vsub.f32 v54, v14  }
0x52: {  	v18 =	vmul.f32 v62, v61;
	v46 =	vsub.f32 v45, v12;
	v37 =	vsub.f32 v1, v13  }
0x53: {  	v27 =	vmul.f32 v15, v51;
	v55 =	vsub.f32 v55, v16;
	v28 =	vmul.f32 v56, v39  }
0x54: {  	v57 =	vld [tilespmem:s19+$0xFFFFFFF0];
	v11 =	vsub.f32 v11, v20;
	v45 =	vmul.f32 v13, v6;
	v47 =	vmul.f32 v37, v8  }
0x55: {  	v58 =	vld [tilespmem:s19+$0x80];
	v29 =	vmul.f32 v16, v44;
	v48 =	vsub.f32 v48, v18;
	v30 =	vmul.f32 v55, v49  }
0x56: {  	v61 =	vld [tilespmem:s19+$0xFFFFFFB0];
	v32 =	vmul.f32 v18, v34;
	vm0 =	vgt.f32 v27, v28;
	vm5 =	vgt.f32 v45, v47  }
0x57: {  	s12 =	sand.u32 $0x7FC0, s10;
	v54 =	vld [tilespmem:s19+$0xFFFFFFD0];
	v33 =	vmul.f32 v48, v35;
	v8 =	vsel vm5, v13, v8;
	v6 =	vsel vm5, v37, v6  }
0x58: {  	vm1 =	vgt.f32 v29, v30;
	v28 =	vld [tilespmem:s12+$0x4400];
	v29 =	vmul.f32 v20, v6;
	v30 =	vmul.f32 v11, v8  }
0x59: {  	v44 =	vsel vm1, v55, v44;
	v55 =	vld [tilespmem:s19+$0x70]  }
0x5a: {  	vm3 =	vgt.f32 v32, v33;
	v32 =	vld [tilespmem:$0x1FEF0];
	vm7 =	vgt.f32 v29, v30  }
0x5b: {  	v51 =	vsel vm0, v56, v51;
	v15 =	vsel vm0, v15, v39;
	v33 =	vld [tilespmem:$0x1FF00];
	v1 =	vsel vm7, v20, v8  }
0x5c: {  	v31 =	vmul.f32 v14, v51;
	v41 =	vmul.f32 v19, v15;
	[tilespmem:$0x1FE20] =	vst v1;
	v1 =	vld [tilespmem:$0x1FFE0]  }
0x5d: {  	v16 =	vsel vm1, v16, v49;
	v24 =	vsel vm3, v48, v34;
	v48 =	vld [tilespmem:s19+$0x90];
	v18 =	vsel vm3, v18, v35  }
0x5e: {  	v27 =	vmul.f32 v0, v24;
	vm2 =	vgt.f32 v31, v41;
	v31 =	vld [tilespmem:s19+$0xFFFFFFC0];
	v13 =	vmul.f32 v38, v18  }
0x5f: {  	v25 =	vmul.f32 v12, v44;
	v26 =	vmul.f32 v46, v16;
	v39 =	vsel vm2, v14, v15;
	v14 =	vld [tilespmem:s12+$0x4480]  }
0x60: {  	vm6 =	vgt.f32 v27, v13;
	v13 =	vld [tilespmem:s19+$0x50]  }
0x61: {  	vm4 =	vgt.f32 v25, v26;
	v2 =	vsel vm5, v28, v1;
	v1 =	vld [tilespmem:$0x1FFA0]  }
0x62: {  	v49 =	vsel vm4, v12, v16;
	v12 =	vsel vm1, v28, v42;
	v42 =	vld [tilespmem:$0x1FF40]  }
0x63: {  	v35 =	vsel vm6, v0, v18;
	v0 =	vld [tilespmem:$0x1FFC0]  }
0x64: {  	v15 =	vsel vm1, v57, v40;
	v40 =	vld [tilespmem:$0x1FF70]  }
0x65: {  	v37 =	vld [tilespmem:$0x1FF60];
	v8 =	vsel vm7, v11, v6;
	v11 =	vsel vm3, v61, v36  }
0x66: {  	v36 =	vsel vm6, v13, v11;
	v11 =	vsel vm1, v54, v1;
	v1 =	vld [tilespmem:$0x1FFB0]  }
0x67: {  	s19 =	sadd.s32 $0x140, s19;
	v27 =	vld [tilespmem:$0x1FEA0]  }
0x68: {  	v16 =	vld [tilespmem:s19+$0xFFFFFFA0];
	v0 =	vsel vm5, v54, v0  }
0x69: {  	v44 =	vsel vm4, v46, v44;
	v46 =	vsel vm4, v58, v12;
	v12 =	vld [tilespmem:s19+$0x0];
	v0 =	vsel vm7, v55, v0  }
0x6a: {  	v51 =	vsel vm2, v19, v51;
	v19 =	vld [tilespmem:s19+$0x10];
	[tilespmem:$0x1FFC0] =	vst v0;
	v0 =	vsel vm7, v58, v2  }
0x6b: {  	v10 =	vsel vm3, v54, v10;
	[tilespmem:$0x1FFE0] =	vst v0;
	v0 =	vld [tilespmem:$0x1FF90];
	v18 =	vsel vm1, v31, v1;
	v1 =	vsel vm4, v55, v11  }
0x6c: {  	v41 =	vsel vm6, v55, v10;
	v10 =	vld [tilespmem:$0x1FE70];
	[tilespmem:$0x1FFA0] =	vst v1;
	v1 =	vsel vm4, v14, v18  }
0x6d: {  	[tilespmem:$0x1FFB0] =	vst v1;
	v1 =	vld [tilespmem:$0x1FFD0]  }
0x6e: {  	v29 =	vld [tilespmem:$0x1FEC0]  }
0x6f: {  	v5 =	vsel vm5, v57, v5;
	v4 =	vsel vm5, v31, v4;
	v3 =	vsel vm5, v61, v3;
	v59 =	vld [tilespmem:s19+$0xFFFFFF90]  }
0x70: {  	v34 =	vsel vm6, v38, v24;
	v38 =	vld [tilespmem:$0x1FF30];
	v7 =	vsel vm7, v48, v5;
	v0 =	vsel vm3, v57, v0  }
0x71: {  	v5 =	vsel vm7, v14, v4;
	v4 =	vsel vm7, v13, v3;
	v3 =	vld [tilespmem:$0x1FE60];
	v0 =	vsel vm6, v48, v0  }
0x72: {  	[tilespmem:$0x1FF90] =	vst v0;
	v0 =	vsel vm3, v31, v17;
	v18 =	vsel vm0, v54, v1;
	v1 =	vld [tilespmem:$0x1FFF0]  }
0x73: {  	v6 =	vsel vm4, v48, v15;
	v15 =	vsel vm1, v61, v43;
	v17 =	vsel vm6, v14, v0;
	v0 =	vld [tilespmem:s19+$0x40]  }
0x74: {  	v47 =	vsel vm4, v13, v15;
	v15 =	vld [tilespmem:s19+$0x20]  }
0x75: {  	v53 =	vsel vm0, v57, v53;
	v57 =	vld [tilespmem:s19+$0x30]  }
0x76: {  	v9 =	vsel vm3, v28, v9;
	v53 =	vsel vm2, v48, v53;
	v11 =	vsel vm0, v31, v50;
	v31 =	vld [tilespmem:$0x1FEE0]  }
0x77: {  	v26 =	vsel vm6, v58, v9;
	v2 =	vld [tilespmem:$0x1FE50];
	v20 =	vsel vm0, v28, v1;
	v1 =	vsel vm2, v55, v18  }
0x78: {  	v48 =	vadd.f32 v16, v3;
	v9 =	vadd.f32 v0, v3;
	v3 =	vld [tilespmem:$0x1FF10];
	[tilespmem:$0x1FFD0] =	vst v1;
	v1 =	vsel vm2, v58, v20  }
0x79: {  	v50 =	vsel vm2, v14, v11;
	v14 =	vsel vm0, v61, v52;
	[tilespmem:$0x1FFF0] =	vst v1;
	v1 =	vld [tilespmem:$0x1FE40]  }
0x7a: {  	v62 =	vmin.f32 v32, v15;
	v52 =	vsel vm2, v13, v14;
	v13 =	vld [tilespmem:s19+$0xFFFFFF70]  }
0x7b: {  	v43 =	vld [tilespmem:$0x1FF80];
	v23 =	vmin.f32 v38, v15;
	v63 =	vmin.f32 v33, v57;
	v61 =	vmax.f32 v31, v19  }
0x7c: {  	v24 =	vmin.f32 v42, v57;
	v45 =	vadd.f32 v0, v2;
	v63 =	vsub.f32 v63, v61;
	v28 =	vld [tilespmem:$0x1FEB0]  }
0x7d: {  	[tilespmem:$0x1FE30] =	vst v9;
	v9 =	vadd.f32 v0, v10;
	v21 =	vmax.f32 v3, v12;
	v55 =	vadd.f32 v16, v2;
	v2 =	vld [tilespmem:$0x1FED0]  }
0x7e: {  	v33 =	vmin.f32 v33, v59;
	v21 =	vsub.f32 v23, v21;
	v54 =	vadd.f32 v0, v1;
	v0 =	vld [tilespmem:s19+$0xFFFFFF60]  }
0x7f: {  	v31 =	vmax.f32 v31, v13;
	v56 =	vadd.f32 v16, v1;
	v1 =	vadd.f32 v16, v10;
	v10 =	vld [tilespmem:$0x1FF20]  }
0x80: {  	v18 =	vmax.f32 v27, v19;
	v27 =	vmax.f32 v27, v13;
	v58 =	vmin.f32 v29, v57;
	v16 =	vld [tilespmem:s19+$0xFFFFFF80]  }
0x81: {  	v11 =	vld [tilespmem:$0x1FF50];
	v57 =	vmin.f32 v43, v57;
	v29 =	vmin.f32 v29, v59;
	v18 =	vsub.f32 v58, v18  }
0x82: {  	v58 =	vmin.f32 v42, v59;
	v42 =	vmov v46;
	v46 =	vsub.f32 v33, v31;
	[tilespmem:$0x1FE80] =	vst v1;
	v1 =	vld [tilespmem:$0x1FE90]  }
0x83: {  	v20 =	vmin.f32 v28, v15;
	v60 =	vmax.f32 v2, v12;
	v15 =	vmin.f32 v40, v15  }
0x84: {  	v60 =	vsub.f32 v62, v60;
	v22 =	vmax.f32 v10, v19;
	v19 =	vmax.f32 v37, v19  }
0x85: {  	v28 =	vmin.f32 v28, v16;
	v30 =	vmax.f32 v2, v0;
	v32 =	vmin.f32 v32, v16  }
0x86: {  	v2 =	vmax.f32 v10, v13;
	v22 =	vsub.f32 v24, v22;
	v24 =	vsub.f32 v57, v19  }
0x87: {  	v62 =	vsub.f32 v58, v2;
	v14 =	vmax.f32 v1, v12;
	v12 =	vmax.f32 v11, v12  }
0x88: {  	v25 =	vmax.f32 v1, v0;
	v1 =	vmax.f32 v3, v0;
	v0 =	vmax.f32 v11, v0  }
0x89: {  	v14 =	vsub.f32 v20, v14;
	v20 =	vmin.f32 v38, v16;
	v23 =	vsub.f32 v15, v12  }
0x8a: {  	v19 =	vsub.f32 v28, v25;
	v25 =	vsub.f32 v29, v27;
	v12 =	vmax.f32 v37, v13  }
0x8b: {  	p0 =	sne.s32 s11, $0x3D40;
	v38 =	vsub.f32 v32, v30;
	v13 =	vmin.f32 v40, v16;
	v15 =	vmax.f32 v18, $0.0e+00  }
.Ltmp0:
0x8c: {  	v10 =	vmovc v41;
	v18 =	vmax.f32 v46, $0.0e+00;
	v61 =	vsub.f32 v20, v1;
	v1 =	vmin.f32 v43, v59;
	(pc) =	sbr.rel @p0 .LBB2_3-.Ltmp0, $4  }
0x8d: {  	v3 =	vmovc v4;
	v4 =	vmovc v5;
	v58 =	vsub.f32 v13, v0;
	v13 =	vmax.f32 v63, $0.0e+00;
	v63 =	vmax.f32 v21, $0.0e+00  }
0x8e: {  	v5 =	vmovc v7;
	v11 =	vmovc v9;
	v0 =	vmax.f32 v22, $0.0e+00;
	v57 =	vsub.f32 v1, v12;
	v14 =	vmax.f32 v14, $0.0e+00  }
0x8f: {  	v9 =	vmovc v26;
	v40 =	vmovc v6;
	v12 =	vmax.f32 v60, $0.0e+00;
	v19 =	vmax.f32 v19, $0.0e+00;
	v59 =	vmax.f32 v23, $0.0e+00  }
0x90: {  	s10 =	smov.u32 s11;
	s11 =	sadd.s32 $0x140, s11;
	v6 =	vmovc v8;
	v8 =	vld [tilespmem:$0x1FE20];
	v43 =	vmovc v47;
	v60 =	vmax.f32 v24, $0.0e+00;
	v20 =	vmax.f32 v25, $0.0e+00;
	v16 =	vmax.f32 v38, $0.0e+00  }
0x91: {  	v23 =	vld [tilespmem:s19+$0x70]  }
0x92: {  	v1 =	vmul.f32 v20, v19;
	v27 =	vld [tilespmem:s19+$0xFFFFFFB0]  }
0x93: {  	v24 =	vld [tilespmem:s19+$0xFFFFFFD0]  }
0x94: {  	v28 =	vmul.f32 v15, v14;
	v14 =	vld [tilespmem:s19+$0xFFFFFFC0];
	v2 =	vsub.f32 v56, v1  }
0x95: {  	s10 =	sand.u32 $0x7FC0, s10;
	v19 =	vld [tilespmem:s19+$0x50]  }
0x96: {  	v25 =	vld [tilespmem:s10+$0x4400];
	v20 =	vmul.f32 v1, v51;
	v21 =	vmul.f32 v2, v39  }
0x97: {  	s22 =	sadd.s32 s22, s21;
	v15 =	vld [tilespmem:s10+$0x4480]  }
0x98: {  	v16 =	vmul.f32 v18, v16;
	v18 =	vld [tilespmem:s22+$0x2A00];
	v29 =	vsub.f32 v54, v28;
	vm2 =	vgt.f32 v20, v21  }
0x99: {  	v30 =	vld [tilespmem:s22+$0x2400];
	v2 =	vsel vm2, v2, v51;
	v1 =	vsel vm2, v1, v39  }
0x9a: {  	v32 =	vld [tilespmem:s22+$0x3000];
	v56 =	vmul.f32 v28, v2;
	v22 =	vmul.f32 v29, v1  }
0x9b: {  	v54 =	vld [tilespmem:s22+$0x1E00]  }
0x9c: {  	v26 =	vld [tilespmem:s22+$0x3600];
	v7 =	vsel vm2, v27, v52;
	vm1 =	vgt.f32 v56, v22  }
0x9d: {  	v22 =	vsel vm1, v19, v7;
	v7 =	vld [tilespmem:$0x1FFD0]  }
0x9e: {  	v31 =	vsub.f32 v55, v16;
	v55 =	vld [tilespmem:$0x1FFF0]  }
0x9f: {  	v20 =	vld [tilespmem:s19+$0x80];
	v50 =	vsel vm2, v14, v50  }
0xa0: {  	v41 =	vld [tilespmem:s22+$0x3C00];
	v50 =	vsel vm1, v15, v50;
	v21 =	vmul.f32 v54, v22  }
0xa1: {  	v46 =	vmul.f32 v30, v50  }
0xa2: {  	v50 =	vsub.f32 v21, v18;
	v47 =	vsel vm2, v24, v7  }
0xa3: {  	v56 =	vsel vm2, v25, v55;
	v22 =	vld [tilespmem:s19+$0x90];
	v54 =	vsub.f32 v46, v32;
	v51 =	vsel vm1, v23, v47  }
0xa4: {  	v12 =	vmul.f32 v13, v12;
	v21 =	vld [tilespmem:s19+$0xFFFFFFF0];
	v32 =	vsel vm1, v20, v56;
	[tilespmem:s26+$0x8200] =	vst v50;
	v18 =	vsub.f32 v51, v26  }
0xa5: {  	v33 =	vmul.f32 v16, v44;
	v38 =	vmul.f32 v31, v49;
	v32 =	vsub.f32 v32, v41;
	[tilespmem:s7+$0x8200] =	vst v54  }
0xa6: {  	v61 =	vmax.f32 v61, $0.0e+00;
	v0 =	vmul.f32 v0, v63;
	v56 =	vld [tilespmem:$0x1FFB0];
	v7 =	vmax.f32 v62, $0.0e+00;
	[tilespmem:s8+$0x8200] =	vst v18  }
0xa7: {  	vm0 =	vgt.f32 v33, v38;
	v13 =	vmul.f32 v7, v61;
	v26 =	vsub.f32 v45, v12;
	[tilespmem:s9+$0x8200] =	vst v32  }
0xa8: {  	v16 =	vsel vm0, v16, v49;
	v31 =	vsel vm0, v31, v44;
	v2 =	vsel vm1, v29, v2;
	v52 =	vld [tilespmem:s26+$0x2410]  }
0xa9: {  	v18 =	vsub.f32 v48, v13;
	v48 =	vmul.f32 v12, v31;
	v49 =	vmul.f32 v26, v16  }
0xaa: {  	v55 =	vsel vm0, v27, v43;
	v1 =	vsel vm1, v28, v1;
	v41 =	vmul.f32 $4.000000060e-01, v2;
	v51 =	vld [tilespmem:s26+$0x1E10]  }
0xab: {  	v2 =	vmul.f32 $5.000000000e-01, v2;
	v61 =	vsel vm0, v14, v56;
	vm14 =	vgt.f32 v48, v49;
	v54 =	vld [tilespmem:s26+$0x2A10]  }
0xac: {  	vm15 =	vlt.f32 v1, v41;
	v30 =	vsel vm14, v26, v31;
	v39 =	vsel vm14, v15, v61;
	v26 =	vld [tilespmem:s26+$0x3C10]  }
0xad: {  	vm3 =	vge.f32 v1, v2;
	v41 =	vimm.f32 $-2.000000000e+00;
	v38 =	vmul.f32 v52, v39;
	v39 =	vld [tilespmem:$0x1FFA0]  }
0xae: {  	v37 =	vsel vm15, $0xBF800000, v41;
	v50 =	vsel vm2, v21, v53;
	v44 =	vmul.f32 v13, v34;
	v62 =	vld [tilespmem:s26+$0x3010]  }
0xaf: {  	v53 =	vsel vm0, v25, v42;
	v32 =	vsel vm1, v22, v50;
	v63 =	vld [tilespmem:s26+$0x3610];
	v33 =	vsel vm14, v19, v55  }
0xb0: {  	v12 =	vsel vm14, v12, v16;
	v16 =	vsel vm14, v20, v53;
	v28 =	vmul.f32 v51, v33  }
0xb1: {  	v45 =	vmul.f32 v18, v35;
	v1 =	vsel vm3, v32, v37;
	v16 =	vsub.f32 v16, v26  }
0xb2: {  	[tilespmem:s26+$0x9A00] =	vst v1;
	v48 =	vmul.f32 $4.000000060e-01, v30;
	v28 =	vsub.f32 v28, v54;
	v46 =	vsel vm0, v24, v39  }
0xb3: {  	v53 =	vld [tilespmem:$0x1FE30];
	v30 =	vmul.f32 $5.000000000e-01, v30;
	v47 =	vsub.f32 v38, v62;
	[tilespmem:s6+$0x8200] =	vst v16;
	v29 =	vsel vm14, v23, v46  }
0xb4: {  	v49 =	vsel vm0, v21, v40;
	vm6 =	vlt.f32 v12, v48;
	[tilespmem:s20+$0x8200] =	vst v28;
	v29 =	vsub.f32 v29, v63  }
0xb5: {  	v50 =	vsel vm14, v22, v49;
	vm7 =	vge.f32 v12, v30;
	v2 =	vsel vm6, $0xBF800000, v41;
	[tilespmem:s23+$0x8200] =	vst v47  }
0xb6: {  	v37 =	vld [tilespmem:$0x1FE80];
	v1 =	vsel vm7, v50, v2;
	[tilespmem:s4+$0x8200] =	vst v29  }
0xb7: {  	vm8 =	vgt.f32 v44, v45;
	v46 =	vld [tilespmem:$0x1FF90];
	[tilespmem:s20+$0x9A00] =	vst v1  }
0xb8: {  	v51 =	vmax.f32 v58, $0.0e+00;
	v52 =	vmax.f32 v57, $0.0e+00;
	v54 =	vsub.f32 v53, v0;
	v58 =	vld [tilespmem:s26+$0x1E20]  }
0xb9: {  	v56 =	vsel vm8, v18, v34;
	v57 =	vsel vm8, v13, v35;
	v55 =	vmul.f32 v52, v51;
	v29 =	vld [tilespmem:s26+$0x2420]  }
0xba: {  	v17 =	vsel vm8, v14, v17;
	v18 =	vmul.f32 v0, v56;
	v61 =	vmul.f32 v54, v57;
	v42 =	vld [tilespmem:s26+$0x3620]  }
0xbb: {  	v9 =	vsel vm8, v25, v9;
	v10 =	vsel vm8, v24, v10;
	v38 =	vsub.f32 v37, v55;
	v44 =	vld [tilespmem:s26+$0x3C20]  }
0xbc: {  	v62 =	vmul.f32 v60, v59;
	v39 =	vsel vm8, v27, v36;
	vm9 =	vgt.f32 v18, v61;
	v63 =	vld [tilespmem:s26+$0x2A20]  }
0xbd: {  	v40 =	vmul.f32 v55, v6;
	v43 =	vmul.f32 v38, v8;
	v18 =	vsel vm9, v19, v39;
	v26 =	vld [tilespmem:s26+$0x3020]  }
0xbe: {  	v17 =	vsel vm9, v15, v17;
	v2 =	vsel vm9, v54, v56;
	v10 =	vsel vm9, v23, v10  }
0xbf: {  	v9 =	vsel vm9, v20, v9;
	v13 =	vmul.f32 v58, v18;
	v10 =	vsub.f32 v10, v42  }
0xc0: {  	v16 =	vmul.f32 $4.000000060e-01, v2;
	v45 =	vmul.f32 v29, v17;
	v9 =	vsub.f32 v9, v44  }
0xc1: {  	v0 =	vsel vm9, v0, v57;
	v2 =	vmul.f32 $5.000000000e-01, v2;
	v13 =	vsub.f32 v13, v63;
	[tilespmem:s3+$0x8200] =	vst v10  }
0xc2: {  	vm10 =	vlt.f32 v0, v16;
	v7 =	vsel vm8, v21, v46;
	v12 =	vsub.f32 v45, v26;
	[tilespmem:s18+$0x8200] =	vst v9  }
0xc3: {  	vm11 =	vge.f32 v0, v2;
	v47 =	vsel vm10, $0xBF800000, v41;
	v7 =	vsel vm9, v22, v7;
	[tilespmem:s1+$0x8200] =	vst v13  }
0xc4: {  	v57 =	vld [tilespmem:$0x1FFC0];
	v0 =	vsel vm11, v7, v47;
	[tilespmem:s0+$0x8200] =	vst v12  }
0xc5: {  	v48 =	vsub.f32 v11, v62;
	vm12 =	vgt.f32 v40, v43;
	v58 =	vld [tilespmem:$0x1FFE0];
	[tilespmem:s1+$0x9A00] =	vst v0  }
0xc6: {  	v49 =	vsel vm12, v55, v8;
	v50 =	vsel vm12, v38, v6;
	v51 =	vld [tilespmem:s26+$0x1E30]  }
0xc7: {  	v52 =	vmul.f32 v62, v50;
	v8 =	vmul.f32 v48, v49;
	v9 =	vld [tilespmem:s26+$0x2430]  }
0xc8: {  	v10 =	vld [tilespmem:s26+$0x2A30]  }
0xc9: {  	v3 =	vsel vm12, v27, v3;
	vm13 =	vgt.f32 v52, v8;
	v53 =	vld [tilespmem:s26+$0x3030]  }
0xca: {  	v4 =	vsel vm12, v14, v4;
	v3 =	vsel vm13, v19, v3;
	v54 =	vld [tilespmem:s26+$0x3630]  }
0xcb: {  	v4 =	vsel vm13, v15, v4;
	v1 =	vsel vm13, v48, v50;
	v55 =	vld [tilespmem:s26+$0x3C30];
	v3 =	vmul.f32 v51, v3  }
0xcc: {  	v59 =	vmul.f32 $4.000000060e-01, v1;
	v56 =	vmul.f32 v9, v4  }
0xcd: {  	s25 =	sadd.s32 $0x1, s25;
	v1 =	vmul.f32 $5.000000000e-01, v1;
	v4 =	vsel vm12, v24, v57;
	v3 =	vsub.f32 v3, v10  }
0xce: {  	p0 =	sne.s32 s25, $0x18;
	v9 =	vsel vm12, v25, v58;
	v4 =	vsel vm13, v23, v4;
	v2 =	vsub.f32 v56, v53  }
.Ltmp1:
0xcf: {  	v0 =	vsel vm13, v62, v49;
	v9 =	vsel vm13, v20, v9;
	v4 =	vsub.f32 v4, v54;
	[tilespmem:s28+$0x8200] =	vst v3;
	(pc) =	sbr.rel @p0 .LBB2_2-.Ltmp1, $4  }
0xd0: {  	v60 =	vsel vm12, v21, v5;
	vm14 =	vlt.f32 v0, v59;
	v61 =	vsub.f32 v9, v55;
	[tilespmem:s29+$0x8200] =	vst v2  }
0xd1: {  	v62 =	vsel vm13, v22, v60;
	vm15 =	vge.f32 v0, v1;
	v63 =	vsel vm14, $0xBF800000, v41;
	[tilespmem:s30+$0x8200] =	vst v4  }
0xd2: {  	v0 =	vsel vm15, v62, v63;
	[tilespmem:s31+$0x8200] =	vst v61  }
0xd3: {  	[tilespmem:s28+$0x9A00] =	vst v0  }
0xd4: {  	s25 =	simm.s32 $0x0;
	s0 =	simm.s32 $0x8200  }
0xd5: {  	[hbm4b:s5+s25] =	stream.linear.scatter [tilespmem:s0], [sflag:$0x1], $0x600, $0x38;
	[tilespmem:$0xA000] =	vst v63  }
0xd6: {  	_ =	swait.ge [sflag:s17], $0x600  }
0xd7: {  	[sflag:s17] =	ssyncset.done $0x0  }
0xd8: {  	s1 =	simm.s32 $0x8800;
	s20 =	rddreg [dreg:$0x6];
	[sflag:s17] =	ssyncadd.s32 $0xFFFFFA00  }
0xd9: {  	[hbm4b:s20+s25] =	stream.linear.scatter [tilespmem:s1], [sflag:$0x1], $0x600, $0x38;
	[tilespmem:$0xA000] =	vst v63  }
0xda: {  	_ =	swait.ge [sflag:s17], $0x600  }
0xdb: {  	[sflag:s17] =	ssyncset.done $0x0  }
0xdc: {  	s22 =	simm.s32 $0x8E00;
	s21 =	rddreg [dreg:$0x7];
	[sflag:s17] =	ssyncadd.s32 $0xFFFFFA00  }
0xdd: {  	[hbm4b:s21+s25] =	stream.linear.scatter [tilespmem:s22], [sflag:$0x1], $0x600, $0x38;
	[tilespmem:$0xA000] =	vst v63  }
0xde: {  	_ =	swait.ge [sflag:s17], $0x600  }
0xdf: {  	[sflag:s17] =	ssyncset.done $0x0  }
0xe0: {  	s26 =	simm.s32 $0x9400;
	s23 =	rddreg [dreg:$0x8];
	[sflag:s17] =	ssyncadd.s32 $0xFFFFFA00  }
0xe1: {  	[hbm4b:s23+s25] =	stream.linear.scatter [tilespmem:s26], [sflag:$0x1], $0x600, $0x38;
	[tilespmem:$0xA000] =	vst v63  }
0xe2: {  	_ =	swait.ge [sflag:s17], $0x600  }
0xe3: {  	[sflag:s17] =	ssyncset.done $0x0  }
0xe4: {  	s29 =	simm.s32 $0x9A00;
	s28 =	rddreg [dreg:$0x9];
	[sflag:s17] =	ssyncadd.s32 $0xFFFFFA00  }
0xe5: {  	[hbm4b:s28+s25] =	stream.linear.scatter [tilespmem:s29], [sflag:$0x1], $0x600, $0x38;
	[tilespmem:$0xA000] =	vst v63  }
0xe6: {  	_ =	swait.ge [sflag:s17], $0x600  }
0xe7: {  	[sflag:s17] =	ssyncset.done $0x0  }
0xe8: {  	s31 =	simm.s32 $0x4380;
	s30 =	rddreg [dreg:$0xa];
	[sflag:s17] =	ssyncadd.s32 $0xFFFFFA00  }
0xe9: {  	[tilespmem:s31], [sflag:$0x1] =	stream.linear.gather [hbm4b:s30+s25], $0x3E80, $0x38;
	[tilespmem:$0xA000] =	vst v63  }
0xea: {  	_ =	swait.ge [sflag:s17], $0x3E80  }
0xeb: {  	[sflag:s17] =	ssyncset.done $0x0  }
0xec: {  	[sflag:s17] =	ssyncadd.s32 $0xFFFFC180  }
.LBB2_6:
0xed: {  	v47 =	vld [tilespmem:$0x43F0]  }
0xee: {  	s26 =	sshll.u32 s25, $0x6;
	v53 =	vld [tilespmem:$0x4410]  }
0xef: {  	v21 =	vld [tilespmem:s26+$0x0]  }
0xf0: {  	v22 =	vld [tilespmem:s26+$0x10]  }
0xf1: {  	v23 =	vld [tilespmem:s26+$0x20]  }
0xf2: {  	v27 =	vld [tilespmem:s26+$0x610]  }
0xf3: {  	v28 =	vld [tilespmem:s26+$0x620]  }
0xf4: {  	v29 =	vld [tilespmem:s26+$0x630]  }
0xf5: {  	v31 =	vld [tilespmem:s26+$0xC10]  }
0xf6: {  	v32 =	vld [tilespmem:s26+$0xC20]  }
0xf7: {  	v33 =	vld [tilespmem:s26+$0xC30]  }
0xf8: {  	v37 =	vld [tilespmem:s26+$0x1210]  }
0xf9: {  	v7 =	vld [tilespmem:s26+$0x1810]  }
0xfa: {  	v8 =	vld [tilespmem:s26+$0x1820]  }
0xfb: {  	s19 =	simm.s32 $0x4420;
	v9 =	vld [tilespmem:s26+$0x1830]  }
0xfc: {  	v0 =	vld [tilespmem:s19+$0x40]  }
0xfd: {  	v1 =	vld [tilespmem:s19+$0xFFFFFFA0]  }
0xfe: {  	v2 =	vld [tilespmem:s19+$0x0]  }
0xff: {  	v3 =	vld [tilespmem:s19+$0x10]  }
0x100: {  	v4 =	vld [tilespmem:s19+$0x20]  }
0x101: {  	v5 =	vld [tilespmem:s19+$0x30];
	[tilespmem:$0x1FDB0] =	vst v53  }
0x102: {  	s21 =	sand.u32 $0x780, s26;
	s22 =	sand.u32 $0x40, s26;
	v38 =	vld [tilespmem:s26+$0x1220];
	[tilespmem:$0x1FDC0] =	vst v47  }
0x103: {  	v12 =	vld [tilespmem:s19+$0xFFFFFF90];
	s6 =	sor.u32 s22, s21;
	[tilespmem:$0x1FDF0] =	vst v47;
	v46 =	vadd.f32 v0, v7  }
0x104: {  	v39 =	vimm.f32 $0.0e+00;
	v25 =	vld [tilespmem:s6+$0x600];
	v10 =	vadd.f32 v0, v8;
	v11 =	vadd.f32 v0, v9;
	[tilespmem:$0x1FC70] =	vst v7  }
0x105: {  	v51 =	vimm.f32 $1.000000000e+00;
	v6 =	vld [tilespmem:s6+$0x1800];
	v55 =	vadd.f32 v1, v7;
	[tilespmem:$0x1FC80] =	vst v8;
	v48 =	vadd.f32 v1, v8  }
0x106: {  	v30 =	vld [tilespmem:s6+$0xC00];
	[tilespmem:$0x1FC90] =	vst v9;
	v13 =	vmax.f32 v22, v2;
	v14 =	vmax.f32 v27, v3;
	v15 =	vmin.f32 v31, v4  }
0x107: {  	v36 =	vld [tilespmem:s6+$0x1200];
	v16 =	vmin.f32 v37, v5;
	v17 =	vmax.f32 v23, v2;
	v18 =	vmax.f32 v28, v3;
	[tilespmem:$0x1FCB0] =	vst v21  }
0x108: {  	v49 =	vld [tilespmem:s26+$0x1230];
	v19 =	vmin.f32 v32, v4;
	v20 =	vmin.f32 v38, v5;
	[tilespmem:$0x1FCF0] =	vst v22;
	v13 =	vsub.f32 v15, v13  }
0x109: {  	v24 =	vld [tilespmem:s26+$0x30];
	[tilespmem:$0x1FD00] =	vst v27;
	v43 =	vmin.f32 v37, v12;
	v16 =	vsub.f32 v16, v14;
	v17 =	vsub.f32 v19, v17  }
0x10a: {  	v7 =	vld [tilespmem:s19+$0xFFFFFF80];
	[tilespmem:$0x1FD10] =	vst v31;
	v14 =	vmin.f32 v38, v12;
	v18 =	vsub.f32 v20, v18;
	v54 =	vadd.f32 v0, v6  }
0x10b: {  	[tilespmem:$0x1FD20] =	vst v37;
	v56 =	vadd.f32 v1, v6;
	v1 =	vadd.f32 v1, v9;
	v8 =	vmax.f32 v25, v3  }
0x10c: {  	[tilespmem:$0x1FC50] =	vst v10;
	v9 =	vmin.f32 v30, v4;
	v10 =	vmin.f32 v36, v5;
	v3 =	vmax.f32 v29, v3  }
0x10d: {  	v0 =	vld [tilespmem:s19+$0xFFFFFF60];
	v4 =	vmin.f32 v33, v4;
	v5 =	vmin.f32 v49, v5;
	[tilespmem:$0x1FCE0] =	vst v36;
	v36 =	vmin.f32 v36, v12  }
0x10e: {  	[tilespmem:$0x1FC60] =	vst v6;
	v6 =	vld [tilespmem:s19+$0xFFFFFF70];
	v8 =	vsub.f32 v10, v8;
	v5 =	vsub.f32 v5, v3;
	v63 =	vmax.f32 v17, $0.0e+00  }
0x10f: {  	[tilespmem:$0x1FCA0] =	vst v1;
	v1 =	vmax.f32 v21, v2;
	v2 =	vmax.f32 v24, v2;
	v35 =	vmin.f32 v30, v7  }
0x110: {  	[tilespmem:$0x1FD30] =	vst v23;
	v42 =	vmin.f32 v31, v7;
	v9 =	vsub.f32 v9, v1;
	v10 =	vmin.f32 v32, v7  }
0x111: {  	[tilespmem:$0x1FD40] =	vst v28;
	v20 =	vsub.f32 v4, v2;
	v7 =	vmin.f32 v33, v7;
	v15 =	vmax.f32 v8, $0.0e+00  }
0x112: {  	[tilespmem:$0x1FD50] =	vst v32;
	v60 =	vmax.f32 v5, $0.0e+00;
	v8 =	vimm.f32 $0.0e+00;
	v26 =	vmax.f32 v21, v0  }
0x113: {  	[tilespmem:$0x1FD60] =	vst v38;
	v34 =	vmax.f32 v25, v6;
	v40 =	vmax.f32 v22, v0;
	v41 =	vmax.f32 v27, v6  }
0x114: {  	[tilespmem:$0x1FD70] =	vst v24;
	v44 =	vmax.f32 v23, v0;
	v45 =	vmax.f32 v28, v6;
	v0 =	vmax.f32 v24, v0  }
0x115: {  	[tilespmem:$0x1FD80] =	vst v29;
	v3 =	vld [tilespmem:$0x43D0];
	v6 =	vmax.f32 v29, v6;
	v19 =	vsub.f32 v35, v26;
	v38 =	vsub.f32 v36, v34  }
0x116: {  	[tilespmem:$0x1FD90] =	vst v33;
	v4 =	vld [tilespmem:$0x43E0];
	v59 =	vmax.f32 v20, $0.0e+00;
	v42 =	vsub.f32 v42, v40;
	v43 =	vsub.f32 v43, v41  }
0x117: {  	[tilespmem:$0x1FDA0] =	vst v49;
	v1 =	vld [tilespmem:$0x4400];
	v61 =	vsub.f32 v10, v44;
	v62 =	vsub.f32 v14, v45;
	v10 =	vmin.f32 v49, v12  }
0x118: {  	s10 =	simm.s32 $0x140;
	s11 =	simm.s32 $0x0;
	[tilespmem:$0x1FCC0] =	vst v25;
	v58 =	vsub.f32 v7, v0;
	v14 =	vmax.f32 v9, $0.0e+00;
	v12 =	vmax.f32 v13, $0.0e+00  }
0x119: {  	s20 =	sor.u32 $0x10, s26;
	s1 =	sor.u32 $0x20, s26;
	s28 =	sor.u32 $0x30, s26;
	[tilespmem:$0x1FCD0] =	vst v30;
	v13 =	vmax.f32 v16, $0.0e+00;
	v0 =	vmax.f32 v18, $0.0e+00;
	v44 =	vimm.f32 $1.000000000e+00  }
0x11a: {  	s23 =	sadd.s32 $0x610, s26;
	s0 =	sadd.s32 $0x620, s26;
	s29 =	sadd.s32 $0x630, s26;
	v5 =	vmovc v53;
	v49 =	vimm.f32 $0.0e+00;
	v34 =	vimm.f32 $1.000000000e+00;
	v35 =	vimm.f32 $0.0e+00;
	[tilespmem:$0x1FDD0] =	vst v3  }
0x11b: {  	s4 =	sadd.s32 $0xC10, s26;
	s3 =	sadd.s32 $0xC20, s26;
	s30 =	sadd.s32 $0xC30, s26;
	v36 =	vmovc v3;
	v52 =	vmovc v3;
	v57 =	vsub.f32 v10, v6;
	v6 =	vimm.f32 $1.000000000e+00;
	v19 =	vmax.f32 v19, $0.0e+00;
	[tilespmem:$0x1FDE0] =	vst v4  }
0x11c: {  	s18 =	sadd.s32 $0x1220, s26;
	s31 =	sadd.s32 $0x1230, s26;
	s7 =	sadd.s32 $0x600, s6;
	v20 =	vmax.f32 v38, $0.0e+00;
	v16 =	vmax.f32 v42, $0.0e+00;
	v18 =	vmax.f32 v43, $0.0e+00;
	v9 =	vmovc v1;
	v17 =	vmovc v4;
	[tilespmem:$0x1FE00] =	vst v1  }
0x11d: {  	s8 =	sadd.s32 $0xC00, s6;
	s9 =	sadd.s32 $0x1200, s6;
	s6 =	sadd.s32 $0x1210, s26;
	v40 =	vmovc v53;
	v50 =	vmovc v4;
	v45 =	vmov v47;
	[tilespmem:$0x1FE10] =	vst v1;
	v10 =	vmov v47;
	v43 =	vmov v1  }
.LBB2_7:
0x11e: {  	v1 =	vld [tilespmem:$0x1FC50];
	_ =	sdelay $0x2  }
0x11f: {  	v0 =	vmul.f32 v0, v63;
	_ =	sdelay $0x1  }
0x120: {  	v38 =	vsub.f32 v1, v0;
	v1 =	vld [tilespmem:$0x1FCA0]  }
0x121: {  	v14 =	vmul.f32 v15, v14;
	v15 =	vmul.f32 v20, v19  }
0x122: {  	v12 =	vmul.f32 v13, v12;
	v19 =	vmax.f32 v58, $0.0e+00;
	v13 =	vmax.f32 v57, $0.0e+00  }
0x123: {  	v13 =	vmul.f32 v13, v19  }
0x124: {  	v61 =	vmax.f32 v61, $0.0e+00  }
0x125: {  	v16 =	vmul.f32 v18, v16;
	v62 =	vmax.f32 v62, $0.0e+00;
	v37 =	vsub.f32 v1, v13  }
0x126: {  	v20 =	vmul.f32 v60, v59;
	v56 =	vsub.f32 v56, v15;
	v18 =	vmul.f32 v62, v61  }
0x127: {  	v55 =	vsub.f32 v55, v16;
	v42 =	vmul.f32 v13, v6;
	v47 =	vmul.f32 v37, v8  }
0x128: {  	v27 =	vmul.f32 v15, v51;
	v11 =	vsub.f32 v11, v20;
	v29 =	vmul.f32 v16, v44  }
0x129: {  	v57 =	vld [tilespmem:s19+$0xFFFFFFF0];
	v28 =	vmul.f32 v56, v39;
	v30 =	vmul.f32 v55, v49;
	vm5 =	vgt.f32 v42, v47  }
0x12a: {  	v58 =	vld [tilespmem:s19+$0x80];
	v48 =	vsub.f32 v48, v18;
	v8 =	vsel vm5, v13, v8;
	v6 =	vsel vm5, v37, v6  }
0x12b: {  	v61 =	vld [tilespmem:s19+$0xFFFFFFB0];
	vm1 =	vgt.f32 v29, v30;
	v29 =	vmul.f32 v20, v6;
	v30 =	vmul.f32 v11, v8  }
0x12c: {  	s12 =	sand.u32 $0x7FC0, s11;
	v19 =	vsub.f32 v54, v14;
	v54 =	vld [tilespmem:s19+$0xFFFFFFD0];
	v32 =	vmul.f32 v18, v34;
	v33 =	vmul.f32 v48, v35  }
0x12d: {  	vm0 =	vgt.f32 v27, v28;
	v28 =	vld [tilespmem:s12+$0x4400];
	vm7 =	vgt.f32 v29, v30  }
0x12e: {  	v44 =	vsel vm1, v55, v44;
	v55 =	vld [tilespmem:s19+$0x70];
	vm3 =	vgt.f32 v32, v33;
	v1 =	vsel vm7, v20, v8  }
0x12f: {  	v24 =	vsel vm3, v48, v34;
	v18 =	vsel vm3, v18, v35;
	[tilespmem:$0x1FC40] =	vst v1;
	v1 =	vld [tilespmem:$0x1FE00]  }
0x130: {  	v32 =	vld [tilespmem:$0x1FD10];
	v27 =	vmul.f32 v0, v24;
	v13 =	vmul.f32 v38, v18  }
0x131: {  	v33 =	vld [tilespmem:$0x1FD20]  }
0x132: {  	v46 =	vsub.f32 v46, v12;
	v51 =	vsel vm0, v56, v51;
	vm6 =	vgt.f32 v27, v13;
	v13 =	vld [tilespmem:s19+$0x50]  }
0x133: {  	v15 =	vsel vm0, v15, v39;
	v16 =	vsel vm1, v16, v49;
	v35 =	vsel vm6, v0, v18;
	v0 =	vld [tilespmem:$0x1FDF0]  }
0x134: {  	v31 =	vmul.f32 v14, v51;
	v41 =	vmul.f32 v19, v15;
	v2 =	vsel vm5, v28, v1;
	v1 =	vld [tilespmem:$0x1FDC0]  }
0x135: {  	v25 =	vmul.f32 v12, v44;
	v26 =	vmul.f32 v46, v16;
	v48 =	vld [tilespmem:s19+$0x90]  }
0x136: {  	vm2 =	vgt.f32 v31, v41;
	v31 =	vld [tilespmem:s19+$0xFFFFFFC0]  }
0x137: {  	vm4 =	vgt.f32 v25, v26;
	v39 =	vsel vm2, v14, v15;
	v14 =	vld [tilespmem:s12+$0x4480]  }
0x138: {  	v15 =	vsel vm1, v57, v40;
	v40 =	vld [tilespmem:$0x1FD90];
	v42 =	vsel vm7, v11, v6;
	v11 =	vsel vm3, v61, v36  }
0x139: {  	v36 =	vsel vm6, v13, v11;
	v0 =	vsel vm5, v54, v0;
	v11 =	vsel vm1, v54, v1;
	v1 =	vld [tilespmem:$0x1FDD0]  }
0x13a: {  	v49 =	vsel vm4, v12, v16;
	v12 =	vsel vm1, v28, v43;
	v43 =	vld [tilespmem:$0x1FDA0];
	v0 =	vsel vm7, v55, v0  }
0x13b: {  	v37 =	vld [tilespmem:$0x1FD80];
	[tilespmem:$0x1FDF0] =	vst v0;
	v0 =	vsel vm7, v58, v2  }
0x13c: {  	[tilespmem:$0x1FE00] =	vst v0;
	v0 =	vld [tilespmem:$0x1FDB0]  }
0x13d: {  	v27 =	vld [tilespmem:$0x1FCC0]  }
0x13e: {  	s19 =	sadd.s32 $0x140, s19;
	v8 =	vsel vm4, v48, v15;
	v15 =	vsel vm1, v61, v1;
	v1 =	vld [tilespmem:$0x1FDE0]  }
0x13f: {  	v10 =	vsel vm3, v54, v10;
	v16 =	vld [tilespmem:s19+$0xFFFFFFA0]  }
0x140: {  	v51 =	vsel vm2, v19, v51;
	v47 =	vsel vm4, v58, v12;
	v5 =	vsel vm5, v57, v5;
	v12 =	vld [tilespmem:s19+$0x0]  }
0x141: {  	v4 =	vsel vm5, v31, v4;
	v3 =	vsel vm5, v61, v3;
	v19 =	vld [tilespmem:s19+$0x10];
	v0 =	vsel vm3, v57, v0  }
0x142: {  	v41 =	vsel vm6, v55, v10;
	v10 =	vld [tilespmem:$0x1FC90];
	v7 =	vsel vm7, v48, v5;
	v0 =	vsel vm6, v48, v0  }
0x143: {  	v59 =	vld [tilespmem:s19+$0xFFFFFF90];
	v5 =	vsel vm7, v14, v4;
	[tilespmem:$0x1FDB0] =	vst v0;
	v18 =	vsel vm1, v31, v1;
	v1 =	vsel vm4, v55, v11  }
0x144: {  	v4 =	vsel vm7, v13, v3;
	v3 =	vld [tilespmem:$0x1FC80];
	v0 =	vsel vm3, v31, v17;
	[tilespmem:$0x1FDC0] =	vst v1;
	v1 =	vsel vm4, v13, v15  }
0x145: {  	v17 =	vsel vm6, v14, v0;
	v0 =	vld [tilespmem:s19+$0x40];
	[tilespmem:$0x1FDD0] =	vst v1;
	v1 =	vsel vm4, v14, v18  }
0x146: {  	[tilespmem:$0x1FDE0] =	vst v1;
	v1 =	vld [tilespmem:$0x1FE10]  }
0x147: {  	v34 =	vsel vm6, v38, v24;
	v38 =	vld [tilespmem:$0x1FD50]  }
0x148: {  	v2 =	vld [tilespmem:$0x1FC70]  }
0x149: {  	v53 =	vsel vm0, v57, v53;
	v57 =	vld [tilespmem:s19+$0x30]  }
0x14a: {  	v53 =	vsel vm2, v48, v53;
	v11 =	vsel vm0, v31, v50;
	v31 =	vld [tilespmem:$0x1FD00]  }
0x14b: {  	v48 =	vadd.f32 v16, v3;
	v6 =	vadd.f32 v0, v3;
	v3 =	vld [tilespmem:$0x1FD30];
	v20 =	vsel vm0, v28, v1  }
0x14c: {  	v15 =	vld [tilespmem:s19+$0x20];
	v1 =	vsel vm2, v58, v20  }
0x14d: {  	v44 =	vsel vm4, v46, v44;
	v9 =	vsel vm3, v28, v9;
	[tilespmem:$0x1FE10] =	vst v1;
	v1 =	vld [tilespmem:$0x1FC60]  }
0x14e: {  	v26 =	vsel vm6, v58, v9;
	v50 =	vsel vm2, v14, v11;
	v14 =	vsel vm0, v61, v52;
	[tilespmem:$0x1FC50] =	vst v6;
	v6 =	vld [tilespmem:$0x1FD60]  }
0x14f: {  	v63 =	vmin.f32 v33, v57;
	v18 =	vsel vm0, v54, v45;
	v52 =	vsel vm2, v13, v14;
	v13 =	vld [tilespmem:s19+$0xFFFFFF70]  }
0x150: {  	v46 =	vadd.f32 v0, v2;
	v45 =	vsel vm2, v55, v18;
	v55 =	vadd.f32 v16, v2;
	v2 =	vld [tilespmem:$0x1FCF0]  }
0x151: {  	v29 =	vld [tilespmem:$0x1FCE0];
	v33 =	vmin.f32 v33, v59;
	v9 =	vadd.f32 v0, v10;
	v18 =	vmax.f32 v27, v19  }
0x152: {  	v61 =	vmax.f32 v31, v19;
	v21 =	vmax.f32 v3, v12;
	v28 =	vld [tilespmem:$0x1FCD0];
	v54 =	vadd.f32 v0, v1  }
0x153: {  	v62 =	vmin.f32 v32, v15;
	v56 =	vadd.f32 v16, v1;
	v1 =	vadd.f32 v16, v10;
	v16 =	vld [tilespmem:s19+$0xFFFFFF80]  }
0x154: {  	v23 =	vmin.f32 v38, v15;
	v63 =	vsub.f32 v63, v61;
	v24 =	vmin.f32 v6, v57;
	v10 =	vld [tilespmem:$0x1FD40]  }
0x155: {  	v21 =	vsub.f32 v23, v21;
	v60 =	vmax.f32 v2, v12;
	v27 =	vmax.f32 v27, v13;
	v0 =	vld [tilespmem:s19+$0xFFFFFF60]  }
0x156: {  	v11 =	vld [tilespmem:$0x1FD70];
	v31 =	vmax.f32 v31, v13;
	v58 =	vmin.f32 v29, v57;
	v57 =	vmin.f32 v43, v57  }
0x157: {  	v29 =	vmin.f32 v29, v59;
	v60 =	vsub.f32 v62, v60;
	v18 =	vsub.f32 v58, v18;
	[tilespmem:$0x1FCA0] =	vst v1;
	v1 =	vld [tilespmem:$0x1FCB0]  }
0x158: {  	v58 =	vmin.f32 v6, v59;
	v20 =	vmin.f32 v28, v15;
	v15 =	vmin.f32 v40, v15  }
0x159: {  	v22 =	vmax.f32 v10, v19;
	v19 =	vmax.f32 v37, v19;
	v28 =	vmin.f32 v28, v16  }
0x15a: {  	v30 =	vmax.f32 v2, v0;
	v2 =	vmax.f32 v10, v13;
	v22 =	vsub.f32 v24, v22  }
0x15b: {  	v32 =	vmin.f32 v32, v16;
	v24 =	vsub.f32 v57, v19;
	v62 =	vsub.f32 v58, v2  }
0x15c: {  	v14 =	vmax.f32 v1, v12;
	v12 =	vmax.f32 v11, v12;
	v25 =	vmax.f32 v1, v0  }
0x15d: {  	v1 =	vmax.f32 v3, v0;
	v0 =	vmax.f32 v11, v0;
	v14 =	vsub.f32 v20, v14  }
0x15e: {  	v20 =	vmin.f32 v38, v16;
	v23 =	vsub.f32 v15, v12;
	v19 =	vsub.f32 v28, v25  }
0x15f: {  	v25 =	vsub.f32 v29, v27;
	v12 =	vmax.f32 v37, v13;
	v37 =	vsub.f32 v32, v30  }
0x160: {  	p0 =	sne.s32 s10, $0x3D40;
	v38 =	vsub.f32 v33, v31;
	v13 =	vmin.f32 v40, v16;
	v15 =	vmax.f32 v18, $0.0e+00  }
.Ltmp2:
0x161: {  	v6 =	vmovc v42;
	v61 =	vsub.f32 v20, v1;
	v1 =	vmin.f32 v43, v59;
	v58 =	vsub.f32 v13, v0;
	(pc) =	sbr.rel @p0 .LBB2_7-.Ltmp2, $4  }
0x162: {  	v10 =	vmovc v41;
	v3 =	vmovc v4;
	v13 =	vmax.f32 v63, $0.0e+00;
	v63 =	vmax.f32 v21, $0.0e+00;
	v0 =	vmax.f32 v22, $0.0e+00  }
0x163: {  	v4 =	vmovc v5;
	v5 =	vmovc v7;
	v57 =	vsub.f32 v1, v12;
	v14 =	vmax.f32 v14, $0.0e+00;
	v12 =	vmax.f32 v60, $0.0e+00  }
0x164: {  	v11 =	vmovc v9;
	v9 =	vmovc v26;
	v19 =	vmax.f32 v19, $0.0e+00;
	v59 =	vmax.f32 v23, $0.0e+00;
	v60 =	vmax.f32 v24, $0.0e+00  }
0x165: {  	s11 =	smov.u32 s10;
	s10 =	sadd.s32 $0x140, s10;
	v40 =	vmovc v8;
	v8 =	vld [tilespmem:$0x1FC40];
	v43 =	vmovc v47;
	v20 =	vmax.f32 v25, $0.0e+00;
	v16 =	vmax.f32 v37, $0.0e+00;
	v18 =	vmax.f32 v38, $0.0e+00  }
0x166: {  	v23 =	vld [tilespmem:s19+$0x70]  }
0x167: {  	v1 =	vmul.f32 v20, v19;
	v27 =	vld [tilespmem:s19+$0xFFFFFFB0]  }
0x168: {  	v24 =	vld [tilespmem:s19+$0xFFFFFFD0]  }
0x169: {  	v28 =	vmul.f32 v15, v14;
	v14 =	vld [tilespmem:s19+$0xFFFFFFC0];
	v2 =	vsub.f32 v56, v1  }
0x16a: {  	s10 =	sand.u32 $0x7FC0, s11;
	v19 =	vld [tilespmem:s19+$0x50]  }
0x16b: {  	v25 =	vld [tilespmem:s10+$0x4400];
	v20 =	vmul.f32 v1, v51;
	v21 =	vmul.f32 v2, v39  }
0x16c: {  	s22 =	sadd.s32 s22, s21;
	v15 =	vld [tilespmem:s10+$0x4480]  }
0x16d: {  	v16 =	vmul.f32 v18, v16;
	v18 =	vld [tilespmem:s22+$0x2A00];
	v29 =	vsub.f32 v54, v28;
	vm2 =	vgt.f32 v20, v21  }
0x16e: {  	v30 =	vld [tilespmem:s22+$0x2400];
	v2 =	vsel vm2, v2, v51;
	v1 =	vsel vm2, v1, v39  }
0x16f: {  	v54 =	vld [tilespmem:s22+$0x1E00];
	v56 =	vmul.f32 v28, v2;
	v22 =	vmul.f32 v29, v1  }
0x170: {  	v32 =	vld [tilespmem:s22+$0x3000]  }
0x171: {  	v26 =	vld [tilespmem:s22+$0x3600];
	v7 =	vsel vm2, v27, v52;
	vm1 =	vgt.f32 v56, v22  }
0x172: {  	v22 =	vsel vm1, v19, v7;
	v7 =	vld [tilespmem:$0x1FE10]  }
0x173: {  	v20 =	vld [tilespmem:s19+$0x80];
	v50 =	vsel vm2, v14, v50  }
0x174: {  	v42 =	vld [tilespmem:s22+$0x3C00];
	v50 =	vsel vm1, v15, v50;
	v21 =	vmul.f32 v54, v22  }
0x175: {  	v12 =	vmul.f32 v13, v12;
	v61 =	vmax.f32 v61, $0.0e+00;
	v47 =	vmul.f32 v30, v50  }
0x176: {  	v31 =	vsub.f32 v55, v16;
	v50 =	vsel vm2, v24, v45;
	v51 =	vsub.f32 v21, v18  }
0x177: {  	v22 =	vld [tilespmem:s19+$0x90];
	v54 =	vsel vm1, v23, v50;
	v55 =	vsub.f32 v47, v32;
	v56 =	vsel vm2, v25, v7  }
0x178: {  	v33 =	vmul.f32 v16, v44;
	v21 =	vld [tilespmem:s19+$0xFFFFFFF0];
	v18 =	vsub.f32 v54, v26;
	[tilespmem:s26+$0x8200] =	vst v51;
	v32 =	vsel vm1, v20, v56  }
0x179: {  	v41 =	vmul.f32 v31, v49;
	v7 =	vmax.f32 v62, $0.0e+00;
	[tilespmem:s7+$0x8200] =	vst v55;
	v32 =	vsub.f32 v32, v42  }
0x17a: {  	v13 =	vmul.f32 v7, v61;
	v61 =	vld [tilespmem:$0x1FDE0];
	[tilespmem:s8+$0x8200] =	vst v18  }
0x17b: {  	vm0 =	vgt.f32 v33, v41;
	v2 =	vsel vm1, v29, v2;
	v26 =	vsub.f32 v46, v12;
	[tilespmem:s9+$0x8200] =	vst v32  }
0x17c: {  	v16 =	vsel vm0, v16, v49;
	v31 =	vsel vm0, v31, v44;
	v41 =	vmul.f32 $4.000000060e-01, v2;
	v52 =	vld [tilespmem:s26+$0x2410]  }
0x17d: {  	v49 =	vmul.f32 v26, v16;
	v55 =	vld [tilespmem:$0x1FDD0];
	v18 =	vsub.f32 v48, v13;
	v48 =	vmul.f32 v12, v31  }
0x17e: {  	v0 =	vmul.f32 v0, v63;
	v1 =	vsel vm1, v28, v1;
	v2 =	vmul.f32 $5.000000000e-01, v2;
	v51 =	vld [tilespmem:s26+$0x1E10]  }
0x17f: {  	vm15 =	vlt.f32 v1, v41;
	vm14 =	vgt.f32 v48, v49;
	v54 =	vld [tilespmem:s26+$0x2A10];
	v62 =	vsel vm0, v14, v61  }
0x180: {  	v41 =	vimm.f32 $-2.000000000e+00;
	v30 =	vsel vm14, v26, v31;
	v26 =	vld [tilespmem:s26+$0x3C10];
	v39 =	vsel vm14, v15, v62  }
0x181: {  	vm3 =	vge.f32 v1, v2;
	v37 =	vsel vm15, $0xBF800000, v41;
	v38 =	vmul.f32 v52, v39;
	v39 =	vld [tilespmem:$0x1FDC0]  }
0x182: {  	v50 =	vsel vm2, v21, v53;
	v44 =	vmul.f32 v13, v34;
	v42 =	vld [tilespmem:s26+$0x3010];
	v56 =	vsel vm0, v27, v55  }
0x183: {  	v53 =	vsel vm0, v25, v43;
	v32 =	vsel vm1, v22, v50;
	v63 =	vld [tilespmem:s26+$0x3610];
	v33 =	vsel vm14, v19, v56  }
0x184: {  	v12 =	vsel vm14, v12, v16;
	v16 =	vsel vm14, v20, v53;
	v28 =	vmul.f32 v51, v33  }
0x185: {  	v45 =	vmul.f32 v18, v35;
	v1 =	vsel vm3, v32, v37;
	v16 =	vsub.f32 v16, v26  }
0x186: {  	[tilespmem:s26+$0x9A00] =	vst v1;
	v48 =	vmul.f32 $4.000000060e-01, v30;
	v28 =	vsub.f32 v28, v54;
	v46 =	vsel vm0, v24, v39  }
0x187: {  	v53 =	vld [tilespmem:$0x1FC50];
	v30 =	vmul.f32 $5.000000000e-01, v30;
	v47 =	vsub.f32 v38, v42;
	[tilespmem:s6+$0x8200] =	vst v16;
	v29 =	vsel vm14, v23, v46  }
0x188: {  	v49 =	vsel vm0, v21, v40;
	vm6 =	vlt.f32 v12, v48;
	[tilespmem:s20+$0x8200] =	vst v28;
	v29 =	vsub.f32 v29, v63  }
0x189: {  	v50 =	vsel vm14, v22, v49;
	vm7 =	vge.f32 v12, v30;
	v2 =	vsel vm6, $0xBF800000, v41;
	[tilespmem:s23+$0x8200] =	vst v47  }
0x18a: {  	v37 =	vld [tilespmem:$0x1FCA0];
	v1 =	vsel vm7, v50, v2;
	[tilespmem:s4+$0x8200] =	vst v29  }
0x18b: {  	vm8 =	vgt.f32 v44, v45;
	v62 =	vmul.f32 v60, v59;
	v46 =	vld [tilespmem:$0x1FDB0];
	[tilespmem:s20+$0x9A00] =	vst v1  }
0x18c: {  	v51 =	vmax.f32 v58, $0.0e+00;
	v52 =	vmax.f32 v57, $0.0e+00;
	v54 =	vsub.f32 v53, v0;
	v58 =	vld [tilespmem:s26+$0x1E20]  }
0x18d: {  	v56 =	vsel vm8, v18, v34;
	v57 =	vsel vm8, v13, v35;
	v55 =	vmul.f32 v52, v51;
	v29 =	vld [tilespmem:s26+$0x2420]  }
0x18e: {  	v18 =	vmul.f32 v0, v56;
	v61 =	vmul.f32 v54, v57;
	v42 =	vld [tilespmem:s26+$0x3620]  }
0x18f: {  	v17 =	vsel vm8, v14, v17;
	v9 =	vsel vm8, v25, v9;
	v38 =	vsub.f32 v37, v55;
	v44 =	vld [tilespmem:s26+$0x3C20]  }
0x190: {  	v10 =	vsel vm8, v24, v10;
	v39 =	vsel vm8, v27, v36;
	vm9 =	vgt.f32 v18, v61;
	v63 =	vld [tilespmem:s26+$0x2A20]  }
0x191: {  	v40 =	vmul.f32 v55, v6;
	v43 =	vmul.f32 v38, v8;
	v18 =	vsel vm9, v19, v39;
	v26 =	vld [tilespmem:s26+$0x3020]  }
0x192: {  	v17 =	vsel vm9, v15, v17;
	v2 =	vsel vm9, v54, v56;
	v10 =	vsel vm9, v23, v10  }
0x193: {  	v9 =	vsel vm9, v20, v9;
	v13 =	vmul.f32 v58, v18;
	v10 =	vsub.f32 v10, v42  }
0x194: {  	v16 =	vmul.f32 $4.000000060e-01, v2;
	v45 =	vmul.f32 v29, v17;
	v9 =	vsub.f32 v9, v44  }
0x195: {  	v0 =	vsel vm9, v0, v57;
	v2 =	vmul.f32 $5.000000000e-01, v2;
	v13 =	vsub.f32 v13, v63;
	[tilespmem:s3+$0x8200] =	vst v10  }
0x196: {  	vm10 =	vlt.f32 v0, v16;
	v7 =	vsel vm8, v21, v46;
	v12 =	vsub.f32 v45, v26;
	[tilespmem:s18+$0x8200] =	vst v9  }
0x197: {  	vm11 =	vge.f32 v0, v2;
	v47 =	vsel vm10, $0xBF800000, v41;
	v7 =	vsel vm9, v22, v7;
	[tilespmem:s1+$0x8200] =	vst v13  }
0x198: {  	v57 =	vld [tilespmem:$0x1FDF0];
	v0 =	vsel vm11, v7, v47;
	[tilespmem:s0+$0x8200] =	vst v12  }
0x199: {  	v48 =	vsub.f32 v11, v62;
	vm12 =	vgt.f32 v40, v43;
	v58 =	vld [tilespmem:$0x1FE00];
	[tilespmem:s1+$0x9A00] =	vst v0  }
0x19a: {  	v49 =	vsel vm12, v55, v8;
	v50 =	vsel vm12, v38, v6;
	v51 =	vld [tilespmem:s26+$0x1E30]  }
0x19b: {  	v52 =	vmul.f32 v62, v50;
	v8 =	vmul.f32 v48, v49;
	v9 =	vld [tilespmem:s26+$0x2430]  }
0x19c: {  	v10 =	vld [tilespmem:s26+$0x2A30]  }
0x19d: {  	v3 =	vsel vm12, v27, v3;
	vm13 =	vgt.f32 v52, v8;
	v53 =	vld [tilespmem:s26+$0x3030]  }
0x19e: {  	v4 =	vsel vm12, v14, v4;
	v3 =	vsel vm13, v19, v3;
	v54 =	vld [tilespmem:s26+$0x3630]  }
0x19f: {  	v4 =	vsel vm13, v15, v4;
	v1 =	vsel vm13, v48, v50;
	v55 =	vld [tilespmem:s26+$0x3C30];
	v3 =	vmul.f32 v51, v3  }
0x1a0: {  	v59 =	vmul.f32 $4.000000060e-01, v1;
	v56 =	vmul.f32 v9, v4  }
0x1a1: {  	s25 =	sadd.s32 $0x1, s25;
	v1 =	vmul.f32 $5.000000000e-01, v1;
	v4 =	vsel vm12, v24, v57;
	v3 =	vsub.f32 v3, v10  }
0x1a2: {  	p0 =	sne.s32 s25, $0x18;
	v9 =	vsel vm12, v25, v58;
	v4 =	vsel vm13, v23, v4;
	v2 =	vsub.f32 v56, v53  }
.Ltmp3:
0x1a3: {  	v0 =	vsel vm13, v62, v49;
	v9 =	vsel vm13, v20, v9;
	v4 =	vsub.f32 v4, v54;
	[tilespmem:s28+$0x8200] =	vst v3;
	(pc) =	sbr.rel @p0 .LBB2_6-.Ltmp3, $4  }
0x1a4: {  	v60 =	vsel vm12, v21, v5;
	vm14 =	vlt.f32 v0, v59;
	v61 =	vsub.f32 v9, v55;
	[tilespmem:s29+$0x8200] =	vst v2  }
0x1a5: {  	v62 =	vsel vm13, v22, v60;
	vm15 =	vge.f32 v0, v1;
	v63 =	vsel vm14, $0xBF800000, v41;
	[tilespmem:s30+$0x8200] =	vst v4  }
0x1a6: {  	v0 =	vsel vm15, v62, v63;
	[tilespmem:s31+$0x8200] =	vst v61  }
0x1a7: {  	[tilespmem:s28+$0x9A00] =	vst v0  }
0x1a8: {  	s0 =	rddreg [dreg:$0xb];
	s1 =	simm.s32 $0x8200  }
0x1a9: {  	[hbm4b:s0+s2] =	stream.linear.scatter [tilespmem:s1], [sflag:$0x1], $0x600, $0x38;
	[tilespmem:$0xA000] =	vst v63  }
0x1aa: {  	_ =	swait.ge [sflag:s17], $0x600  }
0x1ab: {  	[sflag:s17] =	ssyncset.done $0x0  }
0x1ac: {  	s28 =	simm.s32 $0x8800;
	s26 =	rddreg [dreg:$0xc];
	[sflag:s17] =	ssyncadd.s32 $0xFFFFFA00  }
0x1ad: {  	[hbm4b:s26+s2] =	stream.linear.scatter [tilespmem:s28], [sflag:$0x1], $0x600, $0x38;
	[tilespmem:$0xA000] =	vst v63  }
0x1ae: {  	_ =	swait.ge [sflag:s17], $0x600  }
0x1af: {  	[sflag:s17] =	ssyncset.done $0x0  }
0x1b0: {  	s29 =	simm.s32 $0x8E00;
	[sflag:s17] =	ssyncadd.s32 $0xFFFFFA00  }
0x1b1: {  	[hbm4b:s13+s2] =	stream.linear.scatter [tilespmem:s29], [sflag:$0x1], $0x600, $0x38;
	[tilespmem:$0xA000] =	vst v63  }
0x1b2: {  	_ =	swait.ge [sflag:s17], $0x600  }
0x1b3: {  	[sflag:s17] =	ssyncset.done $0x0  }
0x1b4: {  	s30 =	simm.s32 $0x9400;
	[sflag:s17] =	ssyncadd.s32 $0xFFFFFA00  }
0x1b5: {  	[hbm4b:s14+s2] =	stream.linear.scatter [tilespmem:s30], [sflag:$0x1], $0x600, $0x38;
	[tilespmem:$0xA000] =	vst v63  }
0x1b6: {  	s24 =	sadd.s32 $0x1, s24;
	_ =	swait.ge [sflag:s17], $0x600  }
0x1b7: {  	p0 =	sne.s32 s24, s16;
	[sflag:s17] =	ssyncset.done $0x0  }
.Ltmp4:
0x1b8: {  	s31 =	simm.s32 $0x9A00;
	[sflag:s17] =	ssyncadd.s32 $0xFFFFFA00;
	(pc) =	sbr.rel @p0 .LBB2_1-.Ltmp4, $4  }
0x1b9: {  	[hbm4b:s15+s2] =	stream.linear.scatter [tilespmem:s31], [sflag:$0x1], $0x600, $0x38;
	[tilespmem:$0xA000] =	vst v63  }
0x1ba: {  	_ =	swait.ge [sflag:s17], $0x600  }
0x1bb: {  	[sflag:s17] =	ssyncset.done $0x0  }
0x1bc: {  	[sflag:s17] =	ssyncadd.s32 $0xFFFFFA00  }
0x1bd: {  	_ =	sfence.sel $0x180000  }
0x1be: {  	[bflag:$0x0] =	sbarrier.arrive $0xFFFF  }
0x1bf: {  	_ =	strace $0x90000047  }
0x1c0: {  	s0 =	stileid.u32;
	[bflag:$0x2] =	sbarrier.arrive $0xFFFF  }
0x1c1: {  	p0 =	sne.s32 s0, $0x0;
	s0 =	rddreg [dreg:$0x3]  }
0x1c2: {  	s0 =	sadd.s32 @!p0 $0x100000, s0  }
0x1c3: {  	[sflag:s0] =	ssyncadd.tile.s32 @!p0 $0x1;
	_ =	shalt  }
.Lfunc_end2:
_tile_overlayer_lowered:
.L_overlay_start_2:
0x1c4: {  	(tag) =	ssettag $0x2  }
0x1c5: {  	s0 =	rddreg [dreg:$0x0];
	s2 =	stileid.u32  }
0x1c6: {  	s1 =	rddreg [dreg:$0x1];
	p0 =	sne.s32 s2, $0x0  }
0x1c7: {  	s3 =	rddreg [dreg:$0x2];
	[bflag:$0x3] =	sbarrier.arrive $0xFFFF;
	s2 =	simm.s32 @!p0 $0x1C01  }
0x1c8: {  	[timem:s3], [sflag:s2] =	dma.local @!p0 [hbm:s0], s1  }
0x1c9: {  	s0 =	simm.s32 @!p0 $0x1  }
0x1ca: {  	_ =	swait.ge @!p0 [sflag:s0], s1  }
0x1cb: {  	s1 =	ssub.s32 @!p0 $0x0, s1;
	[sflag:s0] =	ssyncset.done @!p0 $0x0  }
0x1cc: {  	[sflag:s0] =	ssyncadd.s32 @!p0 s1  }
0x1cd: {  	[bflag:$0x3] =	sbarrier.arrive $0xFFFF  }
0x1ce: {  	_ =	shalt  }

</sc_bundles>
